<compile_context>
chip_gen: v7x
topology: tpu7x:2x2x1
jax: 0.10.2.dev20260603
libtpu: 0.0.44.dev20260713+nightly
codegen_flags: <defaults>
</compile_context>

<pallas_src>
import functools

import jax
import jax.numpy as jnp
from jax import lax
from jax.experimental import pallas as pl
from jax.experimental.pallas import tpu as pltpu
from jax.experimental.pallas import tpu_sc as plsc

WINDOW = 50
BATCH = 4096
DIM = 128
ROWS = WINDOW * BATCH
NC, NS = 2, 16
NW = NC * NS
RPW = ROWS // NW
CR = 128
NCH = RPW // CR
NBUF = 6

_MESH = plsc.VectorSubcoreMesh(core_axis_name="c", subcore_axis_name="s")

_SCRATCH = (
    [pltpu.VMEM((CR, DIM), jnp.float32) for _ in range(NBUF)]
    + [pltpu.SemaphoreType.DMA for _ in range(2 * NBUF)]
    + [pltpu.VMEM((16,), jnp.int32)]
)


@functools.partial(
    pl.kernel,
    out_type=jax.ShapeDtypeStruct((ROWS, DIM), jnp.float32),
    mesh=_MESH,
    scratch_types=_SCRATCH,
)
def _sc_body(ptr_hbm, x_hbm, data_hbm, out_hbm, *scratch):
    bufs = scratch[:NBUF]
    rsems = scratch[NBUF:2 * NBUF]
    wsems = scratch[2 * NBUF:3 * NBUF]
    ptr_v = scratch[3 * NBUF]

    pltpu.sync_copy(ptr_hbm, ptr_v)
    p = ptr_v[...][0]
    wid = lax.axis_index("c") * NS + lax.axis_index("s")
    base = wid * RPW

    def start_read(c, buf, sem):
        g = base + c * CR
        slot = g // BATCH

        @pl.when(slot == p)
        def _from_x():
            pltpu.make_async_copy(
                x_hbm.at[pl.ds(g - p * BATCH, CR)], buf, sem).start()

        @pl.when(slot != p)
        def _from_data():
            pltpu.make_async_copy(
                data_hbm.at[pl.ds(g, CR)], buf, sem).start()

    def wait_dma(buf, sem):
        pltpu.make_async_copy(data_hbm.at[pl.ds(0, CR)], buf, sem).wait()

    for c in range(min(NBUF - 1, NCH)):
        start_read(c, bufs[c % NBUF], rsems[c % NBUF])
    for c in range(NCH):
        b = c % NBUF
        wait_dma(bufs[b], rsems[b])
        g = base + c * CR
        pltpu.make_async_copy(bufs[b], out_hbm.at[pl.ds(g, CR)],
                              wsems[b]).start()
        nxt = c + NBUF - 1
        if nxt < NCH:
            bn = nxt % NBUF
            if nxt >= NBUF:
                wait_dma(bufs[bn], wsems[bn])
            start_read(nxt, bufs[bn], rsems[bn])
    for c in range(max(0, NCH - NBUF), NCH):
        b = c % NBUF
        wait_dma(bufs[b], wsems[b])


def kernel(x, data, pointer):
    ptr = jnp.full((16,), pointer, dtype=jnp.int32)
    flat = data.reshape(ROWS, DIM)
    out = _sc_body(ptr, x, flat)
    return out.reshape(WINDOW, BATCH, DIM)

# --- scband reference (transcript-rebuilt; emitter-appended) ---
"""Pipeline reference for scband-map-reducer-61950608277777 (READ-ONLY COPY).

The authoritative reference and input builder live on the scoring server;
editing this copy changes nothing except your own understanding.
"""

import jax, jax.numpy as jnp
import numpy as np

WINDOW = 50
BATCH = 4096
DIM = 128

def setup_inputs(seed: int = 0) -> dict:
    key = jax.random.key(seed)
    k_x, _ = jax.random.split(key)
    x = jax.random.normal(k_x, (BATCH, DIM), dtype=jnp.float32)
    data = jnp.zeros((WINDOW, BATCH, DIM), dtype=jnp.float32)
    pointer = 0  # first push: pointer (-1 + 1) % window == 0
    return {"x": x, "data": data, "pointer": pointer}

def reference(x, data, pointer):
    # MapReducer.push with identity mapfn and always-true filterfn:
    # the input overwrites the buffer slot at the (incremented) pointer.
    # Functional JAX equivalent of `self._data[self._pointer] = inputs`.
    new_data = data.at[pointer].set(x)
    return new_data

if __name__ == "__main__":
    import jax
    _d = setup_inputs()
    print(jax.jit(kernel)(*tuple(_d.values())))

</pallas_src>

<mosaic_0001>
#map = affine_map<(d0, d1) -> (0)>
#map1 = affine_map<(d0, d1) -> (0, 0)>
module attributes {stable_mosaic.version = 14 : i64} {
  func.func @_sc_body(%arg0: i32, %arg1: i32, %arg2: memref<16xi32, #tpu.memory_space<hbm>>, %arg3: memref<4096x128xf32, #tpu.memory_space<hbm>>, %arg4: memref<204800x128xf32, #tpu.memory_space<hbm>>, %arg5: memref<204800x128xf32, #tpu.memory_space<hbm>>, %arg6: memref<128x128xf32, #tpu.memory_space<vmem>>, %arg7: memref<128x128xf32, #tpu.memory_space<vmem>>, %arg8: memref<128x128xf32, #tpu.memory_space<vmem>>, %arg9: memref<128x128xf32, #tpu.memory_space<vmem>>, %arg10: memref<128x128xf32, #tpu.memory_space<vmem>>, %arg11: memref<128x128xf32, #tpu.memory_space<vmem>>, %arg12: memref<!tpu.dma_semaphore, #tpu.memory_space<semaphore_mem>>, %arg13: memref<!tpu.dma_semaphore, #tpu.memory_space<semaphore_mem>>, %arg14: memref<!tpu.dma_semaphore, #tpu.memory_space<semaphore_mem>>, %arg15: memref<!tpu.dma_semaphore, #tpu.memory_space<semaphore_mem>>, %arg16: memref<!tpu.dma_semaphore, #tpu.memory_space<semaphore_mem>>, %arg17: memref<!tpu.dma_semaphore, #tpu.memory_space<semaphore_mem>>, %arg18: memref<!tpu.dma_semaphore, #tpu.memory_space<semaphore_mem>>, %arg19: memref<!tpu.dma_semaphore, #tpu.memory_space<semaphore_mem>>, %arg20: memref<!tpu.dma_semaphore, #tpu.memory_space<semaphore_mem>>, %arg21: memref<!tpu.dma_semaphore, #tpu.memory_space<semaphore_mem>>, %arg22: memref<!tpu.dma_semaphore, #tpu.memory_space<semaphore_mem>>, %arg23: memref<!tpu.dma_semaphore, #tpu.memory_space<semaphore_mem>>, %arg24: memref<16xi32, #tpu.memory_space<vmem>>) attributes {dimension_semantics = [#tpu.dimension_semantics<core_parallel>, #tpu.dimension_semantics<subcore_parallel>], iteration_bounds = array<i64: 2, 16>, scalar_prefetch = 0 : i64, scratch_operands = 19 : i64, tpu.core_type = #tpu.core_type<sc_vector_subcore>, window_params = [{transform_indices = #map}, {transform_indices = #map1}, {transform_indices = #map1}, {transform_indices = #map1}]} {
    "tpu.region"() ({
      %run_scoped3A = tpu.sem_alloc : memref<!tpu.dma_semaphore, #tpu.memory_space<semaphore_mem>>
      tpu.enqueue_dma source(%arg2 : memref<16xi32, #tpu.memory_space<hbm>>) target(%arg24 : memref<16xi32, #tpu.memory_space<vmem>>) target_semaphore(%run_scoped3A : memref<!tpu.dma_semaphore, #tpu.memory_space<semaphore_mem>>)
      tpu.wait_dma2 semaphore(%run_scoped3A : memref<!tpu.dma_semaphore, #tpu.memory_space<semaphore_mem>>) src(%arg2 : memref<16xi32, #tpu.memory_space<hbm>>) dst(%arg24 : memref<16xi32, #tpu.memory_space<vmem>>)
      tpu.yield
    }) : () -> ()
    %get3A = arith.constant 0 : index
    %get3A_0 = tpu.vector_load %arg24[%get3A] {strides = array<i32>} : memref<16xi32, #tpu.memory_space<vmem>>, vector<16xi32>,
    %get3A_1 = vector.shape_cast %get3A_0 : vector<16xi32> to vector<16xi32>
    %slice3A = vector.extract_strided_slice %get3A_1 {offsets = [0], sizes = [1], strides = [1]} : vector<16xi32> to vector<1xi32>
    %squeeze3A = vector.extract %slice3A[0] : i32 from vector<1xi32>
    %mul3A = arith.constant 16 : i32
    %mul3A_2 = arith.muli %arg0, %mul3A : i32
    %add3A = arith.addi %mul3A_2, %arg1 : i32
    %mul3A_3 = arith.constant 6400 : i32
    %mul3A_4 = arith.muli %add3A, %mul3A_3 : i32
    %add3A_5 = arith.constant 0 : i32
    %add3A_6 = arith.addi %mul3A_4, %add3A_5 : i32
    %jit3A = arith.constant 4096 : i32
    %div3A = arith.divsi %add3A_6, %jit3A : i32
    %sign3A = arith.constant 0 : i32
    %sign3A_7 = arith.cmpi sgt, %add3A_6, %sign3A : i32
    %sign3A_8 = arith.extui %sign3A_7 : i1 to i32
    %sign3A_9 = arith.constant 0 : i32
    %sign3A_10 = arith.cmpi slt, %add3A_6, %sign3A_9 : i32
    %sign3A_11 = arith.extui %sign3A_10 : i1 to i32
    %sign3A_12 = arith.subi %sign3A_8, %sign3A_11 : i32
    %sign3A_13 = arith.constant 0 : i32
    %sign3A_14 = arith.cmpi sgt, %jit3A, %sign3A_13 : i32
    %sign3A_15 = arith.extui %sign3A_14 : i1 to i32
    %sign3A_16 = arith.constant 0 : i32
    %sign3A_17 = arith.cmpi slt, %jit3A, %sign3A_16 : i32
    %sign3A_18 = arith.extui %sign3A_17 : i1 to i32
    %sign3A_19 = arith.subi %sign3A_15, %sign3A_18 : i32
    %ne3A = arith.cmpi ne, %sign3A_12, %sign3A_19 : i32
    %rem3A = arith.remsi %add3A_6, %jit3A : i32
    %ne3A_20 = arith.constant 0 : i32
    %ne3A_21 = arith.cmpi ne, %rem3A, %ne3A_20 : i32
    %and3A = arith.andi %ne3A, %ne3A_21 : i1
    %sub3A = arith.constant 1 : i32
    %sub3A_22 = arith.subi %div3A, %sub3A : i32
    %select_n3A = arith.select %and3A, %sub3A_22, %div3A : i32
    %eq3A = arith.cmpi eq, %select_n3A, %squeeze3A : i32
    %convert_element_type3A = arith.extui %eq3A : i1 to i32
    %cond3A = arith.constant 0 : i32
    %cond3A_23 = arith.cmpi ne, %convert_element_type3A, %cond3A : i32
    scf.if %cond3A_23 {
      %mul3A_2592 = arith.constant 4096 : i32
      %mul3A_2593 = arith.muli %squeeze3A, %mul3A_2592 : i32
      %sub3A_2594 = arith.subi %add3A_6, %mul3A_2593 : i32
      %dma_start3A_2595 = arith.constant 0 : i32
      %dma_start3A_2596 = tpu.memref_slice %arg3[%sub3A_2594, %dma_start3A_2595] : memref<4096x128xf32, #tpu.memory_space<hbm>> -> memref<128x128xf32, #tpu.memory_space<hbm>>
      %dma_start3A_2597 = arith.constant 0 : i32
      %dma_start3A_2598 = tpu.memref_slice %arg3[%sub3A_2594, %dma_start3A_2597] : memref<4096x128xf32, #tpu.memory_space<hbm>> -> memref<128x128xf32, #tpu.memory_space<hbm>>
      tpu.enqueue_dma source(%dma_start3A_2598 : memref<128x128xf32, #tpu.memory_space<hbm>>) target(%arg6 : memref<128x128xf32, #tpu.memory_space<vmem>>) target_semaphore(%arg12 : memref<!tpu.dma_semaphore, #tpu.memory_space<semaphore_mem>>)
    } else {
    }
    %ne3A_24 = arith.cmpi ne, %select_n3A, %squeeze3A : i32
    %convert_element_type3A_25 = arith.extui %ne3A_24 : i1 to i32
    %cond3A_26 = arith.constant 0 : i32
    %cond3A_27 = arith.cmpi ne, %convert_element_type3A_25, %cond3A_26 : i32
    scf.if %cond3A_27 {
      %dma_start3A_2592 = arith.constant 0 : i32
      %dma_start3A_2593 = tpu.memref_slice %arg4[%add3A_6, %dma_start3A_2592] : memref<204800x128xf32, #tpu.memory_space<hbm>> -> memref<128x128xf32, #tpu.memory_space<hbm>>
      %dma_start3A_2594 = arith.constant 0 : i32
      %dma_start3A_2595 = tpu.memref_slice %arg4[%add3A_6, %dma_start3A_2594] : memref<204800x128xf32, #tpu.memory_space<hbm>> -> memref<128x128xf32, #tpu.memory_space<hbm>>
      tpu.enqueue_dma source(%dma_start3A_2595 : memref<128x128xf32, #tpu.memory_space<hbm>>) target(%arg6 : memref<128x128xf32, #tpu.memory_space<vmem>>) target_semaphore(%arg12 : memref<!tpu.dma_semaphore, #tpu.memory_space<semaphore_mem>>)
    } else {
    }
    %add3A_28 = arith.constant 128 : i32
    %add3A_29 = arith.addi %mul3A_4, %add3A_28 : i32
    %jit3A_30 = arith.constant 4096 : i32
    %div3A_31 = arith.divsi %add3A_29, %jit3A_30 : i32
    %sign3A_32 = arith.constant 0 : i32
    %sign3A_33 = arith.cmpi sgt, %add3A_29, %sign3A_32 : i32
    %sign3A_34 = arith.extui %sign3A_33 : i1 to i32
    %sign3A_35 = arith.constant 0 : i32
    %sign3A_36 = arith.cmpi slt, %add3A_29, %sign3A_35 : i32
    %sign3A_37 = arith.extui %sign3A_36 : i1 to i32
    %sign3A_38 = arith.subi %sign3A_34, %sign3A_37 : i32
    %sign3A_39 = arith.constant 0 : i32
    %sign3A_40 = arith.cmpi sgt, %jit3A_30, %sign3A_39 : i32
    %sign3A_41 = arith.extui %sign3A_40 : i1 to i32
    %sign3A_42 = arith.constant 0 : i32
    %sign3A_43 = arith.cmpi slt, %jit3A_30, %sign3A_42 : i32
    %sign3A_44 = arith.extui %sign3A_43 : i1 to i32
    %sign3A_45 = arith.subi %sign3A_41, %sign3A_44 : i32
    %ne3A_46 = arith.cmpi ne, %sign3A_38, %sign3A_45 : i32
    %rem3A_47 = arith.remsi %add3A_29, %jit3A_30 : i32
    %ne3A_48 = arith.constant 0 : i32
    %ne3A_49 = arith.cmpi ne, %rem3A_47, %ne3A_48 : i32
    %and3A_50 = arith.andi %ne3A_46, %ne3A_49 : i1
    %sub3A_51 = arith.constant 1 : i32
    %sub3A_52 = arith.subi %div3A_31, %sub3A_51 : i32
    %select_n3A_53 = arith.select %and3A_50, %sub3A_52, %div3A_31 : i32
    %eq3A_54 = arith.cmpi eq, %select_n3A_53, %squeeze3A : i32
    %convert_element_type3A_55 = arith.extui %eq3A_54 : i1 to i32
    %cond3A_56 = arith.constant 0 : i32
    %cond3A_57 = arith.cmpi ne, %convert_element_type3A_55, %cond3A_56 : i32
    scf.if %cond3A_57 {
      %mul3A_2592 = arith.constant 4096 : i32
      %mul3A_2593 = arith.muli %squeeze3A, %mul3A_2592 : i32
      %sub3A_2594 = arith.subi %add3A_29, %mul3A_2593 : i32
      %dma_start3A_2595 = arith.constant 0 : i32
      %dma_start3A_2596 = tpu.memref_slice %arg3[%sub3A_2594, %dma_start3A_2595] : memref<4096x128xf32, #tpu.memory_space<hbm>> -> memref<128x128xf32, #tpu.memory_space<hbm>>
      %dma_start3A_2597 = arith.constant 0 : i32
      %dma_start3A_2598 = tpu.memref_slice %arg3[%sub3A_2594, %dma_start3A_2597] : memref<4096x128xf32, #tpu.memory_space<hbm>> -> memref<128x128xf32, #tpu.memory_space<hbm>>
      tpu.enqueue_dma source(%dma_start3A_2598 : memref<128x128xf32, #tpu.memory_space<hbm>>) target(%arg7 : memref<128x128xf32, #tpu.memory_space<vmem>>) target_semaphore(%arg13 : memref<!tpu.dma_semaphore, #tpu.memory_space<semaphore_mem>>)
    } else {
    }
    %ne3A_58 = arith.cmpi ne, %select_n3A_53, %squeeze3A : i32
    %convert_element_type3A_59 = arith.extui %ne3A_58 : i1 to i32
    %cond3A_60 = arith.constant 0 : i32
    %cond3A_61 = arith.cmpi ne, %convert_element_type3A_59, %cond3A_60 : i32
    scf.if %cond3A_61 {
      %dma_start3A_2592 = arith.constant 0 : i32
      %dma_start3A_2593 = tpu.memref_slice %arg4[%add3A_29, %dma_start3A_2592] : memref<204800x128xf32, #tpu.memory_space<hbm>> -> memref<128x128xf32, #tpu.memory_space<hbm>>
      %dma_start3A_2594 = arith.constant 0 : i32
      %dma_start3A_2595 = tpu.memref_slice %arg4[%add3A_29, %dma_start3A_2594] : memref<204800x128xf32, #tpu.memory_space<hbm>> -> memref<128x128xf32, #tpu.memory_space<hbm>>
      tpu.enqueue_dma source(%dma_start3A_2595 : memref<128x128xf32, #tpu.memory_space<hbm>>) target(%arg7 : memref<128x128xf32, #tpu.memory_space<vmem>>) target_semaphore(%arg13 : memref<!tpu.dma_semaphore, #tpu.memory_space<semaphore_mem>>)
    } else {
    }
    %add3A_62 = arith.constant 256 : i32
    %add3A_63 = arith.addi %mul3A_4, %add3A_62 : i32
    %jit3A_64 = arith.constant 4096 : i32
    %div3A_65 = arith.divsi %add3A_63, %jit3A_64 : i32
    %sign3A_66 = arith.constant 0 : i32
    %sign3A_67 = arith.cmpi sgt, %add3A_63, %sign3A_66 : i32
    %sign3A_68 = arith.extui %sign3A_67 : i1 to i32
    %sign3A_69 = arith.constant 0 : i32
    %sign3A_70 = arith.cmpi slt, %add3A_63, %sign3A_69 : i32
    %sign3A_71 = arith.extui %sign3A_70 : i1 to i32
    %sign3A_72 = arith.subi %sign3A_68, %sign3A_71 : i32
    %sign3A_73 = arith.constant 0 : i32
    %sign3A_74 = arith.cmpi sgt, %jit3A_64, %sign3A_73 : i32
    %sign3A_75 = arith.extui %sign3A_74 : i1 to i32
    %sign3A_76 = arith.constant 0 : i32
    %sign3A_77 = arith.cmpi slt, %jit3A_64, %sign3A_76 : i32
    %sign3A_78 = arith.extui %sign3A_77 : i1 to i32
    %sign3A_79 = arith.subi %sign3A_75, %sign3A_78 : i32
    %ne3A_80 = arith.cmpi ne, %sign3A_72, %sign3A_79 : i32
    %rem3A_81 = arith.remsi %add3A_63, %jit3A_64 : i32
    %ne3A_82 = arith.constant 0 : i32
    %ne3A_83 = arith.cmpi ne, %rem3A_81, %ne3A_82 : i32
    %and3A_84 = arith.andi %ne3A_80, %ne3A_83 : i1
    %sub3A_85 = arith.constant 1 : i32
    %sub3A_86 = arith.subi %div3A_65, %sub3A_85 : i32
    %select_n3A_87 = arith.select %and3A_84, %sub3A_86, %div3A_65 : i32
    %eq3A_88 = arith.cmpi eq, %select_n3A_87, %squeeze3A : i32
    %convert_element_type3A_89 = arith.extui %eq3A_88 : i1 to i32
    %cond3A_90 = arith.constant 0 : i32
    %cond3A_91 = arith.cmpi ne, %convert_element_type3A_89, %cond3A_90 : i32
    scf.if %cond3A_91 {
      %mul3A_2592 = arith.constant 4096 : i32
      %mul3A_2593 = arith.muli %squeeze3A, %mul3A_2592 : i32
      %sub3A_2594 = arith.subi %add3A_63, %mul3A_2593 : i32
      %dma_start3A_2595 = arith.constant 0 : i32
      %dma_start3A_2596 = tpu.memref_slice %arg3[%sub3A_2594, %dma_start3A_2595] : memref<4096x128xf32, #tpu.memory_space<hbm>> -> memref<128x128xf32, #tpu.memory_space<hbm>>
      %dma_start3A_2597 = arith.constant 0 : i32
      %dma_start3A_2598 = tpu.memref_slice %arg3[%sub3A_2594, %dma_start3A_2597] : memref<4096x128xf32, #tpu.memory_space<hbm>> -> memref<128x128xf32, #tpu.memory_space<hbm>>
      tpu.enqueue_dma source(%dma_start3A_2598 : memref<128x128xf32, #tpu.memory_space<hbm>>) target(%arg8 : memref<128x128xf32, #tpu.memory_space<vmem>>) target_semaphore(%arg14 : memref<!tpu.dma_semaphore, #tpu.memory_space<semaphore_mem>>)
    } else {
    }
    %ne3A_92 = arith.cmpi ne, %select_n3A_87, %squeeze3A : i32
    %convert_element_type3A_93 = arith.extui %ne3A_92 : i1 to i32
    %cond3A_94 = arith.constant 0 : i32
    %cond3A_95 = arith.cmpi ne, %convert_element_type3A_93, %cond3A_94 : i32
    scf.if %cond3A_95 {
      %dma_start3A_2592 = arith.constant 0 : i32
      %dma_start3A_2593 = tpu.memref_slice %arg4[%add3A_63, %dma_start3A_2592] : memref<204800x128xf32, #tpu.memory_space<hbm>> -> memref<128x128xf32, #tpu.memory_space<hbm>>
      %dma_start3A_2594 = arith.constant 0 : i32
      %dma_start3A_2595 = tpu.memref_slice %arg4[%add3A_63, %dma_start3A_2594] : memref<204800x128xf32, #tpu.memory_space<hbm>> -> memref<128x128xf32, #tpu.memory_space<hbm>>
      tpu.enqueue_dma source(%dma_start3A_2595 : memref<128x128xf32, #tpu.memory_space<hbm>>) target(%arg8 : memref<128x128xf32, #tpu.memory_space<vmem>>) target_semaphore(%arg14 : memref<!tpu.dma_semaphore, #tpu.memory_space<semaphore_mem>>)
    } else {
    }
    %add3A_96 = arith.constant 384 : i32
    %add3A_97 = arith.addi %mul3A_4, %add3A_96 : i32
    %jit3A_98 = arith.constant 4096 : i32
    %div3A_99 = arith.divsi %add3A_97, %jit3A_98 : i32
    %sign3A_100 = arith.constant 0 : i32
    %sign3A_101 = arith.cmpi sgt, %add3A_97, %sign3A_100 : i32
    %sign3A_102 = arith.extui %sign3A_101 : i1 to i32
    %sign3A_103 = arith.constant 0 : i32
    %sign3A_104 = arith.cmpi slt, %add3A_97, %sign3A_103 : i32
    %sign3A_105 = arith.extui %sign3A_104 : i1 to i32
    %sign3A_106 = arith.subi %sign3A_102, %sign3A_105 : i32
    %sign3A_107 = arith.constant 0 : i32
    %sign3A_108 = arith.cmpi sgt, %jit3A_98, %sign3A_107 : i32
    %sign3A_109 = arith.extui %sign3A_108 : i1 to i32
    %sign3A_110 = arith.constant 0 : i32
    %sign3A_111 = arith.cmpi slt, %jit3A_98, %sign3A_110 : i32
    %sign3A_112 = arith.extui %sign3A_111 : i1 to i32
    %sign3A_113 = arith.subi %sign3A_109, %sign3A_112 : i32
    %ne3A_114 = arith.cmpi ne, %sign3A_106, %sign3A_113 : i32
    %rem3A_115 = arith.remsi %add3A_97, %jit3A_98 : i32
    %ne3A_116 = arith.constant 0 : i32
    %ne3A_117 = arith.cmpi ne, %rem3A_115, %ne3A_116 : i32
    %and3A_118 = arith.andi %ne3A_114, %ne3A_117 : i1
    %sub3A_119 = arith.constant 1 : i32
    %sub3A_120 = arith.subi %div3A_99, %sub3A_119 : i32
    %select_n3A_121 = arith.select %and3A_118, %sub3A_120, %div3A_99 : i32
    %eq3A_122 = arith.cmpi eq, %select_n3A_121, %squeeze3A : i32
    %convert_element_type3A_123 = arith.extui %eq3A_122 : i1 to i32
    %cond3A_124 = arith.constant 0 : i32
    %cond3A_125 = arith.cmpi ne, %convert_element_type3A_123, %cond3A_124 : i32
    scf.if %cond3A_125 {
      %mul3A_2592 = arith.constant 4096 : i32
      %mul3A_2593 = arith.muli %squeeze3A, %mul3A_2592 : i32
      %sub3A_2594 = arith.subi %add3A_97, %mul3A_2593 : i32
      %dma_start3A_2595 = arith.constant 0 : i32
      %dma_start3A_2596 = tpu.memref_slice %arg3[%sub3A_2594, %dma_start3A_2595] : memref<4096x128xf32, #tpu.memory_space<hbm>> -> memref<128x128xf32, #tpu.memory_space<hbm>>
      %dma_start3A_2597 = arith.constant 0 : i32
      %dma_start3A_2598 = tpu.memref_slice %arg3[%sub3A_2594, %dma_start3A_2597] : memref<4096x128xf32, #tpu.memory_space<hbm>> -> memref<128x128xf32, #tpu.memory_space<hbm>>
      tpu.enqueue_dma source(%dma_start3A_2598 : memref<128x128xf32, #tpu.memory_space<hbm>>) target(%arg9 : memref<128x128xf32, #tpu.memory_space<vmem>>) target_semaphore(%arg15 : memref<!tpu.dma_semaphore, #tpu.memory_space<semaphore_mem>>)
    } else {
    }
    %ne3A_126 = arith.cmpi ne, %select_n3A_121, %squeeze3A : i32
    %convert_element_type3A_127 = arith.extui %ne3A_126 : i1 to i32
    %cond3A_128 = arith.constant 0 : i32
    %cond3A_129 = arith.cmpi ne, %convert_element_type3A_127, %cond3A_128 : i32
    scf.if %cond3A_129 {
      %dma_start3A_2592 = arith.constant 0 : i32
      %dma_start3A_2593 = tpu.memref_slice %arg4[%add3A_97, %dma_start3A_2592] : memref<204800x128xf32, #tpu.memory_space<hbm>> -> memref<128x128xf32, #tpu.memory_space<hbm>>
      %dma_start3A_2594 = arith.constant 0 : i32
      %dma_start3A_2595 = tpu.memref_slice %arg4[%add3A_97, %dma_start3A_2594] : memref<204800x128xf32, #tpu.memory_space<hbm>> -> memref<128x128xf32, #tpu.memory_space<hbm>>
      tpu.enqueue_dma source(%dma_start3A_2595 : memref<128x128xf32, #tpu.memory_space<hbm>>) target(%arg9 : memref<128x128xf32, #tpu.memory_space<vmem>>) target_semaphore(%arg15 : memref<!tpu.dma_semaphore, #tpu.memory_space<semaphore_mem>>)
    } else {
    }
    %add3A_130 = arith.constant 512 : i32
    %add3A_131 = arith.addi %mul3A_4, %add3A_130 : i32
    %jit3A_132 = arith.constant 4096 : i32
    %div3A_133 = arith.divsi %add3A_131, %jit3A_132 : i32
    %sign3A_134 = arith.constant 0 : i32
    %sign3A_135 = arith.cmpi sgt, %add3A_131, %sign3A_134 : i32
    %sign3A_136 = arith.extui %sign3A_135 : i1 to i32
    %sign3A_137 = arith.constant 0 : i32
    %sign3A_138 = arith.cmpi slt, %add3A_131, %sign3A_137 : i32
    %sign3A_139 = arith.extui %sign3A_138 : i1 to i32
    %sign3A_140 = arith.subi %sign3A_136, %sign3A_139 : i32
    %sign3A_141 = arith.constant 0 : i32
    %sign3A_142 = arith.cmpi sgt, %jit3A_132, %sign3A_141 : i32
    %sign3A_143 = arith.extui %sign3A_142 : i1 to i32
    %sign3A_144 = arith.constant 0 : i32
    %sign3A_145 = arith.cmpi slt, %jit3A_132, %sign3A_144 : i32
    %sign3A_146 = arith.extui %sign3A_145 : i1 to i32
    %sign3A_147 = arith.subi %sign3A_143, %sign3A_146 : i32
    %ne3A_148 = arith.cmpi ne, %sign3A_140, %sign3A_147 : i32
    %rem3A_149 = arith.remsi %add3A_131, %jit3A_132 : i32
    %ne3A_150 = arith.constant 0 : i32
    %ne3A_151 = arith.cmpi ne, %rem3A_149, %ne3A_150 : i32
    %and3A_152 = arith.andi %ne3A_148, %ne3A_151 : i1
    %sub3A_153 = arith.constant 1 : i32
    %sub3A_154 = arith.subi %div3A_133, %sub3A_153 : i32
    %select_n3A_155 = arith.select %and3A_152, %sub3A_154, %div3A_133 : i32
    %eq3A_156 = arith.cmpi eq, %select_n3A_155, %squeeze3A : i32
    %convert_element_type3A_157 = arith.extui %eq3A_156 : i1 to i32
    %cond3A_158 = arith.constant 0 : i32
    %cond3A_159 = arith.cmpi ne, %convert_element_type3A_157, %cond3A_158 : i32
    scf.if %cond3A_159 {
      %mul3A_2592 = arith.constant 4096 : i32
      %mul3A_2593 = arith.muli %squeeze3A, %mul3A_2592 : i32
      %sub3A_2594 = arith.subi %add3A_131, %mul3A_2593 : i32
      %dma_start3A_2595 = arith.constant 0 : i32
      %dma_start3A_2596 = tpu.memref_slice %arg3[%sub3A_2594, %dma_start3A_2595] : memref<4096x128xf32, #tpu.memory_space<hbm>> -> memref<128x128xf32, #tpu.memory_space<hbm>>
      %dma_start3A_2597 = arith.constant 0 : i32
      %dma_start3A_2598 = tpu.memref_slice %arg3[%sub3A_2594, %dma_start3A_2597] : memref<4096x128xf32, #tpu.memory_space<hbm>> -> memref<128x128xf32, #tpu.memory_space<hbm>>
      tpu.enqueue_dma source(%dma_start3A_2598 : memref<128x128xf32, #tpu.memory_space<hbm>>) target(%arg10 : memref<128x128xf32, #tpu.memory_space<vmem>>) target_semaphore(%arg16 : memref<!tpu.dma_semaphore, #tpu.memory_space<semaphore_mem>>)
    } else {
    }
    %ne3A_160 = arith.cmpi ne, %select_n3A_155, %squeeze3A : i32
    %convert_element_type3A_161 = arith.extui %ne3A_160 : i1 to i32
    %cond3A_162 = arith.constant 0 : i32
    %cond3A_163 = arith.cmpi ne, %convert_element_type3A_161, %cond3A_162 : i32
    scf.if %cond3A_163 {
      %dma_start3A_2592 = arith.constant 0 : i32
      %dma_start3A_2593 = tpu.memref_slice %arg4[%add3A_131, %dma_start3A_2592] : memref<204800x128xf32, #tpu.memory_space<hbm>> -> memref<128x128xf32, #tpu.memory_space<hbm>>
      %dma_start3A_2594 = arith.constant 0 : i32
      %dma_start3A_2595 = tpu.memref_slice %arg4[%add3A_131, %dma_start3A_2594] : memref<204800x128xf32, #tpu.memory_space<hbm>> -> memref<128x128xf32, #tpu.memory_space<hbm>>
      tpu.enqueue_dma source(%dma_start3A_2595 : memref<128x128xf32, #tpu.memory_space<hbm>>) target(%arg10 : memref<128x128xf32, #tpu.memory_space<vmem>>) target_semaphore(%arg16 : memref<!tpu.dma_semaphore, #tpu.memory_space<semaphore_mem>>)
    } else {
    }
    %dma_wait3A = arith.constant 0 : i32
    %dma_wait3A_164 = arith.constant 0 : i32
    %dma_wait3A_165 = tpu.memref_slice %arg4[%dma_wait3A, %dma_wait3A_164] : memref<204800x128xf32, #tpu.memory_space<hbm>> -> memref<128x128xf32, #tpu.memory_space<hbm>>
    %dma_wait3A_166 = arith.constant 0 : i32
    %dma_wait3A_167 = arith.constant 0 : i32
    %dma_wait3A_168 = tpu.memref_slice %arg4[%dma_wait3A_166, %dma_wait3A_167] : memref<204800x128xf32, #tpu.memory_space<hbm>> -> memref<128x128xf32, #tpu.memory_space<hbm>>
    tpu.wait_dma2 semaphore(%arg12 : memref<!tpu.dma_semaphore, #tpu.memory_space<semaphore_mem>>) src(%dma_wait3A_168 : memref<128x128xf32, #tpu.memory_space<hbm>>) dst(%arg6 : memref<128x128xf32, #tpu.memory_space<vmem>>)
    %add3A_169 = arith.constant 0 : i32
    %add3A_170 = arith.addi %mul3A_4, %add3A_169 : i32
    %dma_start3A = arith.constant 0 : i32
    %dma_start3A_171 = tpu.memref_slice %arg5[%add3A_170, %dma_start3A] : memref<204800x128xf32, #tpu.memory_space<hbm>> -> memref<128x128xf32, #tpu.memory_space<hbm>>
    %dma_start3A_172 = arith.constant 0 : i32
    %dma_start3A_173 = tpu.memref_slice %arg5[%add3A_170, %dma_start3A_172] : memref<204800x128xf32, #tpu.memory_space<hbm>> -> memref<128x128xf32, #tpu.memory_space<hbm>>
    tpu.enqueue_dma source(%arg6 : memref<128x128xf32, #tpu.memory_space<vmem>>) target(%dma_start3A_173 : memref<128x128xf32, #tpu.memory_space<hbm>>) target_semaphore(%arg18 : memref<!tpu.dma_semaphore, #tpu.memory_space<semaphore_mem>>)
    %add3A_174 = arith.constant 640 : i32
    %add3A_175 = arith.addi %mul3A_4, %add3A_174 : i32
    %jit3A_176 = arith.constant 4096 : i32
    %div3A_177 = arith.divsi %add3A_175, %jit3A_176 : i32
    %sign3A_178 = arith.constant 0 : i32
    %sign3A_179 = arith.cmpi sgt, %add3A_175, %sign3A_178 : i32
    %sign3A_180 = arith.extui %sign3A_179 : i1 to i32
    %sign3A_181 = arith.constant 0 : i32
    %sign3A_182 = arith.cmpi slt, %add3A_175, %sign3A_181 : i32
    %sign3A_183 = arith.extui %sign3A_182 : i1 to i32
    %sign3A_184 = arith.subi %sign3A_180, %sign3A_183 : i32
    %sign3A_185 = arith.constant 0 : i32
    %sign3A_186 = arith.cmpi sgt, %jit3A_176, %sign3A_185 : i32
    %sign3A_187 = arith.extui %sign3A_186 : i1 to i32
    %sign3A_188 = arith.constant 0 : i32
    %sign3A_189 = arith.cmpi slt, %jit3A_176, %sign3A_188 : i32
    %sign3A_190 = arith.extui %sign3A_189 : i1 to i32
    %sign3A_191 = arith.subi %sign3A_187, %sign3A_190 : i32
    %ne3A_192 = arith.cmpi ne, %sign3A_184, %sign3A_191 : i32
    %rem3A_193 = arith.remsi %add3A_175, %jit3A_176 : i32
    %ne3A_194 = arith.constant 0 : i32
    %ne3A_195 = arith.cmpi ne, %rem3A_193, %ne3A_194 : i32
    %and3A_196 = arith.andi %ne3A_192, %ne3A_195 : i1
    %sub3A_197 = arith.constant 1 : i32
    %sub3A_198 = arith.subi %div3A_177, %sub3A_197 : i32
    %select_n3A_199 = arith.select %and3A_196, %sub3A_198, %div3A_177 : i32
    %eq3A_200 = arith.cmpi eq, %select_n3A_199, %squeeze3A : i32
    %convert_element_type3A_201 = arith.extui %eq3A_200 : i1 to i32
    %cond3A_202 = arith.constant 0 : i32
    %cond3A_203 = arith.cmpi ne, %convert_element_type3A_201, %cond3A_202 : i32
    scf.if %cond3A_203 {
      %mul3A_2592 = arith.constant 4096 : i32
      %mul3A_2593 = arith.muli %squeeze3A, %mul3A_2592 : i32
      %sub3A_2594 = arith.subi %add3A_175, %mul3A_2593 : i32
      %dma_start3A_2595 = arith.constant 0 : i32
      %dma_start3A_2596 = tpu.memref_slice %arg3[%sub3A_2594, %dma_start3A_2595] : memref<4096x128xf32, #tpu.memory_space<hbm>> -> memref<128x128xf32, #tpu.memory_space<hbm>>
      %dma_start3A_2597 = arith.constant 0 : i32
      %dma_start3A_2598 = tpu.memref_slice %arg3[%sub3A_2594, %dma_start3A_2597] : memref<4096x128xf32, #tpu.memory_space<hbm>> -> memref<128x128xf32, #tpu.memory_space<hbm>>
      tpu.enqueue_dma source(%dma_start3A_2598 : memref<128x128xf32, #tpu.memory_space<hbm>>) target(%arg11 : memref<128x128xf32, #tpu.memory_space<vmem>>) target_semaphore(%arg17 : memref<!tpu.dma_semaphore, #tpu.memory_space<semaphore_mem>>)
    } else {
    }
    %ne3A_204 = arith.cmpi ne, %select_n3A_199, %squeeze3A : i32
    %convert_element_type3A_205 = arith.extui %ne3A_204 : i1 to i32
    %cond3A_206 = arith.constant 0 : i32
    %cond3A_207 = arith.cmpi ne, %convert_element_type3A_205, %cond3A_206 : i32
    scf.if %cond3A_207 {
      %dma_start3A_2592 = arith.constant 0 : i32
      %dma_start3A_2593 = tpu.memref_slice %arg4[%add3A_175, %dma_start3A_2592] : memref<204800x128xf32, #tpu.memory_space<hbm>> -> memref<128x128xf32, #tpu.memory_space<hbm>>
      %dma_start3A_2594 = arith.constant 0 : i32
      %dma_start3A_2595 = tpu.memref_slice %arg4[%add3A_175, %dma_start3A_2594] : memref<204800x128xf32, #tpu.memory_space<hbm>> -> memref<128x128xf32, #tpu.memory_space<hbm>>
      tpu.enqueue_dma source(%dma_start3A_2595 : memref<128x128xf32, #tpu.memory_space<hbm>>) target(%arg11 : memref<128x128xf32, #tpu.memory_space<vmem>>) target_semaphore(%arg17 : memref<!tpu.dma_semaphore, #tpu.memory_space<semaphore_mem>>)
    } else {
    }
    %dma_wait3A_208 = arith.constant 0 : i32
    %dma_wait3A_209 = arith.constant 0 : i32
    %dma_wait3A_210 = tpu.memref_slice %arg4[%dma_wait3A_208, %dma_wait3A_209] : memref<204800x128xf32, #tpu.memory_space<hbm>> -> memref<128x128xf32, #tpu.memory_space<hbm>>
    %dma_wait3A_211 = arith.constant 0 : i32
    %dma_wait3A_212 = arith.constant 0 : i32
    %dma_wait3A_213 = tpu.memref_slice %arg4[%dma_wait3A_211, %dma_wait3A_212] : memref<204800x128xf32, #tpu.memory_space<hbm>> -> memref<128x128xf32, #tpu.memory_space<hbm>>
    tpu.wait_dma2 semaphore(%arg13 : memref<!tpu.dma_semaphore, #tpu.memory_space<semaphore_mem>>) src(%dma_wait3A_213 : memref<128x128xf32, #tpu.memory_space<hbm>>) dst(%arg7 : memref<128x128xf32, #tpu.memory_space<vmem>>)
    %add3A_214 = arith.constant 128 : i32
    %add3A_215 = arith.addi %mul3A_4, %add3A_214 : i32
    %dma_start3A_216 = arith.constant 0 : i32
    %dma_start3A_217 = tpu.memref_slice %arg5[%add3A_215, %dma_start3A_216] : memref<204800x128xf32, #tpu.memory_space<hbm>> -> memref<128x128xf32, #tpu.memory_space<hbm>>
    %dma_start3A_218 = arith.constant 0 : i32
    %dma_start3A_219 = tpu.memref_slice %arg5[%add3A_215, %dma_start3A_218] : memref<204800x128xf32, #tpu.memory_space<hbm>> -> memref<128x128xf32, #tpu.memory_space<hbm>>
    tpu.enqueue_dma source(%arg7 : memref<128x128xf32, #tpu.memory_space<vmem>>) target(%dma_start3A_219 : memref<128x128xf32, #tpu.memory_space<hbm>>) target_semaphore(%arg19 : memref<!tpu.dma_semaphore, #tpu.memory_space<semaphore_mem>>)
    %dma_wait3A_220 = arith.constant 0 : i32
    %dma_wait3A_221 = arith.constant 0 : i32
    %dma_wait3A_222 = tpu.memref_slice %arg4[%dma_wait3A_220, %dma_wait3A_221] : memref<204800x128xf32, #tpu.memory_space<hbm>> -> memref<128x128xf32, #tpu.memory_space<hbm>>
    %dma_wait3A_223 = arith.constant 0 : i32
    %dma_wait3A_224 = arith.constant 0 : i32
    %dma_wait3A_225 = tpu.memref_slice %arg4[%dma_wait3A_223, %dma_wait3A_224] : memref<204800x128xf32, #tpu.memory_space<hbm>> -> memref<128x128xf32, #tpu.memory_space<hbm>>
    tpu.wait_dma2 semaphore(%arg18 : memref<!tpu.dma_semaphore, #tpu.memory_space<semaphore_mem>>) src(%dma_wait3A_225 : memref<128x128xf32, #tpu.memory_space<hbm>>) dst(%arg6 : memref<128x128xf32, #tpu.memory_space<vmem>>)
    %add3A_226 = arith.constant 768 : i32
    %add3A_227 = arith.addi %mul3A_4, %add3A_226 : i32
    %jit3A_228 = arith.constant 4096 : i32
    %div3A_229 = arith.divsi %add3A_227, %jit3A_228 : i32
    %sign3A_230 = arith.constant 0 : i32
    %sign3A_231 = arith.cmpi sgt, %add3A_227, %sign3A_230 : i32
    %sign3A_232 = arith.extui %sign3A_231 : i1 to i32
    %sign3A_233 = arith.constant 0 : i32
    %sign3A_234 = arith.cmpi slt, %add3A_227, %sign3A_233 : i32
    %sign3A_235 = arith.extui %sign3A_234 : i1 to i32
    %sign3A_236 = arith.subi %sign3A_232, %sign3A_235 : i32
    %sign3A_237 = arith.constant 0 : i32
    %sign3A_238 = arith.cmpi sgt, %jit3A_228, %sign3A_237 : i32
    %sign3A_239 = arith.extui %sign3A_238 : i1 to i32
    %sign3A_240 = arith.constant 0 : i32
    %sign3A_241 = arith.cmpi slt, %jit3A_228, %sign3A_240 : i32
    %sign3A_242 = arith.extui %sign3A_241 : i1 to i32
    %sign3A_243 = arith.subi %sign3A_239, %sign3A_242 : i32
    %ne3A_244 = arith.cmpi ne, %sign3A_236, %sign3A_243 : i32
    %rem3A_245 = arith.remsi %add3A_227, %jit3A_228 : i32
    %ne3A_246 = arith.constant 0 : i32
    %ne3A_247 = arith.cmpi ne, %rem3A_245, %ne3A_246 : i32
    %and3A_248 = arith.andi %ne3A_244, %ne3A_247 : i1
    %sub3A_249 = arith.constant 1 : i32
    %sub3A_250 = arith.subi %div3A_229, %sub3A_249 : i32
    %select_n3A_251 = arith.select %and3A_248, %sub3A_250, %div3A_229 : i32
    %eq3A_252 = arith.cmpi eq, %select_n3A_251, %squeeze3A : i32
    %convert_element_type3A_253 = arith.extui %eq3A_252 : i1 to i32
    %cond3A_254 = arith.constant 0 : i32
    %cond3A_255 = arith.cmpi ne, %convert_element_type3A_253, %cond3A_254 : i32
    scf.if %cond3A_255 {
      %mul3A_2592 = arith.constant 4096 : i32
      %mul3A_2593 = arith.muli %squeeze3A, %mul3A_2592 : i32
      %sub3A_2594 = arith.subi %add3A_227, %mul3A_2593 : i32
      %dma_start3A_2595 = arith.constant 0 : i32
      %dma_start3A_2596 = tpu.memref_slice %arg3[%sub3A_2594, %dma_start3A_2595] : memref<4096x128xf32, #tpu.memory_space<hbm>> -> memref<128x128xf32, #tpu.memory_space<hbm>>
      %dma_start3A_2597 = arith.constant 0 : i32
      %dma_start3A_2598 = tpu.memref_slice %arg3[%sub3A_2594, %dma_start3A_2597] : memref<4096x128xf32, #tpu.memory_space<hbm>> -> memref<128x128xf32, #tpu.memory_space<hbm>>
      tpu.enqueue_dma source(%dma_start3A_2598 : memref<128x128xf32, #tpu.memory_space<hbm>>) target(%arg6 : memref<128x128xf32, #tpu.memory_space<vmem>>) target_semaphore(%arg12 : memref<!tpu.dma_semaphore, #tpu.memory_space<semaphore_mem>>)
    } else {
    }
    %ne3A_256 = arith.cmpi ne, %select_n3A_251, %squeeze3A : i32
    %convert_element_type3A_257 = arith.extui %ne3A_256 : i1 to i32
    %cond3A_258 = arith.constant 0 : i32
    %cond3A_259 = arith.cmpi ne, %convert_element_type3A_257, %cond3A_258 : i32
    scf.if %cond3A_259 {
      %dma_start3A_2592 = arith.constant 0 : i32
      %dma_start3A_2593 = tpu.memref_slice %arg4[%add3A_227, %dma_start3A_2592] : memref<204800x128xf32, #tpu.memory_space<hbm>> -> memref<128x128xf32, #tpu.memory_space<hbm>>
      %dma_start3A_2594 = arith.constant 0 : i32
      %dma_start3A_2595 = tpu.memref_slice %arg4[%add3A_227, %dma_start3A_2594] : memref<204800x128xf32, #tpu.memory_space<hbm>> -> memref<128x128xf32, #tpu.memory_space<hbm>>
      tpu.enqueue_dma source(%dma_start3A_2595 : memref<128x128xf32, #tpu.memory_space<hbm>>) target(%arg6 : memref<128x128xf32, #tpu.memory_space<vmem>>) target_semaphore(%arg12 : memref<!tpu.dma_semaphore, #tpu.memory_space<semaphore_mem>>)
    } else {
    }
    %dma_wait3A_260 = arith.constant 0 : i32
    %dma_wait3A_261 = arith.constant 0 : i32
    %dma_wait3A_262 = tpu.memref_slice %arg4[%dma_wait3A_260, %dma_wait3A_261] : memref<204800x128xf32, #tpu.memory_space<hbm>> -> memref<128x128xf32, #tpu.memory_space<hbm>>
    %dma_wait3A_263 = arith.constant 0 : i32
    %dma_wait3A_264 = arith.constant 0 : i32
    %dma_wait3A_265 = tpu.memref_slice %arg4[%dma_wait3A_263, %dma_wait3A_264] : memref<204800x128xf32, #tpu.memory_space<hbm>> -> memref<128x128xf32, #tpu.memory_space<hbm>>
    tpu.wait_dma2 semaphore(%arg14 : memref<!tpu.dma_semaphore, #tpu.memory_space<semaphore_mem>>) src(%dma_wait3A_265 : memref<128x128xf32, #tpu.memory_space<hbm>>) dst(%arg8 : memref<128x128xf32, #tpu.memory_space<vmem>>)
    %add3A_266 = arith.constant 256 : i32
    %add3A_267 = arith.addi %mul3A_4, %add3A_266 : i32
    %dma_start3A_268 = arith.constant 0 : i32
    %dma_start3A_269 = tpu.memref_slice %arg5[%add3A_267, %dma_start3A_268] : memref<204800x128xf32, #tpu.memory_space<hbm>> -> memref<128x128xf32, #tpu.memory_space<hbm>>
    %dma_start3A_270 = arith.constant 0 : i32
    %dma_start3A_271 = tpu.memref_slice %arg5[%add3A_267, %dma_start3A_270] : memref<204800x128xf32, #tpu.memory_space<hbm>> -> memref<128x128xf32, #tpu.memory_space<hbm>>
    tpu.enqueue_dma source(%arg8 : memref<128x128xf32, #tpu.memory_space<vmem>>) target(%dma_start3A_271 : memref<128x128xf32, #tpu.memory_space<hbm>>) target_semaphore(%arg20 : memref<!tpu.dma_semaphore, #tpu.memory_space<semaphore_mem>>)
    %dma_wait3A_272 = arith.constant 0 : i32
    %dma_wait3A_273 = arith.constant 0 : i32
    %dma_wait3A_274 = tpu.memref_slice %arg4[%dma_wait3A_272, %dma_wait3A_273] : memref<204800x128xf32, #tpu.memory_space<hbm>> -> memref<128x128xf32, #tpu.memory_space<hbm>>
    %dma_wait3A_275 = arith.constant 0 : i32
    %dma_wait3A_276 = arith.constant 0 : i32
    %dma_wait3A_277 = tpu.memref_slice %arg4[%dma_wait3A_275, %dma_wait3A_276] : memref<204800x128xf32, #tpu.memory_space<hbm>> -> memref<128x128xf32, #tpu.memory_space<hbm>>
    tpu.wait_dma2 semaphore(%arg19 : memref<!tpu.dma_semaphore, #tpu.memory_space<semaphore_mem>>) src(%dma_wait3A_277 : memref<128x128xf32, #tpu.memory_space<hbm>>) dst(%arg7 : memref<128x128xf32, #tpu.memory_space<vmem>>)
    %add3A_278 = arith.constant 896 : i32
    %add3A_279 = arith.addi %mul3A_4, %add3A_278 : i32
    %jit3A_280 = arith.constant 4096 : i32
    %div3A_281 = arith.divsi %add3A_279, %jit3A_280 : i32
    %sign3A_282 = arith.constant 0 : i32
    %sign3A_283 = arith.cmpi sgt, %add3A_279, %sign3A_282 : i32
    %sign3A_284 = arith.extui %sign3A_283 : i1 to i32
    %sign3A_285 = arith.constant 0 : i32
    %sign3A_286 = arith.cmpi slt, %add3A_279, %sign3A_285 : i32
    %sign3A_287 = arith.extui %sign3A_286 : i1 to i32
    %sign3A_288 = arith.subi %sign3A_284, %sign3A_287 : i32
    %sign3A_289 = arith.constant 0 : i32
    %sign3A_290 = arith.cmpi sgt, %jit3A_280, %sign3A_289 : i32
    %sign3A_291 = arith.extui %sign3A_290 : i1 to i32
    %sign3A_292 = arith.constant 0 : i32
    %sign3A_293 = arith.cmpi slt, %jit3A_280, %sign3A_292 : i32
    %sign3A_294 = arith.extui %sign3A_293 : i1 to i32
    %sign3A_295 = arith.subi %sign3A_291, %sign3A_294 : i32
    %ne3A_296 = arith.cmpi ne, %sign3A_288, %sign3A_295 : i32
    %rem3A_297 = arith.remsi %add3A_279, %jit3A_280 : i32
    %ne3A_298 = arith.constant 0 : i32
    %ne3A_299 = arith.cmpi ne, %rem3A_297, %ne3A_298 : i32
    %and3A_300 = arith.andi %ne3A_296, %ne3A_299 : i1
    %sub3A_301 = arith.constant 1 : i32
    %sub3A_302 = arith.subi %div3A_281, %sub3A_301 : i32
    %select_n3A_303 = arith.select %and3A_300, %sub3A_302, %div3A_281 : i32
    %eq3A_304 = arith.cmpi eq, %select_n3A_303, %squeeze3A : i32
    %convert_element_type3A_305 = arith.extui %eq3A_304 : i1 to i32
    %cond3A_306 = arith.constant 0 : i32
    %cond3A_307 = arith.cmpi ne, %convert_element_type3A_305, %cond3A_306 : i32
    scf.if %cond3A_307 {
      %mul3A_2592 = arith.constant 4096 : i32
      %mul3A_2593 = arith.muli %squeeze3A, %mul3A_2592 : i32
      %sub3A_2594 = arith.subi %add3A_279, %mul3A_2593 : i32
      %dma_start3A_2595 = arith.constant 0 : i32
      %dma_start3A_2596 = tpu.memref_slice %arg3[%sub3A_2594, %dma_start3A_2595] : memref<4096x128xf32, #tpu.memory_space<hbm>> -> memref<128x128xf32, #tpu.memory_space<hbm>>
      %dma_start3A_2597 = arith.constant 0 : i32
      %dma_start3A_2598 = tpu.memref_slice %arg3[%sub3A_2594, %dma_start3A_2597] : memref<4096x128xf32, #tpu.memory_space<hbm>> -> memref<128x128xf32, #tpu.memory_space<hbm>>
      tpu.enqueue_dma source(%dma_start3A_2598 : memref<128x128xf32, #tpu.memory_space<hbm>>) target(%arg7 : memref<128x128xf32, #tpu.memory_space<vmem>>) target_semaphore(%arg13 : memref<!tpu.dma_semaphore, #tpu.memory_space<semaphore_mem>>)
    } else {
    }
    %ne3A_308 = arith.cmpi ne, %select_n3A_303, %squeeze3A : i32
    %convert_element_type3A_309 = arith.extui %ne3A_308 : i1 to i32
    %cond3A_310 = arith.constant 0 : i32
    %cond3A_311 = arith.cmpi ne, %convert_element_type3A_309, %cond3A_310 : i32
    scf.if %cond3A_311 {
      %dma_start3A_2592 = arith.constant 0 : i32
      %dma_start3A_2593 = tpu.memref_slice %arg4[%add3A_279, %dma_start3A_2592] : memref<204800x128xf32, #tpu.memory_space<hbm>> -> memref<128x128xf32, #tpu.memory_space<hbm>>
      %dma_start3A_2594 = arith.constant 0 : i32
      %dma_start3A_2595 = tpu.memref_slice %arg4[%add3A_279, %dma_start3A_2594] : memref<204800x128xf32, #tpu.memory_space<hbm>> -> memref<128x128xf32, #tpu.memory_space<hbm>>
      tpu.enqueue_dma source(%dma_start3A_2595 : memref<128x128xf32, #tpu.memory_space<hbm>>) target(%arg7 : memref<128x128xf32, #tpu.memory_space<vmem>>) target_semaphore(%arg13 : memref<!tpu.dma_semaphore, #tpu.memory_space<semaphore_mem>>)
    } else {
    }
    %dma_wait3A_312 = arith.constant 0 : i32
    %dma_wait3A_313 = arith.constant 0 : i32
    %dma_wait3A_314 = tpu.memref_slice %arg4[%dma_wait3A_312, %dma_wait3A_313] : memref<204800x128xf32, #tpu.memory_space<hbm>> -> memref<128x128xf32, #tpu.memory_space<hbm>>
    %dma_wait3A_315 = arith.constant 0 : i32
    %dma_wait3A_316 = arith.constant 0 : i32
    %dma_wait3A_317 = tpu.memref_slice %arg4[%dma_wait3A_315, %dma_wait3A_316] : memref<204800x128xf32, #tpu.memory_space<hbm>> -> memref<128x128xf32, #tpu.memory_space<hbm>>
    tpu.wait_dma2 semaphore(%arg15 : memref<!tpu.dma_semaphore, #tpu.memory_space<semaphore_mem>>) src(%dma_wait3A_317 : memref<128x128xf32, #tpu.memory_space<hbm>>) dst(%arg9 : memref<128x128xf32, #tpu.memory_space<vmem>>)
    %add3A_318 = arith.constant 384 : i32
    %add3A_319 = arith.addi %mul3A_4, %add3A_318 : i32
    %dma_start3A_320 = arith.constant 0 : i32
    %dma_start3A_321 = tpu.memref_slice %arg5[%add3A_319, %dma_start3A_320] : memref<204800x128xf32, #tpu.memory_space<hbm>> -> memref<128x128xf32, #tpu.memory_space<hbm>>
    %dma_start3A_322 = arith.constant 0 : i32
    %dma_start3A_323 = tpu.memref_slice %arg5[%add3A_319, %dma_start3A_322] : memref<204800x128xf32, #tpu.memory_space<hbm>> -> memref<128x128xf32, #tpu.memory_space<hbm>>
    tpu.enqueue_dma source(%arg9 : memref<128x128xf32, #tpu.memory_space<vmem>>) target(%dma_start3A_323 : memref<128x128xf32, #tpu.memory_space<hbm>>) target_semaphore(%arg21 : memref<!tpu.dma_semaphore, #tpu.memory_space<semaphore_mem>>)
    %dma_wait3A_324 = arith.constant 0 : i32
    %dma_wait3A_325 = arith.constant 0 : i32
    %dma_wait3A_326 = tpu.memref_slice %arg4[%dma_wait3A_324, %dma_wait3A_325] : memref<204800x128xf32, #tpu.memory_space<hbm>> -> memref<128x128xf32, #tpu.memory_space<hbm>>
    %dma_wait3A_327 = arith.constant 0 : i32
    %dma_wait3A_328 = arith.constant 0 : i32
    %dma_wait3A_329 = tpu.memref_slice %arg4[%dma_wait3A_327, %dma_wait3A_328] : memref<204800x128xf32, #tpu.memory_space<hbm>> -> memref<128x128xf32, #tpu.memory_space<hbm>>
    tpu.wait_dma2 semaphore(%arg20 : memref<!tpu.dma_semaphore, #tpu.memory_space<semaphore_mem>>) src(%dma_wait3A_329 : memref<128x128xf32, #tpu.memory_space<hbm>>) dst(%arg8 : memref<128x128xf32, #tpu.memory_space<vmem>>)
    %add3A_330 = arith.constant 1024 : i32
    %add3A_331 = arith.addi %mul3A_4, %add3A_330 : i32
    %jit3A_332 = arith.constant 4096 : i32
    %div3A_333 = arith.divsi %add3A_331, %jit3A_332 : i32
    %sign3A_334 = arith.constant 0 : i32
    %sign3A_335 = arith.cmpi sgt, %add3A_331, %sign3A_334 : i32
    %sign3A_336 = arith.extui %sign3A_335 : i1 to i32
    %sign3A_337 = arith.constant 0 : i32
    %sign3A_338 = arith.cmpi slt, %add3A_331, %sign3A_337 : i32
    %sign3A_339 = arith.extui %sign3A_338 : i1 to i32
    %sign3A_340 = arith.subi %sign3A_336, %sign3A_339 : i32
    %sign3A_341 = arith.constant 0 : i32
    %sign3A_342 = arith.cmpi sgt, %jit3A_332, %sign3A_341 : i32
    %sign3A_343 = arith.extui %sign3A_342 : i1 to i32
    %sign3A_344 = arith.constant 0 : i32
    %sign3A_345 = arith.cmpi slt, %jit3A_332, %sign3A_344 : i32
    %sign3A_346 = arith.extui %sign3A_345 : i1 to i32
    %sign3A_347 = arith.subi %sign3A_343, %sign3A_346 : i32
    %ne3A_348 = arith.cmpi ne, %sign3A_340, %sign3A_347 : i32
    %rem3A_349 = arith.remsi %add3A_331, %jit3A_332 : i32
    %ne3A_350 = arith.constant 0 : i32
    %ne3A_351 = arith.cmpi ne, %rem3A_349, %ne3A_350 : i32
    %and3A_352 = arith.andi %ne3A_348, %ne3A_351 : i1
    %sub3A_353 = arith.constant 1 : i32
    %sub3A_354 = arith.subi %div3A_333, %sub3A_353 : i32
    %select_n3A_355 = arith.select %and3A_352, %sub3A_354, %div3A_333 : i32
    %eq3A_356 = arith.cmpi eq, %select_n3A_355, %squeeze3A : i32
    %convert_element_type3A_357 = arith.extui %eq3A_356 : i1 to i32
    %cond3A_358 = arith.constant 0 : i32
    %cond3A_359 = arith.cmpi ne, %convert_element_type3A_357, %cond3A_358 : i32
    scf.if %cond3A_359 {
      %mul3A_2592 = arith.constant 4096 : i32
      %mul3A_2593 = arith.muli %squeeze3A, %mul3A_2592 : i32
      %sub3A_2594 = arith.subi %add3A_331, %mul3A_2593 : i32
      %dma_start3A_2595 = arith.constant 0 : i32
      %dma_start3A_2596 = tpu.memref_slice %arg3[%sub3A_2594, %dma_start3A_2595] : memref<4096x128xf32, #tpu.memory_space<hbm>> -> memref<128x128xf32, #tpu.memory_space<hbm>>
      %dma_start3A_2597 = arith.constant 0 : i32
      %dma_start3A_2598 = tpu.memref_slice %arg3[%sub3A_2594, %dma_start3A_2597] : memref<4096x128xf32, #tpu.memory_space<hbm>> -> memref<128x128xf32, #tpu.memory_space<hbm>>
      tpu.enqueue_dma source(%dma_start3A_2598 : memref<128x128xf32, #tpu.memory_space<hbm>>) target(%arg8 : memref<128x128xf32, #tpu.memory_space<vmem>>) target_semaphore(%arg14 : memref<!tpu.dma_semaphore, #tpu.memory_space<semaphore_mem>>)
    } else {
    }
    %ne3A_360 = arith.cmpi ne, %select_n3A_355, %squeeze3A : i32
    %convert_element_type3A_361 = arith.extui %ne3A_360 : i1 to i32
    %cond3A_362 = arith.constant 0 : i32
    %cond3A_363 = arith.cmpi ne, %convert_element_type3A_361, %cond3A_362 : i32
    scf.if %cond3A_363 {
      %dma_start3A_2592 = arith.constant 0 : i32
      %dma_start3A_2593 = tpu.memref_slice %arg4[%add3A_331, %dma_start3A_2592] : memref<204800x128xf32, #tpu.memory_space<hbm>> -> memref<128x128xf32, #tpu.memory_space<hbm>>
      %dma_start3A_2594 = arith.constant 0 : i32
      %dma_start3A_2595 = tpu.memref_slice %arg4[%add3A_331, %dma_start3A_2594] : memref<204800x128xf32, #tpu.memory_space<hbm>> -> memref<128x128xf32, #tpu.memory_space<hbm>>
      tpu.enqueue_dma source(%dma_start3A_2595 : memref<128x128xf32, #tpu.memory_space<hbm>>) target(%arg8 : memref<128x128xf32, #tpu.memory_space<vmem>>) target_semaphore(%arg14 : memref<!tpu.dma_semaphore, #tpu.memory_space<semaphore_mem>>)
    } else {
    }
    %dma_wait3A_364 = arith.constant 0 : i32
    %dma_wait3A_365 = arith.constant 0 : i32
    %dma_wait3A_366 = tpu.memref_slice %arg4[%dma_wait3A_364, %dma_wait3A_365] : memref<204800x128xf32, #tpu.memory_space<hbm>> -> memref<128x128xf32, #tpu.memory_space<hbm>>
    %dma_wait3A_367 = arith.constant 0 : i32
    %dma_wait3A_368 = arith.constant 0 : i32
    %dma_wait3A_369 = tpu.memref_slice %arg4[%dma_wait3A_367, %dma_wait3A_368] : memref<204800x128xf32, #tpu.memory_space<hbm>> -> memref<128x128xf32, #tpu.memory_space<hbm>>
    tpu.wait_dma2 semaphore(%arg16 : memref<!tpu.dma_semaphore, #tpu.memory_space<semaphore_mem>>) src(%dma_wait3A_369 : memref<128x128xf32, #tpu.memory_space<hbm>>) dst(%arg10 : memref<128x128xf32, #tpu.memory_space<vmem>>)
    %add3A_370 = arith.constant 512 : i32
    %add3A_371 = arith.addi %mul3A_4, %add3A_370 : i32
    %dma_start3A_372 = arith.constant 0 : i32
    %dma_start3A_373 = tpu.memref_slice %arg5[%add3A_371, %dma_start3A_372] : memref<204800x128xf32, #tpu.memory_space<hbm>> -> memref<128x128xf32, #tpu.memory_space<hbm>>
    %dma_start3A_374 = arith.constant 0 : i32
    %dma_start3A_375 = tpu.memref_slice %arg5[%add3A_371, %dma_start3A_374] : memref<204800x128xf32, #tpu.memory_space<hbm>> -> memref<128x128xf32, #tpu.memory_space<hbm>>
    tpu.enqueue_dma source(%arg10 : memref<128x128xf32, #tpu.memory_space<vmem>>) target(%dma_start3A_375 : memref<128x128xf32, #tpu.memory_space<hbm>>) target_semaphore(%arg22 : memref<!tpu.dma_semaphore, #tpu.memory_space<semaphore_mem>>)
    %dma_wait3A_376 = arith.constant 0 : i32
    %dma_wait3A_377 = arith.constant 0 : i32
    %dma_wait3A_378 = tpu.memref_slice %arg4[%dma_wait3A_376, %dma_wait3A_377] : memref<204800x128xf32, #tpu.memory_space<hbm>> -> memref<128x128xf32, #tpu.memory_space<hbm>>
    %dma_wait3A_379 = arith.constant 0 : i32
    %dma_wait3A_380 = arith.constant 0 : i32
    %dma_wait3A_381 = tpu.memref_slice %arg4[%dma_wait3A_379, %dma_wait3A_380] : memref<204800x128xf32, #tpu.memory_space<hbm>> -> memref<128x128xf32, #tpu.memory_space<hbm>>
    tpu.wait_dma2 semaphore(%arg21 : memref<!tpu.dma_semaphore, #tpu.memory_space<semaphore_mem>>) src(%dma_wait3A_381 : memref<128x128xf32, #tpu.memory_space<hbm>>) dst(%arg9 : memref<128x128xf32, #tpu.memory_space<vmem>>)
    %add3A_382 = arith.constant 1152 : i32
    %add3A_383 = arith.addi %mul3A_4, %add3A_382 : i32
    %jit3A_384 = arith.constant 4096 : i32
    %div3A_385 = arith.divsi %add3A_383, %jit3A_384 : i32
    %sign3A_386 = arith.constant 0 : i32
    %sign3A_387 = arith.cmpi sgt, %add3A_383, %sign3A_386 : i32
    %sign3A_388 = arith.extui %sign3A_387 : i1 to i32
    %sign3A_389 = arith.constant 0 : i32
    %sign3A_390 = arith.cmpi slt, %add3A_383, %sign3A_389 : i32
    %sign3A_391 = arith.extui %sign3A_390 : i1 to i32
    %sign3A_392 = arith.subi %sign3A_388, %sign3A_391 : i32
    %sign3A_393 = arith.constant 0 : i32
    %sign3A_394 = arith.cmpi sgt, %jit3A_384, %sign3A_393 : i32
    %sign3A_395 = arith.extui %sign3A_394 : i1 to i32
    %sign3A_396 = arith.constant 0 : i32
    %sign3A_397 = arith.cmpi slt, %jit3A_384, %sign3A_396 : i32
    %sign3A_398 = arith.extui %sign3A_397 : i1 to i32
    %sign3A_399 = arith.subi %sign3A_395, %sign3A_398 : i32
    %ne3A_400 = arith.cmpi ne, %sign3A_392, %sign3A_399 : i32
    %rem3A_401 = arith.remsi %add3A_383, %jit3A_384 : i32
    %ne3A_402 = arith.constant 0 : i32
    %ne3A_403 = arith.cmpi ne, %rem3A_401, %ne3A_402 : i32
    %and3A_404 = arith.andi %ne3A_400, %ne3A_403 : i1
    %sub3A_405 = arith.constant 1 : i32
    %sub3A_406 = arith.subi %div3A_385, %sub3A_405 : i32
    %select_n3A_407 = arith.select %and3A_404, %sub3A_406, %div3A_385 : i32
    %eq3A_408 = arith.cmpi eq, %select_n3A_407, %squeeze3A : i32
    %convert_element_type3A_409 = arith.extui %eq3A_408 : i1 to i32
    %cond3A_410 = arith.constant 0 : i32
    %cond3A_411 = arith.cmpi ne, %convert_element_type3A_409, %cond3A_410 : i32
    scf.if %cond3A_411 {
      %mul3A_2592 = arith.constant 4096 : i32
      %mul3A_2593 = arith.muli %squeeze3A, %mul3A_2592 : i32
      %sub3A_2594 = arith.subi %add3A_383, %mul3A_2593 : i32
      %dma_start3A_2595 = arith.constant 0 : i32
      %dma_start3A_2596 = tpu.memref_slice %arg3[%sub3A_2594, %dma_start3A_2595] : memref<4096x128xf32, #tpu.memory_space<hbm>> -> memref<128x128xf32, #tpu.memory_space<hbm>>
      %dma_start3A_2597 = arith.constant 0 : i32
      %dma_start3A_2598 = tpu.memref_slice %arg3[%sub3A_2594, %dma_start3A_2597] : memref<4096x128xf32, #tpu.memory_space<hbm>> -> memref<128x128xf32, #tpu.memory_space<hbm>>
      tpu.enqueue_dma source(%dma_start3A_2598 : memref<128x128xf32, #tpu.memory_space<hbm>>) target(%arg9 : memref<128x128xf32, #tpu.memory_space<vmem>>) target_semaphore(%arg15 : memref<!tpu.dma_semaphore, #tpu.memory_space<semaphore_mem>>)
    } else {
    }
    %ne3A_412 = arith.cmpi ne, %select_n3A_407, %squeeze3A : i32
    %convert_element_type3A_413 = arith.extui %ne3A_412 : i1 to i32
    %cond3A_414 = arith.constant 0 : i32
    %cond3A_415 = arith.cmpi ne, %convert_element_type3A_413, %cond3A_414 : i32
    scf.if %cond3A_415 {
      %dma_start3A_2592 = arith.constant 0 : i32
      %dma_start3A_2593 = tpu.memref_slice %arg4[%add3A_383, %dma_start3A_2592] : memref<204800x128xf32, #tpu.memory_space<hbm>> -> memref<128x128xf32, #tpu.memory_space<hbm>>
      %dma_start3A_2594 = arith.constant 0 : i32
      %dma_start3A_2595 = tpu.memref_slice %arg4[%add3A_383, %dma_start3A_2594] : memref<204800x128xf32, #tpu.memory_space<hbm>> -> memref<128x128xf32, #tpu.memory_space<hbm>>
      tpu.enqueue_dma source(%dma_start3A_2595 : memref<128x128xf32, #tpu.memory_space<hbm>>) target(%arg9 : memref<128x128xf32, #tpu.memory_space<vmem>>) target_semaphore(%arg15 : memref<!tpu.dma_semaphore, #tpu.memory_space<semaphore_mem>>)
    } else {
    }
    %dma_wait3A_416 = arith.constant 0 : i32
    %dma_wait3A_417 = arith.constant 0 : i32
    %dma_wait3A_418 = tpu.memref_slice %arg4[%dma_wait3A_416, %dma_wait3A_417] : memref<204800x128xf32, #tpu.memory_space<hbm>> -> memref<128x128xf32, #tpu.memory_space<hbm>>
    %dma_wait3A_419 = arith.constant 0 : i32
    %dma_wait3A_420 = arith.constant 0 : i32
    %dma_wait3A_421 = tpu.memref_slice %arg4[%dma_wait3A_419, %dma_wait3A_420] : memref<204800x128xf32, #tpu.memory_space<hbm>> -> memref<128x128xf32, #tpu.memory_space<hbm>>
    tpu.wait_dma2 semaphore(%arg17 : memref<!tpu.dma_semaphore, #tpu.memory_space<semaphore_mem>>) src(%dma_wait3A_421 : memref<128x128xf32, #tpu.memory_space<hbm>>) dst(%arg11 : memref<128x128xf32, #tpu.memory_space<vmem>>)
    %add3A_422 = arith.constant 640 : i32
    %add3A_423 = arith.addi %mul3A_4, %add3A_422 : i32
    %dma_start3A_424 = arith.constant 0 : i32
    %dma_start3A_425 = tpu.memref_slice %arg5[%add3A_423, %dma_start3A_424] : memref<204800x128xf32, #tpu.memory_space<hbm>> -> memref<128x128xf32, #tpu.memory_space<hbm>>
    %dma_start3A_426 = arith.constant 0 : i32
    %dma_start3A_427 = tpu.memref_slice %arg5[%add3A_423, %dma_start3A_426] : memref<204800x128xf32, #tpu.memory_space<hbm>> -> memref<128x128xf32, #tpu.memory_space<hbm>>
    tpu.enqueue_dma source(%arg11 : memref<128x128xf32, #tpu.memory_space<vmem>>) target(%dma_start3A_427 : memref<128x128xf32, #tpu.memory_space<hbm>>) target_semaphore(%arg23 : memref<!tpu.dma_semaphore, #tpu.memory_space<semaphore_mem>>)
    %dma_wait3A_428 = arith.constant 0 : i32
    %dma_wait3A_429 = arith.constant 0 : i32
    %dma_wait3A_430 = tpu.memref_slice %arg4[%dma_wait3A_428, %dma_wait3A_429] : memref<204800x128xf32, #tpu.memory_space<hbm>> -> memref<128x128xf32, #tpu.memory_space<hbm>>
    %dma_wait3A_431 = arith.constant 0 : i32
    %dma_wait3A_432 = arith.constant 0 : i32
    %dma_wait3A_433 = tpu.memref_slice %arg4[%dma_wait3A_431, %dma_wait3A_432] : memref<204800x128xf32, #tpu.memory_space<hbm>> -> memref<128x128xf32, #tpu.memory_space<hbm>>
    tpu.wait_dma2 semaphore(%arg22 : memref<!tpu.dma_semaphore, #tpu.memory_space<semaphore_mem>>) src(%dma_wait3A_433 : memref<128x128xf32, #tpu.memory_space<hbm>>) dst(%arg10 : memref<128x128xf32, #tpu.memory_space<vmem>>)
    %add3A_434 = arith.constant 1280 : i32
    %add3A_435 = arith.addi %mul3A_4, %add3A_434 : i32
    %jit3A_436 = arith.constant 4096 : i32
    %div3A_437 = arith.divsi %add3A_435, %jit3A_436 : i32
    %sign3A_438 = arith.constant 0 : i32
    %sign3A_439 = arith.cmpi sgt, %add3A_435, %sign3A_438 : i32
    %sign3A_440 = arith.extui %sign3A_439 : i1 to i32
    %sign3A_441 = arith.constant 0 : i32
    %sign3A_442 = arith.cmpi slt, %add3A_435, %sign3A_441 : i32
    %sign3A_443 = arith.extui %sign3A_442 : i1 to i32
    %sign3A_444 = arith.subi %sign3A_440, %sign3A_443 : i32
    %sign3A_445 = arith.constant 0 : i32
    %sign3A_446 = arith.cmpi sgt, %jit3A_436, %sign3A_445 : i32
    %sign3A_447 = arith.extui %sign3A_446 : i1 to i32
    %sign3A_448 = arith.constant 0 : i32
    %sign3A_449 = arith.cmpi slt, %jit3A_436, %sign3A_448 : i32
    %sign3A_450 = arith.extui %sign3A_449 : i1 to i32
    %sign3A_451 = arith.subi %sign3A_447, %sign3A_450 : i32
    %ne3A_452 = arith.cmpi ne, %sign3A_444, %sign3A_451 : i32
    %rem3A_453 = arith.remsi %add3A_435, %jit3A_436 : i32
    %ne3A_454 = arith.constant 0 : i32
    %ne3A_455 = arith.cmpi ne, %rem3A_453, %ne3A_454 : i32
    %and3A_456 = arith.andi %ne3A_452, %ne3A_455 : i1
    %sub3A_457 = arith.constant 1 : i32
    %sub3A_458 = arith.subi %div3A_437, %sub3A_457 : i32
    %select_n3A_459 = arith.select %and3A_456, %sub3A_458, %div3A_437 : i32
    %eq3A_460 = arith.cmpi eq, %select_n3A_459, %squeeze3A : i32
    %convert_element_type3A_461 = arith.extui %eq3A_460 : i1 to i32
    %cond3A_462 = arith.constant 0 : i32
    %cond3A_463 = arith.cmpi ne, %convert_element_type3A_461, %cond3A_462 : i32
    scf.if %cond3A_463 {
      %mul3A_2592 = arith.constant 4096 : i32
      %mul3A_2593 = arith.muli %squeeze3A, %mul3A_2592 : i32
      %sub3A_2594 = arith.subi %add3A_435, %mul3A_2593 : i32
      %dma_start3A_2595 = arith.constant 0 : i32
      %dma_start3A_2596 = tpu.memref_slice %arg3[%sub3A_2594, %dma_start3A_2595] : memref<4096x128xf32, #tpu.memory_space<hbm>> -> memref<128x128xf32, #tpu.memory_space<hbm>>
      %dma_start3A_2597 = arith.constant 0 : i32
      %dma_start3A_2598 = tpu.memref_slice %arg3[%sub3A_2594, %dma_start3A_2597] : memref<4096x128xf32, #tpu.memory_space<hbm>> -> memref<128x128xf32, #tpu.memory_space<hbm>>
      tpu.enqueue_dma source(%dma_start3A_2598 : memref<128x128xf32, #tpu.memory_space<hbm>>) target(%arg10 : memref<128x128xf32, #tpu.memory_space<vmem>>) target_semaphore(%arg16 : memref<!tpu.dma_semaphore, #tpu.memory_space<semaphore_mem>>)
    } else {
    }
    %ne3A_464 = arith.cmpi ne, %select_n3A_459, %squeeze3A : i32
    %convert_element_type3A_465 = arith.extui %ne3A_464 : i1 to i32
    %cond3A_466 = arith.constant 0 : i32
    %cond3A_467 = arith.cmpi ne, %convert_element_type3A_465, %cond3A_466 : i32
    scf.if %cond3A_467 {
      %dma_start3A_2592 = arith.constant 0 : i32
      %dma_start3A_2593 = tpu.memref_slice %arg4[%add3A_435, %dma_start3A_2592] : memref<204800x128xf32, #tpu.memory_space<hbm>> -> memref<128x128xf32, #tpu.memory_space<hbm>>
      %dma_start3A_2594 = arith.constant 0 : i32
      %dma_start3A_2595 = tpu.memref_slice %arg4[%add3A_435, %dma_start3A_2594] : memref<204800x128xf32, #tpu.memory_space<hbm>> -> memref<128x128xf32, #tpu.memory_space<hbm>>
      tpu.enqueue_dma source(%dma_start3A_2595 : memref<128x128xf32, #tpu.memory_space<hbm>>) target(%arg10 : memref<128x128xf32, #tpu.memory_space<vmem>>) target_semaphore(%arg16 : memref<!tpu.dma_semaphore, #tpu.memory_space<semaphore_mem>>)
    } else {
    }
    %dma_wait3A_468 = arith.constant 0 : i32
    %dma_wait3A_469 = arith.constant 0 : i32
    %dma_wait3A_470 = tpu.memref_slice %arg4[%dma_wait3A_468, %dma_wait3A_469] : memref<204800x128xf32, #tpu.memory_space<hbm>> -> memref<128x128xf32, #tpu.memory_space<hbm>>
    %dma_wait3A_471 = arith.constant 0 : i32
    %dma_wait3A_472 = arith.constant 0 : i32
    %dma_wait3A_473 = tpu.memref_slice %arg4[%dma_wait3A_471, %dma_wait3A_472] : memref<204800x128xf32, #tpu.memory_space<hbm>> -> memref<128x128xf32, #tpu.memory_space<hbm>>
    tpu.wait_dma2 semaphore(%arg12 : memref<!tpu.dma_semaphore, #tpu.memory_space<semaphore_mem>>) src(%dma_wait3A_473 : memref<128x128xf32, #tpu.memory_space<hbm>>) dst(%arg6 : memref<128x128xf32, #tpu.memory_space<vmem>>)
    %add3A_474 = arith.constant 768 : i32
    %add3A_475 = arith.addi %mul3A_4, %add3A_474 : i32
    %dma_start3A_476 = arith.constant 0 : i32
    %dma_start3A_477 = tpu.memref_slice %arg5[%add3A_475, %dma_start3A_476] : memref<204800x128xf32, #tpu.memory_space<hbm>> -> memref<128x128xf32, #tpu.memory_space<hbm>>
    %dma_start3A_478 = arith.constant 0 : i32
    %dma_start3A_479 = tpu.memref_slice %arg5[%add3A_475, %dma_start3A_478] : memref<204800x128xf32, #tpu.memory_space<hbm>> -> memref<128x128xf32, #tpu.memory_space<hbm>>
    tpu.enqueue_dma source(%arg6 : memref<128x128xf32, #tpu.memory_space<vmem>>) target(%dma_start3A_479 : memref<128x128xf32, #tpu.memory_space<hbm>>) target_semaphore(%arg18 : memref<!tpu.dma_semaphore, #tpu.memory_space<semaphore_mem>>)
    %dma_wait3A_480 = arith.constant 0 : i32
    %dma_wait3A_481 = arith.constant 0 : i32
    %dma_wait3A_482 = tpu.memref_slice %arg4[%dma_wait3A_480, %dma_wait3A_481] : memref<204800x128xf32, #tpu.memory_space<hbm>> -> memref<128x128xf32, #tpu.memory_space<hbm>>
    %dma_wait3A_483 = arith.constant 0 : i32
    %dma_wait3A_484 = arith.constant 0 : i32
    %dma_wait3A_485 = tpu.memref_slice %arg4[%dma_wait3A_483, %dma_wait3A_484] : memref<204800x128xf32, #tpu.memory_space<hbm>> -> memref<128x128xf32, #tpu.memory_space<hbm>>
    tpu.wait_dma2 semaphore(%arg23 : memref<!tpu.dma_semaphore, #tpu.memory_space<semaphore_mem>>) src(%dma_wait3A_485 : memref<128x128xf32, #tpu.memory_space<hbm>>) dst(%arg11 : memref<128x128xf32, #tpu.memory_space<vmem>>)
    %add3A_486 = arith.constant 1408 : i32
    %add3A_487 = arith.addi %mul3A_4, %add3A_486 : i32
    %jit3A_488 = arith.constant 4096 : i32
    %div3A_489 = arith.divsi %add3A_487, %jit3A_488 : i32
    %sign3A_490 = arith.constant 0 : i32
    %sign3A_491 = arith.cmpi sgt, %add3A_487, %sign3A_490 : i32
    %sign3A_492 = arith.extui %sign3A_491 : i1 to i32
    %sign3A_493 = arith.constant 0 : i32
    %sign3A_494 = arith.cmpi slt, %add3A_487, %sign3A_493 : i32
    %sign3A_495 = arith.extui %sign3A_494 : i1 to i32
    %sign3A_496 = arith.subi %sign3A_492, %sign3A_495 : i32
    %sign3A_497 = arith.constant 0 : i32
    %sign3A_498 = arith.cmpi sgt, %jit3A_488, %sign3A_497 : i32
    %sign3A_499 = arith.extui %sign3A_498 : i1 to i32
    %sign3A_500 = arith.constant 0 : i32
    %sign3A_501 = arith.cmpi slt, %jit3A_488, %sign3A_500 : i32
    %sign3A_502 = arith.extui %sign3A_501 : i1 to i32
    %sign3A_503 = arith.subi %sign3A_499, %sign3A_502 : i32
    %ne3A_504 = arith.cmpi ne, %sign3A_496, %sign3A_503 : i32
    %rem3A_505 = arith.remsi %add3A_487, %jit3A_488 : i32
    %ne3A_506 = arith.constant 0 : i32
    %ne3A_507 = arith.cmpi ne, %rem3A_505, %ne3A_506 : i32
    %and3A_508 = arith.andi %ne3A_504, %ne3A_507 : i1
    %sub3A_509 = arith.constant 1 : i32
    %sub3A_510 = arith.subi %div3A_489, %sub3A_509 : i32
    %select_n3A_511 = arith.select %and3A_508, %sub3A_510, %div3A_489 : i32
    %eq3A_512 = arith.cmpi eq, %select_n3A_511, %squeeze3A : i32
    %convert_element_type3A_513 = arith.extui %eq3A_512 : i1 to i32
    %cond3A_514 = arith.constant 0 : i32
    %cond3A_515 = arith.cmpi ne, %convert_element_type3A_513, %cond3A_514 : i32
    scf.if %cond3A_515 {
      %mul3A_2592 = arith.constant 4096 : i32
      %mul3A_2593 = arith.muli %squeeze3A, %mul3A_2592 : i32
      %sub3A_2594 = arith.subi %add3A_487, %mul3A_2593 : i32
      %dma_start3A_2595 = arith.constant 0 : i32
      %dma_start3A_2596 = tpu.memref_slice %arg3[%sub3A_2594, %dma_start3A_2595] : memref<4096x128xf32, #tpu.memory_space<hbm>> -> memref<128x128xf32, #tpu.memory_space<hbm>>
      %dma_start3A_2597 = arith.constant 0 : i32
      %dma_start3A_2598 = tpu.memref_slice %arg3[%sub3A_2594, %dma_start3A_2597] : memref<4096x128xf32, #tpu.memory_space<hbm>> -> memref<128x128xf32, #tpu.memory_space<hbm>>
      tpu.enqueue_dma source(%dma_start3A_2598 : memref<128x128xf32, #tpu.memory_space<hbm>>) target(%arg11 : memref<128x128xf32, #tpu.memory_space<vmem>>) target_semaphore(%arg17 : memref<!tpu.dma_semaphore, #tpu.memory_space<semaphore_mem>>)
    } else {
    }
    %ne3A_516 = arith.cmpi ne, %select_n3A_511, %squeeze3A : i32
    %convert_element_type3A_517 = arith.extui %ne3A_516 : i1 to i32
    %cond3A_518 = arith.constant 0 : i32
    %cond3A_519 = arith.cmpi ne, %convert_element_type3A_517, %cond3A_518 : i32
    scf.if %cond3A_519 {
      %dma_start3A_2592 = arith.constant 0 : i32
      %dma_start3A_2593 = tpu.memref_slice %arg4[%add3A_487, %dma_start3A_2592] : memref<204800x128xf32, #tpu.memory_space<hbm>> -> memref<128x128xf32, #tpu.memory_space<hbm>>
      %dma_start3A_2594 = arith.constant 0 : i32
      %dma_start3A_2595 = tpu.memref_slice %arg4[%add3A_487, %dma_start3A_2594] : memref<204800x128xf32, #tpu.memory_space<hbm>> -> memref<128x128xf32, #tpu.memory_space<hbm>>
      tpu.enqueue_dma source(%dma_start3A_2595 : memref<128x128xf32, #tpu.memory_space<hbm>>) target(%arg11 : memref<128x128xf32, #tpu.memory_space<vmem>>) target_semaphore(%arg17 : memref<!tpu.dma_semaphore, #tpu.memory_space<semaphore_mem>>)
    } else {
    }
    %dma_wait3A_520 = arith.constant 0 : i32
    %dma_wait3A_521 = arith.constant 0 : i32
    %dma_wait3A_522 = tpu.memref_slice %arg4[%dma_wait3A_520, %dma_wait3A_521] : memref<204800x128xf32, #tpu.memory_space<hbm>> -> memref<128x128xf32, #tpu.memory_space<hbm>>
    %dma_wait3A_523 = arith.constant 0 : i32
    %dma_wait3A_524 = arith.constant 0 : i32
    %dma_wait3A_525 = tpu.memref_slice %arg4[%dma_wait3A_523, %dma_wait3A_524] : memref<204800x128xf32, #tpu.memory_space<hbm>> -> memref<128x128xf32, #tpu.memory_space<hbm>>
    tpu.wait_dma2 semaphore(%arg13 : memref<!tpu.dma_semaphore, #tpu.memory_space<semaphore_mem>>) src(%dma_wait3A_525 : memref<128x128xf32, #tpu.memory_space<hbm>>) dst(%arg7 : memref<128x128xf32, #tpu.memory_space<vmem>>)
    %add3A_526 = arith.constant 896 : i32
    %add3A_527 = arith.addi %mul3A_4, %add3A_526 : i32
    %dma_start3A_528 = arith.constant 0 : i32
    %dma_start3A_529 = tpu.memref_slice %arg5[%add3A_527, %dma_start3A_528] : memref<204800x128xf32, #tpu.memory_space<hbm>> -> memref<128x128xf32, #tpu.memory_space<hbm>>
    %dma_start3A_530 = arith.constant 0 : i32
    %dma_start3A_531 = tpu.memref_slice %arg5[%add3A_527, %dma_start3A_530] : memref<204800x128xf32, #tpu.memory_space<hbm>> -> memref<128x128xf32, #tpu.memory_space<hbm>>
    tpu.enqueue_dma source(%arg7 : memref<128x128xf32, #tpu.memory_space<vmem>>) target(%dma_start3A_531 : memref<128x128xf32, #tpu.memory_space<hbm>>) target_semaphore(%arg19 : memref<!tpu.dma_semaphore, #tpu.memory_space<semaphore_mem>>)
    %dma_wait3A_532 = arith.constant 0 : i32
    %dma_wait3A_533 = arith.constant 0 : i32
    %dma_wait3A_534 = tpu.memref_slice %arg4[%dma_wait3A_532, %dma_wait3A_533] : memref<204800x128xf32, #tpu.memory_space<hbm>> -> memref<128x128xf32, #tpu.memory_space<hbm>>
    %dma_wait3A_535 = arith.constant 0 : i32
    %dma_wait3A_536 = arith.constant 0 : i32
    %dma_wait3A_537 = tpu.memref_slice %arg4[%dma_wait3A_535, %dma_wait3A_536] : memref<204800x128xf32, #tpu.memory_space<hbm>> -> memref<128x128xf32, #tpu.memory_space<hbm>>
    tpu.wait_dma2 semaphore(%arg18 : memref<!tpu.dma_semaphore, #tpu.memory_space<semaphore_mem>>) src(%dma_wait3A_537 : memref<128x128xf32, #tpu.memory_space<hbm>>) dst(%arg6 : memref<128x128xf32, #tpu.memory_space<vmem>>)
    %add3A_538 = arith.constant 1536 : i32
    %add3A_539 = arith.addi %mul3A_4, %add3A_538 : i32
    %jit3A_540 = arith.constant 4096 : i32
    %div3A_541 = arith.divsi %add3A_539, %jit3A_540 : i32
    %sign3A_542 = arith.constant 0 : i32
    %sign3A_543 = arith.cmpi sgt, %add3A_539, %sign3A_542 : i32
    %sign3A_544 = arith.extui %sign3A_543 : i1 to i32
    %sign3A_545 = arith.constant 0 : i32
    %sign3A_546 = arith.cmpi slt, %add3A_539, %sign3A_545 : i32
    %sign3A_547 = arith.extui %sign3A_546 : i1 to i32
    %sign3A_548 = arith.subi %sign3A_544, %sign3A_547 : i32
    %sign3A_549 = arith.constant 0 : i32
    %sign3A_550 = arith.cmpi sgt, %jit3A_540, %sign3A_549 : i32
    %sign3A_551 = arith.extui %sign3A_550 : i1 to i32
    %sign3A_552 = arith.constant 0 : i32
    %sign3A_553 = arith.cmpi slt, %jit3A_540, %sign3A_552 : i32
    %sign3A_554 = arith.extui %sign3A_553 : i1 to i32
    %sign3A_555 = arith.subi %sign3A_551, %sign3A_554 : i32
    %ne3A_556 = arith.cmpi ne, %sign3A_548, %sign3A_555 : i32
    %rem3A_557 = arith.remsi %add3A_539, %jit3A_540 : i32
    %ne3A_558 = arith.constant 0 : i32
    %ne3A_559 = arith.cmpi ne, %rem3A_557, %ne3A_558 : i32
    %and3A_560 = arith.andi %ne3A_556, %ne3A_559 : i1
    %sub3A_561 = arith.constant 1 : i32
    %sub3A_562 = arith.subi %div3A_541, %sub3A_561 : i32
    %select_n3A_563 = arith.select %and3A_560, %sub3A_562, %div3A_541 : i32
    %eq3A_564 = arith.cmpi eq, %select_n3A_563, %squeeze3A : i32
    %convert_element_type3A_565 = arith.extui %eq3A_564 : i1 to i32
    %cond3A_566 = arith.constant 0 : i32
    %cond3A_567 = arith.cmpi ne, %convert_element_type3A_565, %cond3A_566 : i32
    scf.if %cond3A_567 {
      %mul3A_2592 = arith.constant 4096 : i32
      %mul3A_2593 = arith.muli %squeeze3A, %mul3A_2592 : i32
      %sub3A_2594 = arith.subi %add3A_539, %mul3A_2593 : i32
      %dma_start3A_2595 = arith.constant 0 : i32
      %dma_start3A_2596 = tpu.memref_slice %arg3[%sub3A_2594, %dma_start3A_2595] : memref<4096x128xf32, #tpu.memory_space<hbm>> -> memref<128x128xf32, #tpu.memory_space<hbm>>
      %dma_start3A_2597 = arith.constant 0 : i32
      %dma_start3A_2598 = tpu.memref_slice %arg3[%sub3A_2594, %dma_start3A_2597] : memref<4096x128xf32, #tpu.memory_space<hbm>> -> memref<128x128xf32, #tpu.memory_space<hbm>>
      tpu.enqueue_dma source(%dma_start3A_2598 : memref<128x128xf32, #tpu.memory_space<hbm>>) target(%arg6 : memref<128x128xf32, #tpu.memory_space<vmem>>) target_semaphore(%arg12 : memref<!tpu.dma_semaphore, #tpu.memory_space<semaphore_mem>>)
    } else {
    }
    %ne3A_568 = arith.cmpi ne, %select_n3A_563, %squeeze3A : i32
    %convert_element_type3A_569 = arith.extui %ne3A_568 : i1 to i32
    %cond3A_570 = arith.constant 0 : i32
    %cond3A_571 = arith.cmpi ne, %convert_element_type3A_569, %cond3A_570 : i32
    scf.if %cond3A_571 {
      %dma_start3A_2592 = arith.constant 0 : i32
      %dma_start3A_2593 = tpu.memref_slice %arg4[%add3A_539, %dma_start3A_2592] : memref<204800x128xf32, #tpu.memory_space<hbm>> -> memref<128x128xf32, #tpu.memory_space<hbm>>
      %dma_start3A_2594 = arith.constant 0 : i32
      %dma_start3A_2595 = tpu.memref_slice %arg4[%add3A_539, %dma_start3A_2594] : memref<204800x128xf32, #tpu.memory_space<hbm>> -> memref<128x128xf32, #tpu.memory_space<hbm>>
      tpu.enqueue_dma source(%dma_start3A_2595 : memref<128x128xf32, #tpu.memory_space<hbm>>) target(%arg6 : memref<128x128xf32, #tpu.memory_space<vmem>>) target_semaphore(%arg12 : memref<!tpu.dma_semaphore, #tpu.memory_space<semaphore_mem>>)
    } else {
    }
    %dma_wait3A_572 = arith.constant 0 : i32
    %dma_wait3A_573 = arith.constant 0 : i32
    %dma_wait3A_574 = tpu.memref_slice %arg4[%dma_wait3A_572, %dma_wait3A_573] : memref<204800x128xf32, #tpu.memory_space<hbm>> -> memref<128x128xf32, #tpu.memory_space<hbm>>
    %dma_wait3A_575 = arith.constant 0 : i32
    %dma_wait3A_576 = arith.constant 0 : i32
    %dma_wait3A_577 = tpu.memref_slice %arg4[%dma_wait3A_575, %dma_wait3A_576] : memref<204800x128xf32, #tpu.memory_space<hbm>> -> memref<128x128xf32, #tpu.memory_space<hbm>>
    tpu.wait_dma2 semaphore(%arg14 : memref<!tpu.dma_semaphore, #tpu.memory_space<semaphore_mem>>) src(%dma_wait3A_577 : memref<128x128xf32, #tpu.memory_space<hbm>>) dst(%arg8 : memref<128x128xf32, #tpu.memory_space<vmem>>)
    %add3A_578 = arith.constant 1024 : i32
    %add3A_579 = arith.addi %mul3A_4, %add3A_578 : i32
    %dma_start3A_580 = arith.constant 0 : i32
    %dma_start3A_581 = tpu.memref_slice %arg5[%add3A_579, %dma_start3A_580] : memref<204800x128xf32, #tpu.memory_space<hbm>> -> memref<128x128xf32, #tpu.memory_space<hbm>>
    %dma_start3A_582 = arith.constant 0 : i32
    %dma_start3A_583 = tpu.memref_slice %arg5[%add3A_579, %dma_start3A_582] : memref<204800x128xf32, #tpu.memory_space<hbm>> -> memref<128x128xf32, #tpu.memory_space<hbm>>
    tpu.enqueue_dma source(%arg8 : memref<128x128xf32, #tpu.memory_space<vmem>>) target(%dma_start3A_583 : memref<128x128xf32, #tpu.memory_space<hbm>>) target_semaphore(%arg20 : memref<!tpu.dma_semaphore, #tpu.memory_space<semaphore_mem>>)
    %dma_wait3A_584 = arith.constant 0 : i32
    %dma_wait3A_585 = arith.constant 0 : i32
    %dma_wait3A_586 = tpu.memref_slice %arg4[%dma_wait3A_584, %dma_wait3A_585] : memref<204800x128xf32, #tpu.memory_space<hbm>> -> memref<128x128xf32, #tpu.memory_space<hbm>>
    %dma_wait3A_587 = arith.constant 0 : i32
    %dma_wait3A_588 = arith.constant 0 : i32
    %dma_wait3A_589 = tpu.memref_slice %arg4[%dma_wait3A_587, %dma_wait3A_588] : memref<204800x128xf32, #tpu.memory_space<hbm>> -> memref<128x128xf32, #tpu.memory_space<hbm>>
    tpu.wait_dma2 semaphore(%arg19 : memref<!tpu.dma_semaphore, #tpu.memory_space<semaphore_mem>>) src(%dma_wait3A_589 : memref<128x128xf32, #tpu.memory_space<hbm>>) dst(%arg7 : memref<128x128xf32, #tpu.memory_space<vmem>>)
    %add3A_590 = arith.constant 1664 : i32
    %add3A_591 = arith.addi %mul3A_4, %add3A_590 : i32
    %jit3A_592 = arith.constant 4096 : i32
    %div3A_593 = arith.divsi %add3A_591, %jit3A_592 : i32
    %sign3A_594 = arith.constant 0 : i32
    %sign3A_595 = arith.cmpi sgt, %add3A_591, %sign3A_594 : i32
    %sign3A_596 = arith.extui %sign3A_595 : i1 to i32
    %sign3A_597 = arith.constant 0 : i32
    %sign3A_598 = arith.cmpi slt, %add3A_591, %sign3A_597 : i32
    %sign3A_599 = arith.extui %sign3A_598 : i1 to i32
    %sign3A_600 = arith.subi %sign3A_596, %sign3A_599 : i32
    %sign3A_601 = arith.constant 0 : i32
    %sign3A_602 = arith.cmpi sgt, %jit3A_592, %sign3A_601 : i32
    %sign3A_603 = arith.extui %sign3A_602 : i1 to i32
    %sign3A_604 = arith.constant 0 : i32
    %sign3A_605 = arith.cmpi slt, %jit3A_592, %sign3A_604 : i32
    %sign3A_606 = arith.extui %sign3A_605 : i1 to i32
    %sign3A_607 = arith.subi %sign3A_603, %sign3A_606 : i32
    %ne3A_608 = arith.cmpi ne, %sign3A_600, %sign3A_607 : i32
    %rem3A_609 = arith.remsi %add3A_591, %jit3A_592 : i32
    %ne3A_610 = arith.constant 0 : i32
    %ne3A_611 = arith.cmpi ne, %rem3A_609, %ne3A_610 : i32
    %and3A_612 = arith.andi %ne3A_608, %ne3A_611 : i1
    %sub3A_613 = arith.constant 1 : i32
    %sub3A_614 = arith.subi %div3A_593, %sub3A_613 : i32
    %select_n3A_615 = arith.select %and3A_612, %sub3A_614, %div3A_593 : i32
    %eq3A_616 = arith.cmpi eq, %select_n3A_615, %squeeze3A : i32
    %convert_element_type3A_617 = arith.extui %eq3A_616 : i1 to i32
    %cond3A_618 = arith.constant 0 : i32
    %cond3A_619 = arith.cmpi ne, %convert_element_type3A_617, %cond3A_618 : i32
    scf.if %cond3A_619 {
      %mul3A_2592 = arith.constant 4096 : i32
      %mul3A_2593 = arith.muli %squeeze3A, %mul3A_2592 : i32
      %sub3A_2594 = arith.subi %add3A_591, %mul3A_2593 : i32
      %dma_start3A_2595 = arith.constant 0 : i32
      %dma_start3A_2596 = tpu.memref_slice %arg3[%sub3A_2594, %dma_start3A_2595] : memref<4096x128xf32, #tpu.memory_space<hbm>> -> memref<128x128xf32, #tpu.memory_space<hbm>>
      %dma_start3A_2597 = arith.constant 0 : i32
      %dma_start3A_2598 = tpu.memref_slice %arg3[%sub3A_2594, %dma_start3A_2597] : memref<4096x128xf32, #tpu.memory_space<hbm>> -> memref<128x128xf32, #tpu.memory_space<hbm>>
      tpu.enqueue_dma source(%dma_start3A_2598 : memref<128x128xf32, #tpu.memory_space<hbm>>) target(%arg7 : memref<128x128xf32, #tpu.memory_space<vmem>>) target_semaphore(%arg13 : memref<!tpu.dma_semaphore, #tpu.memory_space<semaphore_mem>>)
    } else {
    }
    %ne3A_620 = arith.cmpi ne, %select_n3A_615, %squeeze3A : i32
    %convert_element_type3A_621 = arith.extui %ne3A_620 : i1 to i32
    %cond3A_622 = arith.constant 0 : i32
    %cond3A_623 = arith.cmpi ne, %convert_element_type3A_621, %cond3A_622 : i32
    scf.if %cond3A_623 {
      %dma_start3A_2592 = arith.constant 0 : i32
      %dma_start3A_2593 = tpu.memref_slice %arg4[%add3A_591, %dma_start3A_2592] : memref<204800x128xf32, #tpu.memory_space<hbm>> -> memref<128x128xf32, #tpu.memory_space<hbm>>
      %dma_start3A_2594 = arith.constant 0 : i32
      %dma_start3A_2595 = tpu.memref_slice %arg4[%add3A_591, %dma_start3A_2594] : memref<204800x128xf32, #tpu.memory_space<hbm>> -> memref<128x128xf32, #tpu.memory_space<hbm>>
      tpu.enqueue_dma source(%dma_start3A_2595 : memref<128x128xf32, #tpu.memory_space<hbm>>) target(%arg7 : memref<128x128xf32, #tpu.memory_space<vmem>>) target_semaphore(%arg13 : memref<!tpu.dma_semaphore, #tpu.memory_space<semaphore_mem>>)
    } else {
    }
    %dma_wait3A_624 = arith.constant 0 : i32
    %dma_wait3A_625 = arith.constant 0 : i32
    %dma_wait3A_626 = tpu.memref_slice %arg4[%dma_wait3A_624, %dma_wait3A_625] : memref<204800x128xf32, #tpu.memory_space<hbm>> -> memref<128x128xf32, #tpu.memory_space<hbm>>
    %dma_wait3A_627 = arith.constant 0 : i32
    %dma_wait3A_628 = arith.constant 0 : i32
    %dma_wait3A_629 = tpu.memref_slice %arg4[%dma_wait3A_627, %dma_wait3A_628] : memref<204800x128xf32, #tpu.memory_space<hbm>> -> memref<128x128xf32, #tpu.memory_space<hbm>>
    tpu.wait_dma2 semaphore(%arg15 : memref<!tpu.dma_semaphore, #tpu.memory_space<semaphore_mem>>) src(%dma_wait3A_629 : memref<128x128xf32, #tpu.memory_space<hbm>>) dst(%arg9 : memref<128x128xf32, #tpu.memory_space<vmem>>)
    %add3A_630 = arith.constant 1152 : i32
    %add3A_631 = arith.addi %mul3A_4, %add3A_630 : i32
    %dma_start3A_632 = arith.constant 0 : i32
    %dma_start3A_633 = tpu.memref_slice %arg5[%add3A_631, %dma_start3A_632] : memref<204800x128xf32, #tpu.memory_space<hbm>> -> memref<128x128xf32, #tpu.memory_space<hbm>>
    %dma_start3A_634 = arith.constant 0 : i32
    %dma_start3A_635 = tpu.memref_slice %arg5[%add3A_631, %dma_start3A_634] : memref<204800x128xf32, #tpu.memory_space<hbm>> -> memref<128x128xf32, #tpu.memory_space<hbm>>
    tpu.enqueue_dma source(%arg9 : memref<128x128xf32, #tpu.memory_space<vmem>>) target(%dma_start3A_635 : memref<128x128xf32, #tpu.memory_space<hbm>>) target_semaphore(%arg21 : memref<!tpu.dma_semaphore, #tpu.memory_space<semaphore_mem>>)
    %dma_wait3A_636 = arith.constant 0 : i32
    %dma_wait3A_637 = arith.constant 0 : i32
    %dma_wait3A_638 = tpu.memref_slice %arg4[%dma_wait3A_636, %dma_wait3A_637] : memref<204800x128xf32, #tpu.memory_space<hbm>> -> memref<128x128xf32, #tpu.memory_space<hbm>>
    %dma_wait3A_639 = arith.constant 0 : i32
    %dma_wait3A_640 = arith.constant 0 : i32
    %dma_wait3A_641 = tpu.memref_slice %arg4[%dma_wait3A_639, %dma_wait3A_640] : memref<204800x128xf32, #tpu.memory_space<hbm>> -> memref<128x128xf32, #tpu.memory_space<hbm>>
    tpu.wait_dma2 semaphore(%arg20 : memref<!tpu.dma_semaphore, #tpu.memory_space<semaphore_mem>>) src(%dma_wait3A_641 : memref<128x128xf32, #tpu.memory_space<hbm>>) dst(%arg8 : memref<128x128xf32, #tpu.memory_space<vmem>>)
    %add3A_642 = arith.constant 1792 : i32
    %add3A_643 = arith.addi %mul3A_4, %add3A_642 : i32
    %jit3A_644 = arith.constant 4096 : i32
    %div3A_645 = arith.divsi %add3A_643, %jit3A_644 : i32
    %sign3A_646 = arith.constant 0 : i32
    %sign3A_647 = arith.cmpi sgt, %add3A_643, %sign3A_646 : i32
    %sign3A_648 = arith.extui %sign3A_647 : i1 to i32
    %sign3A_649 = arith.constant 0 : i32
    %sign3A_650 = arith.cmpi slt, %add3A_643, %sign3A_649 : i32
    %sign3A_651 = arith.extui %sign3A_650 : i1 to i32
    %sign3A_652 = arith.subi %sign3A_648, %sign3A_651 : i32
    %sign3A_653 = arith.constant 0 : i32
    %sign3A_654 = arith.cmpi sgt, %jit3A_644, %sign3A_653 : i32
    %sign3A_655 = arith.extui %sign3A_654 : i1 to i32
    %sign3A_656 = arith.constant 0 : i32
    %sign3A_657 = arith.cmpi slt, %jit3A_644, %sign3A_656 : i32
    %sign3A_658 = arith.extui %sign3A_657 : i1 to i32
    %sign3A_659 = arith.subi %sign3A_655, %sign3A_658 : i32
    %ne3A_660 = arith.cmpi ne, %sign3A_652, %sign3A_659 : i32
    %rem3A_661 = arith.remsi %add3A_643, %jit3A_644 : i32
    %ne3A_662 = arith.constant 0 : i32
    %ne3A_663 = arith.cmpi ne, %rem3A_661, %ne3A_662 : i32
    %and3A_664 = arith.andi %ne3A_660, %ne3A_663 : i1
    %sub3A_665 = arith.constant 1 : i32
    %sub3A_666 = arith.subi %div3A_645, %sub3A_665 : i32
    %select_n3A_667 = arith.select %and3A_664, %sub3A_666, %div3A_645 : i32
    %eq3A_668 = arith.cmpi eq, %select_n3A_667, %squeeze3A : i32
    %convert_element_type3A_669 = arith.extui %eq3A_668 : i1 to i32
    %cond3A_670 = arith.constant 0 : i32
    %cond3A_671 = arith.cmpi ne, %convert_element_type3A_669, %cond3A_670 : i32
    scf.if %cond3A_671 {
      %mul3A_2592 = arith.constant 4096 : i32
      %mul3A_2593 = arith.muli %squeeze3A, %mul3A_2592 : i32
      %sub3A_2594 = arith.subi %add3A_643, %mul3A_2593 : i32
      %dma_start3A_2595 = arith.constant 0 : i32
      %dma_start3A_2596 = tpu.memref_slice %arg3[%sub3A_2594, %dma_start3A_2595] : memref<4096x128xf32, #tpu.memory_space<hbm>> -> memref<128x128xf32, #tpu.memory_space<hbm>>
      %dma_start3A_2597 = arith.constant 0 : i32
      %dma_start3A_2598 = tpu.memref_slice %arg3[%sub3A_2594, %dma_start3A_2597] : memref<4096x128xf32, #tpu.memory_space<hbm>> -> memref<128x128xf32, #tpu.memory_space<hbm>>
      tpu.enqueue_dma source(%dma_start3A_2598 : memref<128x128xf32, #tpu.memory_space<hbm>>) target(%arg8 : memref<128x128xf32, #tpu.memory_space<vmem>>) target_semaphore(%arg14 : memref<!tpu.dma_semaphore, #tpu.memory_space<semaphore_mem>>)
    } else {
    }
    %ne3A_672 = arith.cmpi ne, %select_n3A_667, %squeeze3A : i32
    %convert_element_type3A_673 = arith.extui %ne3A_672 : i1 to i32
    %cond3A_674 = arith.constant 0 : i32
    %cond3A_675 = arith.cmpi ne, %convert_element_type3A_673, %cond3A_674 : i32
    scf.if %cond3A_675 {
      %dma_start3A_2592 = arith.constant 0 : i32
      %dma_start3A_2593 = tpu.memref_slice %arg4[%add3A_643, %dma_start3A_2592] : memref<204800x128xf32, #tpu.memory_space<hbm>> -> memref<128x128xf32, #tpu.memory_space<hbm>>
      %dma_start3A_2594 = arith.constant 0 : i32
      %dma_start3A_2595 = tpu.memref_slice %arg4[%add3A_643, %dma_start3A_2594] : memref<204800x128xf32, #tpu.memory_space<hbm>> -> memref<128x128xf32, #tpu.memory_space<hbm>>
      tpu.enqueue_dma source(%dma_start3A_2595 : memref<128x128xf32, #tpu.memory_space<hbm>>) target(%arg8 : memref<128x128xf32, #tpu.memory_space<vmem>>) target_semaphore(%arg14 : memref<!tpu.dma_semaphore, #tpu.memory_space<semaphore_mem>>)
    } else {
    }
    %dma_wait3A_676 = arith.constant 0 : i32
    %dma_wait3A_677 = arith.constant 0 : i32
    %dma_wait3A_678 = tpu.memref_slice %arg4[%dma_wait3A_676, %dma_wait3A_677] : memref<204800x128xf32, #tpu.memory_space<hbm>> -> memref<128x128xf32, #tpu.memory_space<hbm>>
    %dma_wait3A_679 = arith.constant 0 : i32
    %dma_wait3A_680 = arith.constant 0 : i32
    %dma_wait3A_681 = tpu.memref_slice %arg4[%dma_wait3A_679, %dma_wait3A_680] : memref<204800x128xf32, #tpu.memory_space<hbm>> -> memref<128x128xf32, #tpu.memory_space<hbm>>
    tpu.wait_dma2 semaphore(%arg16 : memref<!tpu.dma_semaphore, #tpu.memory_space<semaphore_mem>>) src(%dma_wait3A_681 : memref<128x128xf32, #tpu.memory_space<hbm>>) dst(%arg10 : memref<128x128xf32, #tpu.memory_space<vmem>>)
    %add3A_682 = arith.constant 1280 : i32
    %add3A_683 = arith.addi %mul3A_4, %add3A_682 : i32
    %dma_start3A_684 = arith.constant 0 : i32
    %dma_start3A_685 = tpu.memref_slice %arg5[%add3A_683, %dma_start3A_684] : memref<204800x128xf32, #tpu.memory_space<hbm>> -> memref<128x128xf32, #tpu.memory_space<hbm>>
    %dma_start3A_686 = arith.constant 0 : i32
    %dma_start3A_687 = tpu.memref_slice %arg5[%add3A_683, %dma_start3A_686] : memref<204800x128xf32, #tpu.memory_space<hbm>> -> memref<128x128xf32, #tpu.memory_space<hbm>>
    tpu.enqueue_dma source(%arg10 : memref<128x128xf32, #tpu.memory_space<vmem>>) target(%dma_start3A_687 : memref<128x128xf32, #tpu.memory_space<hbm>>) target_semaphore(%arg22 : memref<!tpu.dma_semaphore, #tpu.memory_space<semaphore_mem>>)
    %dma_wait3A_688 = arith.constant 0 : i32
    %dma_wait3A_689 = arith.constant 0 : i32
    %dma_wait3A_690 = tpu.memref_slice %arg4[%dma_wait3A_688, %dma_wait3A_689] : memref<204800x128xf32, #tpu.memory_space<hbm>> -> memref<128x128xf32, #tpu.memory_space<hbm>>
    %dma_wait3A_691 = arith.constant 0 : i32
    %dma_wait3A_692 = arith.constant 0 : i32
    %dma_wait3A_693 = tpu.memref_slice %arg4[%dma_wait3A_691, %dma_wait3A_692] : memref<204800x128xf32, #tpu.memory_space<hbm>> -> memref<128x128xf32, #tpu.memory_space<hbm>>
    tpu.wait_dma2 semaphore(%arg21 : memref<!tpu.dma_semaphore, #tpu.memory_space<semaphore_mem>>) src(%dma_wait3A_693 : memref<128x128xf32, #tpu.memory_space<hbm>>) dst(%arg9 : memref<128x128xf32, #tpu.memory_space<vmem>>)
    %add3A_694 = arith.constant 1920 : i32
    %add3A_695 = arith.addi %mul3A_4, %add3A_694 : i32
    %jit3A_696 = arith.constant 4096 : i32
    %div3A_697 = arith.divsi %add3A_695, %jit3A_696 : i32
    %sign3A_698 = arith.constant 0 : i32
    %sign3A_699 = arith.cmpi sgt, %add3A_695, %sign3A_698 : i32
    %sign3A_700 = arith.extui %sign3A_699 : i1 to i32
    %sign3A_701 = arith.constant 0 : i32
    %sign3A_702 = arith.cmpi slt, %add3A_695, %sign3A_701 : i32
    %sign3A_703 = arith.extui %sign3A_702 : i1 to i32
    %sign3A_704 = arith.subi %sign3A_700, %sign3A_703 : i32
    %sign3A_705 = arith.constant 0 : i32
    %sign3A_706 = arith.cmpi sgt, %jit3A_696, %sign3A_705 : i32
    %sign3A_707 = arith.extui %sign3A_706 : i1 to i32
    %sign3A_708 = arith.constant 0 : i32
    %sign3A_709 = arith.cmpi slt, %jit3A_696, %sign3A_708 : i32
    %sign3A_710 = arith.extui %sign3A_709 : i1 to i32
    %sign3A_711 = arith.subi %sign3A_707, %sign3A_710 : i32
    %ne3A_712 = arith.cmpi ne, %sign3A_704, %sign3A_711 : i32
    %rem3A_713 = arith.remsi %add3A_695, %jit3A_696 : i32
    %ne3A_714 = arith.constant 0 : i32
    %ne3A_715 = arith.cmpi ne, %rem3A_713, %ne3A_714 : i32
    %and3A_716 = arith.andi %ne3A_712, %ne3A_715 : i1
    %sub3A_717 = arith.constant 1 : i32
    %sub3A_718 = arith.subi %div3A_697, %sub3A_717 : i32
    %select_n3A_719 = arith.select %and3A_716, %sub3A_718, %div3A_697 : i32
    %eq3A_720 = arith.cmpi eq, %select_n3A_719, %squeeze3A : i32
    %convert_element_type3A_721 = arith.extui %eq3A_720 : i1 to i32
    %cond3A_722 = arith.constant 0 : i32
    %cond3A_723 = arith.cmpi ne, %convert_element_type3A_721, %cond3A_722 : i32
    scf.if %cond3A_723 {
      %mul3A_2592 = arith.constant 4096 : i32
      %mul3A_2593 = arith.muli %squeeze3A, %mul3A_2592 : i32
      %sub3A_2594 = arith.subi %add3A_695, %mul3A_2593 : i32
      %dma_start3A_2595 = arith.constant 0 : i32
      %dma_start3A_2596 = tpu.memref_slice %arg3[%sub3A_2594, %dma_start3A_2595] : memref<4096x128xf32, #tpu.memory_space<hbm>> -> memref<128x128xf32, #tpu.memory_space<hbm>>
      %dma_start3A_2597 = arith.constant 0 : i32
      %dma_start3A_2598 = tpu.memref_slice %arg3[%sub3A_2594, %dma_start3A_2597] : memref<4096x128xf32, #tpu.memory_space<hbm>> -> memref<128x128xf32, #tpu.memory_space<hbm>>
      tpu.enqueue_dma source(%dma_start3A_2598 : memref<128x128xf32, #tpu.memory_space<hbm>>) target(%arg9 : memref<128x128xf32, #tpu.memory_space<vmem>>) target_semaphore(%arg15 : memref<!tpu.dma_semaphore, #tpu.memory_space<semaphore_mem>>)
    } else {
    }
    %ne3A_724 = arith.cmpi ne, %select_n3A_719, %squeeze3A : i32
    %convert_element_type3A_725 = arith.extui %ne3A_724 : i1 to i32
    %cond3A_726 = arith.constant 0 : i32
    %cond3A_727 = arith.cmpi ne, %convert_element_type3A_725, %cond3A_726 : i32
    scf.if %cond3A_727 {
      %dma_start3A_2592 = arith.constant 0 : i32
      %dma_start3A_2593 = tpu.memref_slice %arg4[%add3A_695, %dma_start3A_2592] : memref<204800x128xf32, #tpu.memory_space<hbm>> -> memref<128x128xf32, #tpu.memory_space<hbm>>
      %dma_start3A_2594 = arith.constant 0 : i32
      %dma_start3A_2595 = tpu.memref_slice %arg4[%add3A_695, %dma_start3A_2594] : memref<204800x128xf32, #tpu.memory_space<hbm>> -> memref<128x128xf32, #tpu.memory_space<hbm>>
      tpu.enqueue_dma source(%dma_start3A_2595 : memref<128x128xf32, #tpu.memory_space<hbm>>) target(%arg9 : memref<128x128xf32, #tpu.memory_space<vmem>>) target_semaphore(%arg15 : memref<!tpu.dma_semaphore, #tpu.memory_space<semaphore_mem>>)
    } else {
    }
    %dma_wait3A_728 = arith.constant 0 : i32
    %dma_wait3A_729 = arith.constant 0 : i32
    %dma_wait3A_730 = tpu.memref_slice %arg4[%dma_wait3A_728, %dma_wait3A_729] : memref<204800x128xf32, #tpu.memory_space<hbm>> -> memref<128x128xf32, #tpu.memory_space<hbm>>
    %dma_wait3A_731 = arith.constant 0 : i32
    %dma_wait3A_732 = arith.constant 0 : i32
    %dma_wait3A_733 = tpu.memref_slice %arg4[%dma_wait3A_731, %dma_wait3A_732] : memref<204800x128xf32, #tpu.memory_space<hbm>> -> memref<128x128xf32, #tpu.memory_space<hbm>>
    tpu.wait_dma2 semaphore(%arg17 : memref<!tpu.dma_semaphore, #tpu.memory_space<semaphore_mem>>) src(%dma_wait3A_733 : memref<128x128xf32, #tpu.memory_space<hbm>>) dst(%arg11 : memref<128x128xf32, #tpu.memory_space<vmem>>)
    %add3A_734 = arith.constant 1408 : i32
    %add3A_735 = arith.addi %mul3A_4, %add3A_734 : i32
    %dma_start3A_736 = arith.constant 0 : i32
    %dma_start3A_737 = tpu.memref_slice %arg5[%add3A_735, %dma_start3A_736] : memref<204800x128xf32, #tpu.memory_space<hbm>> -> memref<128x128xf32, #tpu.memory_space<hbm>>
    %dma_start3A_738 = arith.constant 0 : i32
    %dma_start3A_739 = tpu.memref_slice %arg5[%add3A_735, %dma_start3A_738] : memref<204800x128xf32, #tpu.memory_space<hbm>> -> memref<128x128xf32, #tpu.memory_space<hbm>>
    tpu.enqueue_dma source(%arg11 : memref<128x128xf32, #tpu.memory_space<vmem>>) target(%dma_start3A_739 : memref<128x128xf32, #tpu.memory_space<hbm>>) target_semaphore(%arg23 : memref<!tpu.dma_semaphore, #tpu.memory_space<semaphore_mem>>)
    %dma_wait3A_740 = arith.constant 0 : i32
    %dma_wait3A_741 = arith.constant 0 : i32
    %dma_wait3A_742 = tpu.memref_slice %arg4[%dma_wait3A_740, %dma_wait3A_741] : memref<204800x128xf32, #tpu.memory_space<hbm>> -> memref<128x128xf32, #tpu.memory_space<hbm>>
    %dma_wait3A_743 = arith.constant 0 : i32
    %dma_wait3A_744 = arith.constant 0 : i32
    %dma_wait3A_745 = tpu.memref_slice %arg4[%dma_wait3A_743, %dma_wait3A_744] : memref<204800x128xf32, #tpu.memory_space<hbm>> -> memref<128x128xf32, #tpu.memory_space<hbm>>
    tpu.wait_dma2 semaphore(%arg22 : memref<!tpu.dma_semaphore, #tpu.memory_space<semaphore_mem>>) src(%dma_wait3A_745 : memref<128x128xf32, #tpu.memory_space<hbm>>) dst(%arg10 : memref<128x128xf32, #tpu.memory_space<vmem>>)
    %add3A_746 = arith.constant 2048 : i32
    %add3A_747 = arith.addi %mul3A_4, %add3A_746 : i32
    %jit3A_748 = arith.constant 4096 : i32
    %div3A_749 = arith.divsi %add3A_747, %jit3A_748 : i32
    %sign3A_750 = arith.constant 0 : i32
    %sign3A_751 = arith.cmpi sgt, %add3A_747, %sign3A_750 : i32
    %sign3A_752 = arith.extui %sign3A_751 : i1 to i32
    %sign3A_753 = arith.constant 0 : i32
    %sign3A_754 = arith.cmpi slt, %add3A_747, %sign3A_753 : i32
    %sign3A_755 = arith.extui %sign3A_754 : i1 to i32
    %sign3A_756 = arith.subi %sign3A_752, %sign3A_755 : i32
    %sign3A_757 = arith.constant 0 : i32
    %sign3A_758 = arith.cmpi sgt, %jit3A_748, %sign3A_757 : i32
    %sign3A_759 = arith.extui %sign3A_758 : i1 to i32
    %sign3A_760 = arith.constant 0 : i32
    %sign3A_761 = arith.cmpi slt, %jit3A_748, %sign3A_760 : i32
    %sign3A_762 = arith.extui %sign3A_761 : i1 to i32
    %sign3A_763 = arith.subi %sign3A_759, %sign3A_762 : i32
    %ne3A_764 = arith.cmpi ne, %sign3A_756, %sign3A_763 : i32
    %rem3A_765 = arith.remsi %add3A_747, %jit3A_748 : i32
    %ne3A_766 = arith.constant 0 : i32
    %ne3A_767 = arith.cmpi ne, %rem3A_765, %ne3A_766 : i32
    %and3A_768 = arith.andi %ne3A_764, %ne3A_767 : i1
    %sub3A_769 = arith.constant 1 : i32
    %sub3A_770 = arith.subi %div3A_749, %sub3A_769 : i32
    %select_n3A_771 = arith.select %and3A_768, %sub3A_770, %div3A_749 : i32
    %eq3A_772 = arith.cmpi eq, %select_n3A_771, %squeeze3A : i32
    %convert_element_type3A_773 = arith.extui %eq3A_772 : i1 to i32
    %cond3A_774 = arith.constant 0 : i32
    %cond3A_775 = arith.cmpi ne, %convert_element_type3A_773, %cond3A_774 : i32
    scf.if %cond3A_775 {
      %mul3A_2592 = arith.constant 4096 : i32
      %mul3A_2593 = arith.muli %squeeze3A, %mul3A_2592 : i32
      %sub3A_2594 = arith.subi %add3A_747, %mul3A_2593 : i32
      %dma_start3A_2595 = arith.constant 0 : i32
      %dma_start3A_2596 = tpu.memref_slice %arg3[%sub3A_2594, %dma_start3A_2595] : memref<4096x128xf32, #tpu.memory_space<hbm>> -> memref<128x128xf32, #tpu.memory_space<hbm>>
      %dma_start3A_2597 = arith.constant 0 : i32
      %dma_start3A_2598 = tpu.memref_slice %arg3[%sub3A_2594, %dma_start3A_2597] : memref<4096x128xf32, #tpu.memory_space<hbm>> -> memref<128x128xf32, #tpu.memory_space<hbm>>
      tpu.enqueue_dma source(%dma_start3A_2598 : memref<128x128xf32, #tpu.memory_space<hbm>>) target(%arg10 : memref<128x128xf32, #tpu.memory_space<vmem>>) target_semaphore(%arg16 : memref<!tpu.dma_semaphore, #tpu.memory_space<semaphore_mem>>)
    } else {
    }
    %ne3A_776 = arith.cmpi ne, %select_n3A_771, %squeeze3A : i32
    %convert_element_type3A_777 = arith.extui %ne3A_776 : i1 to i32
    %cond3A_778 = arith.constant 0 : i32
    %cond3A_779 = arith.cmpi ne, %convert_element_type3A_777, %cond3A_778 : i32
    scf.if %cond3A_779 {
      %dma_start3A_2592 = arith.constant 0 : i32
      %dma_start3A_2593 = tpu.memref_slice %arg4[%add3A_747, %dma_start3A_2592] : memref<204800x128xf32, #tpu.memory_space<hbm>> -> memref<128x128xf32, #tpu.memory_space<hbm>>
      %dma_start3A_2594 = arith.constant 0 : i32
      %dma_start3A_2595 = tpu.memref_slice %arg4[%add3A_747, %dma_start3A_2594] : memref<204800x128xf32, #tpu.memory_space<hbm>> -> memref<128x128xf32, #tpu.memory_space<hbm>>
      tpu.enqueue_dma source(%dma_start3A_2595 : memref<128x128xf32, #tpu.memory_space<hbm>>) target(%arg10 : memref<128x128xf32, #tpu.memory_space<vmem>>) target_semaphore(%arg16 : memref<!tpu.dma_semaphore, #tpu.memory_space<semaphore_mem>>)
    } else {
    }
    %dma_wait3A_780 = arith.constant 0 : i32
    %dma_wait3A_781 = arith.constant 0 : i32
    %dma_wait3A_782 = tpu.memref_slice %arg4[%dma_wait3A_780, %dma_wait3A_781] : memref<204800x128xf32, #tpu.memory_space<hbm>> -> memref<128x128xf32, #tpu.memory_space<hbm>>
    %dma_wait3A_783 = arith.constant 0 : i32
    %dma_wait3A_784 = arith.constant 0 : i32
    %dma_wait3A_785 = tpu.memref_slice %arg4[%dma_wait3A_783, %dma_wait3A_784] : memref<204800x128xf32, #tpu.memory_space<hbm>> -> memref<128x128xf32, #tpu.memory_space<hbm>>
    tpu.wait_dma2 semaphore(%arg12 : memref<!tpu.dma_semaphore, #tpu.memory_space<semaphore_mem>>) src(%dma_wait3A_785 : memref<128x128xf32, #tpu.memory_space<hbm>>) dst(%arg6 : memref<128x128xf32, #tpu.memory_space<vmem>>)
    %add3A_786 = arith.constant 1536 : i32
    %add3A_787 = arith.addi %mul3A_4, %add3A_786 : i32
    %dma_start3A_788 = arith.constant 0 : i32
    %dma_start3A_789 = tpu.memref_slice %arg5[%add3A_787, %dma_start3A_788] : memref<204800x128xf32, #tpu.memory_space<hbm>> -> memref<128x128xf32, #tpu.memory_space<hbm>>
    %dma_start3A_790 = arith.constant 0 : i32
    %dma_start3A_791 = tpu.memref_slice %arg5[%add3A_787, %dma_start3A_790] : memref<204800x128xf32, #tpu.memory_space<hbm>> -> memref<128x128xf32, #tpu.memory_space<hbm>>
    tpu.enqueue_dma source(%arg6 : memref<128x128xf32, #tpu.memory_space<vmem>>) target(%dma_start3A_791 : memref<128x128xf32, #tpu.memory_space<hbm>>) target_semaphore(%arg18 : memref<!tpu.dma_semaphore, #tpu.memory_space<semaphore_mem>>)
    %dma_wait3A_792 = arith.constant 0 : i32
    %dma_wait3A_793 = arith.constant 0 : i32
    %dma_wait3A_794 = tpu.memref_slice %arg4[%dma_wait3A_792, %dma_wait3A_793] : memref<204800x128xf32, #tpu.memory_space<hbm>> -> memref<128x128xf32, #tpu.memory_space<hbm>>
    %dma_wait3A_795 = arith.constant 0 : i32
    %dma_wait3A_796 = arith.constant 0 : i32
    %dma_wait3A_797 = tpu.memref_slice %arg4[%dma_wait3A_795, %dma_wait3A_796] : memref<204800x128xf32, #tpu.memory_space<hbm>> -> memref<128x128xf32, #tpu.memory_space<hbm>>
    tpu.wait_dma2 semaphore(%arg23 : memref<!tpu.dma_semaphore, #tpu.memory_space<semaphore_mem>>) src(%dma_wait3A_797 : memref<128x128xf32, #tpu.memory_space<hbm>>) dst(%arg11 : memref<128x128xf32, #tpu.memory_space<vmem>>)
    %add3A_798 = arith.constant 2176 : i32
    %add3A_799 = arith.addi %mul3A_4, %add3A_798 : i32
    %jit3A_800 = arith.constant 4096 : i32
    %div3A_801 = arith.divsi %add3A_799, %jit3A_800 : i32
    %sign3A_802 = arith.constant 0 : i32
    %sign3A_803 = arith.cmpi sgt, %add3A_799, %sign3A_802 : i32
    %sign3A_804 = arith.extui %sign3A_803 : i1 to i32
    %sign3A_805 = arith.constant 0 : i32
    %sign3A_806 = arith.cmpi slt, %add3A_799, %sign3A_805 : i32
    %sign3A_807 = arith.extui %sign3A_806 : i1 to i32
    %sign3A_808 = arith.subi %sign3A_804, %sign3A_807 : i32
    %sign3A_809 = arith.constant 0 : i32
    %sign3A_810 = arith.cmpi sgt, %jit3A_800, %sign3A_809 : i32
    %sign3A_811 = arith.extui %sign3A_810 : i1 to i32
    %sign3A_812 = arith.constant 0 : i32
    %sign3A_813 = arith.cmpi slt, %jit3A_800, %sign3A_812 : i32
    %sign3A_814 = arith.extui %sign3A_813 : i1 to i32
    %sign3A_815 = arith.subi %sign3A_811, %sign3A_814 : i32
    %ne3A_816 = arith.cmpi ne, %sign3A_808, %sign3A_815 : i32
    %rem3A_817 = arith.remsi %add3A_799, %jit3A_800 : i32
    %ne3A_818 = arith.constant 0 : i32
    %ne3A_819 = arith.cmpi ne, %rem3A_817, %ne3A_818 : i32
    %and3A_820 = arith.andi %ne3A_816, %ne3A_819 : i1
    %sub3A_821 = arith.constant 1 : i32
    %sub3A_822 = arith.subi %div3A_801, %sub3A_821 : i32
    %select_n3A_823 = arith.select %and3A_820, %sub3A_822, %div3A_801 : i32
    %eq3A_824 = arith.cmpi eq, %select_n3A_823, %squeeze3A : i32
    %convert_element_type3A_825 = arith.extui %eq3A_824 : i1 to i32
    %cond3A_826 = arith.constant 0 : i32
    %cond3A_827 = arith.cmpi ne, %convert_element_type3A_825, %cond3A_826 : i32
    scf.if %cond3A_827 {
      %mul3A_2592 = arith.constant 4096 : i32
      %mul3A_2593 = arith.muli %squeeze3A, %mul3A_2592 : i32
      %sub3A_2594 = arith.subi %add3A_799, %mul3A_2593 : i32
      %dma_start3A_2595 = arith.constant 0 : i32
      %dma_start3A_2596 = tpu.memref_slice %arg3[%sub3A_2594, %dma_start3A_2595] : memref<4096x128xf32, #tpu.memory_space<hbm>> -> memref<128x128xf32, #tpu.memory_space<hbm>>
      %dma_start3A_2597 = arith.constant 0 : i32
      %dma_start3A_2598 = tpu.memref_slice %arg3[%sub3A_2594, %dma_start3A_2597] : memref<4096x128xf32, #tpu.memory_space<hbm>> -> memref<128x128xf32, #tpu.memory_space<hbm>>
      tpu.enqueue_dma source(%dma_start3A_2598 : memref<128x128xf32, #tpu.memory_space<hbm>>) target(%arg11 : memref<128x128xf32, #tpu.memory_space<vmem>>) target_semaphore(%arg17 : memref<!tpu.dma_semaphore, #tpu.memory_space<semaphore_mem>>)
    } else {
    }
    %ne3A_828 = arith.cmpi ne, %select_n3A_823, %squeeze3A : i32
    %convert_element_type3A_829 = arith.extui %ne3A_828 : i1 to i32
    %cond3A_830 = arith.constant 0 : i32
    %cond3A_831 = arith.cmpi ne, %convert_element_type3A_829, %cond3A_830 : i32
    scf.if %cond3A_831 {
      %dma_start3A_2592 = arith.constant 0 : i32
      %dma_start3A_2593 = tpu.memref_slice %arg4[%add3A_799, %dma_start3A_2592] : memref<204800x128xf32, #tpu.memory_space<hbm>> -> memref<128x128xf32, #tpu.memory_space<hbm>>
      %dma_start3A_2594 = arith.constant 0 : i32
      %dma_start3A_2595 = tpu.memref_slice %arg4[%add3A_799, %dma_start3A_2594] : memref<204800x128xf32, #tpu.memory_space<hbm>> -> memref<128x128xf32, #tpu.memory_space<hbm>>
      tpu.enqueue_dma source(%dma_start3A_2595 : memref<128x128xf32, #tpu.memory_space<hbm>>) target(%arg11 : memref<128x128xf32, #tpu.memory_space<vmem>>) target_semaphore(%arg17 : memref<!tpu.dma_semaphore, #tpu.memory_space<semaphore_mem>>)
    } else {
    }
    %dma_wait3A_832 = arith.constant 0 : i32
    %dma_wait3A_833 = arith.constant 0 : i32
    %dma_wait3A_834 = tpu.memref_slice %arg4[%dma_wait3A_832, %dma_wait3A_833] : memref<204800x128xf32, #tpu.memory_space<hbm>> -> memref<128x128xf32, #tpu.memory_space<hbm>>
    %dma_wait3A_835 = arith.constant 0 : i32
    %dma_wait3A_836 = arith.constant 0 : i32
    %dma_wait3A_837 = tpu.memref_slice %arg4[%dma_wait3A_835, %dma_wait3A_836] : memref<204800x128xf32, #tpu.memory_space<hbm>> -> memref<128x128xf32, #tpu.memory_space<hbm>>
    tpu.wait_dma2 semaphore(%arg13 : memref<!tpu.dma_semaphore, #tpu.memory_space<semaphore_mem>>) src(%dma_wait3A_837 : memref<128x128xf32, #tpu.memory_space<hbm>>) dst(%arg7 : memref<128x128xf32, #tpu.memory_space<vmem>>)
    %add3A_838 = arith.constant 1664 : i32
    %add3A_839 = arith.addi %mul3A_4, %add3A_838 : i32
    %dma_start3A_840 = arith.constant 0 : i32
    %dma_start3A_841 = tpu.memref_slice %arg5[%add3A_839, %dma_start3A_840] : memref<204800x128xf32, #tpu.memory_space<hbm>> -> memref<128x128xf32, #tpu.memory_space<hbm>>
    %dma_start3A_842 = arith.constant 0 : i32
    %dma_start3A_843 = tpu.memref_slice %arg5[%add3A_839, %dma_start3A_842] : memref<204800x128xf32, #tpu.memory_space<hbm>> -> memref<128x128xf32, #tpu.memory_space<hbm>>
    tpu.enqueue_dma source(%arg7 : memref<128x128xf32, #tpu.memory_space<vmem>>) target(%dma_start3A_843 : memref<128x128xf32, #tpu.memory_space<hbm>>) target_semaphore(%arg19 : memref<!tpu.dma_semaphore, #tpu.memory_space<semaphore_mem>>)
    %dma_wait3A_844 = arith.constant 0 : i32
    %dma_wait3A_845 = arith.constant 0 : i32
    %dma_wait3A_846 = tpu.memref_slice %arg4[%dma_wait3A_844, %dma_wait3A_845] : memref<204800x128xf32, #tpu.memory_space<hbm>> -> memref<128x128xf32, #tpu.memory_space<hbm>>
    %dma_wait3A_847 = arith.constant 0 : i32
    %dma_wait3A_848 = arith.constant 0 : i32
    %dma_wait3A_849 = tpu.memref_slice %arg4[%dma_wait3A_847, %dma_wait3A_848] : memref<204800x128xf32, #tpu.memory_space<hbm>> -> memref<128x128xf32, #tpu.memory_space<hbm>>
    tpu.wait_dma2 semaphore(%arg18 : memref<!tpu.dma_semaphore, #tpu.memory_space<semaphore_mem>>) src(%dma_wait3A_849 : memref<128x128xf32, #tpu.memory_space<hbm>>) dst(%arg6 : memref<128x128xf32, #tpu.memory_space<vmem>>)
    %add3A_850 = arith.constant 2304 : i32
    %add3A_851 = arith.addi %mul3A_4, %add3A_850 : i32
    %jit3A_852 = arith.constant 4096 : i32
    %div3A_853 = arith.divsi %add3A_851, %jit3A_852 : i32
    %sign3A_854 = arith.constant 0 : i32
    %sign3A_855 = arith.cmpi sgt, %add3A_851, %sign3A_854 : i32
    %sign3A_856 = arith.extui %sign3A_855 : i1 to i32
    %sign3A_857 = arith.constant 0 : i32
    %sign3A_858 = arith.cmpi slt, %add3A_851, %sign3A_857 : i32
    %sign3A_859 = arith.extui %sign3A_858 : i1 to i32
    %sign3A_860 = arith.subi %sign3A_856, %sign3A_859 : i32
    %sign3A_861 = arith.constant 0 : i32
    %sign3A_862 = arith.cmpi sgt, %jit3A_852, %sign3A_861 : i32
    %sign3A_863 = arith.extui %sign3A_862 : i1 to i32
    %sign3A_864 = arith.constant 0 : i32
    %sign3A_865 = arith.cmpi slt, %jit3A_852, %sign3A_864 : i32
    %sign3A_866 = arith.extui %sign3A_865 : i1 to i32
    %sign3A_867 = arith.subi %sign3A_863, %sign3A_866 : i32
    %ne3A_868 = arith.cmpi ne, %sign3A_860, %sign3A_867 : i32
    %rem3A_869 = arith.remsi %add3A_851, %jit3A_852 : i32
    %ne3A_870 = arith.constant 0 : i32
    %ne3A_871 = arith.cmpi ne, %rem3A_869, %ne3A_870 : i32
    %and3A_872 = arith.andi %ne3A_868, %ne3A_871 : i1
    %sub3A_873 = arith.constant 1 : i32
    %sub3A_874 = arith.subi %div3A_853, %sub3A_873 : i32
    %select_n3A_875 = arith.select %and3A_872, %sub3A_874, %div3A_853 : i32
    %eq3A_876 = arith.cmpi eq, %select_n3A_875, %squeeze3A : i32
    %convert_element_type3A_877 = arith.extui %eq3A_876 : i1 to i32
    %cond3A_878 = arith.constant 0 : i32
    %cond3A_879 = arith.cmpi ne, %convert_element_type3A_877, %cond3A_878 : i32
    scf.if %cond3A_879 {
      %mul3A_2592 = arith.constant 4096 : i32
      %mul3A_2593 = arith.muli %squeeze3A, %mul3A_2592 : i32
      %sub3A_2594 = arith.subi %add3A_851, %mul3A_2593 : i32
      %dma_start3A_2595 = arith.constant 0 : i32
      %dma_start3A_2596 = tpu.memref_slice %arg3[%sub3A_2594, %dma_start3A_2595] : memref<4096x128xf32, #tpu.memory_space<hbm>> -> memref<128x128xf32, #tpu.memory_space<hbm>>
      %dma_start3A_2597 = arith.constant 0 : i32
      %dma_start3A_2598 = tpu.memref_slice %arg3[%sub3A_2594, %dma_start3A_2597] : memref<4096x128xf32, #tpu.memory_space<hbm>> -> memref<128x128xf32, #tpu.memory_space<hbm>>
      tpu.enqueue_dma source(%dma_start3A_2598 : memref<128x128xf32, #tpu.memory_space<hbm>>) target(%arg6 : memref<128x128xf32, #tpu.memory_space<vmem>>) target_semaphore(%arg12 : memref<!tpu.dma_semaphore, #tpu.memory_space<semaphore_mem>>)
    } else {
    }
    %ne3A_880 = arith.cmpi ne, %select_n3A_875, %squeeze3A : i32
    %convert_element_type3A_881 = arith.extui %ne3A_880 : i1 to i32
    %cond3A_882 = arith.constant 0 : i32
    %cond3A_883 = arith.cmpi ne, %convert_element_type3A_881, %cond3A_882 : i32
    scf.if %cond3A_883 {
      %dma_start3A_2592 = arith.constant 0 : i32
      %dma_start3A_2593 = tpu.memref_slice %arg4[%add3A_851, %dma_start3A_2592] : memref<204800x128xf32, #tpu.memory_space<hbm>> -> memref<128x128xf32, #tpu.memory_space<hbm>>
      %dma_start3A_2594 = arith.constant 0 : i32
      %dma_start3A_2595 = tpu.memref_slice %arg4[%add3A_851, %dma_start3A_2594] : memref<204800x128xf32, #tpu.memory_space<hbm>> -> memref<128x128xf32, #tpu.memory_space<hbm>>
      tpu.enqueue_dma source(%dma_start3A_2595 : memref<128x128xf32, #tpu.memory_space<hbm>>) target(%arg6 : memref<128x128xf32, #tpu.memory_space<vmem>>) target_semaphore(%arg12 : memref<!tpu.dma_semaphore, #tpu.memory_space<semaphore_mem>>)
    } else {
    }
    %dma_wait3A_884 = arith.constant 0 : i32
    %dma_wait3A_885 = arith.constant 0 : i32
    %dma_wait3A_886 = tpu.memref_slice %arg4[%dma_wait3A_884, %dma_wait3A_885] : memref<204800x128xf32, #tpu.memory_space<hbm>> -> memref<128x128xf32, #tpu.memory_space<hbm>>
    %dma_wait3A_887 = arith.constant 0 : i32
    %dma_wait3A_888 = arith.constant 0 : i32
    %dma_wait3A_889 = tpu.memref_slice %arg4[%dma_wait3A_887, %dma_wait3A_888] : memref<204800x128xf32, #tpu.memory_space<hbm>> -> memref<128x128xf32, #tpu.memory_space<hbm>>
    tpu.wait_dma2 semaphore(%arg14 : memref<!tpu.dma_semaphore, #tpu.memory_space<semaphore_mem>>) src(%dma_wait3A_889 : memref<128x128xf32, #tpu.memory_space<hbm>>) dst(%arg8 : memref<128x128xf32, #tpu.memory_space<vmem>>)
    %add3A_890 = arith.constant 1792 : i32
    %add3A_891 = arith.addi %mul3A_4, %add3A_890 : i32
    %dma_start3A_892 = arith.constant 0 : i32
    %dma_start3A_893 = tpu.memref_slice %arg5[%add3A_891, %dma_start3A_892] : memref<204800x128xf32, #tpu.memory_space<hbm>> -> memref<128x128xf32, #tpu.memory_space<hbm>>
    %dma_start3A_894 = arith.constant 0 : i32
    %dma_start3A_895 = tpu.memref_slice %arg5[%add3A_891, %dma_start3A_894] : memref<204800x128xf32, #tpu.memory_space<hbm>> -> memref<128x128xf32, #tpu.memory_space<hbm>>
    tpu.enqueue_dma source(%arg8 : memref<128x128xf32, #tpu.memory_space<vmem>>) target(%dma_start3A_895 : memref<128x128xf32, #tpu.memory_space<hbm>>) target_semaphore(%arg20 : memref<!tpu.dma_semaphore, #tpu.memory_space<semaphore_mem>>)
    %dma_wait3A_896 = arith.constant 0 : i32
    %dma_wait3A_897 = arith.constant 0 : i32
    %dma_wait3A_898 = tpu.memref_slice %arg4[%dma_wait3A_896, %dma_wait3A_897] : memref<204800x128xf32, #tpu.memory_space<hbm>> -> memref<128x128xf32, #tpu.memory_space<hbm>>
    %dma_wait3A_899 = arith.constant 0 : i32
    %dma_wait3A_900 = arith.constant 0 : i32
    %dma_wait3A_901 = tpu.memref_slice %arg4[%dma_wait3A_899, %dma_wait3A_900] : memref<204800x128xf32, #tpu.memory_space<hbm>> -> memref<128x128xf32, #tpu.memory_space<hbm>>
    tpu.wait_dma2 semaphore(%arg19 : memref<!tpu.dma_semaphore, #tpu.memory_space<semaphore_mem>>) src(%dma_wait3A_901 : memref<128x128xf32, #tpu.memory_space<hbm>>) dst(%arg7 : memref<128x128xf32, #tpu.memory_space<vmem>>)
    %add3A_902 = arith.constant 2432 : i32
    %add3A_903 = arith.addi %mul3A_4, %add3A_902 : i32
    %jit3A_904 = arith.constant 4096 : i32
    %div3A_905 = arith.divsi %add3A_903, %jit3A_904 : i32
    %sign3A_906 = arith.constant 0 : i32
    %sign3A_907 = arith.cmpi sgt, %add3A_903, %sign3A_906 : i32
    %sign3A_908 = arith.extui %sign3A_907 : i1 to i32
    %sign3A_909 = arith.constant 0 : i32
    %sign3A_910 = arith.cmpi slt, %add3A_903, %sign3A_909 : i32
    %sign3A_911 = arith.extui %sign3A_910 : i1 to i32
    %sign3A_912 = arith.subi %sign3A_908, %sign3A_911 : i32
    %sign3A_913 = arith.constant 0 : i32
    %sign3A_914 = arith.cmpi sgt, %jit3A_904, %sign3A_913 : i32
    %sign3A_915 = arith.extui %sign3A_914 : i1 to i32
    %sign3A_916 = arith.constant 0 : i32
    %sign3A_917 = arith.cmpi slt, %jit3A_904, %sign3A_916 : i32
    %sign3A_918 = arith.extui %sign3A_917 : i1 to i32
    %sign3A_919 = arith.subi %sign3A_915, %sign3A_918 : i32
    %ne3A_920 = arith.cmpi ne, %sign3A_912, %sign3A_919 : i32
    %rem3A_921 = arith.remsi %add3A_903, %jit3A_904 : i32
    %ne3A_922 = arith.constant 0 : i32
    %ne3A_923 = arith.cmpi ne, %rem3A_921, %ne3A_922 : i32
    %and3A_924 = arith.andi %ne3A_920, %ne3A_923 : i1
    %sub3A_925 = arith.constant 1 : i32
    %sub3A_926 = arith.subi %div3A_905, %sub3A_925 : i32
    %select_n3A_927 = arith.select %and3A_924, %sub3A_926, %div3A_905 : i32
    %eq3A_928 = arith.cmpi eq, %select_n3A_927, %squeeze3A : i32
    %convert_element_type3A_929 = arith.extui %eq3A_928 : i1 to i32
    %cond3A_930 = arith.constant 0 : i32
    %cond3A_931 = arith.cmpi ne, %convert_element_type3A_929, %cond3A_930 : i32
    scf.if %cond3A_931 {
      %mul3A_2592 = arith.constant 4096 : i32
      %mul3A_2593 = arith.muli %squeeze3A, %mul3A_2592 : i32
      %sub3A_2594 = arith.subi %add3A_903, %mul3A_2593 : i32
      %dma_start3A_2595 = arith.constant 0 : i32
      %dma_start3A_2596 = tpu.memref_slice %arg3[%sub3A_2594, %dma_start3A_2595] : memref<4096x128xf32, #tpu.memory_space<hbm>> -> memref<128x128xf32, #tpu.memory_space<hbm>>
      %dma_start3A_2597 = arith.constant 0 : i32
      %dma_start3A_2598 = tpu.memref_slice %arg3[%sub3A_2594, %dma_start3A_2597] : memref<4096x128xf32, #tpu.memory_space<hbm>> -> memref<128x128xf32, #tpu.memory_space<hbm>>
      tpu.enqueue_dma source(%dma_start3A_2598 : memref<128x128xf32, #tpu.memory_space<hbm>>) target(%arg7 : memref<128x128xf32, #tpu.memory_space<vmem>>) target_semaphore(%arg13 : memref<!tpu.dma_semaphore, #tpu.memory_space<semaphore_mem>>)
    } else {
    }
    %ne3A_932 = arith.cmpi ne, %select_n3A_927, %squeeze3A : i32
    %convert_element_type3A_933 = arith.extui %ne3A_932 : i1 to i32
    %cond3A_934 = arith.constant 0 : i32
    %cond3A_935 = arith.cmpi ne, %convert_element_type3A_933, %cond3A_934 : i32
    scf.if %cond3A_935 {
      %dma_start3A_2592 = arith.constant 0 : i32
      %dma_start3A_2593 = tpu.memref_slice %arg4[%add3A_903, %dma_start3A_2592] : memref<204800x128xf32, #tpu.memory_space<hbm>> -> memref<128x128xf32, #tpu.memory_space<hbm>>
      %dma_start3A_2594 = arith.constant 0 : i32
      %dma_start3A_2595 = tpu.memref_slice %arg4[%add3A_903, %dma_start3A_2594] : memref<204800x128xf32, #tpu.memory_space<hbm>> -> memref<128x128xf32, #tpu.memory_space<hbm>>
      tpu.enqueue_dma source(%dma_start3A_2595 : memref<128x128xf32, #tpu.memory_space<hbm>>) target(%arg7 : memref<128x128xf32, #tpu.memory_space<vmem>>) target_semaphore(%arg13 : memref<!tpu.dma_semaphore, #tpu.memory_space<semaphore_mem>>)
    } else {
    }
    %dma_wait3A_936 = arith.constant 0 : i32
    %dma_wait3A_937 = arith.constant 0 : i32
    %dma_wait3A_938 = tpu.memref_slice %arg4[%dma_wait3A_936, %dma_wait3A_937] : memref<204800x128xf32, #tpu.memory_space<hbm>> -> memref<128x128xf32, #tpu.memory_space<hbm>>
    %dma_wait3A_939 = arith.constant 0 : i32
    %dma_wait3A_940 = arith.constant 0 : i32
    %dma_wait3A_941 = tpu.memref_slice %arg4[%dma_wait3A_939, %dma_wait3A_940] : memref<204800x128xf32, #tpu.memory_space<hbm>> -> memref<128x128xf32, #tpu.memory_space<hbm>>
    tpu.wait_dma2 semaphore(%arg15 : memref<!tpu.dma_semaphore, #tpu.memory_space<semaphore_mem>>) src(%dma_wait3A_941 : memref<128x128xf32, #tpu.memory_space<hbm>>) dst(%arg9 : memref<128x128xf32, #tpu.memory_space<vmem>>)
    %add3A_942 = arith.constant 1920 : i32
    %add3A_943 = arith.addi %mul3A_4, %add3A_942 : i32
    %dma_start3A_944 = arith.constant 0 : i32
    %dma_start3A_945 = tpu.memref_slice %arg5[%add3A_943, %dma_start3A_944] : memref<204800x128xf32, #tpu.memory_space<hbm>> -> memref<128x128xf32, #tpu.memory_space<hbm>>
    %dma_start3A_946 = arith.constant 0 : i32
    %dma_start3A_947 = tpu.memref_slice %arg5[%add3A_943, %dma_start3A_946] : memref<204800x128xf32, #tpu.memory_space<hbm>> -> memref<128x128xf32, #tpu.memory_space<hbm>>
    tpu.enqueue_dma source(%arg9 : memref<128x128xf32, #tpu.memory_space<vmem>>) target(%dma_start3A_947 : memref<128x128xf32, #tpu.memory_space<hbm>>) target_semaphore(%arg21 : memref<!tpu.dma_semaphore, #tpu.memory_space<semaphore_mem>>)
    %dma_wait3A_948 = arith.constant 0 : i32
    %dma_wait3A_949 = arith.constant 0 : i32
    %dma_wait3A_950 = tpu.memref_slice %arg4[%dma_wait3A_948, %dma_wait3A_949] : memref<204800x128xf32, #tpu.memory_space<hbm>> -> memref<128x128xf32, #tpu.memory_space<hbm>>
    %dma_wait3A_951 = arith.constant 0 : i32
    %dma_wait3A_952 = arith.constant 0 : i32
    %dma_wait3A_953 = tpu.memref_slice %arg4[%dma_wait3A_951, %dma_wait3A_952] : memref<204800x128xf32, #tpu.memory_space<hbm>> -> memref<128x128xf32, #tpu.memory_space<hbm>>
    tpu.wait_dma2 semaphore(%arg20 : memref<!tpu.dma_semaphore, #tpu.memory_space<semaphore_mem>>) src(%dma_wait3A_953 : memref<128x128xf32, #tpu.memory_space<hbm>>) dst(%arg8 : memref<128x128xf32, #tpu.memory_space<vmem>>)
    %add3A_954 = arith.constant 2560 : i32
    %add3A_955 = arith.addi %mul3A_4, %add3A_954 : i32
    %jit3A_956 = arith.constant 4096 : i32
    %div3A_957 = arith.divsi %add3A_955, %jit3A_956 : i32
    %sign3A_958 = arith.constant 0 : i32
    %sign3A_959 = arith.cmpi sgt, %add3A_955, %sign3A_958 : i32
    %sign3A_960 = arith.extui %sign3A_959 : i1 to i32
    %sign3A_961 = arith.constant 0 : i32
    %sign3A_962 = arith.cmpi slt, %add3A_955, %sign3A_961 : i32
    %sign3A_963 = arith.extui %sign3A_962 : i1 to i32
    %sign3A_964 = arith.subi %sign3A_960, %sign3A_963 : i32
    %sign3A_965 = arith.constant 0 : i32
    %sign3A_966 = arith.cmpi sgt, %jit3A_956, %sign3A_965 : i32
    %sign3A_967 = arith.extui %sign3A_966 : i1 to i32
    %sign3A_968 = arith.constant 0 : i32
    %sign3A_969 = arith.cmpi slt, %jit3A_956, %sign3A_968 : i32
    %sign3A_970 = arith.extui %sign3A_969 : i1 to i32
    %sign3A_971 = arith.subi %sign3A_967, %sign3A_970 : i32
    %ne3A_972 = arith.cmpi ne, %sign3A_964, %sign3A_971 : i32
    %rem3A_973 = arith.remsi %add3A_955, %jit3A_956 : i32
    %ne3A_974 = arith.constant 0 : i32
    %ne3A_975 = arith.cmpi ne, %rem3A_973, %ne3A_974 : i32
    %and3A_976 = arith.andi %ne3A_972, %ne3A_975 : i1
    %sub3A_977 = arith.constant 1 : i32
    %sub3A_978 = arith.subi %div3A_957, %sub3A_977 : i32
    %select_n3A_979 = arith.select %and3A_976, %sub3A_978, %div3A_957 : i32
    %eq3A_980 = arith.cmpi eq, %select_n3A_979, %squeeze3A : i32
    %convert_element_type3A_981 = arith.extui %eq3A_980 : i1 to i32
    %cond3A_982 = arith.constant 0 : i32
    %cond3A_983 = arith.cmpi ne, %convert_element_type3A_981, %cond3A_982 : i32
    scf.if %cond3A_983 {
      %mul3A_2592 = arith.constant 4096 : i32
      %mul3A_2593 = arith.muli %squeeze3A, %mul3A_2592 : i32
      %sub3A_2594 = arith.subi %add3A_955, %mul3A_2593 : i32
      %dma_start3A_2595 = arith.constant 0 : i32
      %dma_start3A_2596 = tpu.memref_slice %arg3[%sub3A_2594, %dma_start3A_2595] : memref<4096x128xf32, #tpu.memory_space<hbm>> -> memref<128x128xf32, #tpu.memory_space<hbm>>
      %dma_start3A_2597 = arith.constant 0 : i32
      %dma_start3A_2598 = tpu.memref_slice %arg3[%sub3A_2594, %dma_start3A_2597] : memref<4096x128xf32, #tpu.memory_space<hbm>> -> memref<128x128xf32, #tpu.memory_space<hbm>>
      tpu.enqueue_dma source(%dma_start3A_2598 : memref<128x128xf32, #tpu.memory_space<hbm>>) target(%arg8 : memref<128x128xf32, #tpu.memory_space<vmem>>) target_semaphore(%arg14 : memref<!tpu.dma_semaphore, #tpu.memory_space<semaphore_mem>>)
    } else {
    }
    %ne3A_984 = arith.cmpi ne, %select_n3A_979, %squeeze3A : i32
    %convert_element_type3A_985 = arith.extui %ne3A_984 : i1 to i32
    %cond3A_986 = arith.constant 0 : i32
    %cond3A_987 = arith.cmpi ne, %convert_element_type3A_985, %cond3A_986 : i32
    scf.if %cond3A_987 {
      %dma_start3A_2592 = arith.constant 0 : i32
      %dma_start3A_2593 = tpu.memref_slice %arg4[%add3A_955, %dma_start3A_2592] : memref<204800x128xf32, #tpu.memory_space<hbm>> -> memref<128x128xf32, #tpu.memory_space<hbm>>
      %dma_start3A_2594 = arith.constant 0 : i32
      %dma_start3A_2595 = tpu.memref_slice %arg4[%add3A_955, %dma_start3A_2594] : memref<204800x128xf32, #tpu.memory_space<hbm>> -> memref<128x128xf32, #tpu.memory_space<hbm>>
      tpu.enqueue_dma source(%dma_start3A_2595 : memref<128x128xf32, #tpu.memory_space<hbm>>) target(%arg8 : memref<128x128xf32, #tpu.memory_space<vmem>>) target_semaphore(%arg14 : memref<!tpu.dma_semaphore, #tpu.memory_space<semaphore_mem>>)
    } else {
    }
    %dma_wait3A_988 = arith.constant 0 : i32
    %dma_wait3A_989 = arith.constant 0 : i32
    %dma_wait3A_990 = tpu.memref_slice %arg4[%dma_wait3A_988, %dma_wait3A_989] : memref<204800x128xf32, #tpu.memory_space<hbm>> -> memref<128x128xf32, #tpu.memory_space<hbm>>
    %dma_wait3A_991 = arith.constant 0 : i32
    %dma_wait3A_992 = arith.constant 0 : i32
    %dma_wait3A_993 = tpu.memref_slice %arg4[%dma_wait3A_991, %dma_wait3A_992] : memref<204800x128xf32, #tpu.memory_space<hbm>> -> memref<128x128xf32, #tpu.memory_space<hbm>>
    tpu.wait_dma2 semaphore(%arg16 : memref<!tpu.dma_semaphore, #tpu.memory_space<semaphore_mem>>) src(%dma_wait3A_993 : memref<128x128xf32, #tpu.memory_space<hbm>>) dst(%arg10 : memref<128x128xf32, #tpu.memory_space<vmem>>)
    %add3A_994 = arith.constant 2048 : i32
    %add3A_995 = arith.addi %mul3A_4, %add3A_994 : i32
    %dma_start3A_996 = arith.constant 0 : i32
    %dma_start3A_997 = tpu.memref_slice %arg5[%add3A_995, %dma_start3A_996] : memref<204800x128xf32, #tpu.memory_space<hbm>> -> memref<128x128xf32, #tpu.memory_space<hbm>>
    %dma_start3A_998 = arith.constant 0 : i32
    %dma_start3A_999 = tpu.memref_slice %arg5[%add3A_995, %dma_start3A_998] : memref<204800x128xf32, #tpu.memory_space<hbm>> -> memref<128x128xf32, #tpu.memory_space<hbm>>
    tpu.enqueue_dma source(%arg10 : memref<128x128xf32, #tpu.memory_space<vmem>>) target(%dma_start3A_999 : memref<128x128xf32, #tpu.memory_space<hbm>>) target_semaphore(%arg22 : memref<!tpu.dma_semaphore, #tpu.memory_space<semaphore_mem>>)
    %dma_wait3A_1000 = arith.constant 0 : i32
    %dma_wait3A_1001 = arith.constant 0 : i32
    %dma_wait3A_1002 = tpu.memref_slice %arg4[%dma_wait3A_1000, %dma_wait3A_1001] : memref<204800x128xf32, #tpu.memory_space<hbm>> -> memref<128x128xf32, #tpu.memory_space<hbm>>
    %dma_wait3A_1003 = arith.constant 0 : i32
    %dma_wait3A_1004 = arith.constant 0 : i32
    %dma_wait3A_1005 = tpu.memref_slice %arg4[%dma_wait3A_1003, %dma_wait3A_1004] : memref<204800x128xf32, #tpu.memory_space<hbm>> -> memref<128x128xf32, #tpu.memory_space<hbm>>
    tpu.wait_dma2 semaphore(%arg21 : memref<!tpu.dma_semaphore, #tpu.memory_space<semaphore_mem>>) src(%dma_wait3A_1005 : memref<128x128xf32, #tpu.memory_space<hbm>>) dst(%arg9 : memref<128x128xf32, #tpu.memory_space<vmem>>)
    %add3A_1006 = arith.constant 2688 : i32
    %add3A_1007 = arith.addi %mul3A_4, %add3A_1006 : i32
    %jit3A_1008 = arith.constant 4096 : i32
    %div3A_1009 = arith.divsi %add3A_1007, %jit3A_1008 : i32
    %sign3A_1010 = arith.constant 0 : i32
    %sign3A_1011 = arith.cmpi sgt, %add3A_1007, %sign3A_1010 : i32
    %sign3A_1012 = arith.extui %sign3A_1011 : i1 to i32
    %sign3A_1013 = arith.constant 0 : i32
    %sign3A_1014 = arith.cmpi slt, %add3A_1007, %sign3A_1013 : i32
    %sign3A_1015 = arith.extui %sign3A_1014 : i1 to i32
    %sign3A_1016 = arith.subi %sign3A_1012, %sign3A_1015 : i32
    %sign3A_1017 = arith.constant 0 : i32
    %sign3A_1018 = arith.cmpi sgt, %jit3A_1008, %sign3A_1017 : i32
    %sign3A_1019 = arith.extui %sign3A_1018 : i1 to i32
    %sign3A_1020 = arith.constant 0 : i32
    %sign3A_1021 = arith.cmpi slt, %jit3A_1008, %sign3A_1020 : i32
    %sign3A_1022 = arith.extui %sign3A_1021 : i1 to i32
    %sign3A_1023 = arith.subi %sign3A_1019, %sign3A_1022 : i32
    %ne3A_1024 = arith.cmpi ne, %sign3A_1016, %sign3A_1023 : i32
    %rem3A_1025 = arith.remsi %add3A_1007, %jit3A_1008 : i32
    %ne3A_1026 = arith.constant 0 : i32
    %ne3A_1027 = arith.cmpi ne, %rem3A_1025, %ne3A_1026 : i32
    %and3A_1028 = arith.andi %ne3A_1024, %ne3A_1027 : i1
    %sub3A_1029 = arith.constant 1 : i32
    %sub3A_1030 = arith.subi %div3A_1009, %sub3A_1029 : i32
    %select_n3A_1031 = arith.select %and3A_1028, %sub3A_1030, %div3A_1009 : i32
    %eq3A_1032 = arith.cmpi eq, %select_n3A_1031, %squeeze3A : i32
    %convert_element_type3A_1033 = arith.extui %eq3A_1032 : i1 to i32
    %cond3A_1034 = arith.constant 0 : i32
    %cond3A_1035 = arith.cmpi ne, %convert_element_type3A_1033, %cond3A_1034 : i32
    scf.if %cond3A_1035 {
      %mul3A_2592 = arith.constant 4096 : i32
      %mul3A_2593 = arith.muli %squeeze3A, %mul3A_2592 : i32
      %sub3A_2594 = arith.subi %add3A_1007, %mul3A_2593 : i32
      %dma_start3A_2595 = arith.constant 0 : i32
      %dma_start3A_2596 = tpu.memref_slice %arg3[%sub3A_2594, %dma_start3A_2595] : memref<4096x128xf32, #tpu.memory_space<hbm>> -> memref<128x128xf32, #tpu.memory_space<hbm>>
      %dma_start3A_2597 = arith.constant 0 : i32
      %dma_start3A_2598 = tpu.memref_slice %arg3[%sub3A_2594, %dma_start3A_2597] : memref<4096x128xf32, #tpu.memory_space<hbm>> -> memref<128x128xf32, #tpu.memory_space<hbm>>
      tpu.enqueue_dma source(%dma_start3A_2598 : memref<128x128xf32, #tpu.memory_space<hbm>>) target(%arg9 : memref<128x128xf32, #tpu.memory_space<vmem>>) target_semaphore(%arg15 : memref<!tpu.dma_semaphore, #tpu.memory_space<semaphore_mem>>)
    } else {
    }
    %ne3A_1036 = arith.cmpi ne, %select_n3A_1031, %squeeze3A : i32
    %convert_element_type3A_1037 = arith.extui %ne3A_1036 : i1 to i32
    %cond3A_1038 = arith.constant 0 : i32
    %cond3A_1039 = arith.cmpi ne, %convert_element_type3A_1037, %cond3A_1038 : i32
    scf.if %cond3A_1039 {
      %dma_start3A_2592 = arith.constant 0 : i32
      %dma_start3A_2593 = tpu.memref_slice %arg4[%add3A_1007, %dma_start3A_2592] : memref<204800x128xf32, #tpu.memory_space<hbm>> -> memref<128x128xf32, #tpu.memory_space<hbm>>
      %dma_start3A_2594 = arith.constant 0 : i32
      %dma_start3A_2595 = tpu.memref_slice %arg4[%add3A_1007, %dma_start3A_2594] : memref<204800x128xf32, #tpu.memory_space<hbm>> -> memref<128x128xf32, #tpu.memory_space<hbm>>
      tpu.enqueue_dma source(%dma_start3A_2595 : memref<128x128xf32, #tpu.memory_space<hbm>>) target(%arg9 : memref<128x128xf32, #tpu.memory_space<vmem>>) target_semaphore(%arg15 : memref<!tpu.dma_semaphore, #tpu.memory_space<semaphore_mem>>)
    } else {
    }
    %dma_wait3A_1040 = arith.constant 0 : i32
    %dma_wait3A_1041 = arith.constant 0 : i32
    %dma_wait3A_1042 = tpu.memref_slice %arg4[%dma_wait3A_1040, %dma_wait3A_1041] : memref<204800x128xf32, #tpu.memory_space<hbm>> -> memref<128x128xf32, #tpu.memory_space<hbm>>
    %dma_wait3A_1043 = arith.constant 0 : i32
    %dma_wait3A_1044 = arith.constant 0 : i32
    %dma_wait3A_1045 = tpu.memref_slice %arg4[%dma_wait3A_1043, %dma_wait3A_1044] : memref<204800x128xf32, #tpu.memory_space<hbm>> -> memref<128x128xf32, #tpu.memory_space<hbm>>
    tpu.wait_dma2 semaphore(%arg17 : memref<!tpu.dma_semaphore, #tpu.memory_space<semaphore_mem>>) src(%dma_wait3A_1045 : memref<128x128xf32, #tpu.memory_space<hbm>>) dst(%arg11 : memref<128x128xf32, #tpu.memory_space<vmem>>)
    %add3A_1046 = arith.constant 2176 : i32
    %add3A_1047 = arith.addi %mul3A_4, %add3A_1046 : i32
    %dma_start3A_1048 = arith.constant 0 : i32
    %dma_start3A_1049 = tpu.memref_slice %arg5[%add3A_1047, %dma_start3A_1048] : memref<204800x128xf32, #tpu.memory_space<hbm>> -> memref<128x128xf32, #tpu.memory_space<hbm>>
    %dma_start3A_1050 = arith.constant 0 : i32
    %dma_start3A_1051 = tpu.memref_slice %arg5[%add3A_1047, %dma_start3A_1050] : memref<204800x128xf32, #tpu.memory_space<hbm>> -> memref<128x128xf32, #tpu.memory_space<hbm>>
    tpu.enqueue_dma source(%arg11 : memref<128x128xf32, #tpu.memory_space<vmem>>) target(%dma_start3A_1051 : memref<128x128xf32, #tpu.memory_space<hbm>>) target_semaphore(%arg23 : memref<!tpu.dma_semaphore, #tpu.memory_space<semaphore_mem>>)
    %dma_wait3A_1052 = arith.constant 0 : i32
    %dma_wait3A_1053 = arith.constant 0 : i32
    %dma_wait3A_1054 = tpu.memref_slice %arg4[%dma_wait3A_1052, %dma_wait3A_1053] : memref<204800x128xf32, #tpu.memory_space<hbm>> -> memref<128x128xf32, #tpu.memory_space<hbm>>
    %dma_wait3A_1055 = arith.constant 0 : i32
    %dma_wait3A_1056 = arith.constant 0 : i32
    %dma_wait3A_1057 = tpu.memref_slice %arg4[%dma_wait3A_1055, %dma_wait3A_1056] : memref<204800x128xf32, #tpu.memory_space<hbm>> -> memref<128x128xf32, #tpu.memory_space<hbm>>
    tpu.wait_dma2 semaphore(%arg22 : memref<!tpu.dma_semaphore, #tpu.memory_space<semaphore_mem>>) src(%dma_wait3A_1057 : memref<128x128xf32, #tpu.memory_space<hbm>>) dst(%arg10 : memref<128x128xf32, #tpu.memory_space<vmem>>)
    %add3A_1058 = arith.constant 2816 : i32
    %add3A_1059 = arith.addi %mul3A_4, %add3A_1058 : i32
    %jit3A_1060 = arith.constant 4096 : i32
    %div3A_1061 = arith.divsi %add3A_1059, %jit3A_1060 : i32
    %sign3A_1062 = arith.constant 0 : i32
    %sign3A_1063 = arith.cmpi sgt, %add3A_1059, %sign3A_1062 : i32
    %sign3A_1064 = arith.extui %sign3A_1063 : i1 to i32
    %sign3A_1065 = arith.constant 0 : i32
    %sign3A_1066 = arith.cmpi slt, %add3A_1059, %sign3A_1065 : i32
    %sign3A_1067 = arith.extui %sign3A_1066 : i1 to i32
    %sign3A_1068 = arith.subi %sign3A_1064, %sign3A_1067 : i32
    %sign3A_1069 = arith.constant 0 : i32
    %sign3A_1070 = arith.cmpi sgt, %jit3A_1060, %sign3A_1069 : i32
    %sign3A_1071 = arith.extui %sign3A_1070 : i1 to i32
    %sign3A_1072 = arith.constant 0 : i32
    %sign3A_1073 = arith.cmpi slt, %jit3A_1060, %sign3A_1072 : i32
    %sign3A_1074 = arith.extui %sign3A_1073 : i1 to i32
    %sign3A_1075 = arith.subi %sign3A_1071, %sign3A_1074 : i32
    %ne3A_1076 = arith.cmpi ne, %sign3A_1068, %sign3A_1075 : i32
    %rem3A_1077 = arith.remsi %add3A_1059, %jit3A_1060 : i32
    %ne3A_1078 = arith.constant 0 : i32
    %ne3A_1079 = arith.cmpi ne, %rem3A_1077, %ne3A_1078 : i32
    %and3A_1080 = arith.andi %ne3A_1076, %ne3A_1079 : i1
    %sub3A_1081 = arith.constant 1 : i32
    %sub3A_1082 = arith.subi %div3A_1061, %sub3A_1081 : i32
    %select_n3A_1083 = arith.select %and3A_1080, %sub3A_1082, %div3A_1061 : i32
    %eq3A_1084 = arith.cmpi eq, %select_n3A_1083, %squeeze3A : i32
    %convert_element_type3A_1085 = arith.extui %eq3A_1084 : i1 to i32
    %cond3A_1086 = arith.constant 0 : i32
    %cond3A_1087 = arith.cmpi ne, %convert_element_type3A_1085, %cond3A_1086 : i32
    scf.if %cond3A_1087 {
      %mul3A_2592 = arith.constant 4096 : i32
      %mul3A_2593 = arith.muli %squeeze3A, %mul3A_2592 : i32
      %sub3A_2594 = arith.subi %add3A_1059, %mul3A_2593 : i32
      %dma_start3A_2595 = arith.constant 0 : i32
      %dma_start3A_2596 = tpu.memref_slice %arg3[%sub3A_2594, %dma_start3A_2595] : memref<4096x128xf32, #tpu.memory_space<hbm>> -> memref<128x128xf32, #tpu.memory_space<hbm>>
      %dma_start3A_2597 = arith.constant 0 : i32
      %dma_start3A_2598 = tpu.memref_slice %arg3[%sub3A_2594, %dma_start3A_2597] : memref<4096x128xf32, #tpu.memory_space<hbm>> -> memref<128x128xf32, #tpu.memory_space<hbm>>
      tpu.enqueue_dma source(%dma_start3A_2598 : memref<128x128xf32, #tpu.memory_space<hbm>>) target(%arg10 : memref<128x128xf32, #tpu.memory_space<vmem>>) target_semaphore(%arg16 : memref<!tpu.dma_semaphore, #tpu.memory_space<semaphore_mem>>)
    } else {
    }
    %ne3A_1088 = arith.cmpi ne, %select_n3A_1083, %squeeze3A : i32
    %convert_element_type3A_1089 = arith.extui %ne3A_1088 : i1 to i32
    %cond3A_1090 = arith.constant 0 : i32
    %cond3A_1091 = arith.cmpi ne, %convert_element_type3A_1089, %cond3A_1090 : i32
    scf.if %cond3A_1091 {
      %dma_start3A_2592 = arith.constant 0 : i32
      %dma_start3A_2593 = tpu.memref_slice %arg4[%add3A_1059, %dma_start3A_2592] : memref<204800x128xf32, #tpu.memory_space<hbm>> -> memref<128x128xf32, #tpu.memory_space<hbm>>
      %dma_start3A_2594 = arith.constant 0 : i32
      %dma_start3A_2595 = tpu.memref_slice %arg4[%add3A_1059, %dma_start3A_2594] : memref<204800x128xf32, #tpu.memory_space<hbm>> -> memref<128x128xf32, #tpu.memory_space<hbm>>
      tpu.enqueue_dma source(%dma_start3A_2595 : memref<128x128xf32, #tpu.memory_space<hbm>>) target(%arg10 : memref<128x128xf32, #tpu.memory_space<vmem>>) target_semaphore(%arg16 : memref<!tpu.dma_semaphore, #tpu.memory_space<semaphore_mem>>)
    } else {
    }
    %dma_wait3A_1092 = arith.constant 0 : i32
    %dma_wait3A_1093 = arith.constant 0 : i32
    %dma_wait3A_1094 = tpu.memref_slice %arg4[%dma_wait3A_1092, %dma_wait3A_1093] : memref<204800x128xf32, #tpu.memory_space<hbm>> -> memref<128x128xf32, #tpu.memory_space<hbm>>
    %dma_wait3A_1095 = arith.constant 0 : i32
    %dma_wait3A_1096 = arith.constant 0 : i32
    %dma_wait3A_1097 = tpu.memref_slice %arg4[%dma_wait3A_1095, %dma_wait3A_1096] : memref<204800x128xf32, #tpu.memory_space<hbm>> -> memref<128x128xf32, #tpu.memory_space<hbm>>
    tpu.wait_dma2 semaphore(%arg12 : memref<!tpu.dma_semaphore, #tpu.memory_space<semaphore_mem>>) src(%dma_wait3A_1097 : memref<128x128xf32, #tpu.memory_space<hbm>>) dst(%arg6 : memref<128x128xf32, #tpu.memory_space<vmem>>)
    %add3A_1098 = arith.constant 2304 : i32
    %add3A_1099 = arith.addi %mul3A_4, %add3A_1098 : i32
    %dma_start3A_1100 = arith.constant 0 : i32
    %dma_start3A_1101 = tpu.memref_slice %arg5[%add3A_1099, %dma_start3A_1100] : memref<204800x128xf32, #tpu.memory_space<hbm>> -> memref<128x128xf32, #tpu.memory_space<hbm>>
    %dma_start3A_1102 = arith.constant 0 : i32
    %dma_start3A_1103 = tpu.memref_slice %arg5[%add3A_1099, %dma_start3A_1102] : memref<204800x128xf32, #tpu.memory_space<hbm>> -> memref<128x128xf32, #tpu.memory_space<hbm>>
    tpu.enqueue_dma source(%arg6 : memref<128x128xf32, #tpu.memory_space<vmem>>) target(%dma_start3A_1103 : memref<128x128xf32, #tpu.memory_space<hbm>>) target_semaphore(%arg18 : memref<!tpu.dma_semaphore, #tpu.memory_space<semaphore_mem>>)
    %dma_wait3A_1104 = arith.constant 0 : i32
    %dma_wait3A_1105 = arith.constant 0 : i32
    %dma_wait3A_1106 = tpu.memref_slice %arg4[%dma_wait3A_1104, %dma_wait3A_1105] : memref<204800x128xf32, #tpu.memory_space<hbm>> -> memref<128x128xf32, #tpu.memory_space<hbm>>
    %dma_wait3A_1107 = arith.constant 0 : i32
    %dma_wait3A_1108 = arith.constant 0 : i32
    %dma_wait3A_1109 = tpu.memref_slice %arg4[%dma_wait3A_1107, %dma_wait3A_1108] : memref<204800x128xf32, #tpu.memory_space<hbm>> -> memref<128x128xf32, #tpu.memory_space<hbm>>
    tpu.wait_dma2 semaphore(%arg23 : memref<!tpu.dma_semaphore, #tpu.memory_space<semaphore_mem>>) src(%dma_wait3A_1109 : memref<128x128xf32, #tpu.memory_space<hbm>>) dst(%arg11 : memref<128x128xf32, #tpu.memory_space<vmem>>)
    %add3A_1110 = arith.constant 2944 : i32
    %add3A_1111 = arith.addi %mul3A_4, %add3A_1110 : i32
    %jit3A_1112 = arith.constant 4096 : i32
    %div3A_1113 = arith.divsi %add3A_1111, %jit3A_1112 : i32
    %sign3A_1114 = arith.constant 0 : i32
    %sign3A_1115 = arith.cmpi sgt, %add3A_1111, %sign3A_1114 : i32
    %sign3A_1116 = arith.extui %sign3A_1115 : i1 to i32
    %sign3A_1117 = arith.constant 0 : i32
    %sign3A_1118 = arith.cmpi slt, %add3A_1111, %sign3A_1117 : i32
    %sign3A_1119 = arith.extui %sign3A_1118 : i1 to i32
    %sign3A_1120 = arith.subi %sign3A_1116, %sign3A_1119 : i32
    %sign3A_1121 = arith.constant 0 : i32
    %sign3A_1122 = arith.cmpi sgt, %jit3A_1112, %sign3A_1121 : i32
    %sign3A_1123 = arith.extui %sign3A_1122 : i1 to i32
    %sign3A_1124 = arith.constant 0 : i32
    %sign3A_1125 = arith.cmpi slt, %jit3A_1112, %sign3A_1124 : i32
    %sign3A_1126 = arith.extui %sign3A_1125 : i1 to i32
    %sign3A_1127 = arith.subi %sign3A_1123, %sign3A_1126 : i32
    %ne3A_1128 = arith.cmpi ne, %sign3A_1120, %sign3A_1127 : i32
    %rem3A_1129 = arith.remsi %add3A_1111, %jit3A_1112 : i32
    %ne3A_1130 = arith.constant 0 : i32
    %ne3A_1131 = arith.cmpi ne, %rem3A_1129, %ne3A_1130 : i32
    %and3A_1132 = arith.andi %ne3A_1128, %ne3A_1131 : i1
    %sub3A_1133 = arith.constant 1 : i32
    %sub3A_1134 = arith.subi %div3A_1113, %sub3A_1133 : i32
    %select_n3A_1135 = arith.select %and3A_1132, %sub3A_1134, %div3A_1113 : i32
    %eq3A_1136 = arith.cmpi eq, %select_n3A_1135, %squeeze3A : i32
    %convert_element_type3A_1137 = arith.extui %eq3A_1136 : i1 to i32
    %cond3A_1138 = arith.constant 0 : i32
    %cond3A_1139 = arith.cmpi ne, %convert_element_type3A_1137, %cond3A_1138 : i32
    scf.if %cond3A_1139 {
      %mul3A_2592 = arith.constant 4096 : i32
      %mul3A_2593 = arith.muli %squeeze3A, %mul3A_2592 : i32
      %sub3A_2594 = arith.subi %add3A_1111, %mul3A_2593 : i32
      %dma_start3A_2595 = arith.constant 0 : i32
      %dma_start3A_2596 = tpu.memref_slice %arg3[%sub3A_2594, %dma_start3A_2595] : memref<4096x128xf32, #tpu.memory_space<hbm>> -> memref<128x128xf32, #tpu.memory_space<hbm>>
      %dma_start3A_2597 = arith.constant 0 : i32
      %dma_start3A_2598 = tpu.memref_slice %arg3[%sub3A_2594, %dma_start3A_2597] : memref<4096x128xf32, #tpu.memory_space<hbm>> -> memref<128x128xf32, #tpu.memory_space<hbm>>
      tpu.enqueue_dma source(%dma_start3A_2598 : memref<128x128xf32, #tpu.memory_space<hbm>>) target(%arg11 : memref<128x128xf32, #tpu.memory_space<vmem>>) target_semaphore(%arg17 : memref<!tpu.dma_semaphore, #tpu.memory_space<semaphore_mem>>)
    } else {
    }
    %ne3A_1140 = arith.cmpi ne, %select_n3A_1135, %squeeze3A : i32
    %convert_element_type3A_1141 = arith.extui %ne3A_1140 : i1 to i32
    %cond3A_1142 = arith.constant 0 : i32
    %cond3A_1143 = arith.cmpi ne, %convert_element_type3A_1141, %cond3A_1142 : i32
    scf.if %cond3A_1143 {
      %dma_start3A_2592 = arith.constant 0 : i32
      %dma_start3A_2593 = tpu.memref_slice %arg4[%add3A_1111, %dma_start3A_2592] : memref<204800x128xf32, #tpu.memory_space<hbm>> -> memref<128x128xf32, #tpu.memory_space<hbm>>
      %dma_start3A_2594 = arith.constant 0 : i32
      %dma_start3A_2595 = tpu.memref_slice %arg4[%add3A_1111, %dma_start3A_2594] : memref<204800x128xf32, #tpu.memory_space<hbm>> -> memref<128x128xf32, #tpu.memory_space<hbm>>
      tpu.enqueue_dma source(%dma_start3A_2595 : memref<128x128xf32, #tpu.memory_space<hbm>>) target(%arg11 : memref<128x128xf32, #tpu.memory_space<vmem>>) target_semaphore(%arg17 : memref<!tpu.dma_semaphore, #tpu.memory_space<semaphore_mem>>)
    } else {
    }
    %dma_wait3A_1144 = arith.constant 0 : i32
    %dma_wait3A_1145 = arith.constant 0 : i32
    %dma_wait3A_1146 = tpu.memref_slice %arg4[%dma_wait3A_1144, %dma_wait3A_1145] : memref<204800x128xf32, #tpu.memory_space<hbm>> -> memref<128x128xf32, #tpu.memory_space<hbm>>
    %dma_wait3A_1147 = arith.constant 0 : i32
    %dma_wait3A_1148 = arith.constant 0 : i32
    %dma_wait3A_1149 = tpu.memref_slice %arg4[%dma_wait3A_1147, %dma_wait3A_1148] : memref<204800x128xf32, #tpu.memory_space<hbm>> -> memref<128x128xf32, #tpu.memory_space<hbm>>
    tpu.wait_dma2 semaphore(%arg13 : memref<!tpu.dma_semaphore, #tpu.memory_space<semaphore_mem>>) src(%dma_wait3A_1149 : memref<128x128xf32, #tpu.memory_space<hbm>>) dst(%arg7 : memref<128x128xf32, #tpu.memory_space<vmem>>)
    %add3A_1150 = arith.constant 2432 : i32
    %add3A_1151 = arith.addi %mul3A_4, %add3A_1150 : i32
    %dma_start3A_1152 = arith.constant 0 : i32
    %dma_start3A_1153 = tpu.memref_slice %arg5[%add3A_1151, %dma_start3A_1152] : memref<204800x128xf32, #tpu.memory_space<hbm>> -> memref<128x128xf32, #tpu.memory_space<hbm>>
    %dma_start3A_1154 = arith.constant 0 : i32
    %dma_start3A_1155 = tpu.memref_slice %arg5[%add3A_1151, %dma_start3A_1154] : memref<204800x128xf32, #tpu.memory_space<hbm>> -> memref<128x128xf32, #tpu.memory_space<hbm>>
    tpu.enqueue_dma source(%arg7 : memref<128x128xf32, #tpu.memory_space<vmem>>) target(%dma_start3A_1155 : memref<128x128xf32, #tpu.memory_space<hbm>>) target_semaphore(%arg19 : memref<!tpu.dma_semaphore, #tpu.memory_space<semaphore_mem>>)
    %dma_wait3A_1156 = arith.constant 0 : i32
    %dma_wait3A_1157 = arith.constant 0 : i32
    %dma_wait3A_1158 = tpu.memref_slice %arg4[%dma_wait3A_1156, %dma_wait3A_1157] : memref<204800x128xf32, #tpu.memory_space<hbm>> -> memref<128x128xf32, #tpu.memory_space<hbm>>
    %dma_wait3A_1159 = arith.constant 0 : i32
    %dma_wait3A_1160 = arith.constant 0 : i32
    %dma_wait3A_1161 = tpu.memref_slice %arg4[%dma_wait3A_1159, %dma_wait3A_1160] : memref<204800x128xf32, #tpu.memory_space<hbm>> -> memref<128x128xf32, #tpu.memory_space<hbm>>
    tpu.wait_dma2 semaphore(%arg18 : memref<!tpu.dma_semaphore, #tpu.memory_space<semaphore_mem>>) src(%dma_wait3A_1161 : memref<128x128xf32, #tpu.memory_space<hbm>>) dst(%arg6 : memref<128x128xf32, #tpu.memory_space<vmem>>)
    %add3A_1162 = arith.constant 3072 : i32
    %add3A_1163 = arith.addi %mul3A_4, %add3A_1162 : i32
    %jit3A_1164 = arith.constant 4096 : i32
    %div3A_1165 = arith.divsi %add3A_1163, %jit3A_1164 : i32
    %sign3A_1166 = arith.constant 0 : i32
    %sign3A_1167 = arith.cmpi sgt, %add3A_1163, %sign3A_1166 : i32
    %sign3A_1168 = arith.extui %sign3A_1167 : i1 to i32
    %sign3A_1169 = arith.constant 0 : i32
    %sign3A_1170 = arith.cmpi slt, %add3A_1163, %sign3A_1169 : i32
    %sign3A_1171 = arith.extui %sign3A_1170 : i1 to i32
    %sign3A_1172 = arith.subi %sign3A_1168, %sign3A_1171 : i32
    %sign3A_1173 = arith.constant 0 : i32
    %sign3A_1174 = arith.cmpi sgt, %jit3A_1164, %sign3A_1173 : i32
    %sign3A_1175 = arith.extui %sign3A_1174 : i1 to i32
    %sign3A_1176 = arith.constant 0 : i32
    %sign3A_1177 = arith.cmpi slt, %jit3A_1164, %sign3A_1176 : i32
    %sign3A_1178 = arith.extui %sign3A_1177 : i1 to i32
    %sign3A_1179 = arith.subi %sign3A_1175, %sign3A_1178 : i32
    %ne3A_1180 = arith.cmpi ne, %sign3A_1172, %sign3A_1179 : i32
    %rem3A_1181 = arith.remsi %add3A_1163, %jit3A_1164 : i32
    %ne3A_1182 = arith.constant 0 : i32
    %ne3A_1183 = arith.cmpi ne, %rem3A_1181, %ne3A_1182 : i32
    %and3A_1184 = arith.andi %ne3A_1180, %ne3A_1183 : i1
    %sub3A_1185 = arith.constant 1 : i32
    %sub3A_1186 = arith.subi %div3A_1165, %sub3A_1185 : i32
    %select_n3A_1187 = arith.select %and3A_1184, %sub3A_1186, %div3A_1165 : i32
    %eq3A_1188 = arith.cmpi eq, %select_n3A_1187, %squeeze3A : i32
    %convert_element_type3A_1189 = arith.extui %eq3A_1188 : i1 to i32
    %cond3A_1190 = arith.constant 0 : i32
    %cond3A_1191 = arith.cmpi ne, %convert_element_type3A_1189, %cond3A_1190 : i32
    scf.if %cond3A_1191 {
      %mul3A_2592 = arith.constant 4096 : i32
      %mul3A_2593 = arith.muli %squeeze3A, %mul3A_2592 : i32
      %sub3A_2594 = arith.subi %add3A_1163, %mul3A_2593 : i32
      %dma_start3A_2595 = arith.constant 0 : i32
      %dma_start3A_2596 = tpu.memref_slice %arg3[%sub3A_2594, %dma_start3A_2595] : memref<4096x128xf32, #tpu.memory_space<hbm>> -> memref<128x128xf32, #tpu.memory_space<hbm>>
      %dma_start3A_2597 = arith.constant 0 : i32
      %dma_start3A_2598 = tpu.memref_slice %arg3[%sub3A_2594, %dma_start3A_2597] : memref<4096x128xf32, #tpu.memory_space<hbm>> -> memref<128x128xf32, #tpu.memory_space<hbm>>
      tpu.enqueue_dma source(%dma_start3A_2598 : memref<128x128xf32, #tpu.memory_space<hbm>>) target(%arg6 : memref<128x128xf32, #tpu.memory_space<vmem>>) target_semaphore(%arg12 : memref<!tpu.dma_semaphore, #tpu.memory_space<semaphore_mem>>)
    } else {
    }
    %ne3A_1192 = arith.cmpi ne, %select_n3A_1187, %squeeze3A : i32
    %convert_element_type3A_1193 = arith.extui %ne3A_1192 : i1 to i32
    %cond3A_1194 = arith.constant 0 : i32
    %cond3A_1195 = arith.cmpi ne, %convert_element_type3A_1193, %cond3A_1194 : i32
    scf.if %cond3A_1195 {
      %dma_start3A_2592 = arith.constant 0 : i32
      %dma_start3A_2593 = tpu.memref_slice %arg4[%add3A_1163, %dma_start3A_2592] : memref<204800x128xf32, #tpu.memory_space<hbm>> -> memref<128x128xf32, #tpu.memory_space<hbm>>
      %dma_start3A_2594 = arith.constant 0 : i32
      %dma_start3A_2595 = tpu.memref_slice %arg4[%add3A_1163, %dma_start3A_2594] : memref<204800x128xf32, #tpu.memory_space<hbm>> -> memref<128x128xf32, #tpu.memory_space<hbm>>
      tpu.enqueue_dma source(%dma_start3A_2595 : memref<128x128xf32, #tpu.memory_space<hbm>>) target(%arg6 : memref<128x128xf32, #tpu.memory_space<vmem>>) target_semaphore(%arg12 : memref<!tpu.dma_semaphore, #tpu.memory_space<semaphore_mem>>)
    } else {
    }
    %dma_wait3A_1196 = arith.constant 0 : i32
    %dma_wait3A_1197 = arith.constant 0 : i32
    %dma_wait3A_1198 = tpu.memref_slice %arg4[%dma_wait3A_1196, %dma_wait3A_1197] : memref<204800x128xf32, #tpu.memory_space<hbm>> -> memref<128x128xf32, #tpu.memory_space<hbm>>
    %dma_wait3A_1199 = arith.constant 0 : i32
    %dma_wait3A_1200 = arith.constant 0 : i32
    %dma_wait3A_1201 = tpu.memref_slice %arg4[%dma_wait3A_1199, %dma_wait3A_1200] : memref<204800x128xf32, #tpu.memory_space<hbm>> -> memref<128x128xf32, #tpu.memory_space<hbm>>
    tpu.wait_dma2 semaphore(%arg14 : memref<!tpu.dma_semaphore, #tpu.memory_space<semaphore_mem>>) src(%dma_wait3A_1201 : memref<128x128xf32, #tpu.memory_space<hbm>>) dst(%arg8 : memref<128x128xf32, #tpu.memory_space<vmem>>)
    %add3A_1202 = arith.constant 2560 : i32
    %add3A_1203 = arith.addi %mul3A_4, %add3A_1202 : i32
    %dma_start3A_1204 = arith.constant 0 : i32
    %dma_start3A_1205 = tpu.memref_slice %arg5[%add3A_1203, %dma_start3A_1204] : memref<204800x128xf32, #tpu.memory_space<hbm>> -> memref<128x128xf32, #tpu.memory_space<hbm>>
    %dma_start3A_1206 = arith.constant 0 : i32
    %dma_start3A_1207 = tpu.memref_slice %arg5[%add3A_1203, %dma_start3A_1206] : memref<204800x128xf32, #tpu.memory_space<hbm>> -> memref<128x128xf32, #tpu.memory_space<hbm>>
    tpu.enqueue_dma source(%arg8 : memref<128x128xf32, #tpu.memory_space<vmem>>) target(%dma_start3A_1207 : memref<128x128xf32, #tpu.memory_space<hbm>>) target_semaphore(%arg20 : memref<!tpu.dma_semaphore, #tpu.memory_space<semaphore_mem>>)
    %dma_wait3A_1208 = arith.constant 0 : i32
    %dma_wait3A_1209 = arith.constant 0 : i32
    %dma_wait3A_1210 = tpu.memref_slice %arg4[%dma_wait3A_1208, %dma_wait3A_1209] : memref<204800x128xf32, #tpu.memory_space<hbm>> -> memref<128x128xf32, #tpu.memory_space<hbm>>
    %dma_wait3A_1211 = arith.constant 0 : i32
    %dma_wait3A_1212 = arith.constant 0 : i32
    %dma_wait3A_1213 = tpu.memref_slice %arg4[%dma_wait3A_1211, %dma_wait3A_1212] : memref<204800x128xf32, #tpu.memory_space<hbm>> -> memref<128x128xf32, #tpu.memory_space<hbm>>
    tpu.wait_dma2 semaphore(%arg19 : memref<!tpu.dma_semaphore, #tpu.memory_space<semaphore_mem>>) src(%dma_wait3A_1213 : memref<128x128xf32, #tpu.memory_space<hbm>>) dst(%arg7 : memref<128x128xf32, #tpu.memory_space<vmem>>)
    %add3A_1214 = arith.constant 3200 : i32
    %add3A_1215 = arith.addi %mul3A_4, %add3A_1214 : i32
    %jit3A_1216 = arith.constant 4096 : i32
    %div3A_1217 = arith.divsi %add3A_1215, %jit3A_1216 : i32
    %sign3A_1218 = arith.constant 0 : i32
    %sign3A_1219 = arith.cmpi sgt, %add3A_1215, %sign3A_1218 : i32
    %sign3A_1220 = arith.extui %sign3A_1219 : i1 to i32
    %sign3A_1221 = arith.constant 0 : i32
    %sign3A_1222 = arith.cmpi slt, %add3A_1215, %sign3A_1221 : i32
    %sign3A_1223 = arith.extui %sign3A_1222 : i1 to i32
    %sign3A_1224 = arith.subi %sign3A_1220, %sign3A_1223 : i32
    %sign3A_1225 = arith.constant 0 : i32
    %sign3A_1226 = arith.cmpi sgt, %jit3A_1216, %sign3A_1225 : i32
    %sign3A_1227 = arith.extui %sign3A_1226 : i1 to i32
    %sign3A_1228 = arith.constant 0 : i32
    %sign3A_1229 = arith.cmpi slt, %jit3A_1216, %sign3A_1228 : i32
    %sign3A_1230 = arith.extui %sign3A_1229 : i1 to i32
    %sign3A_1231 = arith.subi %sign3A_1227, %sign3A_1230 : i32
    %ne3A_1232 = arith.cmpi ne, %sign3A_1224, %sign3A_1231 : i32
    %rem3A_1233 = arith.remsi %add3A_1215, %jit3A_1216 : i32
    %ne3A_1234 = arith.constant 0 : i32
    %ne3A_1235 = arith.cmpi ne, %rem3A_1233, %ne3A_1234 : i32
    %and3A_1236 = arith.andi %ne3A_1232, %ne3A_1235 : i1
    %sub3A_1237 = arith.constant 1 : i32
    %sub3A_1238 = arith.subi %div3A_1217, %sub3A_1237 : i32
    %select_n3A_1239 = arith.select %and3A_1236, %sub3A_1238, %div3A_1217 : i32
    %eq3A_1240 = arith.cmpi eq, %select_n3A_1239, %squeeze3A : i32
    %convert_element_type3A_1241 = arith.extui %eq3A_1240 : i1 to i32
    %cond3A_1242 = arith.constant 0 : i32
    %cond3A_1243 = arith.cmpi ne, %convert_element_type3A_1241, %cond3A_1242 : i32
    scf.if %cond3A_1243 {
      %mul3A_2592 = arith.constant 4096 : i32
      %mul3A_2593 = arith.muli %squeeze3A, %mul3A_2592 : i32
      %sub3A_2594 = arith.subi %add3A_1215, %mul3A_2593 : i32
      %dma_start3A_2595 = arith.constant 0 : i32
      %dma_start3A_2596 = tpu.memref_slice %arg3[%sub3A_2594, %dma_start3A_2595] : memref<4096x128xf32, #tpu.memory_space<hbm>> -> memref<128x128xf32, #tpu.memory_space<hbm>>
      %dma_start3A_2597 = arith.constant 0 : i32
      %dma_start3A_2598 = tpu.memref_slice %arg3[%sub3A_2594, %dma_start3A_2597] : memref<4096x128xf32, #tpu.memory_space<hbm>> -> memref<128x128xf32, #tpu.memory_space<hbm>>
      tpu.enqueue_dma source(%dma_start3A_2598 : memref<128x128xf32, #tpu.memory_space<hbm>>) target(%arg7 : memref<128x128xf32, #tpu.memory_space<vmem>>) target_semaphore(%arg13 : memref<!tpu.dma_semaphore, #tpu.memory_space<semaphore_mem>>)
    } else {
    }
    %ne3A_1244 = arith.cmpi ne, %select_n3A_1239, %squeeze3A : i32
    %convert_element_type3A_1245 = arith.extui %ne3A_1244 : i1 to i32
    %cond3A_1246 = arith.constant 0 : i32
    %cond3A_1247 = arith.cmpi ne, %convert_element_type3A_1245, %cond3A_1246 : i32
    scf.if %cond3A_1247 {
      %dma_start3A_2592 = arith.constant 0 : i32
      %dma_start3A_2593 = tpu.memref_slice %arg4[%add3A_1215, %dma_start3A_2592] : memref<204800x128xf32, #tpu.memory_space<hbm>> -> memref<128x128xf32, #tpu.memory_space<hbm>>
      %dma_start3A_2594 = arith.constant 0 : i32
      %dma_start3A_2595 = tpu.memref_slice %arg4[%add3A_1215, %dma_start3A_2594] : memref<204800x128xf32, #tpu.memory_space<hbm>> -> memref<128x128xf32, #tpu.memory_space<hbm>>
      tpu.enqueue_dma source(%dma_start3A_2595 : memref<128x128xf32, #tpu.memory_space<hbm>>) target(%arg7 : memref<128x128xf32, #tpu.memory_space<vmem>>) target_semaphore(%arg13 : memref<!tpu.dma_semaphore, #tpu.memory_space<semaphore_mem>>)
    } else {
    }
    %dma_wait3A_1248 = arith.constant 0 : i32
    %dma_wait3A_1249 = arith.constant 0 : i32
    %dma_wait3A_1250 = tpu.memref_slice %arg4[%dma_wait3A_1248, %dma_wait3A_1249] : memref<204800x128xf32, #tpu.memory_space<hbm>> -> memref<128x128xf32, #tpu.memory_space<hbm>>
    %dma_wait3A_1251 = arith.constant 0 : i32
    %dma_wait3A_1252 = arith.constant 0 : i32
    %dma_wait3A_1253 = tpu.memref_slice %arg4[%dma_wait3A_1251, %dma_wait3A_1252] : memref<204800x128xf32, #tpu.memory_space<hbm>> -> memref<128x128xf32, #tpu.memory_space<hbm>>
    tpu.wait_dma2 semaphore(%arg15 : memref<!tpu.dma_semaphore, #tpu.memory_space<semaphore_mem>>) src(%dma_wait3A_1253 : memref<128x128xf32, #tpu.memory_space<hbm>>) dst(%arg9 : memref<128x128xf32, #tpu.memory_space<vmem>>)
    %add3A_1254 = arith.constant 2688 : i32
    %add3A_1255 = arith.addi %mul3A_4, %add3A_1254 : i32
    %dma_start3A_1256 = arith.constant 0 : i32
    %dma_start3A_1257 = tpu.memref_slice %arg5[%add3A_1255, %dma_start3A_1256] : memref<204800x128xf32, #tpu.memory_space<hbm>> -> memref<128x128xf32, #tpu.memory_space<hbm>>
    %dma_start3A_1258 = arith.constant 0 : i32
    %dma_start3A_1259 = tpu.memref_slice %arg5[%add3A_1255, %dma_start3A_1258] : memref<204800x128xf32, #tpu.memory_space<hbm>> -> memref<128x128xf32, #tpu.memory_space<hbm>>
    tpu.enqueue_dma source(%arg9 : memref<128x128xf32, #tpu.memory_space<vmem>>) target(%dma_start3A_1259 : memref<128x128xf32, #tpu.memory_space<hbm>>) target_semaphore(%arg21 : memref<!tpu.dma_semaphore, #tpu.memory_space<semaphore_mem>>)
    %dma_wait3A_1260 = arith.constant 0 : i32
    %dma_wait3A_1261 = arith.constant 0 : i32
    %dma_wait3A_1262 = tpu.memref_slice %arg4[%dma_wait3A_1260, %dma_wait3A_1261] : memref<204800x128xf32, #tpu.memory_space<hbm>> -> memref<128x128xf32, #tpu.memory_space<hbm>>
    %dma_wait3A_1263 = arith.constant 0 : i32
    %dma_wait3A_1264 = arith.constant 0 : i32
    %dma_wait3A_1265 = tpu.memref_slice %arg4[%dma_wait3A_1263, %dma_wait3A_1264] : memref<204800x128xf32, #tpu.memory_space<hbm>> -> memref<128x128xf32, #tpu.memory_space<hbm>>
    tpu.wait_dma2 semaphore(%arg20 : memref<!tpu.dma_semaphore, #tpu.memory_space<semaphore_mem>>) src(%dma_wait3A_1265 : memref<128x128xf32, #tpu.memory_space<hbm>>) dst(%arg8 : memref<128x128xf32, #tpu.memory_space<vmem>>)
    %add3A_1266 = arith.constant 3328 : i32
    %add3A_1267 = arith.addi %mul3A_4, %add3A_1266 : i32
    %jit3A_1268 = arith.constant 4096 : i32
    %div3A_1269 = arith.divsi %add3A_1267, %jit3A_1268 : i32
    %sign3A_1270 = arith.constant 0 : i32
    %sign3A_1271 = arith.cmpi sgt, %add3A_1267, %sign3A_1270 : i32
    %sign3A_1272 = arith.extui %sign3A_1271 : i1 to i32
    %sign3A_1273 = arith.constant 0 : i32
    %sign3A_1274 = arith.cmpi slt, %add3A_1267, %sign3A_1273 : i32
    %sign3A_1275 = arith.extui %sign3A_1274 : i1 to i32
    %sign3A_1276 = arith.subi %sign3A_1272, %sign3A_1275 : i32
    %sign3A_1277 = arith.constant 0 : i32
    %sign3A_1278 = arith.cmpi sgt, %jit3A_1268, %sign3A_1277 : i32
    %sign3A_1279 = arith.extui %sign3A_1278 : i1 to i32
    %sign3A_1280 = arith.constant 0 : i32
    %sign3A_1281 = arith.cmpi slt, %jit3A_1268, %sign3A_1280 : i32
    %sign3A_1282 = arith.extui %sign3A_1281 : i1 to i32
    %sign3A_1283 = arith.subi %sign3A_1279, %sign3A_1282 : i32
    %ne3A_1284 = arith.cmpi ne, %sign3A_1276, %sign3A_1283 : i32
    %rem3A_1285 = arith.remsi %add3A_1267, %jit3A_1268 : i32
    %ne3A_1286 = arith.constant 0 : i32
    %ne3A_1287 = arith.cmpi ne, %rem3A_1285, %ne3A_1286 : i32
    %and3A_1288 = arith.andi %ne3A_1284, %ne3A_1287 : i1
    %sub3A_1289 = arith.constant 1 : i32
    %sub3A_1290 = arith.subi %div3A_1269, %sub3A_1289 : i32
    %select_n3A_1291 = arith.select %and3A_1288, %sub3A_1290, %div3A_1269 : i32
    %eq3A_1292 = arith.cmpi eq, %select_n3A_1291, %squeeze3A : i32
    %convert_element_type3A_1293 = arith.extui %eq3A_1292 : i1 to i32
    %cond3A_1294 = arith.constant 0 : i32
    %cond3A_1295 = arith.cmpi ne, %convert_element_type3A_1293, %cond3A_1294 : i32
    scf.if %cond3A_1295 {
      %mul3A_2592 = arith.constant 4096 : i32
      %mul3A_2593 = arith.muli %squeeze3A, %mul3A_2592 : i32
      %sub3A_2594 = arith.subi %add3A_1267, %mul3A_2593 : i32
      %dma_start3A_2595 = arith.constant 0 : i32
      %dma_start3A_2596 = tpu.memref_slice %arg3[%sub3A_2594, %dma_start3A_2595] : memref<4096x128xf32, #tpu.memory_space<hbm>> -> memref<128x128xf32, #tpu.memory_space<hbm>>
      %dma_start3A_2597 = arith.constant 0 : i32
      %dma_start3A_2598 = tpu.memref_slice %arg3[%sub3A_2594, %dma_start3A_2597] : memref<4096x128xf32, #tpu.memory_space<hbm>> -> memref<128x128xf32, #tpu.memory_space<hbm>>
      tpu.enqueue_dma source(%dma_start3A_2598 : memref<128x128xf32, #tpu.memory_space<hbm>>) target(%arg8 : memref<128x128xf32, #tpu.memory_space<vmem>>) target_semaphore(%arg14 : memref<!tpu.dma_semaphore, #tpu.memory_space<semaphore_mem>>)
    } else {
    }
    %ne3A_1296 = arith.cmpi ne, %select_n3A_1291, %squeeze3A : i32
    %convert_element_type3A_1297 = arith.extui %ne3A_1296 : i1 to i32
    %cond3A_1298 = arith.constant 0 : i32
    %cond3A_1299 = arith.cmpi ne, %convert_element_type3A_1297, %cond3A_1298 : i32
    scf.if %cond3A_1299 {
      %dma_start3A_2592 = arith.constant 0 : i32
      %dma_start3A_2593 = tpu.memref_slice %arg4[%add3A_1267, %dma_start3A_2592] : memref<204800x128xf32, #tpu.memory_space<hbm>> -> memref<128x128xf32, #tpu.memory_space<hbm>>
      %dma_start3A_2594 = arith.constant 0 : i32
      %dma_start3A_2595 = tpu.memref_slice %arg4[%add3A_1267, %dma_start3A_2594] : memref<204800x128xf32, #tpu.memory_space<hbm>> -> memref<128x128xf32, #tpu.memory_space<hbm>>
      tpu.enqueue_dma source(%dma_start3A_2595 : memref<128x128xf32, #tpu.memory_space<hbm>>) target(%arg8 : memref<128x128xf32, #tpu.memory_space<vmem>>) target_semaphore(%arg14 : memref<!tpu.dma_semaphore, #tpu.memory_space<semaphore_mem>>)
    } else {
    }
    %dma_wait3A_1300 = arith.constant 0 : i32
    %dma_wait3A_1301 = arith.constant 0 : i32
    %dma_wait3A_1302 = tpu.memref_slice %arg4[%dma_wait3A_1300, %dma_wait3A_1301] : memref<204800x128xf32, #tpu.memory_space<hbm>> -> memref<128x128xf32, #tpu.memory_space<hbm>>
    %dma_wait3A_1303 = arith.constant 0 : i32
    %dma_wait3A_1304 = arith.constant 0 : i32
    %dma_wait3A_1305 = tpu.memref_slice %arg4[%dma_wait3A_1303, %dma_wait3A_1304] : memref<204800x128xf32, #tpu.memory_space<hbm>> -> memref<128x128xf32, #tpu.memory_space<hbm>>
    tpu.wait_dma2 semaphore(%arg16 : memref<!tpu.dma_semaphore, #tpu.memory_space<semaphore_mem>>) src(%dma_wait3A_1305 : memref<128x128xf32, #tpu.memory_space<hbm>>) dst(%arg10 : memref<128x128xf32, #tpu.memory_space<vmem>>)
    %add3A_1306 = arith.constant 2816 : i32
    %add3A_1307 = arith.addi %mul3A_4, %add3A_1306 : i32
    %dma_start3A_1308 = arith.constant 0 : i32
    %dma_start3A_1309 = tpu.memref_slice %arg5[%add3A_1307, %dma_start3A_1308] : memref<204800x128xf32, #tpu.memory_space<hbm>> -> memref<128x128xf32, #tpu.memory_space<hbm>>
    %dma_start3A_1310 = arith.constant 0 : i32
    %dma_start3A_1311 = tpu.memref_slice %arg5[%add3A_1307, %dma_start3A_1310] : memref<204800x128xf32, #tpu.memory_space<hbm>> -> memref<128x128xf32, #tpu.memory_space<hbm>>
    tpu.enqueue_dma source(%arg10 : memref<128x128xf32, #tpu.memory_space<vmem>>) target(%dma_start3A_1311 : memref<128x128xf32, #tpu.memory_space<hbm>>) target_semaphore(%arg22 : memref<!tpu.dma_semaphore, #tpu.memory_space<semaphore_mem>>)
    %dma_wait3A_1312 = arith.constant 0 : i32
    %dma_wait3A_1313 = arith.constant 0 : i32
    %dma_wait3A_1314 = tpu.memref_slice %arg4[%dma_wait3A_1312, %dma_wait3A_1313] : memref<204800x128xf32, #tpu.memory_space<hbm>> -> memref<128x128xf32, #tpu.memory_space<hbm>>
    %dma_wait3A_1315 = arith.constant 0 : i32
    %dma_wait3A_1316 = arith.constant 0 : i32
    %dma_wait3A_1317 = tpu.memref_slice %arg4[%dma_wait3A_1315, %dma_wait3A_1316] : memref<204800x128xf32, #tpu.memory_space<hbm>> -> memref<128x128xf32, #tpu.memory_space<hbm>>
    tpu.wait_dma2 semaphore(%arg21 : memref<!tpu.dma_semaphore, #tpu.memory_space<semaphore_mem>>) src(%dma_wait3A_1317 : memref<128x128xf32, #tpu.memory_space<hbm>>) dst(%arg9 : memref<128x128xf32, #tpu.memory_space<vmem>>)
    %add3A_1318 = arith.constant 3456 : i32
    %add3A_1319 = arith.addi %mul3A_4, %add3A_1318 : i32
    %jit3A_1320 = arith.constant 4096 : i32
    %div3A_1321 = arith.divsi %add3A_1319, %jit3A_1320 : i32
    %sign3A_1322 = arith.constant 0 : i32
    %sign3A_1323 = arith.cmpi sgt, %add3A_1319, %sign3A_1322 : i32
    %sign3A_1324 = arith.extui %sign3A_1323 : i1 to i32
    %sign3A_1325 = arith.constant 0 : i32
    %sign3A_1326 = arith.cmpi slt, %add3A_1319, %sign3A_1325 : i32
    %sign3A_1327 = arith.extui %sign3A_1326 : i1 to i32
    %sign3A_1328 = arith.subi %sign3A_1324, %sign3A_1327 : i32
    %sign3A_1329 = arith.constant 0 : i32
    %sign3A_1330 = arith.cmpi sgt, %jit3A_1320, %sign3A_1329 : i32
    %sign3A_1331 = arith.extui %sign3A_1330 : i1 to i32
    %sign3A_1332 = arith.constant 0 : i32
    %sign3A_1333 = arith.cmpi slt, %jit3A_1320, %sign3A_1332 : i32
    %sign3A_1334 = arith.extui %sign3A_1333 : i1 to i32
    %sign3A_1335 = arith.subi %sign3A_1331, %sign3A_1334 : i32
    %ne3A_1336 = arith.cmpi ne, %sign3A_1328, %sign3A_1335 : i32
    %rem3A_1337 = arith.remsi %add3A_1319, %jit3A_1320 : i32
    %ne3A_1338 = arith.constant 0 : i32
    %ne3A_1339 = arith.cmpi ne, %rem3A_1337, %ne3A_1338 : i32
    %and3A_1340 = arith.andi %ne3A_1336, %ne3A_1339 : i1
    %sub3A_1341 = arith.constant 1 : i32
    %sub3A_1342 = arith.subi %div3A_1321, %sub3A_1341 : i32
    %select_n3A_1343 = arith.select %and3A_1340, %sub3A_1342, %div3A_1321 : i32
    %eq3A_1344 = arith.cmpi eq, %select_n3A_1343, %squeeze3A : i32
    %convert_element_type3A_1345 = arith.extui %eq3A_1344 : i1 to i32
    %cond3A_1346 = arith.constant 0 : i32
    %cond3A_1347 = arith.cmpi ne, %convert_element_type3A_1345, %cond3A_1346 : i32
    scf.if %cond3A_1347 {
      %mul3A_2592 = arith.constant 4096 : i32
      %mul3A_2593 = arith.muli %squeeze3A, %mul3A_2592 : i32
      %sub3A_2594 = arith.subi %add3A_1319, %mul3A_2593 : i32
      %dma_start3A_2595 = arith.constant 0 : i32
      %dma_start3A_2596 = tpu.memref_slice %arg3[%sub3A_2594, %dma_start3A_2595] : memref<4096x128xf32, #tpu.memory_space<hbm>> -> memref<128x128xf32, #tpu.memory_space<hbm>>
      %dma_start3A_2597 = arith.constant 0 : i32
      %dma_start3A_2598 = tpu.memref_slice %arg3[%sub3A_2594, %dma_start3A_2597] : memref<4096x128xf32, #tpu.memory_space<hbm>> -> memref<128x128xf32, #tpu.memory_space<hbm>>
      tpu.enqueue_dma source(%dma_start3A_2598 : memref<128x128xf32, #tpu.memory_space<hbm>>) target(%arg9 : memref<128x128xf32, #tpu.memory_space<vmem>>) target_semaphore(%arg15 : memref<!tpu.dma_semaphore, #tpu.memory_space<semaphore_mem>>)
    } else {
    }
    %ne3A_1348 = arith.cmpi ne, %select_n3A_1343, %squeeze3A : i32
    %convert_element_type3A_1349 = arith.extui %ne3A_1348 : i1 to i32
    %cond3A_1350 = arith.constant 0 : i32
    %cond3A_1351 = arith.cmpi ne, %convert_element_type3A_1349, %cond3A_1350 : i32
    scf.if %cond3A_1351 {
      %dma_start3A_2592 = arith.constant 0 : i32
      %dma_start3A_2593 = tpu.memref_slice %arg4[%add3A_1319, %dma_start3A_2592] : memref<204800x128xf32, #tpu.memory_space<hbm>> -> memref<128x128xf32, #tpu.memory_space<hbm>>
      %dma_start3A_2594 = arith.constant 0 : i32
      %dma_start3A_2595 = tpu.memref_slice %arg4[%add3A_1319, %dma_start3A_2594] : memref<204800x128xf32, #tpu.memory_space<hbm>> -> memref<128x128xf32, #tpu.memory_space<hbm>>
      tpu.enqueue_dma source(%dma_start3A_2595 : memref<128x128xf32, #tpu.memory_space<hbm>>) target(%arg9 : memref<128x128xf32, #tpu.memory_space<vmem>>) target_semaphore(%arg15 : memref<!tpu.dma_semaphore, #tpu.memory_space<semaphore_mem>>)
    } else {
    }
    %dma_wait3A_1352 = arith.constant 0 : i32
    %dma_wait3A_1353 = arith.constant 0 : i32
    %dma_wait3A_1354 = tpu.memref_slice %arg4[%dma_wait3A_1352, %dma_wait3A_1353] : memref<204800x128xf32, #tpu.memory_space<hbm>> -> memref<128x128xf32, #tpu.memory_space<hbm>>
    %dma_wait3A_1355 = arith.constant 0 : i32
    %dma_wait3A_1356 = arith.constant 0 : i32
    %dma_wait3A_1357 = tpu.memref_slice %arg4[%dma_wait3A_1355, %dma_wait3A_1356] : memref<204800x128xf32, #tpu.memory_space<hbm>> -> memref<128x128xf32, #tpu.memory_space<hbm>>
    tpu.wait_dma2 semaphore(%arg17 : memref<!tpu.dma_semaphore, #tpu.memory_space<semaphore_mem>>) src(%dma_wait3A_1357 : memref<128x128xf32, #tpu.memory_space<hbm>>) dst(%arg11 : memref<128x128xf32, #tpu.memory_space<vmem>>)
    %add3A_1358 = arith.constant 2944 : i32
    %add3A_1359 = arith.addi %mul3A_4, %add3A_1358 : i32
    %dma_start3A_1360 = arith.constant 0 : i32
    %dma_start3A_1361 = tpu.memref_slice %arg5[%add3A_1359, %dma_start3A_1360] : memref<204800x128xf32, #tpu.memory_space<hbm>> -> memref<128x128xf32, #tpu.memory_space<hbm>>
    %dma_start3A_1362 = arith.constant 0 : i32
    %dma_start3A_1363 = tpu.memref_slice %arg5[%add3A_1359, %dma_start3A_1362] : memref<204800x128xf32, #tpu.memory_space<hbm>> -> memref<128x128xf32, #tpu.memory_space<hbm>>
    tpu.enqueue_dma source(%arg11 : memref<128x128xf32, #tpu.memory_space<vmem>>) target(%dma_start3A_1363 : memref<128x128xf32, #tpu.memory_space<hbm>>) target_semaphore(%arg23 : memref<!tpu.dma_semaphore, #tpu.memory_space<semaphore_mem>>)
    %dma_wait3A_1364 = arith.constant 0 : i32
    %dma_wait3A_1365 = arith.constant 0 : i32
    %dma_wait3A_1366 = tpu.memref_slice %arg4[%dma_wait3A_1364, %dma_wait3A_1365] : memref<204800x128xf32, #tpu.memory_space<hbm>> -> memref<128x128xf32, #tpu.memory_space<hbm>>
    %dma_wait3A_1367 = arith.constant 0 : i32
    %dma_wait3A_1368 = arith.constant 0 : i32
    %dma_wait3A_1369 = tpu.memref_slice %arg4[%dma_wait3A_1367, %dma_wait3A_1368] : memref<204800x128xf32, #tpu.memory_space<hbm>> -> memref<128x128xf32, #tpu.memory_space<hbm>>
    tpu.wait_dma2 semaphore(%arg22 : memref<!tpu.dma_semaphore, #tpu.memory_space<semaphore_mem>>) src(%dma_wait3A_1369 : memref<128x128xf32, #tpu.memory_space<hbm>>) dst(%arg10 : memref<128x128xf32, #tpu.memory_space<vmem>>)
    %add3A_1370 = arith.constant 3584 : i32
    %add3A_1371 = arith.addi %mul3A_4, %add3A_1370 : i32
    %jit3A_1372 = arith.constant 4096 : i32
    %div3A_1373 = arith.divsi %add3A_1371, %jit3A_1372 : i32
    %sign3A_1374 = arith.constant 0 : i32
    %sign3A_1375 = arith.cmpi sgt, %add3A_1371, %sign3A_1374 : i32
    %sign3A_1376 = arith.extui %sign3A_1375 : i1 to i32
    %sign3A_1377 = arith.constant 0 : i32
    %sign3A_1378 = arith.cmpi slt, %add3A_1371, %sign3A_1377 : i32
    %sign3A_1379 = arith.extui %sign3A_1378 : i1 to i32
    %sign3A_1380 = arith.subi %sign3A_1376, %sign3A_1379 : i32
    %sign3A_1381 = arith.constant 0 : i32
    %sign3A_1382 = arith.cmpi sgt, %jit3A_1372, %sign3A_1381 : i32
    %sign3A_1383 = arith.extui %sign3A_1382 : i1 to i32
    %sign3A_1384 = arith.constant 0 : i32
    %sign3A_1385 = arith.cmpi slt, %jit3A_1372, %sign3A_1384 : i32
    %sign3A_1386 = arith.extui %sign3A_1385 : i1 to i32
    %sign3A_1387 = arith.subi %sign3A_1383, %sign3A_1386 : i32
    %ne3A_1388 = arith.cmpi ne, %sign3A_1380, %sign3A_1387 : i32
    %rem3A_1389 = arith.remsi %add3A_1371, %jit3A_1372 : i32
    %ne3A_1390 = arith.constant 0 : i32
    %ne3A_1391 = arith.cmpi ne, %rem3A_1389, %ne3A_1390 : i32
    %and3A_1392 = arith.andi %ne3A_1388, %ne3A_1391 : i1
    %sub3A_1393 = arith.constant 1 : i32
    %sub3A_1394 = arith.subi %div3A_1373, %sub3A_1393 : i32
    %select_n3A_1395 = arith.select %and3A_1392, %sub3A_1394, %div3A_1373 : i32
    %eq3A_1396 = arith.cmpi eq, %select_n3A_1395, %squeeze3A : i32
    %convert_element_type3A_1397 = arith.extui %eq3A_1396 : i1 to i32
    %cond3A_1398 = arith.constant 0 : i32
    %cond3A_1399 = arith.cmpi ne, %convert_element_type3A_1397, %cond3A_1398 : i32
    scf.if %cond3A_1399 {
      %mul3A_2592 = arith.constant 4096 : i32
      %mul3A_2593 = arith.muli %squeeze3A, %mul3A_2592 : i32
      %sub3A_2594 = arith.subi %add3A_1371, %mul3A_2593 : i32
      %dma_start3A_2595 = arith.constant 0 : i32
      %dma_start3A_2596 = tpu.memref_slice %arg3[%sub3A_2594, %dma_start3A_2595] : memref<4096x128xf32, #tpu.memory_space<hbm>> -> memref<128x128xf32, #tpu.memory_space<hbm>>
      %dma_start3A_2597 = arith.constant 0 : i32
      %dma_start3A_2598 = tpu.memref_slice %arg3[%sub3A_2594, %dma_start3A_2597] : memref<4096x128xf32, #tpu.memory_space<hbm>> -> memref<128x128xf32, #tpu.memory_space<hbm>>
      tpu.enqueue_dma source(%dma_start3A_2598 : memref<128x128xf32, #tpu.memory_space<hbm>>) target(%arg10 : memref<128x128xf32, #tpu.memory_space<vmem>>) target_semaphore(%arg16 : memref<!tpu.dma_semaphore, #tpu.memory_space<semaphore_mem>>)
    } else {
    }
    %ne3A_1400 = arith.cmpi ne, %select_n3A_1395, %squeeze3A : i32
    %convert_element_type3A_1401 = arith.extui %ne3A_1400 : i1 to i32
    %cond3A_1402 = arith.constant 0 : i32
    %cond3A_1403 = arith.cmpi ne, %convert_element_type3A_1401, %cond3A_1402 : i32
    scf.if %cond3A_1403 {
      %dma_start3A_2592 = arith.constant 0 : i32
      %dma_start3A_2593 = tpu.memref_slice %arg4[%add3A_1371, %dma_start3A_2592] : memref<204800x128xf32, #tpu.memory_space<hbm>> -> memref<128x128xf32, #tpu.memory_space<hbm>>
      %dma_start3A_2594 = arith.constant 0 : i32
      %dma_start3A_2595 = tpu.memref_slice %arg4[%add3A_1371, %dma_start3A_2594] : memref<204800x128xf32, #tpu.memory_space<hbm>> -> memref<128x128xf32, #tpu.memory_space<hbm>>
      tpu.enqueue_dma source(%dma_start3A_2595 : memref<128x128xf32, #tpu.memory_space<hbm>>) target(%arg10 : memref<128x128xf32, #tpu.memory_space<vmem>>) target_semaphore(%arg16 : memref<!tpu.dma_semaphore, #tpu.memory_space<semaphore_mem>>)
    } else {
    }
    %dma_wait3A_1404 = arith.constant 0 : i32
    %dma_wait3A_1405 = arith.constant 0 : i32
    %dma_wait3A_1406 = tpu.memref_slice %arg4[%dma_wait3A_1404, %dma_wait3A_1405] : memref<204800x128xf32, #tpu.memory_space<hbm>> -> memref<128x128xf32, #tpu.memory_space<hbm>>
    %dma_wait3A_1407 = arith.constant 0 : i32
    %dma_wait3A_1408 = arith.constant 0 : i32
    %dma_wait3A_1409 = tpu.memref_slice %arg4[%dma_wait3A_1407, %dma_wait3A_1408] : memref<204800x128xf32, #tpu.memory_space<hbm>> -> memref<128x128xf32, #tpu.memory_space<hbm>>
    tpu.wait_dma2 semaphore(%arg12 : memref<!tpu.dma_semaphore, #tpu.memory_space<semaphore_mem>>) src(%dma_wait3A_1409 : memref<128x128xf32, #tpu.memory_space<hbm>>) dst(%arg6 : memref<128x128xf32, #tpu.memory_space<vmem>>)
    %add3A_1410 = arith.constant 3072 : i32
    %add3A_1411 = arith.addi %mul3A_4, %add3A_1410 : i32
    %dma_start3A_1412 = arith.constant 0 : i32
    %dma_start3A_1413 = tpu.memref_slice %arg5[%add3A_1411, %dma_start3A_1412] : memref<204800x128xf32, #tpu.memory_space<hbm>> -> memref<128x128xf32, #tpu.memory_space<hbm>>
    %dma_start3A_1414 = arith.constant 0 : i32
    %dma_start3A_1415 = tpu.memref_slice %arg5[%add3A_1411, %dma_start3A_1414] : memref<204800x128xf32, #tpu.memory_space<hbm>> -> memref<128x128xf32, #tpu.memory_space<hbm>>
    tpu.enqueue_dma source(%arg6 : memref<128x128xf32, #tpu.memory_space<vmem>>) target(%dma_start3A_1415 : memref<128x128xf32, #tpu.memory_space<hbm>>) target_semaphore(%arg18 : memref<!tpu.dma_semaphore, #tpu.memory_space<semaphore_mem>>)
    %dma_wait3A_1416 = arith.constant 0 : i32
    %dma_wait3A_1417 = arith.constant 0 : i32
    %dma_wait3A_1418 = tpu.memref_slice %arg4[%dma_wait3A_1416, %dma_wait3A_1417] : memref<204800x128xf32, #tpu.memory_space<hbm>> -> memref<128x128xf32, #tpu.memory_space<hbm>>
    %dma_wait3A_1419 = arith.constant 0 : i32
    %dma_wait3A_1420 = arith.constant 0 : i32
    %dma_wait3A_1421 = tpu.memref_slice %arg4[%dma_wait3A_1419, %dma_wait3A_1420] : memref<204800x128xf32, #tpu.memory_space<hbm>> -> memref<128x128xf32, #tpu.memory_space<hbm>>
    tpu.wait_dma2 semaphore(%arg23 : memref<!tpu.dma_semaphore, #tpu.memory_space<semaphore_mem>>) src(%dma_wait3A_1421 : memref<128x128xf32, #tpu.memory_space<hbm>>) dst(%arg11 : memref<128x128xf32, #tpu.memory_space<vmem>>)
    %add3A_1422 = arith.constant 3712 : i32
    %add3A_1423 = arith.addi %mul3A_4, %add3A_1422 : i32
    %jit3A_1424 = arith.constant 4096 : i32
    %div3A_1425 = arith.divsi %add3A_1423, %jit3A_1424 : i32
    %sign3A_1426 = arith.constant 0 : i32
    %sign3A_1427 = arith.cmpi sgt, %add3A_1423, %sign3A_1426 : i32
    %sign3A_1428 = arith.extui %sign3A_1427 : i1 to i32
    %sign3A_1429 = arith.constant 0 : i32
    %sign3A_1430 = arith.cmpi slt, %add3A_1423, %sign3A_1429 : i32
    %sign3A_1431 = arith.extui %sign3A_1430 : i1 to i32
    %sign3A_1432 = arith.subi %sign3A_1428, %sign3A_1431 : i32
    %sign3A_1433 = arith.constant 0 : i32
    %sign3A_1434 = arith.cmpi sgt, %jit3A_1424, %sign3A_1433 : i32
    %sign3A_1435 = arith.extui %sign3A_1434 : i1 to i32
    %sign3A_1436 = arith.constant 0 : i32
    %sign3A_1437 = arith.cmpi slt, %jit3A_1424, %sign3A_1436 : i32
    %sign3A_1438 = arith.extui %sign3A_1437 : i1 to i32
    %sign3A_1439 = arith.subi %sign3A_1435, %sign3A_1438 : i32
    %ne3A_1440 = arith.cmpi ne, %sign3A_1432, %sign3A_1439 : i32
    %rem3A_1441 = arith.remsi %add3A_1423, %jit3A_1424 : i32
    %ne3A_1442 = arith.constant 0 : i32
    %ne3A_1443 = arith.cmpi ne, %rem3A_1441, %ne3A_1442 : i32
    %and3A_1444 = arith.andi %ne3A_1440, %ne3A_1443 : i1
    %sub3A_1445 = arith.constant 1 : i32
    %sub3A_1446 = arith.subi %div3A_1425, %sub3A_1445 : i32
    %select_n3A_1447 = arith.select %and3A_1444, %sub3A_1446, %div3A_1425 : i32
    %eq3A_1448 = arith.cmpi eq, %select_n3A_1447, %squeeze3A : i32
    %convert_element_type3A_1449 = arith.extui %eq3A_1448 : i1 to i32
    %cond3A_1450 = arith.constant 0 : i32
    %cond3A_1451 = arith.cmpi ne, %convert_element_type3A_1449, %cond3A_1450 : i32
    scf.if %cond3A_1451 {
      %mul3A_2592 = arith.constant 4096 : i32
      %mul3A_2593 = arith.muli %squeeze3A, %mul3A_2592 : i32
      %sub3A_2594 = arith.subi %add3A_1423, %mul3A_2593 : i32
      %dma_start3A_2595 = arith.constant 0 : i32
      %dma_start3A_2596 = tpu.memref_slice %arg3[%sub3A_2594, %dma_start3A_2595] : memref<4096x128xf32, #tpu.memory_space<hbm>> -> memref<128x128xf32, #tpu.memory_space<hbm>>
      %dma_start3A_2597 = arith.constant 0 : i32
      %dma_start3A_2598 = tpu.memref_slice %arg3[%sub3A_2594, %dma_start3A_2597] : memref<4096x128xf32, #tpu.memory_space<hbm>> -> memref<128x128xf32, #tpu.memory_space<hbm>>
      tpu.enqueue_dma source(%dma_start3A_2598 : memref<128x128xf32, #tpu.memory_space<hbm>>) target(%arg11 : memref<128x128xf32, #tpu.memory_space<vmem>>) target_semaphore(%arg17 : memref<!tpu.dma_semaphore, #tpu.memory_space<semaphore_mem>>)
    } else {
    }
    %ne3A_1452 = arith.cmpi ne, %select_n3A_1447, %squeeze3A : i32
    %convert_element_type3A_1453 = arith.extui %ne3A_1452 : i1 to i32
    %cond3A_1454 = arith.constant 0 : i32
    %cond3A_1455 = arith.cmpi ne, %convert_element_type3A_1453, %cond3A_1454 : i32
    scf.if %cond3A_1455 {
      %dma_start3A_2592 = arith.constant 0 : i32
      %dma_start3A_2593 = tpu.memref_slice %arg4[%add3A_1423, %dma_start3A_2592] : memref<204800x128xf32, #tpu.memory_space<hbm>> -> memref<128x128xf32, #tpu.memory_space<hbm>>
      %dma_start3A_2594 = arith.constant 0 : i32
      %dma_start3A_2595 = tpu.memref_slice %arg4[%add3A_1423, %dma_start3A_2594] : memref<204800x128xf32, #tpu.memory_space<hbm>> -> memref<128x128xf32, #tpu.memory_space<hbm>>
      tpu.enqueue_dma source(%dma_start3A_2595 : memref<128x128xf32, #tpu.memory_space<hbm>>) target(%arg11 : memref<128x128xf32, #tpu.memory_space<vmem>>) target_semaphore(%arg17 : memref<!tpu.dma_semaphore, #tpu.memory_space<semaphore_mem>>)
    } else {
    }
    %dma_wait3A_1456 = arith.constant 0 : i32
    %dma_wait3A_1457 = arith.constant 0 : i32
    %dma_wait3A_1458 = tpu.memref_slice %arg4[%dma_wait3A_1456, %dma_wait3A_1457] : memref<204800x128xf32, #tpu.memory_space<hbm>> -> memref<128x128xf32, #tpu.memory_space<hbm>>
    %dma_wait3A_1459 = arith.constant 0 : i32
    %dma_wait3A_1460 = arith.constant 0 : i32
    %dma_wait3A_1461 = tpu.memref_slice %arg4[%dma_wait3A_1459, %dma_wait3A_1460] : memref<204800x128xf32, #tpu.memory_space<hbm>> -> memref<128x128xf32, #tpu.memory_space<hbm>>
    tpu.wait_dma2 semaphore(%arg13 : memref<!tpu.dma_semaphore, #tpu.memory_space<semaphore_mem>>) src(%dma_wait3A_1461 : memref<128x128xf32, #tpu.memory_space<hbm>>) dst(%arg7 : memref<128x128xf32, #tpu.memory_space<vmem>>)
    %add3A_1462 = arith.constant 3200 : i32
    %add3A_1463 = arith.addi %mul3A_4, %add3A_1462 : i32
    %dma_start3A_1464 = arith.constant 0 : i32
    %dma_start3A_1465 = tpu.memref_slice %arg5[%add3A_1463, %dma_start3A_1464] : memref<204800x128xf32, #tpu.memory_space<hbm>> -> memref<128x128xf32, #tpu.memory_space<hbm>>
    %dma_start3A_1466 = arith.constant 0 : i32
    %dma_start3A_1467 = tpu.memref_slice %arg5[%add3A_1463, %dma_start3A_1466] : memref<204800x128xf32, #tpu.memory_space<hbm>> -> memref<128x128xf32, #tpu.memory_space<hbm>>
    tpu.enqueue_dma source(%arg7 : memref<128x128xf32, #tpu.memory_space<vmem>>) target(%dma_start3A_1467 : memref<128x128xf32, #tpu.memory_space<hbm>>) target_semaphore(%arg19 : memref<!tpu.dma_semaphore, #tpu.memory_space<semaphore_mem>>)
    %dma_wait3A_1468 = arith.constant 0 : i32
    %dma_wait3A_1469 = arith.constant 0 : i32
    %dma_wait3A_1470 = tpu.memref_slice %arg4[%dma_wait3A_1468, %dma_wait3A_1469] : memref<204800x128xf32, #tpu.memory_space<hbm>> -> memref<128x128xf32, #tpu.memory_space<hbm>>
    %dma_wait3A_1471 = arith.constant 0 : i32
    %dma_wait3A_1472 = arith.constant 0 : i32
    %dma_wait3A_1473 = tpu.memref_slice %arg4[%dma_wait3A_1471, %dma_wait3A_1472] : memref<204800x128xf32, #tpu.memory_space<hbm>> -> memref<128x128xf32, #tpu.memory_space<hbm>>
    tpu.wait_dma2 semaphore(%arg18 : memref<!tpu.dma_semaphore, #tpu.memory_space<semaphore_mem>>) src(%dma_wait3A_1473 : memref<128x128xf32, #tpu.memory_space<hbm>>) dst(%arg6 : memref<128x128xf32, #tpu.memory_space<vmem>>)
    %add3A_1474 = arith.constant 3840 : i32
    %add3A_1475 = arith.addi %mul3A_4, %add3A_1474 : i32
    %jit3A_1476 = arith.constant 4096 : i32
    %div3A_1477 = arith.divsi %add3A_1475, %jit3A_1476 : i32
    %sign3A_1478 = arith.constant 0 : i32
    %sign3A_1479 = arith.cmpi sgt, %add3A_1475, %sign3A_1478 : i32
    %sign3A_1480 = arith.extui %sign3A_1479 : i1 to i32
    %sign3A_1481 = arith.constant 0 : i32
    %sign3A_1482 = arith.cmpi slt, %add3A_1475, %sign3A_1481 : i32
    %sign3A_1483 = arith.extui %sign3A_1482 : i1 to i32
    %sign3A_1484 = arith.subi %sign3A_1480, %sign3A_1483 : i32
    %sign3A_1485 = arith.constant 0 : i32
    %sign3A_1486 = arith.cmpi sgt, %jit3A_1476, %sign3A_1485 : i32
    %sign3A_1487 = arith.extui %sign3A_1486 : i1 to i32
    %sign3A_1488 = arith.constant 0 : i32
    %sign3A_1489 = arith.cmpi slt, %jit3A_1476, %sign3A_1488 : i32
    %sign3A_1490 = arith.extui %sign3A_1489 : i1 to i32
    %sign3A_1491 = arith.subi %sign3A_1487, %sign3A_1490 : i32
    %ne3A_1492 = arith.cmpi ne, %sign3A_1484, %sign3A_1491 : i32
    %rem3A_1493 = arith.remsi %add3A_1475, %jit3A_1476 : i32
    %ne3A_1494 = arith.constant 0 : i32
    %ne3A_1495 = arith.cmpi ne, %rem3A_1493, %ne3A_1494 : i32
    %and3A_1496 = arith.andi %ne3A_1492, %ne3A_1495 : i1
    %sub3A_1497 = arith.constant 1 : i32
    %sub3A_1498 = arith.subi %div3A_1477, %sub3A_1497 : i32
    %select_n3A_1499 = arith.select %and3A_1496, %sub3A_1498, %div3A_1477 : i32
    %eq3A_1500 = arith.cmpi eq, %select_n3A_1499, %squeeze3A : i32
    %convert_element_type3A_1501 = arith.extui %eq3A_1500 : i1 to i32
    %cond3A_1502 = arith.constant 0 : i32
    %cond3A_1503 = arith.cmpi ne, %convert_element_type3A_1501, %cond3A_1502 : i32
    scf.if %cond3A_1503 {
      %mul3A_2592 = arith.constant 4096 : i32
      %mul3A_2593 = arith.muli %squeeze3A, %mul3A_2592 : i32
      %sub3A_2594 = arith.subi %add3A_1475, %mul3A_2593 : i32
      %dma_start3A_2595 = arith.constant 0 : i32
      %dma_start3A_2596 = tpu.memref_slice %arg3[%sub3A_2594, %dma_start3A_2595] : memref<4096x128xf32, #tpu.memory_space<hbm>> -> memref<128x128xf32, #tpu.memory_space<hbm>>
      %dma_start3A_2597 = arith.constant 0 : i32
      %dma_start3A_2598 = tpu.memref_slice %arg3[%sub3A_2594, %dma_start3A_2597] : memref<4096x128xf32, #tpu.memory_space<hbm>> -> memref<128x128xf32, #tpu.memory_space<hbm>>
      tpu.enqueue_dma source(%dma_start3A_2598 : memref<128x128xf32, #tpu.memory_space<hbm>>) target(%arg6 : memref<128x128xf32, #tpu.memory_space<vmem>>) target_semaphore(%arg12 : memref<!tpu.dma_semaphore, #tpu.memory_space<semaphore_mem>>)
    } else {
    }
    %ne3A_1504 = arith.cmpi ne, %select_n3A_1499, %squeeze3A : i32
    %convert_element_type3A_1505 = arith.extui %ne3A_1504 : i1 to i32
    %cond3A_1506 = arith.constant 0 : i32
    %cond3A_1507 = arith.cmpi ne, %convert_element_type3A_1505, %cond3A_1506 : i32
    scf.if %cond3A_1507 {
      %dma_start3A_2592 = arith.constant 0 : i32
      %dma_start3A_2593 = tpu.memref_slice %arg4[%add3A_1475, %dma_start3A_2592] : memref<204800x128xf32, #tpu.memory_space<hbm>> -> memref<128x128xf32, #tpu.memory_space<hbm>>
      %dma_start3A_2594 = arith.constant 0 : i32
      %dma_start3A_2595 = tpu.memref_slice %arg4[%add3A_1475, %dma_start3A_2594] : memref<204800x128xf32, #tpu.memory_space<hbm>> -> memref<128x128xf32, #tpu.memory_space<hbm>>
      tpu.enqueue_dma source(%dma_start3A_2595 : memref<128x128xf32, #tpu.memory_space<hbm>>) target(%arg6 : memref<128x128xf32, #tpu.memory_space<vmem>>) target_semaphore(%arg12 : memref<!tpu.dma_semaphore, #tpu.memory_space<semaphore_mem>>)
    } else {
    }
    %dma_wait3A_1508 = arith.constant 0 : i32
    %dma_wait3A_1509 = arith.constant 0 : i32
    %dma_wait3A_1510 = tpu.memref_slice %arg4[%dma_wait3A_1508, %dma_wait3A_1509] : memref<204800x128xf32, #tpu.memory_space<hbm>> -> memref<128x128xf32, #tpu.memory_space<hbm>>
    %dma_wait3A_1511 = arith.constant 0 : i32
    %dma_wait3A_1512 = arith.constant 0 : i32
    %dma_wait3A_1513 = tpu.memref_slice %arg4[%dma_wait3A_1511, %dma_wait3A_1512] : memref<204800x128xf32, #tpu.memory_space<hbm>> -> memref<128x128xf32, #tpu.memory_space<hbm>>
    tpu.wait_dma2 semaphore(%arg14 : memref<!tpu.dma_semaphore, #tpu.memory_space<semaphore_mem>>) src(%dma_wait3A_1513 : memref<128x128xf32, #tpu.memory_space<hbm>>) dst(%arg8 : memref<128x128xf32, #tpu.memory_space<vmem>>)
    %add3A_1514 = arith.constant 3328 : i32
    %add3A_1515 = arith.addi %mul3A_4, %add3A_1514 : i32
    %dma_start3A_1516 = arith.constant 0 : i32
    %dma_start3A_1517 = tpu.memref_slice %arg5[%add3A_1515, %dma_start3A_1516] : memref<204800x128xf32, #tpu.memory_space<hbm>> -> memref<128x128xf32, #tpu.memory_space<hbm>>
    %dma_start3A_1518 = arith.constant 0 : i32
    %dma_start3A_1519 = tpu.memref_slice %arg5[%add3A_1515, %dma_start3A_1518] : memref<204800x128xf32, #tpu.memory_space<hbm>> -> memref<128x128xf32, #tpu.memory_space<hbm>>
    tpu.enqueue_dma source(%arg8 : memref<128x128xf32, #tpu.memory_space<vmem>>) target(%dma_start3A_1519 : memref<128x128xf32, #tpu.memory_space<hbm>>) target_semaphore(%arg20 : memref<!tpu.dma_semaphore, #tpu.memory_space<semaphore_mem>>)
    %dma_wait3A_1520 = arith.constant 0 : i32
    %dma_wait3A_1521 = arith.constant 0 : i32
    %dma_wait3A_1522 = tpu.memref_slice %arg4[%dma_wait3A_1520, %dma_wait3A_1521] : memref<204800x128xf32, #tpu.memory_space<hbm>> -> memref<128x128xf32, #tpu.memory_space<hbm>>
    %dma_wait3A_1523 = arith.constant 0 : i32
    %dma_wait3A_1524 = arith.constant 0 : i32
    %dma_wait3A_1525 = tpu.memref_slice %arg4[%dma_wait3A_1523, %dma_wait3A_1524] : memref<204800x128xf32, #tpu.memory_space<hbm>> -> memref<128x128xf32, #tpu.memory_space<hbm>>
    tpu.wait_dma2 semaphore(%arg19 : memref<!tpu.dma_semaphore, #tpu.memory_space<semaphore_mem>>) src(%dma_wait3A_1525 : memref<128x128xf32, #tpu.memory_space<hbm>>) dst(%arg7 : memref<128x128xf32, #tpu.memory_space<vmem>>)
    %add3A_1526 = arith.constant 3968 : i32
    %add3A_1527 = arith.addi %mul3A_4, %add3A_1526 : i32
    %jit3A_1528 = arith.constant 4096 : i32
    %div3A_1529 = arith.divsi %add3A_1527, %jit3A_1528 : i32
    %sign3A_1530 = arith.constant 0 : i32
    %sign3A_1531 = arith.cmpi sgt, %add3A_1527, %sign3A_1530 : i32
    %sign3A_1532 = arith.extui %sign3A_1531 : i1 to i32
    %sign3A_1533 = arith.constant 0 : i32
    %sign3A_1534 = arith.cmpi slt, %add3A_1527, %sign3A_1533 : i32
    %sign3A_1535 = arith.extui %sign3A_1534 : i1 to i32
    %sign3A_1536 = arith.subi %sign3A_1532, %sign3A_1535 : i32
    %sign3A_1537 = arith.constant 0 : i32
    %sign3A_1538 = arith.cmpi sgt, %jit3A_1528, %sign3A_1537 : i32
    %sign3A_1539 = arith.extui %sign3A_1538 : i1 to i32
    %sign3A_1540 = arith.constant 0 : i32
    %sign3A_1541 = arith.cmpi slt, %jit3A_1528, %sign3A_1540 : i32
    %sign3A_1542 = arith.extui %sign3A_1541 : i1 to i32
    %sign3A_1543 = arith.subi %sign3A_1539, %sign3A_1542 : i32
    %ne3A_1544 = arith.cmpi ne, %sign3A_1536, %sign3A_1543 : i32
    %rem3A_1545 = arith.remsi %add3A_1527, %jit3A_1528 : i32
    %ne3A_1546 = arith.constant 0 : i32
    %ne3A_1547 = arith.cmpi ne, %rem3A_1545, %ne3A_1546 : i32
    %and3A_1548 = arith.andi %ne3A_1544, %ne3A_1547 : i1
    %sub3A_1549 = arith.constant 1 : i32
    %sub3A_1550 = arith.subi %div3A_1529, %sub3A_1549 : i32
    %select_n3A_1551 = arith.select %and3A_1548, %sub3A_1550, %div3A_1529 : i32
    %eq3A_1552 = arith.cmpi eq, %select_n3A_1551, %squeeze3A : i32
    %convert_element_type3A_1553 = arith.extui %eq3A_1552 : i1 to i32
    %cond3A_1554 = arith.constant 0 : i32
    %cond3A_1555 = arith.cmpi ne, %convert_element_type3A_1553, %cond3A_1554 : i32
    scf.if %cond3A_1555 {
      %mul3A_2592 = arith.constant 4096 : i32
      %mul3A_2593 = arith.muli %squeeze3A, %mul3A_2592 : i32
      %sub3A_2594 = arith.subi %add3A_1527, %mul3A_2593 : i32
      %dma_start3A_2595 = arith.constant 0 : i32
      %dma_start3A_2596 = tpu.memref_slice %arg3[%sub3A_2594, %dma_start3A_2595] : memref<4096x128xf32, #tpu.memory_space<hbm>> -> memref<128x128xf32, #tpu.memory_space<hbm>>
      %dma_start3A_2597 = arith.constant 0 : i32
      %dma_start3A_2598 = tpu.memref_slice %arg3[%sub3A_2594, %dma_start3A_2597] : memref<4096x128xf32, #tpu.memory_space<hbm>> -> memref<128x128xf32, #tpu.memory_space<hbm>>
      tpu.enqueue_dma source(%dma_start3A_2598 : memref<128x128xf32, #tpu.memory_space<hbm>>) target(%arg7 : memref<128x128xf32, #tpu.memory_space<vmem>>) target_semaphore(%arg13 : memref<!tpu.dma_semaphore, #tpu.memory_space<semaphore_mem>>)
    } else {
    }
    %ne3A_1556 = arith.cmpi ne, %select_n3A_1551, %squeeze3A : i32
    %convert_element_type3A_1557 = arith.extui %ne3A_1556 : i1 to i32
    %cond3A_1558 = arith.constant 0 : i32
    %cond3A_1559 = arith.cmpi ne, %convert_element_type3A_1557, %cond3A_1558 : i32
    scf.if %cond3A_1559 {
      %dma_start3A_2592 = arith.constant 0 : i32
      %dma_start3A_2593 = tpu.memref_slice %arg4[%add3A_1527, %dma_start3A_2592] : memref<204800x128xf32, #tpu.memory_space<hbm>> -> memref<128x128xf32, #tpu.memory_space<hbm>>
      %dma_start3A_2594 = arith.constant 0 : i32
      %dma_start3A_2595 = tpu.memref_slice %arg4[%add3A_1527, %dma_start3A_2594] : memref<204800x128xf32, #tpu.memory_space<hbm>> -> memref<128x128xf32, #tpu.memory_space<hbm>>
      tpu.enqueue_dma source(%dma_start3A_2595 : memref<128x128xf32, #tpu.memory_space<hbm>>) target(%arg7 : memref<128x128xf32, #tpu.memory_space<vmem>>) target_semaphore(%arg13 : memref<!tpu.dma_semaphore, #tpu.memory_space<semaphore_mem>>)
    } else {
    }
    %dma_wait3A_1560 = arith.constant 0 : i32
    %dma_wait3A_1561 = arith.constant 0 : i32
    %dma_wait3A_1562 = tpu.memref_slice %arg4[%dma_wait3A_1560, %dma_wait3A_1561] : memref<204800x128xf32, #tpu.memory_space<hbm>> -> memref<128x128xf32, #tpu.memory_space<hbm>>
    %dma_wait3A_1563 = arith.constant 0 : i32
    %dma_wait3A_1564 = arith.constant 0 : i32
    %dma_wait3A_1565 = tpu.memref_slice %arg4[%dma_wait3A_1563, %dma_wait3A_1564] : memref<204800x128xf32, #tpu.memory_space<hbm>> -> memref<128x128xf32, #tpu.memory_space<hbm>>
    tpu.wait_dma2 semaphore(%arg15 : memref<!tpu.dma_semaphore, #tpu.memory_space<semaphore_mem>>) src(%dma_wait3A_1565 : memref<128x128xf32, #tpu.memory_space<hbm>>) dst(%arg9 : memref<128x128xf32, #tpu.memory_space<vmem>>)
    %add3A_1566 = arith.constant 3456 : i32
    %add3A_1567 = arith.addi %mul3A_4, %add3A_1566 : i32
    %dma_start3A_1568 = arith.constant 0 : i32
    %dma_start3A_1569 = tpu.memref_slice %arg5[%add3A_1567, %dma_start3A_1568] : memref<204800x128xf32, #tpu.memory_space<hbm>> -> memref<128x128xf32, #tpu.memory_space<hbm>>
    %dma_start3A_1570 = arith.constant 0 : i32
    %dma_start3A_1571 = tpu.memref_slice %arg5[%add3A_1567, %dma_start3A_1570] : memref<204800x128xf32, #tpu.memory_space<hbm>> -> memref<128x128xf32, #tpu.memory_space<hbm>>
    tpu.enqueue_dma source(%arg9 : memref<128x128xf32, #tpu.memory_space<vmem>>) target(%dma_start3A_1571 : memref<128x128xf32, #tpu.memory_space<hbm>>) target_semaphore(%arg21 : memref<!tpu.dma_semaphore, #tpu.memory_space<semaphore_mem>>)
    %dma_wait3A_1572 = arith.constant 0 : i32
    %dma_wait3A_1573 = arith.constant 0 : i32
    %dma_wait3A_1574 = tpu.memref_slice %arg4[%dma_wait3A_1572, %dma_wait3A_1573] : memref<204800x128xf32, #tpu.memory_space<hbm>> -> memref<128x128xf32, #tpu.memory_space<hbm>>
    %dma_wait3A_1575 = arith.constant 0 : i32
    %dma_wait3A_1576 = arith.constant 0 : i32
    %dma_wait3A_1577 = tpu.memref_slice %arg4[%dma_wait3A_1575, %dma_wait3A_1576] : memref<204800x128xf32, #tpu.memory_space<hbm>> -> memref<128x128xf32, #tpu.memory_space<hbm>>
    tpu.wait_dma2 semaphore(%arg20 : memref<!tpu.dma_semaphore, #tpu.memory_space<semaphore_mem>>) src(%dma_wait3A_1577 : memref<128x128xf32, #tpu.memory_space<hbm>>) dst(%arg8 : memref<128x128xf32, #tpu.memory_space<vmem>>)
    %add3A_1578 = arith.constant 4096 : i32
    %add3A_1579 = arith.addi %mul3A_4, %add3A_1578 : i32
    %jit3A_1580 = arith.constant 4096 : i32
    %div3A_1581 = arith.divsi %add3A_1579, %jit3A_1580 : i32
    %sign3A_1582 = arith.constant 0 : i32
    %sign3A_1583 = arith.cmpi sgt, %add3A_1579, %sign3A_1582 : i32
    %sign3A_1584 = arith.extui %sign3A_1583 : i1 to i32
    %sign3A_1585 = arith.constant 0 : i32
    %sign3A_1586 = arith.cmpi slt, %add3A_1579, %sign3A_1585 : i32
    %sign3A_1587 = arith.extui %sign3A_1586 : i1 to i32
    %sign3A_1588 = arith.subi %sign3A_1584, %sign3A_1587 : i32
    %sign3A_1589 = arith.constant 0 : i32
    %sign3A_1590 = arith.cmpi sgt, %jit3A_1580, %sign3A_1589 : i32
    %sign3A_1591 = arith.extui %sign3A_1590 : i1 to i32
    %sign3A_1592 = arith.constant 0 : i32
    %sign3A_1593 = arith.cmpi slt, %jit3A_1580, %sign3A_1592 : i32
    %sign3A_1594 = arith.extui %sign3A_1593 : i1 to i32
    %sign3A_1595 = arith.subi %sign3A_1591, %sign3A_1594 : i32
    %ne3A_1596 = arith.cmpi ne, %sign3A_1588, %sign3A_1595 : i32
    %rem3A_1597 = arith.remsi %add3A_1579, %jit3A_1580 : i32
    %ne3A_1598 = arith.constant 0 : i32
    %ne3A_1599 = arith.cmpi ne, %rem3A_1597, %ne3A_1598 : i32
    %and3A_1600 = arith.andi %ne3A_1596, %ne3A_1599 : i1
    %sub3A_1601 = arith.constant 1 : i32
    %sub3A_1602 = arith.subi %div3A_1581, %sub3A_1601 : i32
    %select_n3A_1603 = arith.select %and3A_1600, %sub3A_1602, %div3A_1581 : i32
    %eq3A_1604 = arith.cmpi eq, %select_n3A_1603, %squeeze3A : i32
    %convert_element_type3A_1605 = arith.extui %eq3A_1604 : i1 to i32
    %cond3A_1606 = arith.constant 0 : i32
    %cond3A_1607 = arith.cmpi ne, %convert_element_type3A_1605, %cond3A_1606 : i32
    scf.if %cond3A_1607 {
      %mul3A_2592 = arith.constant 4096 : i32
      %mul3A_2593 = arith.muli %squeeze3A, %mul3A_2592 : i32
      %sub3A_2594 = arith.subi %add3A_1579, %mul3A_2593 : i32
      %dma_start3A_2595 = arith.constant 0 : i32
      %dma_start3A_2596 = tpu.memref_slice %arg3[%sub3A_2594, %dma_start3A_2595] : memref<4096x128xf32, #tpu.memory_space<hbm>> -> memref<128x128xf32, #tpu.memory_space<hbm>>
      %dma_start3A_2597 = arith.constant 0 : i32
      %dma_start3A_2598 = tpu.memref_slice %arg3[%sub3A_2594, %dma_start3A_2597] : memref<4096x128xf32, #tpu.memory_space<hbm>> -> memref<128x128xf32, #tpu.memory_space<hbm>>
      tpu.enqueue_dma source(%dma_start3A_2598 : memref<128x128xf32, #tpu.memory_space<hbm>>) target(%arg8 : memref<128x128xf32, #tpu.memory_space<vmem>>) target_semaphore(%arg14 : memref<!tpu.dma_semaphore, #tpu.memory_space<semaphore_mem>>)
    } else {
    }
    %ne3A_1608 = arith.cmpi ne, %select_n3A_1603, %squeeze3A : i32
    %convert_element_type3A_1609 = arith.extui %ne3A_1608 : i1 to i32
    %cond3A_1610 = arith.constant 0 : i32
    %cond3A_1611 = arith.cmpi ne, %convert_element_type3A_1609, %cond3A_1610 : i32
    scf.if %cond3A_1611 {
      %dma_start3A_2592 = arith.constant 0 : i32
      %dma_start3A_2593 = tpu.memref_slice %arg4[%add3A_1579, %dma_start3A_2592] : memref<204800x128xf32, #tpu.memory_space<hbm>> -> memref<128x128xf32, #tpu.memory_space<hbm>>
      %dma_start3A_2594 = arith.constant 0 : i32
      %dma_start3A_2595 = tpu.memref_slice %arg4[%add3A_1579, %dma_start3A_2594] : memref<204800x128xf32, #tpu.memory_space<hbm>> -> memref<128x128xf32, #tpu.memory_space<hbm>>
      tpu.enqueue_dma source(%dma_start3A_2595 : memref<128x128xf32, #tpu.memory_space<hbm>>) target(%arg8 : memref<128x128xf32, #tpu.memory_space<vmem>>) target_semaphore(%arg14 : memref<!tpu.dma_semaphore, #tpu.memory_space<semaphore_mem>>)
    } else {
    }
    %dma_wait3A_1612 = arith.constant 0 : i32
    %dma_wait3A_1613 = arith.constant 0 : i32
    %dma_wait3A_1614 = tpu.memref_slice %arg4[%dma_wait3A_1612, %dma_wait3A_1613] : memref<204800x128xf32, #tpu.memory_space<hbm>> -> memref<128x128xf32, #tpu.memory_space<hbm>>
    %dma_wait3A_1615 = arith.constant 0 : i32
    %dma_wait3A_1616 = arith.constant 0 : i32
    %dma_wait3A_1617 = tpu.memref_slice %arg4[%dma_wait3A_1615, %dma_wait3A_1616] : memref<204800x128xf32, #tpu.memory_space<hbm>> -> memref<128x128xf32, #tpu.memory_space<hbm>>
    tpu.wait_dma2 semaphore(%arg16 : memref<!tpu.dma_semaphore, #tpu.memory_space<semaphore_mem>>) src(%dma_wait3A_1617 : memref<128x128xf32, #tpu.memory_space<hbm>>) dst(%arg10 : memref<128x128xf32, #tpu.memory_space<vmem>>)
    %add3A_1618 = arith.constant 3584 : i32
    %add3A_1619 = arith.addi %mul3A_4, %add3A_1618 : i32
    %dma_start3A_1620 = arith.constant 0 : i32
    %dma_start3A_1621 = tpu.memref_slice %arg5[%add3A_1619, %dma_start3A_1620] : memref<204800x128xf32, #tpu.memory_space<hbm>> -> memref<128x128xf32, #tpu.memory_space<hbm>>
    %dma_start3A_1622 = arith.constant 0 : i32
    %dma_start3A_1623 = tpu.memref_slice %arg5[%add3A_1619, %dma_start3A_1622] : memref<204800x128xf32, #tpu.memory_space<hbm>> -> memref<128x128xf32, #tpu.memory_space<hbm>>
    tpu.enqueue_dma source(%arg10 : memref<128x128xf32, #tpu.memory_space<vmem>>) target(%dma_start3A_1623 : memref<128x128xf32, #tpu.memory_space<hbm>>) target_semaphore(%arg22 : memref<!tpu.dma_semaphore, #tpu.memory_space<semaphore_mem>>)
    %dma_wait3A_1624 = arith.constant 0 : i32
    %dma_wait3A_1625 = arith.constant 0 : i32
    %dma_wait3A_1626 = tpu.memref_slice %arg4[%dma_wait3A_1624, %dma_wait3A_1625] : memref<204800x128xf32, #tpu.memory_space<hbm>> -> memref<128x128xf32, #tpu.memory_space<hbm>>
    %dma_wait3A_1627 = arith.constant 0 : i32
    %dma_wait3A_1628 = arith.constant 0 : i32
    %dma_wait3A_1629 = tpu.memref_slice %arg4[%dma_wait3A_1627, %dma_wait3A_1628] : memref<204800x128xf32, #tpu.memory_space<hbm>> -> memref<128x128xf32, #tpu.memory_space<hbm>>
    tpu.wait_dma2 semaphore(%arg21 : memref<!tpu.dma_semaphore, #tpu.memory_space<semaphore_mem>>) src(%dma_wait3A_1629 : memref<128x128xf32, #tpu.memory_space<hbm>>) dst(%arg9 : memref<128x128xf32, #tpu.memory_space<vmem>>)
    %add3A_1630 = arith.constant 4224 : i32
    %add3A_1631 = arith.addi %mul3A_4, %add3A_1630 : i32
    %jit3A_1632 = arith.constant 4096 : i32
    %div3A_1633 = arith.divsi %add3A_1631, %jit3A_1632 : i32
    %sign3A_1634 = arith.constant 0 : i32
    %sign3A_1635 = arith.cmpi sgt, %add3A_1631, %sign3A_1634 : i32
    %sign3A_1636 = arith.extui %sign3A_1635 : i1 to i32
    %sign3A_1637 = arith.constant 0 : i32
    %sign3A_1638 = arith.cmpi slt, %add3A_1631, %sign3A_1637 : i32
    %sign3A_1639 = arith.extui %sign3A_1638 : i1 to i32
    %sign3A_1640 = arith.subi %sign3A_1636, %sign3A_1639 : i32
    %sign3A_1641 = arith.constant 0 : i32
    %sign3A_1642 = arith.cmpi sgt, %jit3A_1632, %sign3A_1641 : i32
    %sign3A_1643 = arith.extui %sign3A_1642 : i1 to i32
    %sign3A_1644 = arith.constant 0 : i32
    %sign3A_1645 = arith.cmpi slt, %jit3A_1632, %sign3A_1644 : i32
    %sign3A_1646 = arith.extui %sign3A_1645 : i1 to i32
    %sign3A_1647 = arith.subi %sign3A_1643, %sign3A_1646 : i32
    %ne3A_1648 = arith.cmpi ne, %sign3A_1640, %sign3A_1647 : i32
    %rem3A_1649 = arith.remsi %add3A_1631, %jit3A_1632 : i32
    %ne3A_1650 = arith.constant 0 : i32
    %ne3A_1651 = arith.cmpi ne, %rem3A_1649, %ne3A_1650 : i32
    %and3A_1652 = arith.andi %ne3A_1648, %ne3A_1651 : i1
    %sub3A_1653 = arith.constant 1 : i32
    %sub3A_1654 = arith.subi %div3A_1633, %sub3A_1653 : i32
    %select_n3A_1655 = arith.select %and3A_1652, %sub3A_1654, %div3A_1633 : i32
    %eq3A_1656 = arith.cmpi eq, %select_n3A_1655, %squeeze3A : i32
    %convert_element_type3A_1657 = arith.extui %eq3A_1656 : i1 to i32
    %cond3A_1658 = arith.constant 0 : i32
    %cond3A_1659 = arith.cmpi ne, %convert_element_type3A_1657, %cond3A_1658 : i32
    scf.if %cond3A_1659 {
      %mul3A_2592 = arith.constant 4096 : i32
      %mul3A_2593 = arith.muli %squeeze3A, %mul3A_2592 : i32
      %sub3A_2594 = arith.subi %add3A_1631, %mul3A_2593 : i32
      %dma_start3A_2595 = arith.constant 0 : i32
      %dma_start3A_2596 = tpu.memref_slice %arg3[%sub3A_2594, %dma_start3A_2595] : memref<4096x128xf32, #tpu.memory_space<hbm>> -> memref<128x128xf32, #tpu.memory_space<hbm>>
      %dma_start3A_2597 = arith.constant 0 : i32
      %dma_start3A_2598 = tpu.memref_slice %arg3[%sub3A_2594, %dma_start3A_2597] : memref<4096x128xf32, #tpu.memory_space<hbm>> -> memref<128x128xf32, #tpu.memory_space<hbm>>
      tpu.enqueue_dma source(%dma_start3A_2598 : memref<128x128xf32, #tpu.memory_space<hbm>>) target(%arg9 : memref<128x128xf32, #tpu.memory_space<vmem>>) target_semaphore(%arg15 : memref<!tpu.dma_semaphore, #tpu.memory_space<semaphore_mem>>)
    } else {
    }
    %ne3A_1660 = arith.cmpi ne, %select_n3A_1655, %squeeze3A : i32
    %convert_element_type3A_1661 = arith.extui %ne3A_1660 : i1 to i32
    %cond3A_1662 = arith.constant 0 : i32
    %cond3A_1663 = arith.cmpi ne, %convert_element_type3A_1661, %cond3A_1662 : i32
    scf.if %cond3A_1663 {
      %dma_start3A_2592 = arith.constant 0 : i32
      %dma_start3A_2593 = tpu.memref_slice %arg4[%add3A_1631, %dma_start3A_2592] : memref<204800x128xf32, #tpu.memory_space<hbm>> -> memref<128x128xf32, #tpu.memory_space<hbm>>
      %dma_start3A_2594 = arith.constant 0 : i32
      %dma_start3A_2595 = tpu.memref_slice %arg4[%add3A_1631, %dma_start3A_2594] : memref<204800x128xf32, #tpu.memory_space<hbm>> -> memref<128x128xf32, #tpu.memory_space<hbm>>
      tpu.enqueue_dma source(%dma_start3A_2595 : memref<128x128xf32, #tpu.memory_space<hbm>>) target(%arg9 : memref<128x128xf32, #tpu.memory_space<vmem>>) target_semaphore(%arg15 : memref<!tpu.dma_semaphore, #tpu.memory_space<semaphore_mem>>)
    } else {
    }
    %dma_wait3A_1664 = arith.constant 0 : i32
    %dma_wait3A_1665 = arith.constant 0 : i32
    %dma_wait3A_1666 = tpu.memref_slice %arg4[%dma_wait3A_1664, %dma_wait3A_1665] : memref<204800x128xf32, #tpu.memory_space<hbm>> -> memref<128x128xf32, #tpu.memory_space<hbm>>
    %dma_wait3A_1667 = arith.constant 0 : i32
    %dma_wait3A_1668 = arith.constant 0 : i32
    %dma_wait3A_1669 = tpu.memref_slice %arg4[%dma_wait3A_1667, %dma_wait3A_1668] : memref<204800x128xf32, #tpu.memory_space<hbm>> -> memref<128x128xf32, #tpu.memory_space<hbm>>
    tpu.wait_dma2 semaphore(%arg17 : memref<!tpu.dma_semaphore, #tpu.memory_space<semaphore_mem>>) src(%dma_wait3A_1669 : memref<128x128xf32, #tpu.memory_space<hbm>>) dst(%arg11 : memref<128x128xf32, #tpu.memory_space<vmem>>)
    %add3A_1670 = arith.constant 3712 : i32
    %add3A_1671 = arith.addi %mul3A_4, %add3A_1670 : i32
    %dma_start3A_1672 = arith.constant 0 : i32
    %dma_start3A_1673 = tpu.memref_slice %arg5[%add3A_1671, %dma_start3A_1672] : memref<204800x128xf32, #tpu.memory_space<hbm>> -> memref<128x128xf32, #tpu.memory_space<hbm>>
    %dma_start3A_1674 = arith.constant 0 : i32
    %dma_start3A_1675 = tpu.memref_slice %arg5[%add3A_1671, %dma_start3A_1674] : memref<204800x128xf32, #tpu.memory_space<hbm>> -> memref<128x128xf32, #tpu.memory_space<hbm>>
    tpu.enqueue_dma source(%arg11 : memref<128x128xf32, #tpu.memory_space<vmem>>) target(%dma_start3A_1675 : memref<128x128xf32, #tpu.memory_space<hbm>>) target_semaphore(%arg23 : memref<!tpu.dma_semaphore, #tpu.memory_space<semaphore_mem>>)
    %dma_wait3A_1676 = arith.constant 0 : i32
    %dma_wait3A_1677 = arith.constant 0 : i32
    %dma_wait3A_1678 = tpu.memref_slice %arg4[%dma_wait3A_1676, %dma_wait3A_1677] : memref<204800x128xf32, #tpu.memory_space<hbm>> -> memref<128x128xf32, #tpu.memory_space<hbm>>
    %dma_wait3A_1679 = arith.constant 0 : i32
    %dma_wait3A_1680 = arith.constant 0 : i32
    %dma_wait3A_1681 = tpu.memref_slice %arg4[%dma_wait3A_1679, %dma_wait3A_1680] : memref<204800x128xf32, #tpu.memory_space<hbm>> -> memref<128x128xf32, #tpu.memory_space<hbm>>
    tpu.wait_dma2 semaphore(%arg22 : memref<!tpu.dma_semaphore, #tpu.memory_space<semaphore_mem>>) src(%dma_wait3A_1681 : memref<128x128xf32, #tpu.memory_space<hbm>>) dst(%arg10 : memref<128x128xf32, #tpu.memory_space<vmem>>)
    %add3A_1682 = arith.constant 4352 : i32
    %add3A_1683 = arith.addi %mul3A_4, %add3A_1682 : i32
    %jit3A_1684 = arith.constant 4096 : i32
    %div3A_1685 = arith.divsi %add3A_1683, %jit3A_1684 : i32
    %sign3A_1686 = arith.constant 0 : i32
    %sign3A_1687 = arith.cmpi sgt, %add3A_1683, %sign3A_1686 : i32
    %sign3A_1688 = arith.extui %sign3A_1687 : i1 to i32
    %sign3A_1689 = arith.constant 0 : i32
    %sign3A_1690 = arith.cmpi slt, %add3A_1683, %sign3A_1689 : i32
    %sign3A_1691 = arith.extui %sign3A_1690 : i1 to i32
    %sign3A_1692 = arith.subi %sign3A_1688, %sign3A_1691 : i32
    %sign3A_1693 = arith.constant 0 : i32
    %sign3A_1694 = arith.cmpi sgt, %jit3A_1684, %sign3A_1693 : i32
    %sign3A_1695 = arith.extui %sign3A_1694 : i1 to i32
    %sign3A_1696 = arith.constant 0 : i32
    %sign3A_1697 = arith.cmpi slt, %jit3A_1684, %sign3A_1696 : i32
    %sign3A_1698 = arith.extui %sign3A_1697 : i1 to i32
    %sign3A_1699 = arith.subi %sign3A_1695, %sign3A_1698 : i32
    %ne3A_1700 = arith.cmpi ne, %sign3A_1692, %sign3A_1699 : i32
    %rem3A_1701 = arith.remsi %add3A_1683, %jit3A_1684 : i32
    %ne3A_1702 = arith.constant 0 : i32
    %ne3A_1703 = arith.cmpi ne, %rem3A_1701, %ne3A_1702 : i32
    %and3A_1704 = arith.andi %ne3A_1700, %ne3A_1703 : i1
    %sub3A_1705 = arith.constant 1 : i32
    %sub3A_1706 = arith.subi %div3A_1685, %sub3A_1705 : i32
    %select_n3A_1707 = arith.select %and3A_1704, %sub3A_1706, %div3A_1685 : i32
    %eq3A_1708 = arith.cmpi eq, %select_n3A_1707, %squeeze3A : i32
    %convert_element_type3A_1709 = arith.extui %eq3A_1708 : i1 to i32
    %cond3A_1710 = arith.constant 0 : i32
    %cond3A_1711 = arith.cmpi ne, %convert_element_type3A_1709, %cond3A_1710 : i32
    scf.if %cond3A_1711 {
      %mul3A_2592 = arith.constant 4096 : i32
      %mul3A_2593 = arith.muli %squeeze3A, %mul3A_2592 : i32
      %sub3A_2594 = arith.subi %add3A_1683, %mul3A_2593 : i32
      %dma_start3A_2595 = arith.constant 0 : i32
      %dma_start3A_2596 = tpu.memref_slice %arg3[%sub3A_2594, %dma_start3A_2595] : memref<4096x128xf32, #tpu.memory_space<hbm>> -> memref<128x128xf32, #tpu.memory_space<hbm>>
      %dma_start3A_2597 = arith.constant 0 : i32
      %dma_start3A_2598 = tpu.memref_slice %arg3[%sub3A_2594, %dma_start3A_2597] : memref<4096x128xf32, #tpu.memory_space<hbm>> -> memref<128x128xf32, #tpu.memory_space<hbm>>
      tpu.enqueue_dma source(%dma_start3A_2598 : memref<128x128xf32, #tpu.memory_space<hbm>>) target(%arg10 : memref<128x128xf32, #tpu.memory_space<vmem>>) target_semaphore(%arg16 : memref<!tpu.dma_semaphore, #tpu.memory_space<semaphore_mem>>)
    } else {
    }
    %ne3A_1712 = arith.cmpi ne, %select_n3A_1707, %squeeze3A : i32
    %convert_element_type3A_1713 = arith.extui %ne3A_1712 : i1 to i32
    %cond3A_1714 = arith.constant 0 : i32
    %cond3A_1715 = arith.cmpi ne, %convert_element_type3A_1713, %cond3A_1714 : i32
    scf.if %cond3A_1715 {
      %dma_start3A_2592 = arith.constant 0 : i32
      %dma_start3A_2593 = tpu.memref_slice %arg4[%add3A_1683, %dma_start3A_2592] : memref<204800x128xf32, #tpu.memory_space<hbm>> -> memref<128x128xf32, #tpu.memory_space<hbm>>
      %dma_start3A_2594 = arith.constant 0 : i32
      %dma_start3A_2595 = tpu.memref_slice %arg4[%add3A_1683, %dma_start3A_2594] : memref<204800x128xf32, #tpu.memory_space<hbm>> -> memref<128x128xf32, #tpu.memory_space<hbm>>
      tpu.enqueue_dma source(%dma_start3A_2595 : memref<128x128xf32, #tpu.memory_space<hbm>>) target(%arg10 : memref<128x128xf32, #tpu.memory_space<vmem>>) target_semaphore(%arg16 : memref<!tpu.dma_semaphore, #tpu.memory_space<semaphore_mem>>)
    } else {
    }
    %dma_wait3A_1716 = arith.constant 0 : i32
    %dma_wait3A_1717 = arith.constant 0 : i32
    %dma_wait3A_1718 = tpu.memref_slice %arg4[%dma_wait3A_1716, %dma_wait3A_1717] : memref<204800x128xf32, #tpu.memory_space<hbm>> -> memref<128x128xf32, #tpu.memory_space<hbm>>
    %dma_wait3A_1719 = arith.constant 0 : i32
    %dma_wait3A_1720 = arith.constant 0 : i32
    %dma_wait3A_1721 = tpu.memref_slice %arg4[%dma_wait3A_1719, %dma_wait3A_1720] : memref<204800x128xf32, #tpu.memory_space<hbm>> -> memref<128x128xf32, #tpu.memory_space<hbm>>
    tpu.wait_dma2 semaphore(%arg12 : memref<!tpu.dma_semaphore, #tpu.memory_space<semaphore_mem>>) src(%dma_wait3A_1721 : memref<128x128xf32, #tpu.memory_space<hbm>>) dst(%arg6 : memref<128x128xf32, #tpu.memory_space<vmem>>)
    %add3A_1722 = arith.constant 3840 : i32
    %add3A_1723 = arith.addi %mul3A_4, %add3A_1722 : i32
    %dma_start3A_1724 = arith.constant 0 : i32
    %dma_start3A_1725 = tpu.memref_slice %arg5[%add3A_1723, %dma_start3A_1724] : memref<204800x128xf32, #tpu.memory_space<hbm>> -> memref<128x128xf32, #tpu.memory_space<hbm>>
    %dma_start3A_1726 = arith.constant 0 : i32
    %dma_start3A_1727 = tpu.memref_slice %arg5[%add3A_1723, %dma_start3A_1726] : memref<204800x128xf32, #tpu.memory_space<hbm>> -> memref<128x128xf32, #tpu.memory_space<hbm>>
    tpu.enqueue_dma source(%arg6 : memref<128x128xf32, #tpu.memory_space<vmem>>) target(%dma_start3A_1727 : memref<128x128xf32, #tpu.memory_space<hbm>>) target_semaphore(%arg18 : memref<!tpu.dma_semaphore, #tpu.memory_space<semaphore_mem>>)
    %dma_wait3A_1728 = arith.constant 0 : i32
    %dma_wait3A_1729 = arith.constant 0 : i32
    %dma_wait3A_1730 = tpu.memref_slice %arg4[%dma_wait3A_1728, %dma_wait3A_1729] : memref<204800x128xf32, #tpu.memory_space<hbm>> -> memref<128x128xf32, #tpu.memory_space<hbm>>
    %dma_wait3A_1731 = arith.constant 0 : i32
    %dma_wait3A_1732 = arith.constant 0 : i32
    %dma_wait3A_1733 = tpu.memref_slice %arg4[%dma_wait3A_1731, %dma_wait3A_1732] : memref<204800x128xf32, #tpu.memory_space<hbm>> -> memref<128x128xf32, #tpu.memory_space<hbm>>
    tpu.wait_dma2 semaphore(%arg23 : memref<!tpu.dma_semaphore, #tpu.memory_space<semaphore_mem>>) src(%dma_wait3A_1733 : memref<128x128xf32, #tpu.memory_space<hbm>>) dst(%arg11 : memref<128x128xf32, #tpu.memory_space<vmem>>)
    %add3A_1734 = arith.constant 4480 : i32
    %add3A_1735 = arith.addi %mul3A_4, %add3A_1734 : i32
    %jit3A_1736 = arith.constant 4096 : i32
    %div3A_1737 = arith.divsi %add3A_1735, %jit3A_1736 : i32
    %sign3A_1738 = arith.constant 0 : i32
    %sign3A_1739 = arith.cmpi sgt, %add3A_1735, %sign3A_1738 : i32
    %sign3A_1740 = arith.extui %sign3A_1739 : i1 to i32
    %sign3A_1741 = arith.constant 0 : i32
    %sign3A_1742 = arith.cmpi slt, %add3A_1735, %sign3A_1741 : i32
    %sign3A_1743 = arith.extui %sign3A_1742 : i1 to i32
    %sign3A_1744 = arith.subi %sign3A_1740, %sign3A_1743 : i32
    %sign3A_1745 = arith.constant 0 : i32
    %sign3A_1746 = arith.cmpi sgt, %jit3A_1736, %sign3A_1745 : i32
    %sign3A_1747 = arith.extui %sign3A_1746 : i1 to i32
    %sign3A_1748 = arith.constant 0 : i32
    %sign3A_1749 = arith.cmpi slt, %jit3A_1736, %sign3A_1748 : i32
    %sign3A_1750 = arith.extui %sign3A_1749 : i1 to i32
    %sign3A_1751 = arith.subi %sign3A_1747, %sign3A_1750 : i32
    %ne3A_1752 = arith.cmpi ne, %sign3A_1744, %sign3A_1751 : i32
    %rem3A_1753 = arith.remsi %add3A_1735, %jit3A_1736 : i32
    %ne3A_1754 = arith.constant 0 : i32
    %ne3A_1755 = arith.cmpi ne, %rem3A_1753, %ne3A_1754 : i32
    %and3A_1756 = arith.andi %ne3A_1752, %ne3A_1755 : i1
    %sub3A_1757 = arith.constant 1 : i32
    %sub3A_1758 = arith.subi %div3A_1737, %sub3A_1757 : i32
    %select_n3A_1759 = arith.select %and3A_1756, %sub3A_1758, %div3A_1737 : i32
    %eq3A_1760 = arith.cmpi eq, %select_n3A_1759, %squeeze3A : i32
    %convert_element_type3A_1761 = arith.extui %eq3A_1760 : i1 to i32
    %cond3A_1762 = arith.constant 0 : i32
    %cond3A_1763 = arith.cmpi ne, %convert_element_type3A_1761, %cond3A_1762 : i32
    scf.if %cond3A_1763 {
      %mul3A_2592 = arith.constant 4096 : i32
      %mul3A_2593 = arith.muli %squeeze3A, %mul3A_2592 : i32
      %sub3A_2594 = arith.subi %add3A_1735, %mul3A_2593 : i32
      %dma_start3A_2595 = arith.constant 0 : i32
      %dma_start3A_2596 = tpu.memref_slice %arg3[%sub3A_2594, %dma_start3A_2595] : memref<4096x128xf32, #tpu.memory_space<hbm>> -> memref<128x128xf32, #tpu.memory_space<hbm>>
      %dma_start3A_2597 = arith.constant 0 : i32
      %dma_start3A_2598 = tpu.memref_slice %arg3[%sub3A_2594, %dma_start3A_2597] : memref<4096x128xf32, #tpu.memory_space<hbm>> -> memref<128x128xf32, #tpu.memory_space<hbm>>
      tpu.enqueue_dma source(%dma_start3A_2598 : memref<128x128xf32, #tpu.memory_space<hbm>>) target(%arg11 : memref<128x128xf32, #tpu.memory_space<vmem>>) target_semaphore(%arg17 : memref<!tpu.dma_semaphore, #tpu.memory_space<semaphore_mem>>)
    } else {
    }
    %ne3A_1764 = arith.cmpi ne, %select_n3A_1759, %squeeze3A : i32
    %convert_element_type3A_1765 = arith.extui %ne3A_1764 : i1 to i32
    %cond3A_1766 = arith.constant 0 : i32
    %cond3A_1767 = arith.cmpi ne, %convert_element_type3A_1765, %cond3A_1766 : i32
    scf.if %cond3A_1767 {
      %dma_start3A_2592 = arith.constant 0 : i32
      %dma_start3A_2593 = tpu.memref_slice %arg4[%add3A_1735, %dma_start3A_2592] : memref<204800x128xf32, #tpu.memory_space<hbm>> -> memref<128x128xf32, #tpu.memory_space<hbm>>
      %dma_start3A_2594 = arith.constant 0 : i32
      %dma_start3A_2595 = tpu.memref_slice %arg4[%add3A_1735, %dma_start3A_2594] : memref<204800x128xf32, #tpu.memory_space<hbm>> -> memref<128x128xf32, #tpu.memory_space<hbm>>
      tpu.enqueue_dma source(%dma_start3A_2595 : memref<128x128xf32, #tpu.memory_space<hbm>>) target(%arg11 : memref<128x128xf32, #tpu.memory_space<vmem>>) target_semaphore(%arg17 : memref<!tpu.dma_semaphore, #tpu.memory_space<semaphore_mem>>)
    } else {
    }
    %dma_wait3A_1768 = arith.constant 0 : i32
    %dma_wait3A_1769 = arith.constant 0 : i32
    %dma_wait3A_1770 = tpu.memref_slice %arg4[%dma_wait3A_1768, %dma_wait3A_1769] : memref<204800x128xf32, #tpu.memory_space<hbm>> -> memref<128x128xf32, #tpu.memory_space<hbm>>
    %dma_wait3A_1771 = arith.constant 0 : i32
    %dma_wait3A_1772 = arith.constant 0 : i32
    %dma_wait3A_1773 = tpu.memref_slice %arg4[%dma_wait3A_1771, %dma_wait3A_1772] : memref<204800x128xf32, #tpu.memory_space<hbm>> -> memref<128x128xf32, #tpu.memory_space<hbm>>
    tpu.wait_dma2 semaphore(%arg13 : memref<!tpu.dma_semaphore, #tpu.memory_space<semaphore_mem>>) src(%dma_wait3A_1773 : memref<128x128xf32, #tpu.memory_space<hbm>>) dst(%arg7 : memref<128x128xf32, #tpu.memory_space<vmem>>)
    %add3A_1774 = arith.constant 3968 : i32
    %add3A_1775 = arith.addi %mul3A_4, %add3A_1774 : i32
    %dma_start3A_1776 = arith.constant 0 : i32
    %dma_start3A_1777 = tpu.memref_slice %arg5[%add3A_1775, %dma_start3A_1776] : memref<204800x128xf32, #tpu.memory_space<hbm>> -> memref<128x128xf32, #tpu.memory_space<hbm>>
    %dma_start3A_1778 = arith.constant 0 : i32
    %dma_start3A_1779 = tpu.memref_slice %arg5[%add3A_1775, %dma_start3A_1778] : memref<204800x128xf32, #tpu.memory_space<hbm>> -> memref<128x128xf32, #tpu.memory_space<hbm>>
    tpu.enqueue_dma source(%arg7 : memref<128x128xf32, #tpu.memory_space<vmem>>) target(%dma_start3A_1779 : memref<128x128xf32, #tpu.memory_space<hbm>>) target_semaphore(%arg19 : memref<!tpu.dma_semaphore, #tpu.memory_space<semaphore_mem>>)
    %dma_wait3A_1780 = arith.constant 0 : i32
    %dma_wait3A_1781 = arith.constant 0 : i32
    %dma_wait3A_1782 = tpu.memref_slice %arg4[%dma_wait3A_1780, %dma_wait3A_1781] : memref<204800x128xf32, #tpu.memory_space<hbm>> -> memref<128x128xf32, #tpu.memory_space<hbm>>
    %dma_wait3A_1783 = arith.constant 0 : i32
    %dma_wait3A_1784 = arith.constant 0 : i32
    %dma_wait3A_1785 = tpu.memref_slice %arg4[%dma_wait3A_1783, %dma_wait3A_1784] : memref<204800x128xf32, #tpu.memory_space<hbm>> -> memref<128x128xf32, #tpu.memory_space<hbm>>
    tpu.wait_dma2 semaphore(%arg18 : memref<!tpu.dma_semaphore, #tpu.memory_space<semaphore_mem>>) src(%dma_wait3A_1785 : memref<128x128xf32, #tpu.memory_space<hbm>>) dst(%arg6 : memref<128x128xf32, #tpu.memory_space<vmem>>)
    %add3A_1786 = arith.constant 4608 : i32
    %add3A_1787 = arith.addi %mul3A_4, %add3A_1786 : i32
    %jit3A_1788 = arith.constant 4096 : i32
    %div3A_1789 = arith.divsi %add3A_1787, %jit3A_1788 : i32
    %sign3A_1790 = arith.constant 0 : i32
    %sign3A_1791 = arith.cmpi sgt, %add3A_1787, %sign3A_1790 : i32
    %sign3A_1792 = arith.extui %sign3A_1791 : i1 to i32
    %sign3A_1793 = arith.constant 0 : i32
    %sign3A_1794 = arith.cmpi slt, %add3A_1787, %sign3A_1793 : i32
    %sign3A_1795 = arith.extui %sign3A_1794 : i1 to i32
    %sign3A_1796 = arith.subi %sign3A_1792, %sign3A_1795 : i32
    %sign3A_1797 = arith.constant 0 : i32
    %sign3A_1798 = arith.cmpi sgt, %jit3A_1788, %sign3A_1797 : i32
    %sign3A_1799 = arith.extui %sign3A_1798 : i1 to i32
    %sign3A_1800 = arith.constant 0 : i32
    %sign3A_1801 = arith.cmpi slt, %jit3A_1788, %sign3A_1800 : i32
    %sign3A_1802 = arith.extui %sign3A_1801 : i1 to i32
    %sign3A_1803 = arith.subi %sign3A_1799, %sign3A_1802 : i32
    %ne3A_1804 = arith.cmpi ne, %sign3A_1796, %sign3A_1803 : i32
    %rem3A_1805 = arith.remsi %add3A_1787, %jit3A_1788 : i32
    %ne3A_1806 = arith.constant 0 : i32
    %ne3A_1807 = arith.cmpi ne, %rem3A_1805, %ne3A_1806 : i32
    %and3A_1808 = arith.andi %ne3A_1804, %ne3A_1807 : i1
    %sub3A_1809 = arith.constant 1 : i32
    %sub3A_1810 = arith.subi %div3A_1789, %sub3A_1809 : i32
    %select_n3A_1811 = arith.select %and3A_1808, %sub3A_1810, %div3A_1789 : i32
    %eq3A_1812 = arith.cmpi eq, %select_n3A_1811, %squeeze3A : i32
    %convert_element_type3A_1813 = arith.extui %eq3A_1812 : i1 to i32
    %cond3A_1814 = arith.constant 0 : i32
    %cond3A_1815 = arith.cmpi ne, %convert_element_type3A_1813, %cond3A_1814 : i32
    scf.if %cond3A_1815 {
      %mul3A_2592 = arith.constant 4096 : i32
      %mul3A_2593 = arith.muli %squeeze3A, %mul3A_2592 : i32
      %sub3A_2594 = arith.subi %add3A_1787, %mul3A_2593 : i32
      %dma_start3A_2595 = arith.constant 0 : i32
      %dma_start3A_2596 = tpu.memref_slice %arg3[%sub3A_2594, %dma_start3A_2595] : memref<4096x128xf32, #tpu.memory_space<hbm>> -> memref<128x128xf32, #tpu.memory_space<hbm>>
      %dma_start3A_2597 = arith.constant 0 : i32
      %dma_start3A_2598 = tpu.memref_slice %arg3[%sub3A_2594, %dma_start3A_2597] : memref<4096x128xf32, #tpu.memory_space<hbm>> -> memref<128x128xf32, #tpu.memory_space<hbm>>
      tpu.enqueue_dma source(%dma_start3A_2598 : memref<128x128xf32, #tpu.memory_space<hbm>>) target(%arg6 : memref<128x128xf32, #tpu.memory_space<vmem>>) target_semaphore(%arg12 : memref<!tpu.dma_semaphore, #tpu.memory_space<semaphore_mem>>)
    } else {
    }
    %ne3A_1816 = arith.cmpi ne, %select_n3A_1811, %squeeze3A : i32
    %convert_element_type3A_1817 = arith.extui %ne3A_1816 : i1 to i32
    %cond3A_1818 = arith.constant 0 : i32
    %cond3A_1819 = arith.cmpi ne, %convert_element_type3A_1817, %cond3A_1818 : i32
    scf.if %cond3A_1819 {
      %dma_start3A_2592 = arith.constant 0 : i32
      %dma_start3A_2593 = tpu.memref_slice %arg4[%add3A_1787, %dma_start3A_2592] : memref<204800x128xf32, #tpu.memory_space<hbm>> -> memref<128x128xf32, #tpu.memory_space<hbm>>
      %dma_start3A_2594 = arith.constant 0 : i32
      %dma_start3A_2595 = tpu.memref_slice %arg4[%add3A_1787, %dma_start3A_2594] : memref<204800x128xf32, #tpu.memory_space<hbm>> -> memref<128x128xf32, #tpu.memory_space<hbm>>
      tpu.enqueue_dma source(%dma_start3A_2595 : memref<128x128xf32, #tpu.memory_space<hbm>>) target(%arg6 : memref<128x128xf32, #tpu.memory_space<vmem>>) target_semaphore(%arg12 : memref<!tpu.dma_semaphore, #tpu.memory_space<semaphore_mem>>)
    } else {
    }
    %dma_wait3A_1820 = arith.constant 0 : i32
    %dma_wait3A_1821 = arith.constant 0 : i32
    %dma_wait3A_1822 = tpu.memref_slice %arg4[%dma_wait3A_1820, %dma_wait3A_1821] : memref<204800x128xf32, #tpu.memory_space<hbm>> -> memref<128x128xf32, #tpu.memory_space<hbm>>
    %dma_wait3A_1823 = arith.constant 0 : i32
    %dma_wait3A_1824 = arith.constant 0 : i32
    %dma_wait3A_1825 = tpu.memref_slice %arg4[%dma_wait3A_1823, %dma_wait3A_1824] : memref<204800x128xf32, #tpu.memory_space<hbm>> -> memref<128x128xf32, #tpu.memory_space<hbm>>
    tpu.wait_dma2 semaphore(%arg14 : memref<!tpu.dma_semaphore, #tpu.memory_space<semaphore_mem>>) src(%dma_wait3A_1825 : memref<128x128xf32, #tpu.memory_space<hbm>>) dst(%arg8 : memref<128x128xf32, #tpu.memory_space<vmem>>)
    %add3A_1826 = arith.constant 4096 : i32
    %add3A_1827 = arith.addi %mul3A_4, %add3A_1826 : i32
    %dma_start3A_1828 = arith.constant 0 : i32
    %dma_start3A_1829 = tpu.memref_slice %arg5[%add3A_1827, %dma_start3A_1828] : memref<204800x128xf32, #tpu.memory_space<hbm>> -> memref<128x128xf32, #tpu.memory_space<hbm>>
    %dma_start3A_1830 = arith.constant 0 : i32
    %dma_start3A_1831 = tpu.memref_slice %arg5[%add3A_1827, %dma_start3A_1830] : memref<204800x128xf32, #tpu.memory_space<hbm>> -> memref<128x128xf32, #tpu.memory_space<hbm>>
    tpu.enqueue_dma source(%arg8 : memref<128x128xf32, #tpu.memory_space<vmem>>) target(%dma_start3A_1831 : memref<128x128xf32, #tpu.memory_space<hbm>>) target_semaphore(%arg20 : memref<!tpu.dma_semaphore, #tpu.memory_space<semaphore_mem>>)
    %dma_wait3A_1832 = arith.constant 0 : i32
    %dma_wait3A_1833 = arith.constant 0 : i32
    %dma_wait3A_1834 = tpu.memref_slice %arg4[%dma_wait3A_1832, %dma_wait3A_1833] : memref<204800x128xf32, #tpu.memory_space<hbm>> -> memref<128x128xf32, #tpu.memory_space<hbm>>
    %dma_wait3A_1835 = arith.constant 0 : i32
    %dma_wait3A_1836 = arith.constant 0 : i32
    %dma_wait3A_1837 = tpu.memref_slice %arg4[%dma_wait3A_1835, %dma_wait3A_1836] : memref<204800x128xf32, #tpu.memory_space<hbm>> -> memref<128x128xf32, #tpu.memory_space<hbm>>
    tpu.wait_dma2 semaphore(%arg19 : memref<!tpu.dma_semaphore, #tpu.memory_space<semaphore_mem>>) src(%dma_wait3A_1837 : memref<128x128xf32, #tpu.memory_space<hbm>>) dst(%arg7 : memref<128x128xf32, #tpu.memory_space<vmem>>)
    %add3A_1838 = arith.constant 4736 : i32
    %add3A_1839 = arith.addi %mul3A_4, %add3A_1838 : i32
    %jit3A_1840 = arith.constant 4096 : i32
    %div3A_1841 = arith.divsi %add3A_1839, %jit3A_1840 : i32
    %sign3A_1842 = arith.constant 0 : i32
    %sign3A_1843 = arith.cmpi sgt, %add3A_1839, %sign3A_1842 : i32
    %sign3A_1844 = arith.extui %sign3A_1843 : i1 to i32
    %sign3A_1845 = arith.constant 0 : i32
    %sign3A_1846 = arith.cmpi slt, %add3A_1839, %sign3A_1845 : i32
    %sign3A_1847 = arith.extui %sign3A_1846 : i1 to i32
    %sign3A_1848 = arith.subi %sign3A_1844, %sign3A_1847 : i32
    %sign3A_1849 = arith.constant 0 : i32
    %sign3A_1850 = arith.cmpi sgt, %jit3A_1840, %sign3A_1849 : i32
    %sign3A_1851 = arith.extui %sign3A_1850 : i1 to i32
    %sign3A_1852 = arith.constant 0 : i32
    %sign3A_1853 = arith.cmpi slt, %jit3A_1840, %sign3A_1852 : i32
    %sign3A_1854 = arith.extui %sign3A_1853 : i1 to i32
    %sign3A_1855 = arith.subi %sign3A_1851, %sign3A_1854 : i32
    %ne3A_1856 = arith.cmpi ne, %sign3A_1848, %sign3A_1855 : i32
    %rem3A_1857 = arith.remsi %add3A_1839, %jit3A_1840 : i32
    %ne3A_1858 = arith.constant 0 : i32
    %ne3A_1859 = arith.cmpi ne, %rem3A_1857, %ne3A_1858 : i32
    %and3A_1860 = arith.andi %ne3A_1856, %ne3A_1859 : i1
    %sub3A_1861 = arith.constant 1 : i32
    %sub3A_1862 = arith.subi %div3A_1841, %sub3A_1861 : i32
    %select_n3A_1863 = arith.select %and3A_1860, %sub3A_1862, %div3A_1841 : i32
    %eq3A_1864 = arith.cmpi eq, %select_n3A_1863, %squeeze3A : i32
    %convert_element_type3A_1865 = arith.extui %eq3A_1864 : i1 to i32
    %cond3A_1866 = arith.constant 0 : i32
    %cond3A_1867 = arith.cmpi ne, %convert_element_type3A_1865, %cond3A_1866 : i32
    scf.if %cond3A_1867 {
      %mul3A_2592 = arith.constant 4096 : i32
      %mul3A_2593 = arith.muli %squeeze3A, %mul3A_2592 : i32
      %sub3A_2594 = arith.subi %add3A_1839, %mul3A_2593 : i32
      %dma_start3A_2595 = arith.constant 0 : i32
      %dma_start3A_2596 = tpu.memref_slice %arg3[%sub3A_2594, %dma_start3A_2595] : memref<4096x128xf32, #tpu.memory_space<hbm>> -> memref<128x128xf32, #tpu.memory_space<hbm>>
      %dma_start3A_2597 = arith.constant 0 : i32
      %dma_start3A_2598 = tpu.memref_slice %arg3[%sub3A_2594, %dma_start3A_2597] : memref<4096x128xf32, #tpu.memory_space<hbm>> -> memref<128x128xf32, #tpu.memory_space<hbm>>
      tpu.enqueue_dma source(%dma_start3A_2598 : memref<128x128xf32, #tpu.memory_space<hbm>>) target(%arg7 : memref<128x128xf32, #tpu.memory_space<vmem>>) target_semaphore(%arg13 : memref<!tpu.dma_semaphore, #tpu.memory_space<semaphore_mem>>)
    } else {
    }
    %ne3A_1868 = arith.cmpi ne, %select_n3A_1863, %squeeze3A : i32
    %convert_element_type3A_1869 = arith.extui %ne3A_1868 : i1 to i32
    %cond3A_1870 = arith.constant 0 : i32
    %cond3A_1871 = arith.cmpi ne, %convert_element_type3A_1869, %cond3A_1870 : i32
    scf.if %cond3A_1871 {
      %dma_start3A_2592 = arith.constant 0 : i32
      %dma_start3A_2593 = tpu.memref_slice %arg4[%add3A_1839, %dma_start3A_2592] : memref<204800x128xf32, #tpu.memory_space<hbm>> -> memref<128x128xf32, #tpu.memory_space<hbm>>
      %dma_start3A_2594 = arith.constant 0 : i32
      %dma_start3A_2595 = tpu.memref_slice %arg4[%add3A_1839, %dma_start3A_2594] : memref<204800x128xf32, #tpu.memory_space<hbm>> -> memref<128x128xf32, #tpu.memory_space<hbm>>
      tpu.enqueue_dma source(%dma_start3A_2595 : memref<128x128xf32, #tpu.memory_space<hbm>>) target(%arg7 : memref<128x128xf32, #tpu.memory_space<vmem>>) target_semaphore(%arg13 : memref<!tpu.dma_semaphore, #tpu.memory_space<semaphore_mem>>)
    } else {
    }
    %dma_wait3A_1872 = arith.constant 0 : i32
    %dma_wait3A_1873 = arith.constant 0 : i32
    %dma_wait3A_1874 = tpu.memref_slice %arg4[%dma_wait3A_1872, %dma_wait3A_1873] : memref<204800x128xf32, #tpu.memory_space<hbm>> -> memref<128x128xf32, #tpu.memory_space<hbm>>
    %dma_wait3A_1875 = arith.constant 0 : i32
    %dma_wait3A_1876 = arith.constant 0 : i32
    %dma_wait3A_1877 = tpu.memref_slice %arg4[%dma_wait3A_1875, %dma_wait3A_1876] : memref<204800x128xf32, #tpu.memory_space<hbm>> -> memref<128x128xf32, #tpu.memory_space<hbm>>
    tpu.wait_dma2 semaphore(%arg15 : memref<!tpu.dma_semaphore, #tpu.memory_space<semaphore_mem>>) src(%dma_wait3A_1877 : memref<128x128xf32, #tpu.memory_space<hbm>>) dst(%arg9 : memref<128x128xf32, #tpu.memory_space<vmem>>)
    %add3A_1878 = arith.constant 4224 : i32
    %add3A_1879 = arith.addi %mul3A_4, %add3A_1878 : i32
    %dma_start3A_1880 = arith.constant 0 : i32
    %dma_start3A_1881 = tpu.memref_slice %arg5[%add3A_1879, %dma_start3A_1880] : memref<204800x128xf32, #tpu.memory_space<hbm>> -> memref<128x128xf32, #tpu.memory_space<hbm>>
    %dma_start3A_1882 = arith.constant 0 : i32
    %dma_start3A_1883 = tpu.memref_slice %arg5[%add3A_1879, %dma_start3A_1882] : memref<204800x128xf32, #tpu.memory_space<hbm>> -> memref<128x128xf32, #tpu.memory_space<hbm>>
    tpu.enqueue_dma source(%arg9 : memref<128x128xf32, #tpu.memory_space<vmem>>) target(%dma_start3A_1883 : memref<128x128xf32, #tpu.memory_space<hbm>>) target_semaphore(%arg21 : memref<!tpu.dma_semaphore, #tpu.memory_space<semaphore_mem>>)
    %dma_wait3A_1884 = arith.constant 0 : i32
    %dma_wait3A_1885 = arith.constant 0 : i32
    %dma_wait3A_1886 = tpu.memref_slice %arg4[%dma_wait3A_1884, %dma_wait3A_1885] : memref<204800x128xf32, #tpu.memory_space<hbm>> -> memref<128x128xf32, #tpu.memory_space<hbm>>
    %dma_wait3A_1887 = arith.constant 0 : i32
    %dma_wait3A_1888 = arith.constant 0 : i32
    %dma_wait3A_1889 = tpu.memref_slice %arg4[%dma_wait3A_1887, %dma_wait3A_1888] : memref<204800x128xf32, #tpu.memory_space<hbm>> -> memref<128x128xf32, #tpu.memory_space<hbm>>
    tpu.wait_dma2 semaphore(%arg20 : memref<!tpu.dma_semaphore, #tpu.memory_space<semaphore_mem>>) src(%dma_wait3A_1889 : memref<128x128xf32, #tpu.memory_space<hbm>>) dst(%arg8 : memref<128x128xf32, #tpu.memory_space<vmem>>)
    %add3A_1890 = arith.constant 4864 : i32
    %add3A_1891 = arith.addi %mul3A_4, %add3A_1890 : i32
    %jit3A_1892 = arith.constant 4096 : i32
    %div3A_1893 = arith.divsi %add3A_1891, %jit3A_1892 : i32
    %sign3A_1894 = arith.constant 0 : i32
    %sign3A_1895 = arith.cmpi sgt, %add3A_1891, %sign3A_1894 : i32
    %sign3A_1896 = arith.extui %sign3A_1895 : i1 to i32
    %sign3A_1897 = arith.constant 0 : i32
    %sign3A_1898 = arith.cmpi slt, %add3A_1891, %sign3A_1897 : i32
    %sign3A_1899 = arith.extui %sign3A_1898 : i1 to i32
    %sign3A_1900 = arith.subi %sign3A_1896, %sign3A_1899 : i32
    %sign3A_1901 = arith.constant 0 : i32
    %sign3A_1902 = arith.cmpi sgt, %jit3A_1892, %sign3A_1901 : i32
    %sign3A_1903 = arith.extui %sign3A_1902 : i1 to i32
    %sign3A_1904 = arith.constant 0 : i32
    %sign3A_1905 = arith.cmpi slt, %jit3A_1892, %sign3A_1904 : i32
    %sign3A_1906 = arith.extui %sign3A_1905 : i1 to i32
    %sign3A_1907 = arith.subi %sign3A_1903, %sign3A_1906 : i32
    %ne3A_1908 = arith.cmpi ne, %sign3A_1900, %sign3A_1907 : i32
    %rem3A_1909 = arith.remsi %add3A_1891, %jit3A_1892 : i32
    %ne3A_1910 = arith.constant 0 : i32
    %ne3A_1911 = arith.cmpi ne, %rem3A_1909, %ne3A_1910 : i32
    %and3A_1912 = arith.andi %ne3A_1908, %ne3A_1911 : i1
    %sub3A_1913 = arith.constant 1 : i32
    %sub3A_1914 = arith.subi %div3A_1893, %sub3A_1913 : i32
    %select_n3A_1915 = arith.select %and3A_1912, %sub3A_1914, %div3A_1893 : i32
    %eq3A_1916 = arith.cmpi eq, %select_n3A_1915, %squeeze3A : i32
    %convert_element_type3A_1917 = arith.extui %eq3A_1916 : i1 to i32
    %cond3A_1918 = arith.constant 0 : i32
    %cond3A_1919 = arith.cmpi ne, %convert_element_type3A_1917, %cond3A_1918 : i32
    scf.if %cond3A_1919 {
      %mul3A_2592 = arith.constant 4096 : i32
      %mul3A_2593 = arith.muli %squeeze3A, %mul3A_2592 : i32
      %sub3A_2594 = arith.subi %add3A_1891, %mul3A_2593 : i32
      %dma_start3A_2595 = arith.constant 0 : i32
      %dma_start3A_2596 = tpu.memref_slice %arg3[%sub3A_2594, %dma_start3A_2595] : memref<4096x128xf32, #tpu.memory_space<hbm>> -> memref<128x128xf32, #tpu.memory_space<hbm>>
      %dma_start3A_2597 = arith.constant 0 : i32
      %dma_start3A_2598 = tpu.memref_slice %arg3[%sub3A_2594, %dma_start3A_2597] : memref<4096x128xf32, #tpu.memory_space<hbm>> -> memref<128x128xf32, #tpu.memory_space<hbm>>
      tpu.enqueue_dma source(%dma_start3A_2598 : memref<128x128xf32, #tpu.memory_space<hbm>>) target(%arg8 : memref<128x128xf32, #tpu.memory_space<vmem>>) target_semaphore(%arg14 : memref<!tpu.dma_semaphore, #tpu.memory_space<semaphore_mem>>)
    } else {
    }
    %ne3A_1920 = arith.cmpi ne, %select_n3A_1915, %squeeze3A : i32
    %convert_element_type3A_1921 = arith.extui %ne3A_1920 : i1 to i32
    %cond3A_1922 = arith.constant 0 : i32
    %cond3A_1923 = arith.cmpi ne, %convert_element_type3A_1921, %cond3A_1922 : i32
    scf.if %cond3A_1923 {
      %dma_start3A_2592 = arith.constant 0 : i32
      %dma_start3A_2593 = tpu.memref_slice %arg4[%add3A_1891, %dma_start3A_2592] : memref<204800x128xf32, #tpu.memory_space<hbm>> -> memref<128x128xf32, #tpu.memory_space<hbm>>
      %dma_start3A_2594 = arith.constant 0 : i32
      %dma_start3A_2595 = tpu.memref_slice %arg4[%add3A_1891, %dma_start3A_2594] : memref<204800x128xf32, #tpu.memory_space<hbm>> -> memref<128x128xf32, #tpu.memory_space<hbm>>
      tpu.enqueue_dma source(%dma_start3A_2595 : memref<128x128xf32, #tpu.memory_space<hbm>>) target(%arg8 : memref<128x128xf32, #tpu.memory_space<vmem>>) target_semaphore(%arg14 : memref<!tpu.dma_semaphore, #tpu.memory_space<semaphore_mem>>)
    } else {
    }
    %dma_wait3A_1924 = arith.constant 0 : i32
    %dma_wait3A_1925 = arith.constant 0 : i32
    %dma_wait3A_1926 = tpu.memref_slice %arg4[%dma_wait3A_1924, %dma_wait3A_1925] : memref<204800x128xf32, #tpu.memory_space<hbm>> -> memref<128x128xf32, #tpu.memory_space<hbm>>
    %dma_wait3A_1927 = arith.constant 0 : i32
    %dma_wait3A_1928 = arith.constant 0 : i32
    %dma_wait3A_1929 = tpu.memref_slice %arg4[%dma_wait3A_1927, %dma_wait3A_1928] : memref<204800x128xf32, #tpu.memory_space<hbm>> -> memref<128x128xf32, #tpu.memory_space<hbm>>
    tpu.wait_dma2 semaphore(%arg16 : memref<!tpu.dma_semaphore, #tpu.memory_space<semaphore_mem>>) src(%dma_wait3A_1929 : memref<128x128xf32, #tpu.memory_space<hbm>>) dst(%arg10 : memref<128x128xf32, #tpu.memory_space<vmem>>)
    %add3A_1930 = arith.constant 4352 : i32
    %add3A_1931 = arith.addi %mul3A_4, %add3A_1930 : i32
    %dma_start3A_1932 = arith.constant 0 : i32
    %dma_start3A_1933 = tpu.memref_slice %arg5[%add3A_1931, %dma_start3A_1932] : memref<204800x128xf32, #tpu.memory_space<hbm>> -> memref<128x128xf32, #tpu.memory_space<hbm>>
    %dma_start3A_1934 = arith.constant 0 : i32
    %dma_start3A_1935 = tpu.memref_slice %arg5[%add3A_1931, %dma_start3A_1934] : memref<204800x128xf32, #tpu.memory_space<hbm>> -> memref<128x128xf32, #tpu.memory_space<hbm>>
    tpu.enqueue_dma source(%arg10 : memref<128x128xf32, #tpu.memory_space<vmem>>) target(%dma_start3A_1935 : memref<128x128xf32, #tpu.memory_space<hbm>>) target_semaphore(%arg22 : memref<!tpu.dma_semaphore, #tpu.memory_space<semaphore_mem>>)
    %dma_wait3A_1936 = arith.constant 0 : i32
    %dma_wait3A_1937 = arith.constant 0 : i32
    %dma_wait3A_1938 = tpu.memref_slice %arg4[%dma_wait3A_1936, %dma_wait3A_1937] : memref<204800x128xf32, #tpu.memory_space<hbm>> -> memref<128x128xf32, #tpu.memory_space<hbm>>
    %dma_wait3A_1939 = arith.constant 0 : i32
    %dma_wait3A_1940 = arith.constant 0 : i32
    %dma_wait3A_1941 = tpu.memref_slice %arg4[%dma_wait3A_1939, %dma_wait3A_1940] : memref<204800x128xf32, #tpu.memory_space<hbm>> -> memref<128x128xf32, #tpu.memory_space<hbm>>
    tpu.wait_dma2 semaphore(%arg21 : memref<!tpu.dma_semaphore, #tpu.memory_space<semaphore_mem>>) src(%dma_wait3A_1941 : memref<128x128xf32, #tpu.memory_space<hbm>>) dst(%arg9 : memref<128x128xf32, #tpu.memory_space<vmem>>)
    %add3A_1942 = arith.constant 4992 : i32
    %add3A_1943 = arith.addi %mul3A_4, %add3A_1942 : i32
    %jit3A_1944 = arith.constant 4096 : i32
    %div3A_1945 = arith.divsi %add3A_1943, %jit3A_1944 : i32
    %sign3A_1946 = arith.constant 0 : i32
    %sign3A_1947 = arith.cmpi sgt, %add3A_1943, %sign3A_1946 : i32
    %sign3A_1948 = arith.extui %sign3A_1947 : i1 to i32
    %sign3A_1949 = arith.constant 0 : i32
    %sign3A_1950 = arith.cmpi slt, %add3A_1943, %sign3A_1949 : i32
    %sign3A_1951 = arith.extui %sign3A_1950 : i1 to i32
    %sign3A_1952 = arith.subi %sign3A_1948, %sign3A_1951 : i32
    %sign3A_1953 = arith.constant 0 : i32
    %sign3A_1954 = arith.cmpi sgt, %jit3A_1944, %sign3A_1953 : i32
    %sign3A_1955 = arith.extui %sign3A_1954 : i1 to i32
    %sign3A_1956 = arith.constant 0 : i32
    %sign3A_1957 = arith.cmpi slt, %jit3A_1944, %sign3A_1956 : i32
    %sign3A_1958 = arith.extui %sign3A_1957 : i1 to i32
    %sign3A_1959 = arith.subi %sign3A_1955, %sign3A_1958 : i32
    %ne3A_1960 = arith.cmpi ne, %sign3A_1952, %sign3A_1959 : i32
    %rem3A_1961 = arith.remsi %add3A_1943, %jit3A_1944 : i32
    %ne3A_1962 = arith.constant 0 : i32
    %ne3A_1963 = arith.cmpi ne, %rem3A_1961, %ne3A_1962 : i32
    %and3A_1964 = arith.andi %ne3A_1960, %ne3A_1963 : i1
    %sub3A_1965 = arith.constant 1 : i32
    %sub3A_1966 = arith.subi %div3A_1945, %sub3A_1965 : i32
    %select_n3A_1967 = arith.select %and3A_1964, %sub3A_1966, %div3A_1945 : i32
    %eq3A_1968 = arith.cmpi eq, %select_n3A_1967, %squeeze3A : i32
    %convert_element_type3A_1969 = arith.extui %eq3A_1968 : i1 to i32
    %cond3A_1970 = arith.constant 0 : i32
    %cond3A_1971 = arith.cmpi ne, %convert_element_type3A_1969, %cond3A_1970 : i32
    scf.if %cond3A_1971 {
      %mul3A_2592 = arith.constant 4096 : i32
      %mul3A_2593 = arith.muli %squeeze3A, %mul3A_2592 : i32
      %sub3A_2594 = arith.subi %add3A_1943, %mul3A_2593 : i32
      %dma_start3A_2595 = arith.constant 0 : i32
      %dma_start3A_2596 = tpu.memref_slice %arg3[%sub3A_2594, %dma_start3A_2595] : memref<4096x128xf32, #tpu.memory_space<hbm>> -> memref<128x128xf32, #tpu.memory_space<hbm>>
      %dma_start3A_2597 = arith.constant 0 : i32
      %dma_start3A_2598 = tpu.memref_slice %arg3[%sub3A_2594, %dma_start3A_2597] : memref<4096x128xf32, #tpu.memory_space<hbm>> -> memref<128x128xf32, #tpu.memory_space<hbm>>
      tpu.enqueue_dma source(%dma_start3A_2598 : memref<128x128xf32, #tpu.memory_space<hbm>>) target(%arg9 : memref<128x128xf32, #tpu.memory_space<vmem>>) target_semaphore(%arg15 : memref<!tpu.dma_semaphore, #tpu.memory_space<semaphore_mem>>)
    } else {
    }
    %ne3A_1972 = arith.cmpi ne, %select_n3A_1967, %squeeze3A : i32
    %convert_element_type3A_1973 = arith.extui %ne3A_1972 : i1 to i32
    %cond3A_1974 = arith.constant 0 : i32
    %cond3A_1975 = arith.cmpi ne, %convert_element_type3A_1973, %cond3A_1974 : i32
    scf.if %cond3A_1975 {
      %dma_start3A_2592 = arith.constant 0 : i32
      %dma_start3A_2593 = tpu.memref_slice %arg4[%add3A_1943, %dma_start3A_2592] : memref<204800x128xf32, #tpu.memory_space<hbm>> -> memref<128x128xf32, #tpu.memory_space<hbm>>
      %dma_start3A_2594 = arith.constant 0 : i32
      %dma_start3A_2595 = tpu.memref_slice %arg4[%add3A_1943, %dma_start3A_2594] : memref<204800x128xf32, #tpu.memory_space<hbm>> -> memref<128x128xf32, #tpu.memory_space<hbm>>
      tpu.enqueue_dma source(%dma_start3A_2595 : memref<128x128xf32, #tpu.memory_space<hbm>>) target(%arg9 : memref<128x128xf32, #tpu.memory_space<vmem>>) target_semaphore(%arg15 : memref<!tpu.dma_semaphore, #tpu.memory_space<semaphore_mem>>)
    } else {
    }
    %dma_wait3A_1976 = arith.constant 0 : i32
    %dma_wait3A_1977 = arith.constant 0 : i32
    %dma_wait3A_1978 = tpu.memref_slice %arg4[%dma_wait3A_1976, %dma_wait3A_1977] : memref<204800x128xf32, #tpu.memory_space<hbm>> -> memref<128x128xf32, #tpu.memory_space<hbm>>
    %dma_wait3A_1979 = arith.constant 0 : i32
    %dma_wait3A_1980 = arith.constant 0 : i32
    %dma_wait3A_1981 = tpu.memref_slice %arg4[%dma_wait3A_1979, %dma_wait3A_1980] : memref<204800x128xf32, #tpu.memory_space<hbm>> -> memref<128x128xf32, #tpu.memory_space<hbm>>
    tpu.wait_dma2 semaphore(%arg17 : memref<!tpu.dma_semaphore, #tpu.memory_space<semaphore_mem>>) src(%dma_wait3A_1981 : memref<128x128xf32, #tpu.memory_space<hbm>>) dst(%arg11 : memref<128x128xf32, #tpu.memory_space<vmem>>)
    %add3A_1982 = arith.constant 4480 : i32
    %add3A_1983 = arith.addi %mul3A_4, %add3A_1982 : i32
    %dma_start3A_1984 = arith.constant 0 : i32
    %dma_start3A_1985 = tpu.memref_slice %arg5[%add3A_1983, %dma_start3A_1984] : memref<204800x128xf32, #tpu.memory_space<hbm>> -> memref<128x128xf32, #tpu.memory_space<hbm>>
    %dma_start3A_1986 = arith.constant 0 : i32
    %dma_start3A_1987 = tpu.memref_slice %arg5[%add3A_1983, %dma_start3A_1986] : memref<204800x128xf32, #tpu.memory_space<hbm>> -> memref<128x128xf32, #tpu.memory_space<hbm>>
    tpu.enqueue_dma source(%arg11 : memref<128x128xf32, #tpu.memory_space<vmem>>) target(%dma_start3A_1987 : memref<128x128xf32, #tpu.memory_space<hbm>>) target_semaphore(%arg23 : memref<!tpu.dma_semaphore, #tpu.memory_space<semaphore_mem>>)
    %dma_wait3A_1988 = arith.constant 0 : i32
    %dma_wait3A_1989 = arith.constant 0 : i32
    %dma_wait3A_1990 = tpu.memref_slice %arg4[%dma_wait3A_1988, %dma_wait3A_1989] : memref<204800x128xf32, #tpu.memory_space<hbm>> -> memref<128x128xf32, #tpu.memory_space<hbm>>
    %dma_wait3A_1991 = arith.constant 0 : i32
    %dma_wait3A_1992 = arith.constant 0 : i32
    %dma_wait3A_1993 = tpu.memref_slice %arg4[%dma_wait3A_1991, %dma_wait3A_1992] : memref<204800x128xf32, #tpu.memory_space<hbm>> -> memref<128x128xf32, #tpu.memory_space<hbm>>
    tpu.wait_dma2 semaphore(%arg22 : memref<!tpu.dma_semaphore, #tpu.memory_space<semaphore_mem>>) src(%dma_wait3A_1993 : memref<128x128xf32, #tpu.memory_space<hbm>>) dst(%arg10 : memref<128x128xf32, #tpu.memory_space<vmem>>)
    %add3A_1994 = arith.constant 5120 : i32
    %add3A_1995 = arith.addi %mul3A_4, %add3A_1994 : i32
    %jit3A_1996 = arith.constant 4096 : i32
    %div3A_1997 = arith.divsi %add3A_1995, %jit3A_1996 : i32
    %sign3A_1998 = arith.constant 0 : i32
    %sign3A_1999 = arith.cmpi sgt, %add3A_1995, %sign3A_1998 : i32
    %sign3A_2000 = arith.extui %sign3A_1999 : i1 to i32
    %sign3A_2001 = arith.constant 0 : i32
    %sign3A_2002 = arith.cmpi slt, %add3A_1995, %sign3A_2001 : i32
    %sign3A_2003 = arith.extui %sign3A_2002 : i1 to i32
    %sign3A_2004 = arith.subi %sign3A_2000, %sign3A_2003 : i32
    %sign3A_2005 = arith.constant 0 : i32
    %sign3A_2006 = arith.cmpi sgt, %jit3A_1996, %sign3A_2005 : i32
    %sign3A_2007 = arith.extui %sign3A_2006 : i1 to i32
    %sign3A_2008 = arith.constant 0 : i32
    %sign3A_2009 = arith.cmpi slt, %jit3A_1996, %sign3A_2008 : i32
    %sign3A_2010 = arith.extui %sign3A_2009 : i1 to i32
    %sign3A_2011 = arith.subi %sign3A_2007, %sign3A_2010 : i32
    %ne3A_2012 = arith.cmpi ne, %sign3A_2004, %sign3A_2011 : i32
    %rem3A_2013 = arith.remsi %add3A_1995, %jit3A_1996 : i32
    %ne3A_2014 = arith.constant 0 : i32
    %ne3A_2015 = arith.cmpi ne, %rem3A_2013, %ne3A_2014 : i32
    %and3A_2016 = arith.andi %ne3A_2012, %ne3A_2015 : i1
    %sub3A_2017 = arith.constant 1 : i32
    %sub3A_2018 = arith.subi %div3A_1997, %sub3A_2017 : i32
    %select_n3A_2019 = arith.select %and3A_2016, %sub3A_2018, %div3A_1997 : i32
    %eq3A_2020 = arith.cmpi eq, %select_n3A_2019, %squeeze3A : i32
    %convert_element_type3A_2021 = arith.extui %eq3A_2020 : i1 to i32
    %cond3A_2022 = arith.constant 0 : i32
    %cond3A_2023 = arith.cmpi ne, %convert_element_type3A_2021, %cond3A_2022 : i32
    scf.if %cond3A_2023 {
      %mul3A_2592 = arith.constant 4096 : i32
      %mul3A_2593 = arith.muli %squeeze3A, %mul3A_2592 : i32
      %sub3A_2594 = arith.subi %add3A_1995, %mul3A_2593 : i32
      %dma_start3A_2595 = arith.constant 0 : i32
      %dma_start3A_2596 = tpu.memref_slice %arg3[%sub3A_2594, %dma_start3A_2595] : memref<4096x128xf32, #tpu.memory_space<hbm>> -> memref<128x128xf32, #tpu.memory_space<hbm>>
      %dma_start3A_2597 = arith.constant 0 : i32
      %dma_start3A_2598 = tpu.memref_slice %arg3[%sub3A_2594, %dma_start3A_2597] : memref<4096x128xf32, #tpu.memory_space<hbm>> -> memref<128x128xf32, #tpu.memory_space<hbm>>
      tpu.enqueue_dma source(%dma_start3A_2598 : memref<128x128xf32, #tpu.memory_space<hbm>>) target(%arg10 : memref<128x128xf32, #tpu.memory_space<vmem>>) target_semaphore(%arg16 : memref<!tpu.dma_semaphore, #tpu.memory_space<semaphore_mem>>)
    } else {
    }
    %ne3A_2024 = arith.cmpi ne, %select_n3A_2019, %squeeze3A : i32
    %convert_element_type3A_2025 = arith.extui %ne3A_2024 : i1 to i32
    %cond3A_2026 = arith.constant 0 : i32
    %cond3A_2027 = arith.cmpi ne, %convert_element_type3A_2025, %cond3A_2026 : i32
    scf.if %cond3A_2027 {
      %dma_start3A_2592 = arith.constant 0 : i32
      %dma_start3A_2593 = tpu.memref_slice %arg4[%add3A_1995, %dma_start3A_2592] : memref<204800x128xf32, #tpu.memory_space<hbm>> -> memref<128x128xf32, #tpu.memory_space<hbm>>
      %dma_start3A_2594 = arith.constant 0 : i32
      %dma_start3A_2595 = tpu.memref_slice %arg4[%add3A_1995, %dma_start3A_2594] : memref<204800x128xf32, #tpu.memory_space<hbm>> -> memref<128x128xf32, #tpu.memory_space<hbm>>
      tpu.enqueue_dma source(%dma_start3A_2595 : memref<128x128xf32, #tpu.memory_space<hbm>>) target(%arg10 : memref<128x128xf32, #tpu.memory_space<vmem>>) target_semaphore(%arg16 : memref<!tpu.dma_semaphore, #tpu.memory_space<semaphore_mem>>)
    } else {
    }
    %dma_wait3A_2028 = arith.constant 0 : i32
    %dma_wait3A_2029 = arith.constant 0 : i32
    %dma_wait3A_2030 = tpu.memref_slice %arg4[%dma_wait3A_2028, %dma_wait3A_2029] : memref<204800x128xf32, #tpu.memory_space<hbm>> -> memref<128x128xf32, #tpu.memory_space<hbm>>
    %dma_wait3A_2031 = arith.constant 0 : i32
    %dma_wait3A_2032 = arith.constant 0 : i32
    %dma_wait3A_2033 = tpu.memref_slice %arg4[%dma_wait3A_2031, %dma_wait3A_2032] : memref<204800x128xf32, #tpu.memory_space<hbm>> -> memref<128x128xf32, #tpu.memory_space<hbm>>
    tpu.wait_dma2 semaphore(%arg12 : memref<!tpu.dma_semaphore, #tpu.memory_space<semaphore_mem>>) src(%dma_wait3A_2033 : memref<128x128xf32, #tpu.memory_space<hbm>>) dst(%arg6 : memref<128x128xf32, #tpu.memory_space<vmem>>)
    %add3A_2034 = arith.constant 4608 : i32
    %add3A_2035 = arith.addi %mul3A_4, %add3A_2034 : i32
    %dma_start3A_2036 = arith.constant 0 : i32
    %dma_start3A_2037 = tpu.memref_slice %arg5[%add3A_2035, %dma_start3A_2036] : memref<204800x128xf32, #tpu.memory_space<hbm>> -> memref<128x128xf32, #tpu.memory_space<hbm>>
    %dma_start3A_2038 = arith.constant 0 : i32
    %dma_start3A_2039 = tpu.memref_slice %arg5[%add3A_2035, %dma_start3A_2038] : memref<204800x128xf32, #tpu.memory_space<hbm>> -> memref<128x128xf32, #tpu.memory_space<hbm>>
    tpu.enqueue_dma source(%arg6 : memref<128x128xf32, #tpu.memory_space<vmem>>) target(%dma_start3A_2039 : memref<128x128xf32, #tpu.memory_space<hbm>>) target_semaphore(%arg18 : memref<!tpu.dma_semaphore, #tpu.memory_space<semaphore_mem>>)
    %dma_wait3A_2040 = arith.constant 0 : i32
    %dma_wait3A_2041 = arith.constant 0 : i32
    %dma_wait3A_2042 = tpu.memref_slice %arg4[%dma_wait3A_2040, %dma_wait3A_2041] : memref<204800x128xf32, #tpu.memory_space<hbm>> -> memref<128x128xf32, #tpu.memory_space<hbm>>
    %dma_wait3A_2043 = arith.constant 0 : i32
    %dma_wait3A_2044 = arith.constant 0 : i32
    %dma_wait3A_2045 = tpu.memref_slice %arg4[%dma_wait3A_2043, %dma_wait3A_2044] : memref<204800x128xf32, #tpu.memory_space<hbm>> -> memref<128x128xf32, #tpu.memory_space<hbm>>
    tpu.wait_dma2 semaphore(%arg23 : memref<!tpu.dma_semaphore, #tpu.memory_space<semaphore_mem>>) src(%dma_wait3A_2045 : memref<128x128xf32, #tpu.memory_space<hbm>>) dst(%arg11 : memref<128x128xf32, #tpu.memory_space<vmem>>)
    %add3A_2046 = arith.constant 5248 : i32
    %add3A_2047 = arith.addi %mul3A_4, %add3A_2046 : i32
    %jit3A_2048 = arith.constant 4096 : i32
    %div3A_2049 = arith.divsi %add3A_2047, %jit3A_2048 : i32
    %sign3A_2050 = arith.constant 0 : i32
    %sign3A_2051 = arith.cmpi sgt, %add3A_2047, %sign3A_2050 : i32
    %sign3A_2052 = arith.extui %sign3A_2051 : i1 to i32
    %sign3A_2053 = arith.constant 0 : i32
    %sign3A_2054 = arith.cmpi slt, %add3A_2047, %sign3A_2053 : i32
    %sign3A_2055 = arith.extui %sign3A_2054 : i1 to i32
    %sign3A_2056 = arith.subi %sign3A_2052, %sign3A_2055 : i32
    %sign3A_2057 = arith.constant 0 : i32
    %sign3A_2058 = arith.cmpi sgt, %jit3A_2048, %sign3A_2057 : i32
    %sign3A_2059 = arith.extui %sign3A_2058 : i1 to i32
    %sign3A_2060 = arith.constant 0 : i32
    %sign3A_2061 = arith.cmpi slt, %jit3A_2048, %sign3A_2060 : i32
    %sign3A_2062 = arith.extui %sign3A_2061 : i1 to i32
    %sign3A_2063 = arith.subi %sign3A_2059, %sign3A_2062 : i32
    %ne3A_2064 = arith.cmpi ne, %sign3A_2056, %sign3A_2063 : i32
    %rem3A_2065 = arith.remsi %add3A_2047, %jit3A_2048 : i32
    %ne3A_2066 = arith.constant 0 : i32
    %ne3A_2067 = arith.cmpi ne, %rem3A_2065, %ne3A_2066 : i32
    %and3A_2068 = arith.andi %ne3A_2064, %ne3A_2067 : i1
    %sub3A_2069 = arith.constant 1 : i32
    %sub3A_2070 = arith.subi %div3A_2049, %sub3A_2069 : i32
    %select_n3A_2071 = arith.select %and3A_2068, %sub3A_2070, %div3A_2049 : i32
    %eq3A_2072 = arith.cmpi eq, %select_n3A_2071, %squeeze3A : i32
    %convert_element_type3A_2073 = arith.extui %eq3A_2072 : i1 to i32
    %cond3A_2074 = arith.constant 0 : i32
    %cond3A_2075 = arith.cmpi ne, %convert_element_type3A_2073, %cond3A_2074 : i32
    scf.if %cond3A_2075 {
      %mul3A_2592 = arith.constant 4096 : i32
      %mul3A_2593 = arith.muli %squeeze3A, %mul3A_2592 : i32
      %sub3A_2594 = arith.subi %add3A_2047, %mul3A_2593 : i32
      %dma_start3A_2595 = arith.constant 0 : i32
      %dma_start3A_2596 = tpu.memref_slice %arg3[%sub3A_2594, %dma_start3A_2595] : memref<4096x128xf32, #tpu.memory_space<hbm>> -> memref<128x128xf32, #tpu.memory_space<hbm>>
      %dma_start3A_2597 = arith.constant 0 : i32
      %dma_start3A_2598 = tpu.memref_slice %arg3[%sub3A_2594, %dma_start3A_2597] : memref<4096x128xf32, #tpu.memory_space<hbm>> -> memref<128x128xf32, #tpu.memory_space<hbm>>
      tpu.enqueue_dma source(%dma_start3A_2598 : memref<128x128xf32, #tpu.memory_space<hbm>>) target(%arg11 : memref<128x128xf32, #tpu.memory_space<vmem>>) target_semaphore(%arg17 : memref<!tpu.dma_semaphore, #tpu.memory_space<semaphore_mem>>)
    } else {
    }
    %ne3A_2076 = arith.cmpi ne, %select_n3A_2071, %squeeze3A : i32
    %convert_element_type3A_2077 = arith.extui %ne3A_2076 : i1 to i32
    %cond3A_2078 = arith.constant 0 : i32
    %cond3A_2079 = arith.cmpi ne, %convert_element_type3A_2077, %cond3A_2078 : i32
    scf.if %cond3A_2079 {
      %dma_start3A_2592 = arith.constant 0 : i32
      %dma_start3A_2593 = tpu.memref_slice %arg4[%add3A_2047, %dma_start3A_2592] : memref<204800x128xf32, #tpu.memory_space<hbm>> -> memref<128x128xf32, #tpu.memory_space<hbm>>
      %dma_start3A_2594 = arith.constant 0 : i32
      %dma_start3A_2595 = tpu.memref_slice %arg4[%add3A_2047, %dma_start3A_2594] : memref<204800x128xf32, #tpu.memory_space<hbm>> -> memref<128x128xf32, #tpu.memory_space<hbm>>
      tpu.enqueue_dma source(%dma_start3A_2595 : memref<128x128xf32, #tpu.memory_space<hbm>>) target(%arg11 : memref<128x128xf32, #tpu.memory_space<vmem>>) target_semaphore(%arg17 : memref<!tpu.dma_semaphore, #tpu.memory_space<semaphore_mem>>)
    } else {
    }
    %dma_wait3A_2080 = arith.constant 0 : i32
    %dma_wait3A_2081 = arith.constant 0 : i32
    %dma_wait3A_2082 = tpu.memref_slice %arg4[%dma_wait3A_2080, %dma_wait3A_2081] : memref<204800x128xf32, #tpu.memory_space<hbm>> -> memref<128x128xf32, #tpu.memory_space<hbm>>
    %dma_wait3A_2083 = arith.constant 0 : i32
    %dma_wait3A_2084 = arith.constant 0 : i32
    %dma_wait3A_2085 = tpu.memref_slice %arg4[%dma_wait3A_2083, %dma_wait3A_2084] : memref<204800x128xf32, #tpu.memory_space<hbm>> -> memref<128x128xf32, #tpu.memory_space<hbm>>
    tpu.wait_dma2 semaphore(%arg13 : memref<!tpu.dma_semaphore, #tpu.memory_space<semaphore_mem>>) src(%dma_wait3A_2085 : memref<128x128xf32, #tpu.memory_space<hbm>>) dst(%arg7 : memref<128x128xf32, #tpu.memory_space<vmem>>)
    %add3A_2086 = arith.constant 4736 : i32
    %add3A_2087 = arith.addi %mul3A_4, %add3A_2086 : i32
    %dma_start3A_2088 = arith.constant 0 : i32
    %dma_start3A_2089 = tpu.memref_slice %arg5[%add3A_2087, %dma_start3A_2088] : memref<204800x128xf32, #tpu.memory_space<hbm>> -> memref<128x128xf32, #tpu.memory_space<hbm>>
    %dma_start3A_2090 = arith.constant 0 : i32
    %dma_start3A_2091 = tpu.memref_slice %arg5[%add3A_2087, %dma_start3A_2090] : memref<204800x128xf32, #tpu.memory_space<hbm>> -> memref<128x128xf32, #tpu.memory_space<hbm>>
    tpu.enqueue_dma source(%arg7 : memref<128x128xf32, #tpu.memory_space<vmem>>) target(%dma_start3A_2091 : memref<128x128xf32, #tpu.memory_space<hbm>>) target_semaphore(%arg19 : memref<!tpu.dma_semaphore, #tpu.memory_space<semaphore_mem>>)
    %dma_wait3A_2092 = arith.constant 0 : i32
    %dma_wait3A_2093 = arith.constant 0 : i32
    %dma_wait3A_2094 = tpu.memref_slice %arg4[%dma_wait3A_2092, %dma_wait3A_2093] : memref<204800x128xf32, #tpu.memory_space<hbm>> -> memref<128x128xf32, #tpu.memory_space<hbm>>
    %dma_wait3A_2095 = arith.constant 0 : i32
    %dma_wait3A_2096 = arith.constant 0 : i32
    %dma_wait3A_2097 = tpu.memref_slice %arg4[%dma_wait3A_2095, %dma_wait3A_2096] : memref<204800x128xf32, #tpu.memory_space<hbm>> -> memref<128x128xf32, #tpu.memory_space<hbm>>
    tpu.wait_dma2 semaphore(%arg18 : memref<!tpu.dma_semaphore, #tpu.memory_space<semaphore_mem>>) src(%dma_wait3A_2097 : memref<128x128xf32, #tpu.memory_space<hbm>>) dst(%arg6 : memref<128x128xf32, #tpu.memory_space<vmem>>)
    %add3A_2098 = arith.constant 5376 : i32
    %add3A_2099 = arith.addi %mul3A_4, %add3A_2098 : i32
    %jit3A_2100 = arith.constant 4096 : i32
    %div3A_2101 = arith.divsi %add3A_2099, %jit3A_2100 : i32
    %sign3A_2102 = arith.constant 0 : i32
    %sign3A_2103 = arith.cmpi sgt, %add3A_2099, %sign3A_2102 : i32
    %sign3A_2104 = arith.extui %sign3A_2103 : i1 to i32
    %sign3A_2105 = arith.constant 0 : i32
    %sign3A_2106 = arith.cmpi slt, %add3A_2099, %sign3A_2105 : i32
    %sign3A_2107 = arith.extui %sign3A_2106 : i1 to i32
    %sign3A_2108 = arith.subi %sign3A_2104, %sign3A_2107 : i32
    %sign3A_2109 = arith.constant 0 : i32
    %sign3A_2110 = arith.cmpi sgt, %jit3A_2100, %sign3A_2109 : i32
    %sign3A_2111 = arith.extui %sign3A_2110 : i1 to i32
    %sign3A_2112 = arith.constant 0 : i32
    %sign3A_2113 = arith.cmpi slt, %jit3A_2100, %sign3A_2112 : i32
    %sign3A_2114 = arith.extui %sign3A_2113 : i1 to i32
    %sign3A_2115 = arith.subi %sign3A_2111, %sign3A_2114 : i32
    %ne3A_2116 = arith.cmpi ne, %sign3A_2108, %sign3A_2115 : i32
    %rem3A_2117 = arith.remsi %add3A_2099, %jit3A_2100 : i32
    %ne3A_2118 = arith.constant 0 : i32
    %ne3A_2119 = arith.cmpi ne, %rem3A_2117, %ne3A_2118 : i32
    %and3A_2120 = arith.andi %ne3A_2116, %ne3A_2119 : i1
    %sub3A_2121 = arith.constant 1 : i32
    %sub3A_2122 = arith.subi %div3A_2101, %sub3A_2121 : i32
    %select_n3A_2123 = arith.select %and3A_2120, %sub3A_2122, %div3A_2101 : i32
    %eq3A_2124 = arith.cmpi eq, %select_n3A_2123, %squeeze3A : i32
    %convert_element_type3A_2125 = arith.extui %eq3A_2124 : i1 to i32
    %cond3A_2126 = arith.constant 0 : i32
    %cond3A_2127 = arith.cmpi ne, %convert_element_type3A_2125, %cond3A_2126 : i32
    scf.if %cond3A_2127 {
      %mul3A_2592 = arith.constant 4096 : i32
      %mul3A_2593 = arith.muli %squeeze3A, %mul3A_2592 : i32
      %sub3A_2594 = arith.subi %add3A_2099, %mul3A_2593 : i32
      %dma_start3A_2595 = arith.constant 0 : i32
      %dma_start3A_2596 = tpu.memref_slice %arg3[%sub3A_2594, %dma_start3A_2595] : memref<4096x128xf32, #tpu.memory_space<hbm>> -> memref<128x128xf32, #tpu.memory_space<hbm>>
      %dma_start3A_2597 = arith.constant 0 : i32
      %dma_start3A_2598 = tpu.memref_slice %arg3[%sub3A_2594, %dma_start3A_2597] : memref<4096x128xf32, #tpu.memory_space<hbm>> -> memref<128x128xf32, #tpu.memory_space<hbm>>
      tpu.enqueue_dma source(%dma_start3A_2598 : memref<128x128xf32, #tpu.memory_space<hbm>>) target(%arg6 : memref<128x128xf32, #tpu.memory_space<vmem>>) target_semaphore(%arg12 : memref<!tpu.dma_semaphore, #tpu.memory_space<semaphore_mem>>)
    } else {
    }
    %ne3A_2128 = arith.cmpi ne, %select_n3A_2123, %squeeze3A : i32
    %convert_element_type3A_2129 = arith.extui %ne3A_2128 : i1 to i32
    %cond3A_2130 = arith.constant 0 : i32
    %cond3A_2131 = arith.cmpi ne, %convert_element_type3A_2129, %cond3A_2130 : i32
    scf.if %cond3A_2131 {
      %dma_start3A_2592 = arith.constant 0 : i32
      %dma_start3A_2593 = tpu.memref_slice %arg4[%add3A_2099, %dma_start3A_2592] : memref<204800x128xf32, #tpu.memory_space<hbm>> -> memref<128x128xf32, #tpu.memory_space<hbm>>
      %dma_start3A_2594 = arith.constant 0 : i32
      %dma_start3A_2595 = tpu.memref_slice %arg4[%add3A_2099, %dma_start3A_2594] : memref<204800x128xf32, #tpu.memory_space<hbm>> -> memref<128x128xf32, #tpu.memory_space<hbm>>
      tpu.enqueue_dma source(%dma_start3A_2595 : memref<128x128xf32, #tpu.memory_space<hbm>>) target(%arg6 : memref<128x128xf32, #tpu.memory_space<vmem>>) target_semaphore(%arg12 : memref<!tpu.dma_semaphore, #tpu.memory_space<semaphore_mem>>)
    } else {
    }
    %dma_wait3A_2132 = arith.constant 0 : i32
    %dma_wait3A_2133 = arith.constant 0 : i32
    %dma_wait3A_2134 = tpu.memref_slice %arg4[%dma_wait3A_2132, %dma_wait3A_2133] : memref<204800x128xf32, #tpu.memory_space<hbm>> -> memref<128x128xf32, #tpu.memory_space<hbm>>
    %dma_wait3A_2135 = arith.constant 0 : i32
    %dma_wait3A_2136 = arith.constant 0 : i32
    %dma_wait3A_2137 = tpu.memref_slice %arg4[%dma_wait3A_2135, %dma_wait3A_2136] : memref<204800x128xf32, #tpu.memory_space<hbm>> -> memref<128x128xf32, #tpu.memory_space<hbm>>
    tpu.wait_dma2 semaphore(%arg14 : memref<!tpu.dma_semaphore, #tpu.memory_space<semaphore_mem>>) src(%dma_wait3A_2137 : memref<128x128xf32, #tpu.memory_space<hbm>>) dst(%arg8 : memref<128x128xf32, #tpu.memory_space<vmem>>)
    %add3A_2138 = arith.constant 4864 : i32
    %add3A_2139 = arith.addi %mul3A_4, %add3A_2138 : i32
    %dma_start3A_2140 = arith.constant 0 : i32
    %dma_start3A_2141 = tpu.memref_slice %arg5[%add3A_2139, %dma_start3A_2140] : memref<204800x128xf32, #tpu.memory_space<hbm>> -> memref<128x128xf32, #tpu.memory_space<hbm>>
    %dma_start3A_2142 = arith.constant 0 : i32
    %dma_start3A_2143 = tpu.memref_slice %arg5[%add3A_2139, %dma_start3A_2142] : memref<204800x128xf32, #tpu.memory_space<hbm>> -> memref<128x128xf32, #tpu.memory_space<hbm>>
    tpu.enqueue_dma source(%arg8 : memref<128x128xf32, #tpu.memory_space<vmem>>) target(%dma_start3A_2143 : memref<128x128xf32, #tpu.memory_space<hbm>>) target_semaphore(%arg20 : memref<!tpu.dma_semaphore, #tpu.memory_space<semaphore_mem>>)
    %dma_wait3A_2144 = arith.constant 0 : i32
    %dma_wait3A_2145 = arith.constant 0 : i32
    %dma_wait3A_2146 = tpu.memref_slice %arg4[%dma_wait3A_2144, %dma_wait3A_2145] : memref<204800x128xf32, #tpu.memory_space<hbm>> -> memref<128x128xf32, #tpu.memory_space<hbm>>
    %dma_wait3A_2147 = arith.constant 0 : i32
    %dma_wait3A_2148 = arith.constant 0 : i32
    %dma_wait3A_2149 = tpu.memref_slice %arg4[%dma_wait3A_2147, %dma_wait3A_2148] : memref<204800x128xf32, #tpu.memory_space<hbm>> -> memref<128x128xf32, #tpu.memory_space<hbm>>
    tpu.wait_dma2 semaphore(%arg19 : memref<!tpu.dma_semaphore, #tpu.memory_space<semaphore_mem>>) src(%dma_wait3A_2149 : memref<128x128xf32, #tpu.memory_space<hbm>>) dst(%arg7 : memref<128x128xf32, #tpu.memory_space<vmem>>)
    %add3A_2150 = arith.constant 5504 : i32
    %add3A_2151 = arith.addi %mul3A_4, %add3A_2150 : i32
    %jit3A_2152 = arith.constant 4096 : i32
    %div3A_2153 = arith.divsi %add3A_2151, %jit3A_2152 : i32
    %sign3A_2154 = arith.constant 0 : i32
    %sign3A_2155 = arith.cmpi sgt, %add3A_2151, %sign3A_2154 : i32
    %sign3A_2156 = arith.extui %sign3A_2155 : i1 to i32
    %sign3A_2157 = arith.constant 0 : i32
    %sign3A_2158 = arith.cmpi slt, %add3A_2151, %sign3A_2157 : i32
    %sign3A_2159 = arith.extui %sign3A_2158 : i1 to i32
    %sign3A_2160 = arith.subi %sign3A_2156, %sign3A_2159 : i32
    %sign3A_2161 = arith.constant 0 : i32
    %sign3A_2162 = arith.cmpi sgt, %jit3A_2152, %sign3A_2161 : i32
    %sign3A_2163 = arith.extui %sign3A_2162 : i1 to i32
    %sign3A_2164 = arith.constant 0 : i32
    %sign3A_2165 = arith.cmpi slt, %jit3A_2152, %sign3A_2164 : i32
    %sign3A_2166 = arith.extui %sign3A_2165 : i1 to i32
    %sign3A_2167 = arith.subi %sign3A_2163, %sign3A_2166 : i32
    %ne3A_2168 = arith.cmpi ne, %sign3A_2160, %sign3A_2167 : i32
    %rem3A_2169 = arith.remsi %add3A_2151, %jit3A_2152 : i32
    %ne3A_2170 = arith.constant 0 : i32
    %ne3A_2171 = arith.cmpi ne, %rem3A_2169, %ne3A_2170 : i32
    %and3A_2172 = arith.andi %ne3A_2168, %ne3A_2171 : i1
    %sub3A_2173 = arith.constant 1 : i32
    %sub3A_2174 = arith.subi %div3A_2153, %sub3A_2173 : i32
    %select_n3A_2175 = arith.select %and3A_2172, %sub3A_2174, %div3A_2153 : i32
    %eq3A_2176 = arith.cmpi eq, %select_n3A_2175, %squeeze3A : i32
    %convert_element_type3A_2177 = arith.extui %eq3A_2176 : i1 to i32
    %cond3A_2178 = arith.constant 0 : i32
    %cond3A_2179 = arith.cmpi ne, %convert_element_type3A_2177, %cond3A_2178 : i32
    scf.if %cond3A_2179 {
      %mul3A_2592 = arith.constant 4096 : i32
      %mul3A_2593 = arith.muli %squeeze3A, %mul3A_2592 : i32
      %sub3A_2594 = arith.subi %add3A_2151, %mul3A_2593 : i32
      %dma_start3A_2595 = arith.constant 0 : i32
      %dma_start3A_2596 = tpu.memref_slice %arg3[%sub3A_2594, %dma_start3A_2595] : memref<4096x128xf32, #tpu.memory_space<hbm>> -> memref<128x128xf32, #tpu.memory_space<hbm>>
      %dma_start3A_2597 = arith.constant 0 : i32
      %dma_start3A_2598 = tpu.memref_slice %arg3[%sub3A_2594, %dma_start3A_2597] : memref<4096x128xf32, #tpu.memory_space<hbm>> -> memref<128x128xf32, #tpu.memory_space<hbm>>
      tpu.enqueue_dma source(%dma_start3A_2598 : memref<128x128xf32, #tpu.memory_space<hbm>>) target(%arg7 : memref<128x128xf32, #tpu.memory_space<vmem>>) target_semaphore(%arg13 : memref<!tpu.dma_semaphore, #tpu.memory_space<semaphore_mem>>)
    } else {
    }
    %ne3A_2180 = arith.cmpi ne, %select_n3A_2175, %squeeze3A : i32
    %convert_element_type3A_2181 = arith.extui %ne3A_2180 : i1 to i32
    %cond3A_2182 = arith.constant 0 : i32
    %cond3A_2183 = arith.cmpi ne, %convert_element_type3A_2181, %cond3A_2182 : i32
    scf.if %cond3A_2183 {
      %dma_start3A_2592 = arith.constant 0 : i32
      %dma_start3A_2593 = tpu.memref_slice %arg4[%add3A_2151, %dma_start3A_2592] : memref<204800x128xf32, #tpu.memory_space<hbm>> -> memref<128x128xf32, #tpu.memory_space<hbm>>
      %dma_start3A_2594 = arith.constant 0 : i32
      %dma_start3A_2595 = tpu.memref_slice %arg4[%add3A_2151, %dma_start3A_2594] : memref<204800x128xf32, #tpu.memory_space<hbm>> -> memref<128x128xf32, #tpu.memory_space<hbm>>
      tpu.enqueue_dma source(%dma_start3A_2595 : memref<128x128xf32, #tpu.memory_space<hbm>>) target(%arg7 : memref<128x128xf32, #tpu.memory_space<vmem>>) target_semaphore(%arg13 : memref<!tpu.dma_semaphore, #tpu.memory_space<semaphore_mem>>)
    } else {
    }
    %dma_wait3A_2184 = arith.constant 0 : i32
    %dma_wait3A_2185 = arith.constant 0 : i32
    %dma_wait3A_2186 = tpu.memref_slice %arg4[%dma_wait3A_2184, %dma_wait3A_2185] : memref<204800x128xf32, #tpu.memory_space<hbm>> -> memref<128x128xf32, #tpu.memory_space<hbm>>
    %dma_wait3A_2187 = arith.constant 0 : i32
    %dma_wait3A_2188 = arith.constant 0 : i32
    %dma_wait3A_2189 = tpu.memref_slice %arg4[%dma_wait3A_2187, %dma_wait3A_2188] : memref<204800x128xf32, #tpu.memory_space<hbm>> -> memref<128x128xf32, #tpu.memory_space<hbm>>
    tpu.wait_dma2 semaphore(%arg15 : memref<!tpu.dma_semaphore, #tpu.memory_space<semaphore_mem>>) src(%dma_wait3A_2189 : memref<128x128xf32, #tpu.memory_space<hbm>>) dst(%arg9 : memref<128x128xf32, #tpu.memory_space<vmem>>)
    %add3A_2190 = arith.constant 4992 : i32
    %add3A_2191 = arith.addi %mul3A_4, %add3A_2190 : i32
    %dma_start3A_2192 = arith.constant 0 : i32
    %dma_start3A_2193 = tpu.memref_slice %arg5[%add3A_2191, %dma_start3A_2192] : memref<204800x128xf32, #tpu.memory_space<hbm>> -> memref<128x128xf32, #tpu.memory_space<hbm>>
    %dma_start3A_2194 = arith.constant 0 : i32
    %dma_start3A_2195 = tpu.memref_slice %arg5[%add3A_2191, %dma_start3A_2194] : memref<204800x128xf32, #tpu.memory_space<hbm>> -> memref<128x128xf32, #tpu.memory_space<hbm>>
    tpu.enqueue_dma source(%arg9 : memref<128x128xf32, #tpu.memory_space<vmem>>) target(%dma_start3A_2195 : memref<128x128xf32, #tpu.memory_space<hbm>>) target_semaphore(%arg21 : memref<!tpu.dma_semaphore, #tpu.memory_space<semaphore_mem>>)
    %dma_wait3A_2196 = arith.constant 0 : i32
    %dma_wait3A_2197 = arith.constant 0 : i32
    %dma_wait3A_2198 = tpu.memref_slice %arg4[%dma_wait3A_2196, %dma_wait3A_2197] : memref<204800x128xf32, #tpu.memory_space<hbm>> -> memref<128x128xf32, #tpu.memory_space<hbm>>
    %dma_wait3A_2199 = arith.constant 0 : i32
    %dma_wait3A_2200 = arith.constant 0 : i32
    %dma_wait3A_2201 = tpu.memref_slice %arg4[%dma_wait3A_2199, %dma_wait3A_2200] : memref<204800x128xf32, #tpu.memory_space<hbm>> -> memref<128x128xf32, #tpu.memory_space<hbm>>
    tpu.wait_dma2 semaphore(%arg20 : memref<!tpu.dma_semaphore, #tpu.memory_space<semaphore_mem>>) src(%dma_wait3A_2201 : memref<128x128xf32, #tpu.memory_space<hbm>>) dst(%arg8 : memref<128x128xf32, #tpu.memory_space<vmem>>)
    %add3A_2202 = arith.constant 5632 : i32
    %add3A_2203 = arith.addi %mul3A_4, %add3A_2202 : i32
    %jit3A_2204 = arith.constant 4096 : i32
    %div3A_2205 = arith.divsi %add3A_2203, %jit3A_2204 : i32
    %sign3A_2206 = arith.constant 0 : i32
    %sign3A_2207 = arith.cmpi sgt, %add3A_2203, %sign3A_2206 : i32
    %sign3A_2208 = arith.extui %sign3A_2207 : i1 to i32
    %sign3A_2209 = arith.constant 0 : i32
    %sign3A_2210 = arith.cmpi slt, %add3A_2203, %sign3A_2209 : i32
    %sign3A_2211 = arith.extui %sign3A_2210 : i1 to i32
    %sign3A_2212 = arith.subi %sign3A_2208, %sign3A_2211 : i32
    %sign3A_2213 = arith.constant 0 : i32
    %sign3A_2214 = arith.cmpi sgt, %jit3A_2204, %sign3A_2213 : i32
    %sign3A_2215 = arith.extui %sign3A_2214 : i1 to i32
    %sign3A_2216 = arith.constant 0 : i32
    %sign3A_2217 = arith.cmpi slt, %jit3A_2204, %sign3A_2216 : i32
    %sign3A_2218 = arith.extui %sign3A_2217 : i1 to i32
    %sign3A_2219 = arith.subi %sign3A_2215, %sign3A_2218 : i32
    %ne3A_2220 = arith.cmpi ne, %sign3A_2212, %sign3A_2219 : i32
    %rem3A_2221 = arith.remsi %add3A_2203, %jit3A_2204 : i32
    %ne3A_2222 = arith.constant 0 : i32
    %ne3A_2223 = arith.cmpi ne, %rem3A_2221, %ne3A_2222 : i32
    %and3A_2224 = arith.andi %ne3A_2220, %ne3A_2223 : i1
    %sub3A_2225 = arith.constant 1 : i32
    %sub3A_2226 = arith.subi %div3A_2205, %sub3A_2225 : i32
    %select_n3A_2227 = arith.select %and3A_2224, %sub3A_2226, %div3A_2205 : i32
    %eq3A_2228 = arith.cmpi eq, %select_n3A_2227, %squeeze3A : i32
    %convert_element_type3A_2229 = arith.extui %eq3A_2228 : i1 to i32
    %cond3A_2230 = arith.constant 0 : i32
    %cond3A_2231 = arith.cmpi ne, %convert_element_type3A_2229, %cond3A_2230 : i32
    scf.if %cond3A_2231 {
      %mul3A_2592 = arith.constant 4096 : i32
      %mul3A_2593 = arith.muli %squeeze3A, %mul3A_2592 : i32
      %sub3A_2594 = arith.subi %add3A_2203, %mul3A_2593 : i32
      %dma_start3A_2595 = arith.constant 0 : i32
      %dma_start3A_2596 = tpu.memref_slice %arg3[%sub3A_2594, %dma_start3A_2595] : memref<4096x128xf32, #tpu.memory_space<hbm>> -> memref<128x128xf32, #tpu.memory_space<hbm>>
      %dma_start3A_2597 = arith.constant 0 : i32
      %dma_start3A_2598 = tpu.memref_slice %arg3[%sub3A_2594, %dma_start3A_2597] : memref<4096x128xf32, #tpu.memory_space<hbm>> -> memref<128x128xf32, #tpu.memory_space<hbm>>
      tpu.enqueue_dma source(%dma_start3A_2598 : memref<128x128xf32, #tpu.memory_space<hbm>>) target(%arg8 : memref<128x128xf32, #tpu.memory_space<vmem>>) target_semaphore(%arg14 : memref<!tpu.dma_semaphore, #tpu.memory_space<semaphore_mem>>)
    } else {
    }
    %ne3A_2232 = arith.cmpi ne, %select_n3A_2227, %squeeze3A : i32
    %convert_element_type3A_2233 = arith.extui %ne3A_2232 : i1 to i32
    %cond3A_2234 = arith.constant 0 : i32
    %cond3A_2235 = arith.cmpi ne, %convert_element_type3A_2233, %cond3A_2234 : i32
    scf.if %cond3A_2235 {
      %dma_start3A_2592 = arith.constant 0 : i32
      %dma_start3A_2593 = tpu.memref_slice %arg4[%add3A_2203, %dma_start3A_2592] : memref<204800x128xf32, #tpu.memory_space<hbm>> -> memref<128x128xf32, #tpu.memory_space<hbm>>
      %dma_start3A_2594 = arith.constant 0 : i32
      %dma_start3A_2595 = tpu.memref_slice %arg4[%add3A_2203, %dma_start3A_2594] : memref<204800x128xf32, #tpu.memory_space<hbm>> -> memref<128x128xf32, #tpu.memory_space<hbm>>
      tpu.enqueue_dma source(%dma_start3A_2595 : memref<128x128xf32, #tpu.memory_space<hbm>>) target(%arg8 : memref<128x128xf32, #tpu.memory_space<vmem>>) target_semaphore(%arg14 : memref<!tpu.dma_semaphore, #tpu.memory_space<semaphore_mem>>)
    } else {
    }
    %dma_wait3A_2236 = arith.constant 0 : i32
    %dma_wait3A_2237 = arith.constant 0 : i32
    %dma_wait3A_2238 = tpu.memref_slice %arg4[%dma_wait3A_2236, %dma_wait3A_2237] : memref<204800x128xf32, #tpu.memory_space<hbm>> -> memref<128x128xf32, #tpu.memory_space<hbm>>
    %dma_wait3A_2239 = arith.constant 0 : i32
    %dma_wait3A_2240 = arith.constant 0 : i32
    %dma_wait3A_2241 = tpu.memref_slice %arg4[%dma_wait3A_2239, %dma_wait3A_2240] : memref<204800x128xf32, #tpu.memory_space<hbm>> -> memref<128x128xf32, #tpu.memory_space<hbm>>
    tpu.wait_dma2 semaphore(%arg16 : memref<!tpu.dma_semaphore, #tpu.memory_space<semaphore_mem>>) src(%dma_wait3A_2241 : memref<128x128xf32, #tpu.memory_space<hbm>>) dst(%arg10 : memref<128x128xf32, #tpu.memory_space<vmem>>)
    %add3A_2242 = arith.constant 5120 : i32
    %add3A_2243 = arith.addi %mul3A_4, %add3A_2242 : i32
    %dma_start3A_2244 = arith.constant 0 : i32
    %dma_start3A_2245 = tpu.memref_slice %arg5[%add3A_2243, %dma_start3A_2244] : memref<204800x128xf32, #tpu.memory_space<hbm>> -> memref<128x128xf32, #tpu.memory_space<hbm>>
    %dma_start3A_2246 = arith.constant 0 : i32
    %dma_start3A_2247 = tpu.memref_slice %arg5[%add3A_2243, %dma_start3A_2246] : memref<204800x128xf32, #tpu.memory_space<hbm>> -> memref<128x128xf32, #tpu.memory_space<hbm>>
    tpu.enqueue_dma source(%arg10 : memref<128x128xf32, #tpu.memory_space<vmem>>) target(%dma_start3A_2247 : memref<128x128xf32, #tpu.memory_space<hbm>>) target_semaphore(%arg22 : memref<!tpu.dma_semaphore, #tpu.memory_space<semaphore_mem>>)
    %dma_wait3A_2248 = arith.constant 0 : i32
    %dma_wait3A_2249 = arith.constant 0 : i32
    %dma_wait3A_2250 = tpu.memref_slice %arg4[%dma_wait3A_2248, %dma_wait3A_2249] : memref<204800x128xf32, #tpu.memory_space<hbm>> -> memref<128x128xf32, #tpu.memory_space<hbm>>
    %dma_wait3A_2251 = arith.constant 0 : i32
    %dma_wait3A_2252 = arith.constant 0 : i32
    %dma_wait3A_2253 = tpu.memref_slice %arg4[%dma_wait3A_2251, %dma_wait3A_2252] : memref<204800x128xf32, #tpu.memory_space<hbm>> -> memref<128x128xf32, #tpu.memory_space<hbm>>
    tpu.wait_dma2 semaphore(%arg21 : memref<!tpu.dma_semaphore, #tpu.memory_space<semaphore_mem>>) src(%dma_wait3A_2253 : memref<128x128xf32, #tpu.memory_space<hbm>>) dst(%arg9 : memref<128x128xf32, #tpu.memory_space<vmem>>)
    %add3A_2254 = arith.constant 5760 : i32
    %add3A_2255 = arith.addi %mul3A_4, %add3A_2254 : i32
    %jit3A_2256 = arith.constant 4096 : i32
    %div3A_2257 = arith.divsi %add3A_2255, %jit3A_2256 : i32
    %sign3A_2258 = arith.constant 0 : i32
    %sign3A_2259 = arith.cmpi sgt, %add3A_2255, %sign3A_2258 : i32
    %sign3A_2260 = arith.extui %sign3A_2259 : i1 to i32
    %sign3A_2261 = arith.constant 0 : i32
    %sign3A_2262 = arith.cmpi slt, %add3A_2255, %sign3A_2261 : i32
    %sign3A_2263 = arith.extui %sign3A_2262 : i1 to i32
    %sign3A_2264 = arith.subi %sign3A_2260, %sign3A_2263 : i32
    %sign3A_2265 = arith.constant 0 : i32
    %sign3A_2266 = arith.cmpi sgt, %jit3A_2256, %sign3A_2265 : i32
    %sign3A_2267 = arith.extui %sign3A_2266 : i1 to i32
    %sign3A_2268 = arith.constant 0 : i32
    %sign3A_2269 = arith.cmpi slt, %jit3A_2256, %sign3A_2268 : i32
    %sign3A_2270 = arith.extui %sign3A_2269 : i1 to i32
    %sign3A_2271 = arith.subi %sign3A_2267, %sign3A_2270 : i32
    %ne3A_2272 = arith.cmpi ne, %sign3A_2264, %sign3A_2271 : i32
    %rem3A_2273 = arith.remsi %add3A_2255, %jit3A_2256 : i32
    %ne3A_2274 = arith.constant 0 : i32
    %ne3A_2275 = arith.cmpi ne, %rem3A_2273, %ne3A_2274 : i32
    %and3A_2276 = arith.andi %ne3A_2272, %ne3A_2275 : i1
    %sub3A_2277 = arith.constant 1 : i32
    %sub3A_2278 = arith.subi %div3A_2257, %sub3A_2277 : i32
    %select_n3A_2279 = arith.select %and3A_2276, %sub3A_2278, %div3A_2257 : i32
    %eq3A_2280 = arith.cmpi eq, %select_n3A_2279, %squeeze3A : i32
    %convert_element_type3A_2281 = arith.extui %eq3A_2280 : i1 to i32
    %cond3A_2282 = arith.constant 0 : i32
    %cond3A_2283 = arith.cmpi ne, %convert_element_type3A_2281, %cond3A_2282 : i32
    scf.if %cond3A_2283 {
      %mul3A_2592 = arith.constant 4096 : i32
      %mul3A_2593 = arith.muli %squeeze3A, %mul3A_2592 : i32
      %sub3A_2594 = arith.subi %add3A_2255, %mul3A_2593 : i32
      %dma_start3A_2595 = arith.constant 0 : i32
      %dma_start3A_2596 = tpu.memref_slice %arg3[%sub3A_2594, %dma_start3A_2595] : memref<4096x128xf32, #tpu.memory_space<hbm>> -> memref<128x128xf32, #tpu.memory_space<hbm>>
      %dma_start3A_2597 = arith.constant 0 : i32
      %dma_start3A_2598 = tpu.memref_slice %arg3[%sub3A_2594, %dma_start3A_2597] : memref<4096x128xf32, #tpu.memory_space<hbm>> -> memref<128x128xf32, #tpu.memory_space<hbm>>
      tpu.enqueue_dma source(%dma_start3A_2598 : memref<128x128xf32, #tpu.memory_space<hbm>>) target(%arg9 : memref<128x128xf32, #tpu.memory_space<vmem>>) target_semaphore(%arg15 : memref<!tpu.dma_semaphore, #tpu.memory_space<semaphore_mem>>)
    } else {
    }
    %ne3A_2284 = arith.cmpi ne, %select_n3A_2279, %squeeze3A : i32
    %convert_element_type3A_2285 = arith.extui %ne3A_2284 : i1 to i32
    %cond3A_2286 = arith.constant 0 : i32
    %cond3A_2287 = arith.cmpi ne, %convert_element_type3A_2285, %cond3A_2286 : i32
    scf.if %cond3A_2287 {
      %dma_start3A_2592 = arith.constant 0 : i32
      %dma_start3A_2593 = tpu.memref_slice %arg4[%add3A_2255, %dma_start3A_2592] : memref<204800x128xf32, #tpu.memory_space<hbm>> -> memref<128x128xf32, #tpu.memory_space<hbm>>
      %dma_start3A_2594 = arith.constant 0 : i32
      %dma_start3A_2595 = tpu.memref_slice %arg4[%add3A_2255, %dma_start3A_2594] : memref<204800x128xf32, #tpu.memory_space<hbm>> -> memref<128x128xf32, #tpu.memory_space<hbm>>
      tpu.enqueue_dma source(%dma_start3A_2595 : memref<128x128xf32, #tpu.memory_space<hbm>>) target(%arg9 : memref<128x128xf32, #tpu.memory_space<vmem>>) target_semaphore(%arg15 : memref<!tpu.dma_semaphore, #tpu.memory_space<semaphore_mem>>)
    } else {
    }
    %dma_wait3A_2288 = arith.constant 0 : i32
    %dma_wait3A_2289 = arith.constant 0 : i32
    %dma_wait3A_2290 = tpu.memref_slice %arg4[%dma_wait3A_2288, %dma_wait3A_2289] : memref<204800x128xf32, #tpu.memory_space<hbm>> -> memref<128x128xf32, #tpu.memory_space<hbm>>
    %dma_wait3A_2291 = arith.constant 0 : i32
    %dma_wait3A_2292 = arith.constant 0 : i32
    %dma_wait3A_2293 = tpu.memref_slice %arg4[%dma_wait3A_2291, %dma_wait3A_2292] : memref<204800x128xf32, #tpu.memory_space<hbm>> -> memref<128x128xf32, #tpu.memory_space<hbm>>
    tpu.wait_dma2 semaphore(%arg17 : memref<!tpu.dma_semaphore, #tpu.memory_space<semaphore_mem>>) src(%dma_wait3A_2293 : memref<128x128xf32, #tpu.memory_space<hbm>>) dst(%arg11 : memref<128x128xf32, #tpu.memory_space<vmem>>)
    %add3A_2294 = arith.constant 5248 : i32
    %add3A_2295 = arith.addi %mul3A_4, %add3A_2294 : i32
    %dma_start3A_2296 = arith.constant 0 : i32
    %dma_start3A_2297 = tpu.memref_slice %arg5[%add3A_2295, %dma_start3A_2296] : memref<204800x128xf32, #tpu.memory_space<hbm>> -> memref<128x128xf32, #tpu.memory_space<hbm>>
    %dma_start3A_2298 = arith.constant 0 : i32
    %dma_start3A_2299 = tpu.memref_slice %arg5[%add3A_2295, %dma_start3A_2298] : memref<204800x128xf32, #tpu.memory_space<hbm>> -> memref<128x128xf32, #tpu.memory_space<hbm>>
    tpu.enqueue_dma source(%arg11 : memref<128x128xf32, #tpu.memory_space<vmem>>) target(%dma_start3A_2299 : memref<128x128xf32, #tpu.memory_space<hbm>>) target_semaphore(%arg23 : memref<!tpu.dma_semaphore, #tpu.memory_space<semaphore_mem>>)
    %dma_wait3A_2300 = arith.constant 0 : i32
    %dma_wait3A_2301 = arith.constant 0 : i32
    %dma_wait3A_2302 = tpu.memref_slice %arg4[%dma_wait3A_2300, %dma_wait3A_2301] : memref<204800x128xf32, #tpu.memory_space<hbm>> -> memref<128x128xf32, #tpu.memory_space<hbm>>
    %dma_wait3A_2303 = arith.constant 0 : i32
    %dma_wait3A_2304 = arith.constant 0 : i32
    %dma_wait3A_2305 = tpu.memref_slice %arg4[%dma_wait3A_2303, %dma_wait3A_2304] : memref<204800x128xf32, #tpu.memory_space<hbm>> -> memref<128x128xf32, #tpu.memory_space<hbm>>
    tpu.wait_dma2 semaphore(%arg22 : memref<!tpu.dma_semaphore, #tpu.memory_space<semaphore_mem>>) src(%dma_wait3A_2305 : memref<128x128xf32, #tpu.memory_space<hbm>>) dst(%arg10 : memref<128x128xf32, #tpu.memory_space<vmem>>)
    %add3A_2306 = arith.constant 5888 : i32
    %add3A_2307 = arith.addi %mul3A_4, %add3A_2306 : i32
    %jit3A_2308 = arith.constant 4096 : i32
    %div3A_2309 = arith.divsi %add3A_2307, %jit3A_2308 : i32
    %sign3A_2310 = arith.constant 0 : i32
    %sign3A_2311 = arith.cmpi sgt, %add3A_2307, %sign3A_2310 : i32
    %sign3A_2312 = arith.extui %sign3A_2311 : i1 to i32
    %sign3A_2313 = arith.constant 0 : i32
    %sign3A_2314 = arith.cmpi slt, %add3A_2307, %sign3A_2313 : i32
    %sign3A_2315 = arith.extui %sign3A_2314 : i1 to i32
    %sign3A_2316 = arith.subi %sign3A_2312, %sign3A_2315 : i32
    %sign3A_2317 = arith.constant 0 : i32
    %sign3A_2318 = arith.cmpi sgt, %jit3A_2308, %sign3A_2317 : i32
    %sign3A_2319 = arith.extui %sign3A_2318 : i1 to i32
    %sign3A_2320 = arith.constant 0 : i32
    %sign3A_2321 = arith.cmpi slt, %jit3A_2308, %sign3A_2320 : i32
    %sign3A_2322 = arith.extui %sign3A_2321 : i1 to i32
    %sign3A_2323 = arith.subi %sign3A_2319, %sign3A_2322 : i32
    %ne3A_2324 = arith.cmpi ne, %sign3A_2316, %sign3A_2323 : i32
    %rem3A_2325 = arith.remsi %add3A_2307, %jit3A_2308 : i32
    %ne3A_2326 = arith.constant 0 : i32
    %ne3A_2327 = arith.cmpi ne, %rem3A_2325, %ne3A_2326 : i32
    %and3A_2328 = arith.andi %ne3A_2324, %ne3A_2327 : i1
    %sub3A_2329 = arith.constant 1 : i32
    %sub3A_2330 = arith.subi %div3A_2309, %sub3A_2329 : i32
    %select_n3A_2331 = arith.select %and3A_2328, %sub3A_2330, %div3A_2309 : i32
    %eq3A_2332 = arith.cmpi eq, %select_n3A_2331, %squeeze3A : i32
    %convert_element_type3A_2333 = arith.extui %eq3A_2332 : i1 to i32
    %cond3A_2334 = arith.constant 0 : i32
    %cond3A_2335 = arith.cmpi ne, %convert_element_type3A_2333, %cond3A_2334 : i32
    scf.if %cond3A_2335 {
      %mul3A_2592 = arith.constant 4096 : i32
      %mul3A_2593 = arith.muli %squeeze3A, %mul3A_2592 : i32
      %sub3A_2594 = arith.subi %add3A_2307, %mul3A_2593 : i32
      %dma_start3A_2595 = arith.constant 0 : i32
      %dma_start3A_2596 = tpu.memref_slice %arg3[%sub3A_2594, %dma_start3A_2595] : memref<4096x128xf32, #tpu.memory_space<hbm>> -> memref<128x128xf32, #tpu.memory_space<hbm>>
      %dma_start3A_2597 = arith.constant 0 : i32
      %dma_start3A_2598 = tpu.memref_slice %arg3[%sub3A_2594, %dma_start3A_2597] : memref<4096x128xf32, #tpu.memory_space<hbm>> -> memref<128x128xf32, #tpu.memory_space<hbm>>
      tpu.enqueue_dma source(%dma_start3A_2598 : memref<128x128xf32, #tpu.memory_space<hbm>>) target(%arg10 : memref<128x128xf32, #tpu.memory_space<vmem>>) target_semaphore(%arg16 : memref<!tpu.dma_semaphore, #tpu.memory_space<semaphore_mem>>)
    } else {
    }
    %ne3A_2336 = arith.cmpi ne, %select_n3A_2331, %squeeze3A : i32
    %convert_element_type3A_2337 = arith.extui %ne3A_2336 : i1 to i32
    %cond3A_2338 = arith.constant 0 : i32
    %cond3A_2339 = arith.cmpi ne, %convert_element_type3A_2337, %cond3A_2338 : i32
    scf.if %cond3A_2339 {
      %dma_start3A_2592 = arith.constant 0 : i32
      %dma_start3A_2593 = tpu.memref_slice %arg4[%add3A_2307, %dma_start3A_2592] : memref<204800x128xf32, #tpu.memory_space<hbm>> -> memref<128x128xf32, #tpu.memory_space<hbm>>
      %dma_start3A_2594 = arith.constant 0 : i32
      %dma_start3A_2595 = tpu.memref_slice %arg4[%add3A_2307, %dma_start3A_2594] : memref<204800x128xf32, #tpu.memory_space<hbm>> -> memref<128x128xf32, #tpu.memory_space<hbm>>
      tpu.enqueue_dma source(%dma_start3A_2595 : memref<128x128xf32, #tpu.memory_space<hbm>>) target(%arg10 : memref<128x128xf32, #tpu.memory_space<vmem>>) target_semaphore(%arg16 : memref<!tpu.dma_semaphore, #tpu.memory_space<semaphore_mem>>)
    } else {
    }
    %dma_wait3A_2340 = arith.constant 0 : i32
    %dma_wait3A_2341 = arith.constant 0 : i32
    %dma_wait3A_2342 = tpu.memref_slice %arg4[%dma_wait3A_2340, %dma_wait3A_2341] : memref<204800x128xf32, #tpu.memory_space<hbm>> -> memref<128x128xf32, #tpu.memory_space<hbm>>
    %dma_wait3A_2343 = arith.constant 0 : i32
    %dma_wait3A_2344 = arith.constant 0 : i32
    %dma_wait3A_2345 = tpu.memref_slice %arg4[%dma_wait3A_2343, %dma_wait3A_2344] : memref<204800x128xf32, #tpu.memory_space<hbm>> -> memref<128x128xf32, #tpu.memory_space<hbm>>
    tpu.wait_dma2 semaphore(%arg12 : memref<!tpu.dma_semaphore, #tpu.memory_space<semaphore_mem>>) src(%dma_wait3A_2345 : memref<128x128xf32, #tpu.memory_space<hbm>>) dst(%arg6 : memref<128x128xf32, #tpu.memory_space<vmem>>)
    %add3A_2346 = arith.constant 5376 : i32
    %add3A_2347 = arith.addi %mul3A_4, %add3A_2346 : i32
    %dma_start3A_2348 = arith.constant 0 : i32
    %dma_start3A_2349 = tpu.memref_slice %arg5[%add3A_2347, %dma_start3A_2348] : memref<204800x128xf32, #tpu.memory_space<hbm>> -> memref<128x128xf32, #tpu.memory_space<hbm>>
    %dma_start3A_2350 = arith.constant 0 : i32
    %dma_start3A_2351 = tpu.memref_slice %arg5[%add3A_2347, %dma_start3A_2350] : memref<204800x128xf32, #tpu.memory_space<hbm>> -> memref<128x128xf32, #tpu.memory_space<hbm>>
    tpu.enqueue_dma source(%arg6 : memref<128x128xf32, #tpu.memory_space<vmem>>) target(%dma_start3A_2351 : memref<128x128xf32, #tpu.memory_space<hbm>>) target_semaphore(%arg18 : memref<!tpu.dma_semaphore, #tpu.memory_space<semaphore_mem>>)
    %dma_wait3A_2352 = arith.constant 0 : i32
    %dma_wait3A_2353 = arith.constant 0 : i32
    %dma_wait3A_2354 = tpu.memref_slice %arg4[%dma_wait3A_2352, %dma_wait3A_2353] : memref<204800x128xf32, #tpu.memory_space<hbm>> -> memref<128x128xf32, #tpu.memory_space<hbm>>
    %dma_wait3A_2355 = arith.constant 0 : i32
    %dma_wait3A_2356 = arith.constant 0 : i32
    %dma_wait3A_2357 = tpu.memref_slice %arg4[%dma_wait3A_2355, %dma_wait3A_2356] : memref<204800x128xf32, #tpu.memory_space<hbm>> -> memref<128x128xf32, #tpu.memory_space<hbm>>
    tpu.wait_dma2 semaphore(%arg23 : memref<!tpu.dma_semaphore, #tpu.memory_space<semaphore_mem>>) src(%dma_wait3A_2357 : memref<128x128xf32, #tpu.memory_space<hbm>>) dst(%arg11 : memref<128x128xf32, #tpu.memory_space<vmem>>)
    %add3A_2358 = arith.constant 6016 : i32
    %add3A_2359 = arith.addi %mul3A_4, %add3A_2358 : i32
    %jit3A_2360 = arith.constant 4096 : i32
    %div3A_2361 = arith.divsi %add3A_2359, %jit3A_2360 : i32
    %sign3A_2362 = arith.constant 0 : i32
    %sign3A_2363 = arith.cmpi sgt, %add3A_2359, %sign3A_2362 : i32
    %sign3A_2364 = arith.extui %sign3A_2363 : i1 to i32
    %sign3A_2365 = arith.constant 0 : i32
    %sign3A_2366 = arith.cmpi slt, %add3A_2359, %sign3A_2365 : i32
    %sign3A_2367 = arith.extui %sign3A_2366 : i1 to i32
    %sign3A_2368 = arith.subi %sign3A_2364, %sign3A_2367 : i32
    %sign3A_2369 = arith.constant 0 : i32
    %sign3A_2370 = arith.cmpi sgt, %jit3A_2360, %sign3A_2369 : i32
    %sign3A_2371 = arith.extui %sign3A_2370 : i1 to i32
    %sign3A_2372 = arith.constant 0 : i32
    %sign3A_2373 = arith.cmpi slt, %jit3A_2360, %sign3A_2372 : i32
    %sign3A_2374 = arith.extui %sign3A_2373 : i1 to i32
    %sign3A_2375 = arith.subi %sign3A_2371, %sign3A_2374 : i32
    %ne3A_2376 = arith.cmpi ne, %sign3A_2368, %sign3A_2375 : i32
    %rem3A_2377 = arith.remsi %add3A_2359, %jit3A_2360 : i32
    %ne3A_2378 = arith.constant 0 : i32
    %ne3A_2379 = arith.cmpi ne, %rem3A_2377, %ne3A_2378 : i32
    %and3A_2380 = arith.andi %ne3A_2376, %ne3A_2379 : i1
    %sub3A_2381 = arith.constant 1 : i32
    %sub3A_2382 = arith.subi %div3A_2361, %sub3A_2381 : i32
    %select_n3A_2383 = arith.select %and3A_2380, %sub3A_2382, %div3A_2361 : i32
    %eq3A_2384 = arith.cmpi eq, %select_n3A_2383, %squeeze3A : i32
    %convert_element_type3A_2385 = arith.extui %eq3A_2384 : i1 to i32
    %cond3A_2386 = arith.constant 0 : i32
    %cond3A_2387 = arith.cmpi ne, %convert_element_type3A_2385, %cond3A_2386 : i32
    scf.if %cond3A_2387 {
      %mul3A_2592 = arith.constant 4096 : i32
      %mul3A_2593 = arith.muli %squeeze3A, %mul3A_2592 : i32
      %sub3A_2594 = arith.subi %add3A_2359, %mul3A_2593 : i32
      %dma_start3A_2595 = arith.constant 0 : i32
      %dma_start3A_2596 = tpu.memref_slice %arg3[%sub3A_2594, %dma_start3A_2595] : memref<4096x128xf32, #tpu.memory_space<hbm>> -> memref<128x128xf32, #tpu.memory_space<hbm>>
      %dma_start3A_2597 = arith.constant 0 : i32
      %dma_start3A_2598 = tpu.memref_slice %arg3[%sub3A_2594, %dma_start3A_2597] : memref<4096x128xf32, #tpu.memory_space<hbm>> -> memref<128x128xf32, #tpu.memory_space<hbm>>
      tpu.enqueue_dma source(%dma_start3A_2598 : memref<128x128xf32, #tpu.memory_space<hbm>>) target(%arg11 : memref<128x128xf32, #tpu.memory_space<vmem>>) target_semaphore(%arg17 : memref<!tpu.dma_semaphore, #tpu.memory_space<semaphore_mem>>)
    } else {
    }
    %ne3A_2388 = arith.cmpi ne, %select_n3A_2383, %squeeze3A : i32
    %convert_element_type3A_2389 = arith.extui %ne3A_2388 : i1 to i32
    %cond3A_2390 = arith.constant 0 : i32
    %cond3A_2391 = arith.cmpi ne, %convert_element_type3A_2389, %cond3A_2390 : i32
    scf.if %cond3A_2391 {
      %dma_start3A_2592 = arith.constant 0 : i32
      %dma_start3A_2593 = tpu.memref_slice %arg4[%add3A_2359, %dma_start3A_2592] : memref<204800x128xf32, #tpu.memory_space<hbm>> -> memref<128x128xf32, #tpu.memory_space<hbm>>
      %dma_start3A_2594 = arith.constant 0 : i32
      %dma_start3A_2595 = tpu.memref_slice %arg4[%add3A_2359, %dma_start3A_2594] : memref<204800x128xf32, #tpu.memory_space<hbm>> -> memref<128x128xf32, #tpu.memory_space<hbm>>
      tpu.enqueue_dma source(%dma_start3A_2595 : memref<128x128xf32, #tpu.memory_space<hbm>>) target(%arg11 : memref<128x128xf32, #tpu.memory_space<vmem>>) target_semaphore(%arg17 : memref<!tpu.dma_semaphore, #tpu.memory_space<semaphore_mem>>)
    } else {
    }
    %dma_wait3A_2392 = arith.constant 0 : i32
    %dma_wait3A_2393 = arith.constant 0 : i32
    %dma_wait3A_2394 = tpu.memref_slice %arg4[%dma_wait3A_2392, %dma_wait3A_2393] : memref<204800x128xf32, #tpu.memory_space<hbm>> -> memref<128x128xf32, #tpu.memory_space<hbm>>
    %dma_wait3A_2395 = arith.constant 0 : i32
    %dma_wait3A_2396 = arith.constant 0 : i32
    %dma_wait3A_2397 = tpu.memref_slice %arg4[%dma_wait3A_2395, %dma_wait3A_2396] : memref<204800x128xf32, #tpu.memory_space<hbm>> -> memref<128x128xf32, #tpu.memory_space<hbm>>
    tpu.wait_dma2 semaphore(%arg13 : memref<!tpu.dma_semaphore, #tpu.memory_space<semaphore_mem>>) src(%dma_wait3A_2397 : memref<128x128xf32, #tpu.memory_space<hbm>>) dst(%arg7 : memref<128x128xf32, #tpu.memory_space<vmem>>)
    %add3A_2398 = arith.constant 5504 : i32
    %add3A_2399 = arith.addi %mul3A_4, %add3A_2398 : i32
    %dma_start3A_2400 = arith.constant 0 : i32
    %dma_start3A_2401 = tpu.memref_slice %arg5[%add3A_2399, %dma_start3A_2400] : memref<204800x128xf32, #tpu.memory_space<hbm>> -> memref<128x128xf32, #tpu.memory_space<hbm>>
    %dma_start3A_2402 = arith.constant 0 : i32
    %dma_start3A_2403 = tpu.memref_slice %arg5[%add3A_2399, %dma_start3A_2402] : memref<204800x128xf32, #tpu.memory_space<hbm>> -> memref<128x128xf32, #tpu.memory_space<hbm>>
    tpu.enqueue_dma source(%arg7 : memref<128x128xf32, #tpu.memory_space<vmem>>) target(%dma_start3A_2403 : memref<128x128xf32, #tpu.memory_space<hbm>>) target_semaphore(%arg19 : memref<!tpu.dma_semaphore, #tpu.memory_space<semaphore_mem>>)
    %dma_wait3A_2404 = arith.constant 0 : i32
    %dma_wait3A_2405 = arith.constant 0 : i32
    %dma_wait3A_2406 = tpu.memref_slice %arg4[%dma_wait3A_2404, %dma_wait3A_2405] : memref<204800x128xf32, #tpu.memory_space<hbm>> -> memref<128x128xf32, #tpu.memory_space<hbm>>
    %dma_wait3A_2407 = arith.constant 0 : i32
    %dma_wait3A_2408 = arith.constant 0 : i32
    %dma_wait3A_2409 = tpu.memref_slice %arg4[%dma_wait3A_2407, %dma_wait3A_2408] : memref<204800x128xf32, #tpu.memory_space<hbm>> -> memref<128x128xf32, #tpu.memory_space<hbm>>
    tpu.wait_dma2 semaphore(%arg18 : memref<!tpu.dma_semaphore, #tpu.memory_space<semaphore_mem>>) src(%dma_wait3A_2409 : memref<128x128xf32, #tpu.memory_space<hbm>>) dst(%arg6 : memref<128x128xf32, #tpu.memory_space<vmem>>)
    %add3A_2410 = arith.constant 6144 : i32
    %add3A_2411 = arith.addi %mul3A_4, %add3A_2410 : i32
    %jit3A_2412 = arith.constant 4096 : i32
    %div3A_2413 = arith.divsi %add3A_2411, %jit3A_2412 : i32
    %sign3A_2414 = arith.constant 0 : i32
    %sign3A_2415 = arith.cmpi sgt, %add3A_2411, %sign3A_2414 : i32
    %sign3A_2416 = arith.extui %sign3A_2415 : i1 to i32
    %sign3A_2417 = arith.constant 0 : i32
    %sign3A_2418 = arith.cmpi slt, %add3A_2411, %sign3A_2417 : i32
    %sign3A_2419 = arith.extui %sign3A_2418 : i1 to i32
    %sign3A_2420 = arith.subi %sign3A_2416, %sign3A_2419 : i32
    %sign3A_2421 = arith.constant 0 : i32
    %sign3A_2422 = arith.cmpi sgt, %jit3A_2412, %sign3A_2421 : i32
    %sign3A_2423 = arith.extui %sign3A_2422 : i1 to i32
    %sign3A_2424 = arith.constant 0 : i32
    %sign3A_2425 = arith.cmpi slt, %jit3A_2412, %sign3A_2424 : i32
    %sign3A_2426 = arith.extui %sign3A_2425 : i1 to i32
    %sign3A_2427 = arith.subi %sign3A_2423, %sign3A_2426 : i32
    %ne3A_2428 = arith.cmpi ne, %sign3A_2420, %sign3A_2427 : i32
    %rem3A_2429 = arith.remsi %add3A_2411, %jit3A_2412 : i32
    %ne3A_2430 = arith.constant 0 : i32
    %ne3A_2431 = arith.cmpi ne, %rem3A_2429, %ne3A_2430 : i32
    %and3A_2432 = arith.andi %ne3A_2428, %ne3A_2431 : i1
    %sub3A_2433 = arith.constant 1 : i32
    %sub3A_2434 = arith.subi %div3A_2413, %sub3A_2433 : i32
    %select_n3A_2435 = arith.select %and3A_2432, %sub3A_2434, %div3A_2413 : i32
    %eq3A_2436 = arith.cmpi eq, %select_n3A_2435, %squeeze3A : i32
    %convert_element_type3A_2437 = arith.extui %eq3A_2436 : i1 to i32
    %cond3A_2438 = arith.constant 0 : i32
    %cond3A_2439 = arith.cmpi ne, %convert_element_type3A_2437, %cond3A_2438 : i32
    scf.if %cond3A_2439 {
      %mul3A_2592 = arith.constant 4096 : i32
      %mul3A_2593 = arith.muli %squeeze3A, %mul3A_2592 : i32
      %sub3A_2594 = arith.subi %add3A_2411, %mul3A_2593 : i32
      %dma_start3A_2595 = arith.constant 0 : i32
      %dma_start3A_2596 = tpu.memref_slice %arg3[%sub3A_2594, %dma_start3A_2595] : memref<4096x128xf32, #tpu.memory_space<hbm>> -> memref<128x128xf32, #tpu.memory_space<hbm>>
      %dma_start3A_2597 = arith.constant 0 : i32
      %dma_start3A_2598 = tpu.memref_slice %arg3[%sub3A_2594, %dma_start3A_2597] : memref<4096x128xf32, #tpu.memory_space<hbm>> -> memref<128x128xf32, #tpu.memory_space<hbm>>
      tpu.enqueue_dma source(%dma_start3A_2598 : memref<128x128xf32, #tpu.memory_space<hbm>>) target(%arg6 : memref<128x128xf32, #tpu.memory_space<vmem>>) target_semaphore(%arg12 : memref<!tpu.dma_semaphore, #tpu.memory_space<semaphore_mem>>)
    } else {
    }
    %ne3A_2440 = arith.cmpi ne, %select_n3A_2435, %squeeze3A : i32
    %convert_element_type3A_2441 = arith.extui %ne3A_2440 : i1 to i32
    %cond3A_2442 = arith.constant 0 : i32
    %cond3A_2443 = arith.cmpi ne, %convert_element_type3A_2441, %cond3A_2442 : i32
    scf.if %cond3A_2443 {
      %dma_start3A_2592 = arith.constant 0 : i32
      %dma_start3A_2593 = tpu.memref_slice %arg4[%add3A_2411, %dma_start3A_2592] : memref<204800x128xf32, #tpu.memory_space<hbm>> -> memref<128x128xf32, #tpu.memory_space<hbm>>
      %dma_start3A_2594 = arith.constant 0 : i32
      %dma_start3A_2595 = tpu.memref_slice %arg4[%add3A_2411, %dma_start3A_2594] : memref<204800x128xf32, #tpu.memory_space<hbm>> -> memref<128x128xf32, #tpu.memory_space<hbm>>
      tpu.enqueue_dma source(%dma_start3A_2595 : memref<128x128xf32, #tpu.memory_space<hbm>>) target(%arg6 : memref<128x128xf32, #tpu.memory_space<vmem>>) target_semaphore(%arg12 : memref<!tpu.dma_semaphore, #tpu.memory_space<semaphore_mem>>)
    } else {
    }
    %dma_wait3A_2444 = arith.constant 0 : i32
    %dma_wait3A_2445 = arith.constant 0 : i32
    %dma_wait3A_2446 = tpu.memref_slice %arg4[%dma_wait3A_2444, %dma_wait3A_2445] : memref<204800x128xf32, #tpu.memory_space<hbm>> -> memref<128x128xf32, #tpu.memory_space<hbm>>
    %dma_wait3A_2447 = arith.constant 0 : i32
    %dma_wait3A_2448 = arith.constant 0 : i32
    %dma_wait3A_2449 = tpu.memref_slice %arg4[%dma_wait3A_2447, %dma_wait3A_2448] : memref<204800x128xf32, #tpu.memory_space<hbm>> -> memref<128x128xf32, #tpu.memory_space<hbm>>
    tpu.wait_dma2 semaphore(%arg14 : memref<!tpu.dma_semaphore, #tpu.memory_space<semaphore_mem>>) src(%dma_wait3A_2449 : memref<128x128xf32, #tpu.memory_space<hbm>>) dst(%arg8 : memref<128x128xf32, #tpu.memory_space<vmem>>)
    %add3A_2450 = arith.constant 5632 : i32
    %add3A_2451 = arith.addi %mul3A_4, %add3A_2450 : i32
    %dma_start3A_2452 = arith.constant 0 : i32
    %dma_start3A_2453 = tpu.memref_slice %arg5[%add3A_2451, %dma_start3A_2452] : memref<204800x128xf32, #tpu.memory_space<hbm>> -> memref<128x128xf32, #tpu.memory_space<hbm>>
    %dma_start3A_2454 = arith.constant 0 : i32
    %dma_start3A_2455 = tpu.memref_slice %arg5[%add3A_2451, %dma_start3A_2454] : memref<204800x128xf32, #tpu.memory_space<hbm>> -> memref<128x128xf32, #tpu.memory_space<hbm>>
    tpu.enqueue_dma source(%arg8 : memref<128x128xf32, #tpu.memory_space<vmem>>) target(%dma_start3A_2455 : memref<128x128xf32, #tpu.memory_space<hbm>>) target_semaphore(%arg20 : memref<!tpu.dma_semaphore, #tpu.memory_space<semaphore_mem>>)
    %dma_wait3A_2456 = arith.constant 0 : i32
    %dma_wait3A_2457 = arith.constant 0 : i32
    %dma_wait3A_2458 = tpu.memref_slice %arg4[%dma_wait3A_2456, %dma_wait3A_2457] : memref<204800x128xf32, #tpu.memory_space<hbm>> -> memref<128x128xf32, #tpu.memory_space<hbm>>
    %dma_wait3A_2459 = arith.constant 0 : i32
    %dma_wait3A_2460 = arith.constant 0 : i32
    %dma_wait3A_2461 = tpu.memref_slice %arg4[%dma_wait3A_2459, %dma_wait3A_2460] : memref<204800x128xf32, #tpu.memory_space<hbm>> -> memref<128x128xf32, #tpu.memory_space<hbm>>
    tpu.wait_dma2 semaphore(%arg19 : memref<!tpu.dma_semaphore, #tpu.memory_space<semaphore_mem>>) src(%dma_wait3A_2461 : memref<128x128xf32, #tpu.memory_space<hbm>>) dst(%arg7 : memref<128x128xf32, #tpu.memory_space<vmem>>)
    %add3A_2462 = arith.constant 6272 : i32
    %add3A_2463 = arith.addi %mul3A_4, %add3A_2462 : i32
    %jit3A_2464 = arith.constant 4096 : i32
    %div3A_2465 = arith.divsi %add3A_2463, %jit3A_2464 : i32
    %sign3A_2466 = arith.constant 0 : i32
    %sign3A_2467 = arith.cmpi sgt, %add3A_2463, %sign3A_2466 : i32
    %sign3A_2468 = arith.extui %sign3A_2467 : i1 to i32
    %sign3A_2469 = arith.constant 0 : i32
    %sign3A_2470 = arith.cmpi slt, %add3A_2463, %sign3A_2469 : i32
    %sign3A_2471 = arith.extui %sign3A_2470 : i1 to i32
    %sign3A_2472 = arith.subi %sign3A_2468, %sign3A_2471 : i32
    %sign3A_2473 = arith.constant 0 : i32
    %sign3A_2474 = arith.cmpi sgt, %jit3A_2464, %sign3A_2473 : i32
    %sign3A_2475 = arith.extui %sign3A_2474 : i1 to i32
    %sign3A_2476 = arith.constant 0 : i32
    %sign3A_2477 = arith.cmpi slt, %jit3A_2464, %sign3A_2476 : i32
    %sign3A_2478 = arith.extui %sign3A_2477 : i1 to i32
    %sign3A_2479 = arith.subi %sign3A_2475, %sign3A_2478 : i32
    %ne3A_2480 = arith.cmpi ne, %sign3A_2472, %sign3A_2479 : i32
    %rem3A_2481 = arith.remsi %add3A_2463, %jit3A_2464 : i32
    %ne3A_2482 = arith.constant 0 : i32
    %ne3A_2483 = arith.cmpi ne, %rem3A_2481, %ne3A_2482 : i32
    %and3A_2484 = arith.andi %ne3A_2480, %ne3A_2483 : i1
    %sub3A_2485 = arith.constant 1 : i32
    %sub3A_2486 = arith.subi %div3A_2465, %sub3A_2485 : i32
    %select_n3A_2487 = arith.select %and3A_2484, %sub3A_2486, %div3A_2465 : i32
    %eq3A_2488 = arith.cmpi eq, %select_n3A_2487, %squeeze3A : i32
    %convert_element_type3A_2489 = arith.extui %eq3A_2488 : i1 to i32
    %cond3A_2490 = arith.constant 0 : i32
    %cond3A_2491 = arith.cmpi ne, %convert_element_type3A_2489, %cond3A_2490 : i32
    scf.if %cond3A_2491 {
      %mul3A_2592 = arith.constant 4096 : i32
      %mul3A_2593 = arith.muli %squeeze3A, %mul3A_2592 : i32
      %sub3A_2594 = arith.subi %add3A_2463, %mul3A_2593 : i32
      %dma_start3A_2595 = arith.constant 0 : i32
      %dma_start3A_2596 = tpu.memref_slice %arg3[%sub3A_2594, %dma_start3A_2595] : memref<4096x128xf32, #tpu.memory_space<hbm>> -> memref<128x128xf32, #tpu.memory_space<hbm>>
      %dma_start3A_2597 = arith.constant 0 : i32
      %dma_start3A_2598 = tpu.memref_slice %arg3[%sub3A_2594, %dma_start3A_2597] : memref<4096x128xf32, #tpu.memory_space<hbm>> -> memref<128x128xf32, #tpu.memory_space<hbm>>
      tpu.enqueue_dma source(%dma_start3A_2598 : memref<128x128xf32, #tpu.memory_space<hbm>>) target(%arg7 : memref<128x128xf32, #tpu.memory_space<vmem>>) target_semaphore(%arg13 : memref<!tpu.dma_semaphore, #tpu.memory_space<semaphore_mem>>)
    } else {
    }
    %ne3A_2492 = arith.cmpi ne, %select_n3A_2487, %squeeze3A : i32
    %convert_element_type3A_2493 = arith.extui %ne3A_2492 : i1 to i32
    %cond3A_2494 = arith.constant 0 : i32
    %cond3A_2495 = arith.cmpi ne, %convert_element_type3A_2493, %cond3A_2494 : i32
    scf.if %cond3A_2495 {
      %dma_start3A_2592 = arith.constant 0 : i32
      %dma_start3A_2593 = tpu.memref_slice %arg4[%add3A_2463, %dma_start3A_2592] : memref<204800x128xf32, #tpu.memory_space<hbm>> -> memref<128x128xf32, #tpu.memory_space<hbm>>
      %dma_start3A_2594 = arith.constant 0 : i32
      %dma_start3A_2595 = tpu.memref_slice %arg4[%add3A_2463, %dma_start3A_2594] : memref<204800x128xf32, #tpu.memory_space<hbm>> -> memref<128x128xf32, #tpu.memory_space<hbm>>
      tpu.enqueue_dma source(%dma_start3A_2595 : memref<128x128xf32, #tpu.memory_space<hbm>>) target(%arg7 : memref<128x128xf32, #tpu.memory_space<vmem>>) target_semaphore(%arg13 : memref<!tpu.dma_semaphore, #tpu.memory_space<semaphore_mem>>)
    } else {
    }
    %dma_wait3A_2496 = arith.constant 0 : i32
    %dma_wait3A_2497 = arith.constant 0 : i32
    %dma_wait3A_2498 = tpu.memref_slice %arg4[%dma_wait3A_2496, %dma_wait3A_2497] : memref<204800x128xf32, #tpu.memory_space<hbm>> -> memref<128x128xf32, #tpu.memory_space<hbm>>
    %dma_wait3A_2499 = arith.constant 0 : i32
    %dma_wait3A_2500 = arith.constant 0 : i32
    %dma_wait3A_2501 = tpu.memref_slice %arg4[%dma_wait3A_2499, %dma_wait3A_2500] : memref<204800x128xf32, #tpu.memory_space<hbm>> -> memref<128x128xf32, #tpu.memory_space<hbm>>
    tpu.wait_dma2 semaphore(%arg15 : memref<!tpu.dma_semaphore, #tpu.memory_space<semaphore_mem>>) src(%dma_wait3A_2501 : memref<128x128xf32, #tpu.memory_space<hbm>>) dst(%arg9 : memref<128x128xf32, #tpu.memory_space<vmem>>)
    %add3A_2502 = arith.constant 5760 : i32
    %add3A_2503 = arith.addi %mul3A_4, %add3A_2502 : i32
    %dma_start3A_2504 = arith.constant 0 : i32
    %dma_start3A_2505 = tpu.memref_slice %arg5[%add3A_2503, %dma_start3A_2504] : memref<204800x128xf32, #tpu.memory_space<hbm>> -> memref<128x128xf32, #tpu.memory_space<hbm>>
    %dma_start3A_2506 = arith.constant 0 : i32
    %dma_start3A_2507 = tpu.memref_slice %arg5[%add3A_2503, %dma_start3A_2506] : memref<204800x128xf32, #tpu.memory_space<hbm>> -> memref<128x128xf32, #tpu.memory_space<hbm>>
    tpu.enqueue_dma source(%arg9 : memref<128x128xf32, #tpu.memory_space<vmem>>) target(%dma_start3A_2507 : memref<128x128xf32, #tpu.memory_space<hbm>>) target_semaphore(%arg21 : memref<!tpu.dma_semaphore, #tpu.memory_space<semaphore_mem>>)
    %dma_wait3A_2508 = arith.constant 0 : i32
    %dma_wait3A_2509 = arith.constant 0 : i32
    %dma_wait3A_2510 = tpu.memref_slice %arg4[%dma_wait3A_2508, %dma_wait3A_2509] : memref<204800x128xf32, #tpu.memory_space<hbm>> -> memref<128x128xf32, #tpu.memory_space<hbm>>
    %dma_wait3A_2511 = arith.constant 0 : i32
    %dma_wait3A_2512 = arith.constant 0 : i32
    %dma_wait3A_2513 = tpu.memref_slice %arg4[%dma_wait3A_2511, %dma_wait3A_2512] : memref<204800x128xf32, #tpu.memory_space<hbm>> -> memref<128x128xf32, #tpu.memory_space<hbm>>
    tpu.wait_dma2 semaphore(%arg16 : memref<!tpu.dma_semaphore, #tpu.memory_space<semaphore_mem>>) src(%dma_wait3A_2513 : memref<128x128xf32, #tpu.memory_space<hbm>>) dst(%arg10 : memref<128x128xf32, #tpu.memory_space<vmem>>)
    %add3A_2514 = arith.constant 5888 : i32
    %add3A_2515 = arith.addi %mul3A_4, %add3A_2514 : i32
    %dma_start3A_2516 = arith.constant 0 : i32
    %dma_start3A_2517 = tpu.memref_slice %arg5[%add3A_2515, %dma_start3A_2516] : memref<204800x128xf32, #tpu.memory_space<hbm>> -> memref<128x128xf32, #tpu.memory_space<hbm>>
    %dma_start3A_2518 = arith.constant 0 : i32
    %dma_start3A_2519 = tpu.memref_slice %arg5[%add3A_2515, %dma_start3A_2518] : memref<204800x128xf32, #tpu.memory_space<hbm>> -> memref<128x128xf32, #tpu.memory_space<hbm>>
    tpu.enqueue_dma source(%arg10 : memref<128x128xf32, #tpu.memory_space<vmem>>) target(%dma_start3A_2519 : memref<128x128xf32, #tpu.memory_space<hbm>>) target_semaphore(%arg22 : memref<!tpu.dma_semaphore, #tpu.memory_space<semaphore_mem>>)
    %dma_wait3A_2520 = arith.constant 0 : i32
    %dma_wait3A_2521 = arith.constant 0 : i32
    %dma_wait3A_2522 = tpu.memref_slice %arg4[%dma_wait3A_2520, %dma_wait3A_2521] : memref<204800x128xf32, #tpu.memory_space<hbm>> -> memref<128x128xf32, #tpu.memory_space<hbm>>
    %dma_wait3A_2523 = arith.constant 0 : i32
    %dma_wait3A_2524 = arith.constant 0 : i32
    %dma_wait3A_2525 = tpu.memref_slice %arg4[%dma_wait3A_2523, %dma_wait3A_2524] : memref<204800x128xf32, #tpu.memory_space<hbm>> -> memref<128x128xf32, #tpu.memory_space<hbm>>
    tpu.wait_dma2 semaphore(%arg17 : memref<!tpu.dma_semaphore, #tpu.memory_space<semaphore_mem>>) src(%dma_wait3A_2525 : memref<128x128xf32, #tpu.memory_space<hbm>>) dst(%arg11 : memref<128x128xf32, #tpu.memory_space<vmem>>)
    %add3A_2526 = arith.constant 6016 : i32
    %add3A_2527 = arith.addi %mul3A_4, %add3A_2526 : i32
    %dma_start3A_2528 = arith.constant 0 : i32
    %dma_start3A_2529 = tpu.memref_slice %arg5[%add3A_2527, %dma_start3A_2528] : memref<204800x128xf32, #tpu.memory_space<hbm>> -> memref<128x128xf32, #tpu.memory_space<hbm>>
    %dma_start3A_2530 = arith.constant 0 : i32
    %dma_start3A_2531 = tpu.memref_slice %arg5[%add3A_2527, %dma_start3A_2530] : memref<204800x128xf32, #tpu.memory_space<hbm>> -> memref<128x128xf32, #tpu.memory_space<hbm>>
    tpu.enqueue_dma source(%arg11 : memref<128x128xf32, #tpu.memory_space<vmem>>) target(%dma_start3A_2531 : memref<128x128xf32, #tpu.memory_space<hbm>>) target_semaphore(%arg23 : memref<!tpu.dma_semaphore, #tpu.memory_space<semaphore_mem>>)
    %dma_wait3A_2532 = arith.constant 0 : i32
    %dma_wait3A_2533 = arith.constant 0 : i32
    %dma_wait3A_2534 = tpu.memref_slice %arg4[%dma_wait3A_2532, %dma_wait3A_2533] : memref<204800x128xf32, #tpu.memory_space<hbm>> -> memref<128x128xf32, #tpu.memory_space<hbm>>
    %dma_wait3A_2535 = arith.constant 0 : i32
    %dma_wait3A_2536 = arith.constant 0 : i32
    %dma_wait3A_2537 = tpu.memref_slice %arg4[%dma_wait3A_2535, %dma_wait3A_2536] : memref<204800x128xf32, #tpu.memory_space<hbm>> -> memref<128x128xf32, #tpu.memory_space<hbm>>
    tpu.wait_dma2 semaphore(%arg12 : memref<!tpu.dma_semaphore, #tpu.memory_space<semaphore_mem>>) src(%dma_wait3A_2537 : memref<128x128xf32, #tpu.memory_space<hbm>>) dst(%arg6 : memref<128x128xf32, #tpu.memory_space<vmem>>)
    %add3A_2538 = arith.constant 6144 : i32
    %add3A_2539 = arith.addi %mul3A_4, %add3A_2538 : i32
    %dma_start3A_2540 = arith.constant 0 : i32
    %dma_start3A_2541 = tpu.memref_slice %arg5[%add3A_2539, %dma_start3A_2540] : memref<204800x128xf32, #tpu.memory_space<hbm>> -> memref<128x128xf32, #tpu.memory_space<hbm>>
    %dma_start3A_2542 = arith.constant 0 : i32
    %dma_start3A_2543 = tpu.memref_slice %arg5[%add3A_2539, %dma_start3A_2542] : memref<204800x128xf32, #tpu.memory_space<hbm>> -> memref<128x128xf32, #tpu.memory_space<hbm>>
    tpu.enqueue_dma source(%arg6 : memref<128x128xf32, #tpu.memory_space<vmem>>) target(%dma_start3A_2543 : memref<128x128xf32, #tpu.memory_space<hbm>>) target_semaphore(%arg18 : memref<!tpu.dma_semaphore, #tpu.memory_space<semaphore_mem>>)
    %dma_wait3A_2544 = arith.constant 0 : i32
    %dma_wait3A_2545 = arith.constant 0 : i32
    %dma_wait3A_2546 = tpu.memref_slice %arg4[%dma_wait3A_2544, %dma_wait3A_2545] : memref<204800x128xf32, #tpu.memory_space<hbm>> -> memref<128x128xf32, #tpu.memory_space<hbm>>
    %dma_wait3A_2547 = arith.constant 0 : i32
    %dma_wait3A_2548 = arith.constant 0 : i32
    %dma_wait3A_2549 = tpu.memref_slice %arg4[%dma_wait3A_2547, %dma_wait3A_2548] : memref<204800x128xf32, #tpu.memory_space<hbm>> -> memref<128x128xf32, #tpu.memory_space<hbm>>
    tpu.wait_dma2 semaphore(%arg13 : memref<!tpu.dma_semaphore, #tpu.memory_space<semaphore_mem>>) src(%dma_wait3A_2549 : memref<128x128xf32, #tpu.memory_space<hbm>>) dst(%arg7 : memref<128x128xf32, #tpu.memory_space<vmem>>)
    %add3A_2550 = arith.constant 6272 : i32
    %add3A_2551 = arith.addi %mul3A_4, %add3A_2550 : i32
    %dma_start3A_2552 = arith.constant 0 : i32
    %dma_start3A_2553 = tpu.memref_slice %arg5[%add3A_2551, %dma_start3A_2552] : memref<204800x128xf32, #tpu.memory_space<hbm>> -> memref<128x128xf32, #tpu.memory_space<hbm>>
    %dma_start3A_2554 = arith.constant 0 : i32
    %dma_start3A_2555 = tpu.memref_slice %arg5[%add3A_2551, %dma_start3A_2554] : memref<204800x128xf32, #tpu.memory_space<hbm>> -> memref<128x128xf32, #tpu.memory_space<hbm>>
    tpu.enqueue_dma source(%arg7 : memref<128x128xf32, #tpu.memory_space<vmem>>) target(%dma_start3A_2555 : memref<128x128xf32, #tpu.memory_space<hbm>>) target_semaphore(%arg19 : memref<!tpu.dma_semaphore, #tpu.memory_space<semaphore_mem>>)
    %dma_wait3A_2556 = arith.constant 0 : i32
    %dma_wait3A_2557 = arith.constant 0 : i32
    %dma_wait3A_2558 = tpu.memref_slice %arg4[%dma_wait3A_2556, %dma_wait3A_2557] : memref<204800x128xf32, #tpu.memory_space<hbm>> -> memref<128x128xf32, #tpu.memory_space<hbm>>
    %dma_wait3A_2559 = arith.constant 0 : i32
    %dma_wait3A_2560 = arith.constant 0 : i32
    %dma_wait3A_2561 = tpu.memref_slice %arg4[%dma_wait3A_2559, %dma_wait3A_2560] : memref<204800x128xf32, #tpu.memory_space<hbm>> -> memref<128x128xf32, #tpu.memory_space<hbm>>
    tpu.wait_dma2 semaphore(%arg20 : memref<!tpu.dma_semaphore, #tpu.memory_space<semaphore_mem>>) src(%dma_wait3A_2561 : memref<128x128xf32, #tpu.memory_space<hbm>>) dst(%arg8 : memref<128x128xf32, #tpu.memory_space<vmem>>)
    %dma_wait3A_2562 = arith.constant 0 : i32
    %dma_wait3A_2563 = arith.constant 0 : i32
    %dma_wait3A_2564 = tpu.memref_slice %arg4[%dma_wait3A_2562, %dma_wait3A_2563] : memref<204800x128xf32, #tpu.memory_space<hbm>> -> memref<128x128xf32, #tpu.memory_space<hbm>>
    %dma_wait3A_2565 = arith.constant 0 : i32
    %dma_wait3A_2566 = arith.constant 0 : i32
    %dma_wait3A_2567 = tpu.memref_slice %arg4[%dma_wait3A_2565, %dma_wait3A_2566] : memref<204800x128xf32, #tpu.memory_space<hbm>> -> memref<128x128xf32, #tpu.memory_space<hbm>>
    tpu.wait_dma2 semaphore(%arg21 : memref<!tpu.dma_semaphore, #tpu.memory_space<semaphore_mem>>) src(%dma_wait3A_2567 : memref<128x128xf32, #tpu.memory_space<hbm>>) dst(%arg9 : memref<128x128xf32, #tpu.memory_space<vmem>>)
    %dma_wait3A_2568 = arith.constant 0 : i32
    %dma_wait3A_2569 = arith.constant 0 : i32
    %dma_wait3A_2570 = tpu.memref_slice %arg4[%dma_wait3A_2568, %dma_wait3A_2569] : memref<204800x128xf32, #tpu.memory_space<hbm>> -> memref<128x128xf32, #tpu.memory_space<hbm>>
    %dma_wait3A_2571 = arith.constant 0 : i32
    %dma_wait3A_2572 = arith.constant 0 : i32
    %dma_wait3A_2573 = tpu.memref_slice %arg4[%dma_wait3A_2571, %dma_wait3A_2572] : memref<204800x128xf32, #tpu.memory_space<hbm>> -> memref<128x128xf32, #tpu.memory_space<hbm>>
    tpu.wait_dma2 semaphore(%arg22 : memref<!tpu.dma_semaphore, #tpu.memory_space<semaphore_mem>>) src(%dma_wait3A_2573 : memref<128x128xf32, #tpu.memory_space<hbm>>) dst(%arg10 : memref<128x128xf32, #tpu.memory_space<vmem>>)
    %dma_wait3A_2574 = arith.constant 0 : i32
    %dma_wait3A_2575 = arith.constant 0 : i32
    %dma_wait3A_2576 = tpu.memref_slice %arg4[%dma_wait3A_2574, %dma_wait3A_2575] : memref<204800x128xf32, #tpu.memory_space<hbm>> -> memref<128x128xf32, #tpu.memory_space<hbm>>
    %dma_wait3A_2577 = arith.constant 0 : i32
    %dma_wait3A_2578 = arith.constant 0 : i32
    %dma_wait3A_2579 = tpu.memref_slice %arg4[%dma_wait3A_2577, %dma_wait3A_2578] : memref<204800x128xf32, #tpu.memory_space<hbm>> -> memref<128x128xf32, #tpu.memory_space<hbm>>
    tpu.wait_dma2 semaphore(%arg23 : memref<!tpu.dma_semaphore, #tpu.memory_space<semaphore_mem>>) src(%dma_wait3A_2579 : memref<128x128xf32, #tpu.memory_space<hbm>>) dst(%arg11 : memref<128x128xf32, #tpu.memory_space<vmem>>)
    %dma_wait3A_2580 = arith.constant 0 : i32
    %dma_wait3A_2581 = arith.constant 0 : i32
    %dma_wait3A_2582 = tpu.memref_slice %arg4[%dma_wait3A_2580, %dma_wait3A_2581] : memref<204800x128xf32, #tpu.memory_space<hbm>> -> memref<128x128xf32, #tpu.memory_space<hbm>>
    %dma_wait3A_2583 = arith.constant 0 : i32
    %dma_wait3A_2584 = arith.constant 0 : i32
    %dma_wait3A_2585 = tpu.memref_slice %arg4[%dma_wait3A_2583, %dma_wait3A_2584] : memref<204800x128xf32, #tpu.memory_space<hbm>> -> memref<128x128xf32, #tpu.memory_space<hbm>>
    tpu.wait_dma2 semaphore(%arg18 : memref<!tpu.dma_semaphore, #tpu.memory_space<semaphore_mem>>) src(%dma_wait3A_2585 : memref<128x128xf32, #tpu.memory_space<hbm>>) dst(%arg6 : memref<128x128xf32, #tpu.memory_space<vmem>>)
    %dma_wait3A_2586 = arith.constant 0 : i32
    %dma_wait3A_2587 = arith.constant 0 : i32
    %dma_wait3A_2588 = tpu.memref_slice %arg4[%dma_wait3A_2586, %dma_wait3A_2587] : memref<204800x128xf32, #tpu.memory_space<hbm>> -> memref<128x128xf32, #tpu.memory_space<hbm>>
    %dma_wait3A_2589 = arith.constant 0 : i32
    %dma_wait3A_2590 = arith.constant 0 : i32
    %dma_wait3A_2591 = tpu.memref_slice %arg4[%dma_wait3A_2589, %dma_wait3A_2590] : memref<204800x128xf32, #tpu.memory_space<hbm>> -> memref<128x128xf32, #tpu.memory_space<hbm>>
    tpu.wait_dma2 semaphore(%arg19 : memref<!tpu.dma_semaphore, #tpu.memory_space<semaphore_mem>>) src(%dma_wait3A_2591 : memref<128x128xf32, #tpu.memory_space<hbm>>) dst(%arg7 : memref<128x128xf32, #tpu.memory_space<vmem>>)
    return
  }
}

</mosaic_0001>

<sc_bundles>
// kernel: kernel.3.cloned.1.call-start
scs
__scs_entry_jumppad:
0x0: {  	(pc) =	sbr.rel $0x88, $3  }
0x1: {  	(tag) =	ssettag $0x0;
	lr =	simm.s32 $0x1  }
0x2: {  	[smem:$0x3F9E] =	sst lr;
	_ =	strace $0xD0000000  }
0x3: {  	_ = 	snop  }
0x4: {  	_ = 	snop  }
0x5: {  	_ = 	snop  }
0x6: {  	_ = 	snop  }
0x7: {  	_ = 	snop  }
__scs_overlays_trampoline_lowered:
0x8: {  	[smem:$0x3FAD] =	sst s0  }
0x9: {  	[smem:$0x3FAE] =	sst s1  }
0xa: {  	[smem:$0x3FAF] =	sst s2  }
0xb: {  	[smem:$0x3FB0] =	sst s3  }
0xc: {  	[smem:$0x3FB1] =	sst s4  }
0xd: {  	[smem:$0x3FB2] =	sst s5  }
0xe: {  	[smem:$0x3FB3] =	sst s6  }
0xf: {  	[smem:$0x3FB4] =	sst s7  }
0x10: {  	[smem:$0x3FB5] =	sst s8  }
0x11: {  	[smem:$0x3FB6] =	sst s9;
	s0 =	simm.s32 @!p0 $0x0  }
0x12: {  	s1 =	sld [smem:$0x3F9C];
	s0 =	simm.s32 @p0 $0x1  }
0x13: {  	[smem:$0x3FB7] =	sst s0;
	s0 =	simm.s32 @!p1 $0x0  }
0x14: {  	s2 =	sld [smem:$0x3F9B];
	s0 =	simm.s32 @p1 $0x1  }
0x15: {  	[smem:$0x3FB8] =	sst s0;
	s0 =	simm.s32 @!p2 $0x0  }
0x16: {  	s3 =	sld [smem:$0x3FDB];
	s0 =	simm.s32 @p2 $0x1  }
0x17: {  	s4 =	simm.s32 $0x1BF5;
	[smem:$0x3FBA] =	sst s0  }
0x18: {  	s0 =	sld [smem:$0x3F9D];
	_ =	swait.ge [sflag:s4], $0x0  }
0x19: {  	s7 =	sld [smem:$0x3F9E]  }
0x1a: {  	s8 =	sadd.s32 $0xFFFFE003, lr  }
0x1b: {  	s9 =	sadd.s32 $0xFFFFFEF7, lr;
	s5 =	simm.s32 $0xFFFFFFFF;
	p2 =	slt.u32 s8, $0xFFFFF086  }
0x1c: {  	p1 =	slt.u32 s9, $0xF7A;
	s5 =	simm.s32 @!p2 $0x0  }
0x1d: {  	s5 =	simm.s32 @p1 $0x1;
	p0 =	seq.s32 s7, s2  }
0x1e: {  	s7 =	smul.u32 @!p0 $0xF7A, s2;
	p2 =	seq.s32 @!p0 s5, $0x0  }
0x1f: {  	s9 =	smul.u32 $0xF7A, s1;
	s8 =	simm.s32 @!p0 $0x1BF5;
	p2 =	por !p2, p0  }
0x20: {  	[sflag:s8] =	ssyncset.s32 @!p0 $0xFFFFF086;
	s6 =	sadd.s32 @!p0 s3, s7;
	s7 =	simm.s32 @!p0 $0x108  }
0x21: {  	s3 =	sadd.s32 s3, s9;
	s6 =	sadd.s32 @!p0 $0x88, s6;
	s7 =	simm.s32 @p2 $0x1082  }
0x22: {  	[simem:s7], [sflag:s8] =	dma.local @!p0 [hbm:s6], $0xF7A  }
0x23: {  	s9 =	sor.u32 $0xD0000000, s2;
	s6 =	simm.s32 $0x108;
	_ =	swait.ge @!p0 [sflag:s8], $0x0  }
0x24: {  	s3 =	sadd.s32 $0x88, s3;
	s6 =	simm.s32 @!p1 $0x1082;
	[sflag:s4] =	ssyncset.s32 $0xFFFFF086  }
0x25: {  	[simem:s6], [sflag:s4] =	dma.local [hbm:s3], $0xF7A  }
0x26: {  	[smem:$0x3F9E] =	sst s1;
	(tag) =	ssettag s2;
	_ =	strace s9  }
0x27: {  	s1 =	sld [smem:$0x3FAE]  }
0x28: {  	s2 =	sld [smem:$0x3FAF]  }
0x29: {  	s4 =	sld [smem:$0x3FB1]  }
0x2a: {  	p0 =	seq.s32 s5, $0x0;
	s5 =	sld [smem:$0x3FB2]  }
0x2b: {  	s6 =	sld [smem:$0x3FB3]  }
0x2c: {  	s7 =	sld [smem:$0x3FB4]  }
0x2d: {  	s3 =	simm.s32 $0x108;
	s8 =	sld [smem:$0x3FB5]  }
0x2e: {  	s3 =	simm.s32 @!p0 $0x1082;
	s9 =	sld [smem:$0x3FB6]  }
0x2f: {  	lr =	sadd.s32 s0, s3;
	s0 =	sld [smem:$0x3FAD]  }
0x30: {  	s3 =	sld [smem:$0x3FB0]  }
0x31: {  	[smem:$0x3FB9] =	sst s10  }
0x32: {  	s10 =	sld [smem:$0x3FB7];
	_ =	sdelay $0x3  }
0x33: {  	p0 =	seq.s32 s10, $0x1;
	s10 =	sld [smem:$0x3FB9];
	_ =	sdelay $0x3  }
0x34: {  	[smem:$0x3FB9] =	sst s10  }
0x35: {  	s10 =	sld [smem:$0x3FB8];
	_ =	sdelay $0x3  }
0x36: {  	p1 =	seq.s32 s10, $0x1;
	s10 =	sld [smem:$0x3FB9];
	_ =	sdelay $0x3  }
0x37: {  	[smem:$0x3FB9] =	sst s10  }
0x38: {  	s10 =	sld [smem:$0x3FBA]  }
0x39: {  	_ = 	snop;
	(pc) =	sbr.ind lr, $3  }
0x3a: {  	_ = 	snop  }
0x3b: {  	_ = 	snop  }
0x3c: {  	p2 =	seq.s32 s10, $0x1;
	s10 =	sld [smem:$0x3FB9]  }
0x3d: {  	_ =	shalt  }
0x3e: {  	_ =	shalt  }
0x3f: {  	_ =	shalt  }
0x40: {  	_ =	shalt  }
0x41: {  	_ =	shalt  }
0x42: {  	_ =	shalt  }
0x43: {  	_ =	shalt  }
0x44: {  	_ =	shalt  }
0x45: {  	_ =	shalt  }
0x46: {  	_ =	shalt  }
0x47: {  	_ =	shalt  }
0x48: {  	_ =	shalt  }
0x49: {  	_ =	shalt  }
0x4a: {  	_ =	shalt  }
0x4b: {  	_ =	shalt  }
0x4c: {  	_ =	shalt  }
0x4d: {  	_ =	shalt  }
0x4e: {  	_ =	shalt  }
0x4f: {  	_ =	shalt  }
0x50: {  	_ =	shalt  }
0x51: {  	_ =	shalt  }
0x52: {  	_ =	shalt  }
0x53: {  	_ =	shalt  }
0x54: {  	_ =	shalt  }
0x55: {  	_ =	shalt  }
0x56: {  	_ =	shalt  }
0x57: {  	_ =	shalt  }
0x58: {  	_ =	shalt  }
0x59: {  	_ =	shalt  }
0x5a: {  	_ =	shalt  }
0x5b: {  	_ =	shalt  }
0x5c: {  	_ =	shalt  }
0x5d: {  	_ =	shalt  }
0x5e: {  	_ =	shalt  }
0x5f: {  	_ =	shalt  }
0x60: {  	_ =	shalt  }
0x61: {  	_ =	shalt  }
0x62: {  	_ =	shalt  }
0x63: {  	_ =	shalt  }
0x64: {  	_ =	shalt  }
0x65: {  	_ =	shalt  }
0x66: {  	_ =	shalt  }
0x67: {  	_ =	shalt  }
0x68: {  	_ =	shalt  }
0x69: {  	_ =	shalt  }
0x6a: {  	_ =	shalt  }
0x6b: {  	_ =	shalt  }
0x6c: {  	_ =	shalt  }
0x6d: {  	_ =	shalt  }
0x6e: {  	_ =	shalt  }
0x6f: {  	_ =	shalt  }
0x70: {  	_ =	shalt  }
0x71: {  	_ =	shalt  }
0x72: {  	_ =	shalt  }
0x73: {  	_ =	shalt  }
0x74: {  	_ =	shalt  }
0x75: {  	_ =	shalt  }
0x76: {  	_ =	shalt  }
0x77: {  	_ =	shalt  }
0x78: {  	_ =	shalt  }
0x79: {  	_ =	shalt  }
0x7a: {  	_ =	shalt  }
0x7b: {  	_ =	shalt  }
0x7c: {  	_ =	shalt  }
0x7d: {  	_ =	shalt  }
0x7e: {  	_ =	shalt  }
0x7f: {  	_ =	shalt  }
0x80: {  	_ =	shalt  }
0x81: {  	_ =	shalt  }
0x82: {  	_ =	shalt  }
0x83: {  	_ =	shalt  }
0x84: {  	_ =	shalt  }
0x85: {  	_ =	shalt  }
0x86: {  	_ =	shalt  }
0x87: {  	_ =	shalt  }
.Lfunc_end0:
.L_simem_size_0:
called_computation_lowered:
.L_overlay_start_0:
0x88: {  	s2 =	sld [smem:$0x3FD9]  }
0x89: {  	s3 =	sld [smem:$0x3FFE];
	_ =	sdelay $0x1  }
0x8a: {  	s1 =	srdreg.scid  }
0x8b: {  	s0 =	sand.u32 $0x1, s1  }
0x8c: {  	s17 =	sshll.u32 s0, $0xA;
	s2 =	sadd.s32 s3, s2  }
0x8d: {  	s2 =	sadd.s32 s2, s17  }
0x8e: {  	[smem:$0x3FC5] =	sst s2  }
0x8f: {  	_ = 	snop  }
0x90: {  	s2 =	sld [smem:$0x3FC9]  }
0x91: {  	s18 =	sld [smem:$0x3FC8]  }
0x92: {  	s4 =	sld [smem:$0x3FD0];
	(tm) =	ssettm $0x1  }
0x93: {  	s5 =	sld [smem:$0x3FFB];
	_ =	sdelay $0x3  }
0x94: {  	_ =	strace s5  }
0x95: {  	s5 =	sld [smem:$0x3FFC];
	_ =	sdelay $0x3  }
0x96: {  	_ =	strace s5  }
0x97: {  	s5 =	sld [smem:$0x3FFD];
	_ =	sdelay $0x3  }
0x98: {  	_ =	strace s5  }
0x99: {  	_ =	strace $0x8FFFFFFF  }
0x9a: {  	s19 =	sld [smem:$0x3FDB];
	_ =	sdelay $0x1  }
0x9b: {  	s6 =	simm.s32 $_scs_section_size  }
0x9c: {  	s7 =	simm.s32 $_size__tile_overlayer_lowered;
	s8 =	simm.s32 $_tile_overlayer_lowered  }
0x9d: {  	s22 =	simm.s32 $0x1BFF;
	s21 =	sshll.u32 s8, $0x1;
	s5 =	sadd.s32 s6, s19  }
0x9e: {  	s9 =	simm.s32 $0x0;
	s20 =	sshll.u32 s7, $0x1;
	s7 =	sadd.s32 s21, s5  }
0x9f: {  	[timem:s9], [sflag:s22] =	dma.local [hbm:s7], s20  }
0xa0: {  	_ =	swait.ge [sflag:s22], s20  }
0xa1: {  	s6 =	ssub.s32 $0x0, s20;
	[sflag:s22] =	ssyncset.done $0x0  }
0xa2: {  	[sflag:s22] =	ssyncadd.s32 s6;
	_ =	sdelay $0x1  }
0xa3: {  	s23 =	simm.s32 $0x1B8B  }
0xa4: {  	_ =	swait.ge [sflag:s23], $0x1  }
0xa5: {  	[sflag:s23] =	ssyncset.done $0x0  }
0xa6: {  	s25 =	simm.s32 $0x1B8E;
	s24 =	sld [smem:$0x3FFE];
	[sflag:s23] =	ssyncadd.s32 $0xFFFFFFFF  }
0xa7: {  	s26 =	simm.s32 $execute0_lowered;
	[smem:$0x3FD2] =	sst s25  }
0xa8: {  	s7 =	sshll.u32 s26, $0x1;
	_ =	strace $0x80000046;
	[dreg:$0x1] =	wrdreg $0xFFFFFFFF  }
0xa9: {  	s28 =	simm.s32 $_size_execute0_lowered;
	s5 =	sadd.s32 s5, s7;
	[dreg:$0x0] =	wrdreg $0x0  }
0xaa: {  	s7 =	sshll.u32 s28, $0x1;
	[dreg:$0x2] =	wrdreg s5  }
0xab: {  	[dreg:$0x3] =	wrdreg s7  }
0xac: {  	[dreg:$0x4] =	wrdreg $0xC0  }
0xad: {  	_ =	task [dreg:s9], $0x5FFFF  }
0xae: {  	[dreg:$0x1] =	wrdreg $0xFFFFFFFF  }
0xaf: {  	[dreg:$0x0] =	wrdreg $0x60  }
0xb0: {  	[dreg:$0x2] =	wrdreg s24  }
0xb1: {  	[dreg:$0x3] =	wrdreg s2  }
0xb2: {  	[dreg:$0x4] =	wrdreg s18  }
0xb3: {  	[dreg:$0x5] =	wrdreg s4  }
0xb4: {  	[dreg:$0x6] =	wrdreg $0x9  }
0xb5: {  	_ =	task.clear_ibuf [dreg:s9], $0x7FFFF;
	_ =	strace $0x90000046  }
0xb6: {  	s29 =	simm.s32 $0x9;
	_ =	strace $0x80000048  }
0xb7: {  	_ =	swait.ge [sflag:s29], $0x1  }
0xb8: {  	[sflag:s29] =	ssyncadd.s32 $0xFFFFFFFF  }
0xb9: {  	_ =	strace $0x90000048  }
0xba: {  	_ =	sfence  }
0xbb: {  	s30 =	sld [smem:$0x0];
	_ =	sdelay $0x2  }
0xbc: {  	s31 =	sshll.u32 s1, $0xD;
	s1 =	sshrl.u32 s1, $0x2  }
0xbd: {  	s3 =	sand.u32 $0x4000, s31;
	s1 =	sadd.s32 s1, s30  }
0xbe: {  	s0 =	sor.u32 s3, s0;
	s1 =	sshll.u32 s1, $0x11  }
0xbf: {  	s0 =	sor.u32 s1, s0  }
0xc0: {  	s0 =	sadd.s32 $0x8F2B, s0  }
0xc1: {  	[sflag:s0] =	ssyncadd.remote.s32 $0x1  }
0xc2: {  	_ =	sfence.sel $0xFFFF  }
0xc3: {  	[dreg:$0x0] =	wrdreg $0xFFFFFFFF;
	(pc) =	sbr.abs _section_cstart, $3  }
0xc4: {  	[dreg:$0x1] =	wrdreg $0xFFFFFFFF  }
0xc5: {  	_ =	task.clear_ibuf [dreg:s9], $0x2FFFF;
	_ =	strace $0x9FFFFFFF  }
0xc6: {  	(tm) =	ssettm $0x7FFFFFFF  }
0xc7: {  	_ =	shalt  }
tec
execute0_lowered:
.L_overlay_start_1:
0x0: {  	(tag) =	ssettag $0x1  }
0x1: {  	s1 =	rddreg [dreg:$0x0];
	s0 =	srdreg.scid  }
0x2: {  	s12 =	rddreg [dreg:$0x1];
	s0 =	sand.u32 $0x1, s0  }
0x3: {  	s2 =	stileid.u32;
	[smem:$0x7FA] =	sst s0;
	s0 =	sshll.u32 s0, $0x4  }
0x4: {  	s4 =	rddreg [dreg:$0x2];
	s22 =	sor.u32 s2, s0  }
0x5: {  	s7 =	rddreg [dreg:$0x3];
	s2 =	simm.s32 $0x0;
	s0 =	smul.u32 $0x1900, s22  }
0x6: {  	s1 =	sadd.s32 $0x400, s1;
	[smem:$0x7FF] =	sst s2;
	s10 =	smul.u32 $0x19000, s22  }
0x7: {  	_ =	strace $0x80000047;
	[dreg:$0x5] =	wrdreg s1;
	s3 =	sor.u32 $0x80, s0  }
0x8: {  	s24 =	sadd.s32 s4, s10;
	[smem:$0x77F] =	sst s3  }
0x9: {  	s25 =	sadd.s32 $0x180, s0;
	[dreg:$0x6] =	wrdreg s24  }
0xa: {  	s19 =	sadd.s32 $0x100, s0;
	s10 =	sadd.s32 s7, s10;
	[smem:$0x785] =	sst s25  }
0xb: {  	s31 =	sadd.s32 $0x200, s0;
	s3 =	sshll.u32 s3, $0x4;
	[dreg:$0xb] =	wrdreg s10  }
0xc: {  	s11 =	sshll.u32 s19, $0x4;
	[smem:$0x78F] =	sst s3;
	s6 =	sadd.s32 s4, s3  }
0xd: {  	s13 =	sshll.u32 s25, $0x4;
	s26 =	sadd.s32 s4, s11;
	[dreg:$0x7] =	wrdreg s6  }
0xe: {  	s14 =	sshll.u32 s31, $0x4;
	s3 =	sadd.s32 s4, s13;
	[dreg:$0x8] =	wrdreg s26  }
0xf: {  	s5 =	sadd.s32 s4, s14;
	[dreg:$0x9] =	wrdreg s3  }
0x10: {  	s11 =	sadd.s32 s7, s11;
	[dreg:$0xa] =	wrdreg s5  }
0x11: {  	s25 =	sadd.s32 $0x280, s0;
	s13 =	sadd.s32 s7, s13;
	[dreg:$0xe] =	wrdreg s11  }
0x12: {  	s10 =	sadd.s32 $0x380, s0;
	s23 =	sadd.s32 s7, s14;
	[dreg:$0x10] =	wrdreg s13  }
0x13: {  	s15 =	sshll.u32 s25, $0x4;
	s6 =	sadd.s32 $0x300, s0;
	[dreg:$0x12] =	wrdreg s23  }
0x14: {  	s18 =	sshll.u32 s10, $0x4;
	s8 =	sadd.s32 s4, s15;
	[smem:$0x78C] =	sst s6  }
0x15: {  	s9 =	sadd.s32 s4, s18;
	[dreg:$0xc] =	wrdreg s8  }
0x16: {  	s26 =	sadd.s32 s7, s15;
	[dreg:$0xf] =	wrdreg s9  }
0x17: {  	s11 =	sadd.s32 $0x500, s0;
	s3 =	sadd.s32 $0x580, s0;
	[dreg:$0x14] =	wrdreg s26  }
0x18: {  	s17 =	sshll.u32 s6, $0x4;
	[smem:$0x799] =	sst s3;
	s8 =	sadd.s32 s7, s18  }
0x19: {  	s23 =	sshll.u32 s11, $0x4;
	s16 =	sadd.s32 s4, s17;
	[dreg:$0x18] =	wrdreg s8  }
0x1a: {  	s15 =	sadd.s32 $0x600, s0;
	s1 =	sadd.s32 s4, s23;
	[dreg:$0xd] =	wrdreg s16  }
0x1b: {  	s26 =	sshll.u32 s15, $0x4;
	s5 =	sadd.s32 s7, s17;
	[dreg:$0x15] =	wrdreg s1  }
0x1c: {  	s9 =	sadd.s32 s4, s26;
	s17 =	sadd.s32 $0x780, s0;
	[dreg:$0x16] =	wrdreg s5  }
0x1d: {  	s8 =	sadd.s32 s7, s23;
	[dreg:$0x19] =	wrdreg s9;
	s23 =	sshll.u32 s17, $0x4  }
0x1e: {  	s16 =	sadd.s32 $0x400, s0;
	[dreg:$0x1e] =	wrdreg s8;
	s9 =	sadd.s32 s4, s23  }
0x1f: {  	s20 =	sshll.u32 s16, $0x4;
	s23 =	sadd.s32 s7, s23;
	[dreg:$0x1f] =	wrdreg s9  }
0x20: {  	s21 =	sadd.s32 s4, s20;
	[smem:$0x73E] =	sst s23  }
0x21: {  	s14 =	sadd.s32 $0x680, s0;
	s18 =	sadd.s32 s7, s20;
	[dreg:$0x11] =	wrdreg s21  }
0x22: {  	s20 =	sshll.u32 s14, $0x4;
	s9 =	sadd.s32 $0xA00, s0;
	[dreg:$0x1a] =	wrdreg s18  }
0x23: {  	s13 =	sadd.s32 $0x480, s0;
	s1 =	sadd.s32 s4, s20;
	[smem:$0x7AE] =	sst s9  }
0x24: {  	s21 =	sshll.u32 s13, $0x4;
	s20 =	sadd.s32 s7, s20;
	[dreg:$0x1b] =	wrdreg s1  }
0x25: {  	s24 =	sadd.s32 s4, s21;
	[smem:$0x73A] =	sst s20  }
0x26: {  	s5 =	sadd.s32 s7, s21;
	[dreg:$0x13] =	wrdreg s24  }
0x27: {  	s24 =	sshll.u32 s3, $0x4;
	s3 =	sadd.s32 $0x700, s0;
	[dreg:$0x1c] =	wrdreg s5  }
0x28: {  	s5 =	sadd.s32 $0x880, s0;
	[smem:$0x7A0] =	sst s3  }
0x29: {  	s18 =	sadd.s32 $0x800, s0;
	s6 =	sadd.s32 s4, s24;
	[smem:$0x7A7] =	sst s5  }
0x2a: {  	s28 =	sshll.u32 s3, $0x4;
	s1 =	sadd.s32 s7, s24;
	[dreg:$0x17] =	wrdreg s6  }
0x2b: {  	s24 =	sshll.u32 s18, $0x4;
	s6 =	sadd.s32 s4, s28;
	[smem:$0x736] =	sst s1  }
0x2c: {  	s8 =	sshll.u32 s5, $0x4;
	s3 =	sadd.s32 s4, s24;
	[dreg:$0x1d] =	wrdreg s6  }
0x2d: {  	s29 =	sadd.s32 s4, s8;
	[smem:$0x737] =	sst s3  }
0x2e: {  	s28 =	sadd.s32 s7, s28;
	[smem:$0x739] =	sst s29  }
0x2f: {  	s21 =	sadd.s32 $0x900, s0;
	s24 =	sadd.s32 s7, s24;
	[smem:$0x73C] =	sst s28  }
0x30: {  	s20 =	sadd.s32 $0x980, s0;
	s6 =	sadd.s32 s7, s26;
	[smem:$0x740] =	sst s24  }
0x31: {  	s29 =	sshll.u32 s21, $0x4;
	s26 =	sadd.s32 s7, s8;
	[smem:$0x738] =	sst s6  }
0x32: {  	s24 =	sadd.s32 $0xB00, s0;
	s8 =	sadd.s32 $0xB80, s0;
	[smem:$0x742] =	sst s26  }
0x33: {  	s30 =	sadd.s32 s4, s29;
	s6 =	sshll.u32 s9, $0x4;
	[smem:$0x7B5] =	sst s8  }
0x34: {  	s5 =	sshll.u32 s24, $0x4;
	s9 =	sadd.s32 s7, s29;
	[smem:$0x73B] =	sst s30  }
0x35: {  	s30 =	sshll.u32 s20, $0x4;
	s3 =	sadd.s32 s4, s5;
	[smem:$0x744] =	sst s9  }
0x36: {  	s29 =	sshll.u32 s8, $0x4;
	s28 =	sadd.s32 s4, s30;
	[smem:$0x743] =	sst s3  }
0x37: {  	s3 =	sadd.s32 s4, s29;
	[smem:$0x73D] =	sst s28  }
0x38: {  	s23 =	sadd.s32 $0xA80, s0;
	s8 =	sadd.s32 s7, s30;
	[smem:$0x745] =	sst s3  }
0x39: {  	s1 =	sshll.u32 s23, $0x4;
	s28 =	sadd.s32 s4, s6;
	[smem:$0x746] =	sst s8  }
0x3a: {  	s26 =	sadd.s32 $0xC80, s0;
	[smem:$0x73F] =	sst s28;
	s28 =	sadd.s32 s4, s1  }
0x3b: {  	s8 =	sadd.s32 s7, s6;
	[smem:$0x741] =	sst s28;
	s28 =	sadd.s32 $0xC00, s0  }
0x3c: {  	[smem:$0x748] =	sst s8;
	s8 =	sadd.s32 $0xD00, s0;
	s30 =	sshll.u32 s28, $0x4  }
0x3d: {  	s6 =	sshll.u32 s26, $0x4;
	[smem:$0x7BC] =	sst s8;
	s9 =	sadd.s32 s4, s30  }
0x3e: {  	[smem:$0x747] =	sst s9;
	s9 =	sadd.s32 s4, s6  }
0x3f: {  	[smem:$0x749] =	sst s9;
	s9 =	sadd.s32 s7, s1  }
0x40: {  	s1 =	sshll.u32 s8, $0x4;
	s8 =	sadd.s32 $0xD80, s0;
	[smem:$0x74A] =	sst s9  }
0x41: {  	s9 =	sadd.s32 s4, s1;
	[smem:$0x7BD] =	sst s8  }
0x42: {  	[smem:$0x74B] =	sst s9;
	s9 =	sadd.s32 s7, s5  }
0x43: {  	s5 =	sshll.u32 s8, $0x4;
	s8 =	sadd.s32 $0xE00, s0;
	[smem:$0x74C] =	sst s9  }
0x44: {  	s9 =	sadd.s32 s4, s5;
	[smem:$0x7C0] =	sst s8  }
0x45: {  	[smem:$0x74D] =	sst s9;
	s9 =	sadd.s32 s7, s29  }
0x46: {  	s29 =	sshll.u32 s8, $0x4;
	s8 =	sadd.s32 $0xE80, s0;
	[smem:$0x74E] =	sst s9  }
0x47: {  	s9 =	sadd.s32 s4, s29;
	[smem:$0x7C5] =	sst s8  }
0x48: {  	[smem:$0x74F] =	sst s9;
	s9 =	sadd.s32 s7, s30  }
0x49: {  	s30 =	sshll.u32 s8, $0x4;
	s8 =	sadd.s32 $0xF00, s0;
	[smem:$0x750] =	sst s9  }
0x4a: {  	s9 =	sadd.s32 s4, s30;
	[smem:$0x7C6] =	sst s8  }
0x4b: {  	[smem:$0x751] =	sst s9;
	s9 =	sadd.s32 s7, s6  }
0x4c: {  	s6 =	sshll.u32 s8, $0x4;
	s8 =	sadd.s32 $0xF80, s0;
	[smem:$0x752] =	sst s9  }
0x4d: {  	s9 =	sadd.s32 s4, s6;
	[smem:$0x7C9] =	sst s8  }
0x4e: {  	[smem:$0x753] =	sst s9;
	s9 =	sadd.s32 s7, s1  }
0x4f: {  	s1 =	sshll.u32 s8, $0x4;
	s8 =	sadd.s32 $0x1000, s0;
	[smem:$0x754] =	sst s9  }
0x50: {  	s9 =	sadd.s32 s4, s1;
	[smem:$0x7CE] =	sst s8  }
0x51: {  	[smem:$0x755] =	sst s9;
	s9 =	sadd.s32 s7, s5  }
0x52: {  	s5 =	sshll.u32 s8, $0x4;
	s8 =	sadd.s32 $0x1080, s0;
	[smem:$0x756] =	sst s9  }
0x53: {  	s9 =	sadd.s32 s4, s5;
	[smem:$0x7CF] =	sst s8  }
0x54: {  	[smem:$0x757] =	sst s9;
	s9 =	sadd.s32 s7, s29  }
0x55: {  	s29 =	sshll.u32 s8, $0x4;
	s8 =	sadd.s32 $0x1100, s0;
	[smem:$0x758] =	sst s9  }
0x56: {  	s9 =	sadd.s32 s4, s29;
	[smem:$0x7D2] =	sst s8  }
0x57: {  	[smem:$0x759] =	sst s9;
	s9 =	sadd.s32 s7, s30  }
0x58: {  	s30 =	sshll.u32 s8, $0x4;
	s8 =	sadd.s32 $0x1180, s0;
	[smem:$0x75A] =	sst s9  }
0x59: {  	s9 =	sadd.s32 s4, s30;
	[smem:$0x7D7] =	sst s8  }
0x5a: {  	[smem:$0x75B] =	sst s9;
	s9 =	sadd.s32 s7, s6  }
0x5b: {  	s6 =	sshll.u32 s8, $0x4;
	s8 =	sadd.s32 $0x1200, s0;
	[smem:$0x75C] =	sst s9  }
0x5c: {  	s9 =	sadd.s32 s4, s6;
	[smem:$0x7D8] =	sst s8  }
0x5d: {  	[smem:$0x75D] =	sst s9;
	s9 =	sadd.s32 s7, s1  }
0x5e: {  	s1 =	sshll.u32 s8, $0x4;
	s8 =	sadd.s32 $0x1280, s0;
	[smem:$0x75E] =	sst s9  }
0x5f: {  	s9 =	sadd.s32 s4, s1;
	[smem:$0x7DB] =	sst s8  }
0x60: {  	s1 =	sadd.s32 s7, s1;
	[smem:$0x75F] =	sst s9  }
0x61: {  	s9 =	sadd.s32 s7, s5;
	[smem:$0x768] =	sst s1  }
0x62: {  	s5 =	sshll.u32 s8, $0x4;
	s8 =	sadd.s32 $0x1300, s0;
	[smem:$0x760] =	sst s9  }
0x63: {  	s1 =	sadd.s32 $0x1500, s0;
	[smem:$0x7E0] =	sst s8  }
0x64: {  	s9 =	sadd.s32 s4, s5;
	[smem:$0x7EA] =	sst s1  }
0x65: {  	[smem:$0x761] =	sst s9;
	s9 =	sadd.s32 s7, s29  }
0x66: {  	s29 =	sshll.u32 s8, $0x4;
	s8 =	sadd.s32 $0x1380, s0;
	[smem:$0x762] =	sst s9  }
0x67: {  	s9 =	sadd.s32 s4, s29;
	[smem:$0x7E1] =	sst s8  }
0x68: {  	[smem:$0x763] =	sst s9;
	s9 =	sadd.s32 s7, s30  }
0x69: {  	s30 =	sshll.u32 s8, $0x4;
	s8 =	sadd.s32 $0x1400, s0;
	[smem:$0x764] =	sst s9  }
0x6a: {  	s9 =	sadd.s32 s4, s30;
	[smem:$0x7E4] =	sst s8  }
0x6b: {  	[smem:$0x765] =	sst s9;
	s9 =	sadd.s32 s7, s6  }
0x6c: {  	s6 =	sshll.u32 s8, $0x4;
	[smem:$0x766] =	sst s9;
	s9 =	sadd.s32 $0x1480, s0  }
0x6d: {  	s8 =	sadd.s32 s4, s6;
	[smem:$0x7E9] =	sst s9  }
0x6e: {  	s6 =	sadd.s32 s7, s6;
	[smem:$0x767] =	sst s8;
	s9 =	sshll.u32 s9, $0x4  }
0x6f: {  	[smem:$0x770] =	sst s6;
	s8 =	sadd.s32 s4, s9  }
0x70: {  	s3 =	sadd.s32 s7, s9;
	[smem:$0x769] =	sst s8  }
0x71: {  	s8 =	sadd.s32 s7, s5;
	[smem:$0x772] =	sst s3  }
0x72: {  	s5 =	sshll.u32 s1, $0x4;
	s1 =	sadd.s32 $0x1580, s0;
	[smem:$0x76A] =	sst s8  }
0x73: {  	s8 =	sadd.s32 s4, s5;
	[smem:$0x7ED] =	sst s1  }
0x74: {  	[smem:$0x76B] =	sst s8;
	s8 =	sadd.s32 s7, s29  }
0x75: {  	s29 =	sshll.u32 s1, $0x4;
	[smem:$0x76C] =	sst s8;
	s8 =	sadd.s32 $0x1600, s0  }
0x76: {  	s1 =	sadd.s32 s4, s29;
	[smem:$0x7F1] =	sst s8  }
0x77: {  	[smem:$0x76D] =	sst s1;
	s1 =	sadd.s32 s7, s30  }
0x78: {  	s30 =	sshll.u32 s8, $0x4;
	s8 =	sadd.s32 $0x1680, s0;
	[smem:$0x76E] =	sst s1  }
0x79: {  	s1 =	sadd.s32 s4, s30;
	[smem:$0x7F2] =	sst s8;
	s8 =	sshll.u32 s8, $0x4  }
0x7a: {  	[smem:$0x76F] =	sst s1;
	s6 =	sadd.s32 s4, s8  }
0x7b: {  	s1 =	sadd.s32 $0x1700, s0;
	[smem:$0x771] =	sst s6  }
0x7c: {  	s6 =	sshll.u32 s1, $0x4;
	s9 =	smov.u32 s1;
	s1 =	sadd.s32 $0x1780, s0  }
0x7d: {  	s3 =	sadd.s32 s4, s6;
	[smem:$0x7F6] =	sst s1  }
0x7e: {  	[smem:$0x773] =	sst s3;
	s3 =	sadd.s32 s7, s5  }
0x7f: {  	s5 =	sshll.u32 s1, $0x4;
	s1 =	sadd.s32 $0x1800, s0;
	[smem:$0x774] =	sst s3  }
0x80: {  	s3 =	sadd.s32 s4, s5;
	[smem:$0x7F7] =	sst s1  }
0x81: {  	[smem:$0x775] =	sst s3;
	s3 =	sadd.s32 s7, s29  }
0x82: {  	s29 =	sshll.u32 s1, $0x4;
	s1 =	sadd.s32 $0x1880, s0;
	[smem:$0x776] =	sst s3  }
0x83: {  	s0 =	sshrl.u32 s0, $0xC;
	[smem:$0x7F8] =	sst s1  }
0x84: {  	s3 =	sadd.s32 s4, s29;
	[smem:$0x780] =	sst s0  }
0x85: {  	[smem:$0x777] =	sst s3;
	s3 =	sadd.s32 s7, s30;
	s30 =	sshll.u32 s1, $0x4  }
0x86: {  	[smem:$0x778] =	sst s3;
	s1 =	sadd.s32 s4, s30  }
0x87: {  	s3 =	sadd.s32 s7, s8;
	[smem:$0x779] =	sst s1  }
0x88: {  	s4 =	sadd.s32 s7, s6;
	[smem:$0x77A] =	sst s3  }
0x89: {  	s6 =	sadd.s32 s7, s5;
	[smem:$0x77B] =	sst s4  }
0x8a: {  	s8 =	sadd.s32 s7, s29;
	[smem:$0x77C] =	sst s6  }
0x8b: {  	s5 =	sadd.s32 s7, s30;
	[smem:$0x77D] =	sst s8  }
0x8c: {  	[smem:$0x77E] =	sst s5  }
0x8d: {  	s4 =	smul.u32 $0xC8000, s22;
	s6 =	sld [smem:$0x77F];
	s3 =	sshll.u32 s0, $0x13  }
0x8e: {  	s8 =	sshrl.u32 s19, $0xC;
	s22 =	sshll.u32 s19, $0x7;
	s19 =	sld [smem:$0x785]  }
0x8f: {  	[smem:$0x781] =	sst s8;
	s0 =	ssub.s32 s4, s3  }
0x90: {  	s4 =	sshll.u32 s8, $0x13;
	s1 =	sshll.u32 s6, $0x7;
	s0 =	sshrl.u32 s0, $0x3  }
0x91: {  	s1 =	ssub.s32 s1, s3;
	s3 =	ssub.s32 s22, s4;
	s0 =	sadd.s32 s12, s0  }
0x92: {  	s22 =	sshrl.u32 s19, $0xC;
	s1 =	sshrl.u32 s1, $0x3;
	[smem:$0x782] =	sst s0  }
0x93: {  	s6 =	sshrl.u32 s3, $0x3;
	s0 =	sshll.u32 s19, $0x7;
	[smem:$0x786] =	sst s22  }
0x94: {  	s3 =	sshll.u32 s22, $0x13;
	s5 =	sadd.s32 s12, s1;
	s8 =	sadd.s32 s12, s6  }
0x95: {  	s1 =	sshrl.u32 s31, $0xC;
	s0 =	ssub.s32 s0, s3;
	[smem:$0x783] =	sst s5  }
0x96: {  	s6 =	sshrl.u32 s25, $0xC;
	[smem:$0x784] =	sst s8;
	s5 =	sshll.u32 s31, $0x7  }
0x97: {  	[smem:$0x787] =	sst s1;
	s4 =	sshll.u32 s1, $0x13;
	s8 =	sshll.u32 s25, $0x7  }
0x98: {  	s0 =	sshrl.u32 s0, $0x3;
	[smem:$0x788] =	sst s6;
	s1 =	ssub.s32 s5, s4  }
0x99: {  	s4 =	sshll.u32 s6, $0x13;
	s0 =	sadd.s32 s12, s0;
	s6 =	sld [smem:$0x78F]  }
0x9a: {  	s3 =	ssub.s32 s8, s4;
	s1 =	sshrl.u32 s1, $0x3;
	[smem:$0x789] =	sst s0  }
0x9b: {  	s4 =	sshrl.u32 s10, $0xC;
	s19 =	sadd.s32 s12, s1;
	s1 =	sld [smem:$0x78C]  }
0x9c: {  	s5 =	sshll.u32 s10, $0x7;
	s10 =	sshrl.u32 s16, $0xC;
	[smem:$0x78E] =	sst s4  }
0x9d: {  	s22 =	sshrl.u32 s3, $0x3;
	[smem:$0x793] =	sst s10  }
0x9e: {  	[smem:$0x78A] =	sst s19;
	s25 =	sadd.s32 s12, s22  }
0x9f: {  	s22 =	sshrl.u32 s13, $0xC;
	[smem:$0x78B] =	sst s25  }
0xa0: {  	s19 =	sshll.u32 s16, $0x7;
	s16 =	sshrl.u32 s15, $0xC;
	[smem:$0x794] =	sst s22  }
0xa1: {  	s25 =	sshll.u32 s13, $0x7;
	[smem:$0x79B] =	sst s16;
	s3 =	sshrl.u32 s1, $0xC  }
0xa2: {  	s0 =	sshll.u32 s1, $0x7;
	[smem:$0x78D] =	sst s3;
	s1 =	sshll.u32 s3, $0x13  }
0xa3: {  	s3 =	sshll.u32 s4, $0x13;
	s4 =	sadd.s32 s7, s6;
	s6 =	sshll.u32 s11, $0x7  }
0xa4: {  	s0 =	ssub.s32 s0, s1;
	s1 =	ssub.s32 s5, s3;
	[smem:$0x790] =	sst s4  }
0xa5: {  	s3 =	sshll.u32 s10, $0x13;
	s5 =	sshrl.u32 s11, $0xC;
	s11 =	sld [smem:$0x799]  }
0xa6: {  	s4 =	sshll.u32 s22, $0x13;
	s22 =	sshrl.u32 s14, $0xC;
	[smem:$0x795] =	sst s5  }
0xa7: {  	s0 =	sshrl.u32 s0, $0x3;
	s1 =	sshrl.u32 s1, $0x3;
	[smem:$0x79C] =	sst s22  }
0xa8: {  	s0 =	sadd.s32 s12, s0;
	s8 =	sadd.s32 s12, s1;
	s1 =	ssub.s32 s25, s4  }
0xa9: {  	s4 =	sshll.u32 s5, $0x13;
	s25 =	sshll.u32 s14, $0x7;
	[smem:$0x791] =	sst s0  }
0xaa: {  	s14 =	sshll.u32 s18, $0x7;
	[smem:$0x792] =	sst s8;
	s0 =	ssub.s32 s19, s3  }
0xab: {  	s3 =	ssub.s32 s6, s4;
	s1 =	sshrl.u32 s1, $0x3;
	s13 =	sshrl.u32 s11, $0xC  }
0xac: {  	s7 =	sadd.s32 s12, s1;
	s8 =	sshrl.u32 s3, $0x3;
	[smem:$0x79A] =	sst s13  }
0xad: {  	s3 =	sshll.u32 s13, $0x13;
	s13 =	sshrl.u32 s18, $0xC;
	s18 =	sld [smem:$0x7A7]  }
0xae: {  	s19 =	sshll.u32 s15, $0x7;
	s4 =	sshll.u32 s16, $0x13;
	[smem:$0x797] =	sst s7  }
0xaf: {  	s0 =	sshrl.u32 s0, $0x3;
	s1 =	ssub.s32 s19, s4;
	s7 =	sld [smem:$0x7A0]  }
0xb0: {  	s4 =	sshll.u32 s22, $0x13;
	s22 =	sshrl.u32 s21, $0xC;
	[smem:$0x7A3] =	sst s13  }
0xb1: {  	s0 =	sadd.s32 s12, s0;
	[smem:$0x7A9] =	sst s22  }
0xb2: {  	s10 =	sadd.s32 s12, s8;
	s1 =	sshrl.u32 s1, $0x3;
	[smem:$0x796] =	sst s0  }
0xb3: {  	[smem:$0x798] =	sst s10;
	s0 =	sshll.u32 s11, $0x7;
	s10 =	sshrl.u32 s17, $0xC  }
0xb4: {  	s0 =	ssub.s32 s0, s3;
	s3 =	ssub.s32 s25, s4;
	[smem:$0x7A2] =	sst s10  }
0xb5: {  	s4 =	sadd.s32 s12, s1;
	s25 =	sshll.u32 s21, $0x7;
	s21 =	sld [smem:$0x7B5]  }
0xb6: {  	s11 =	sshll.u32 s17, $0x7;
	s19 =	sshrl.u32 s18, $0xC;
	[smem:$0x79E] =	sst s4  }
0xb7: {  	s0 =	sshrl.u32 s0, $0x3;
	s8 =	sshrl.u32 s7, $0xC;
	[smem:$0x7A8] =	sst s19  }
0xb8: {  	s5 =	sshrl.u32 s3, $0x3;
	s4 =	sshll.u32 s10, $0x13;
	[smem:$0x7A1] =	sst s8  }
0xb9: {  	s0 =	sadd.s32 s12, s0;
	s1 =	ssub.s32 s11, s4;
	s11 =	sld [smem:$0x7AE]  }
0xba: {  	s6 =	sadd.s32 s12, s5;
	s3 =	sshll.u32 s8, $0x13;
	[smem:$0x79D] =	sst s0  }
0xbb: {  	s4 =	sshll.u32 s13, $0x13;
	s5 =	sshrl.u32 s20, $0xC;
	[smem:$0x79F] =	sst s6  }
0xbc: {  	s0 =	sshll.u32 s7, $0x7;
	s1 =	sshrl.u32 s1, $0x3;
	s6 =	sshll.u32 s20, $0x7  }
0xbd: {  	[smem:$0x7AA] =	sst s5;
	s0 =	ssub.s32 s0, s3;
	s3 =	ssub.s32 s14, s4  }
0xbe: {  	s15 =	sadd.s32 s12, s1;
	s4 =	sshll.u32 s22, $0x13;
	s14 =	sshrl.u32 s23, $0xC  }
0xbf: {  	s22 =	sshrl.u32 s21, $0xC;
	s0 =	sshrl.u32 s0, $0x3;
	[smem:$0x7A5] =	sst s15  }
0xc0: {  	s16 =	sshrl.u32 s3, $0x3;
	s3 =	sshll.u32 s19, $0x13;
	[smem:$0x7B0] =	sst s14  }
0xc1: {  	s1 =	ssub.s32 s25, s4;
	s13 =	sshrl.u32 s11, $0xC;
	[smem:$0x7B6] =	sst s22  }
0xc2: {  	s15 =	sshll.u32 s23, $0x7;
	s23 =	sshrl.u32 s28, $0xC;
	[smem:$0x7AF] =	sst s13  }
0xc3: {  	s4 =	sshll.u32 s5, $0x13;
	s25 =	sshrl.u32 s26, $0xC;
	[smem:$0x7B7] =	sst s23  }
0xc4: {  	s26 =	sshll.u32 s26, $0x7;
	s0 =	sadd.s32 s12, s0;
	[smem:$0x7B8] =	sst s25  }
0xc5: {  	s17 =	sadd.s32 s12, s16;
	s1 =	sshrl.u32 s1, $0x3;
	[smem:$0x7A4] =	sst s0  }
0xc6: {  	s16 =	sshrl.u32 s24, $0xC;
	[smem:$0x7A6] =	sst s17;
	s0 =	sshll.u32 s18, $0x7  }
0xc7: {  	s7 =	sadd.s32 s12, s1;
	[smem:$0x7B1] =	sst s16;
	s0 =	ssub.s32 s0, s3  }
0xc8: {  	s3 =	ssub.s32 s6, s4;
	[smem:$0x7AC] =	sst s7;
	s4 =	sshll.u32 s14, $0x13  }
0xc9: {  	s14 =	sld [smem:$0x7C0];
	s0 =	sshrl.u32 s0, $0x3;
	s8 =	sshrl.u32 s3, $0x3  }
0xca: {  	s0 =	sadd.s32 s12, s0;
	s10 =	sadd.s32 s12, s8;
	s8 =	sld [smem:$0x7BC]  }
0xcb: {  	s17 =	sshll.u32 s24, $0x7;
	s1 =	ssub.s32 s15, s4;
	[smem:$0x7AB] =	sst s0  }
0xcc: {  	s3 =	sshll.u32 s13, $0x13;
	s1 =	sshrl.u32 s1, $0x3;
	[smem:$0x7AD] =	sst s10  }
0xcd: {  	s0 =	sshll.u32 s11, $0x7;
	s18 =	sadd.s32 s12, s1;
	s11 =	sld [smem:$0x7BD]  }
0xce: {  	s4 =	sshll.u32 s16, $0x13;
	s15 =	sshrl.u32 s14, $0xC;
	[smem:$0x7B3] =	sst s18  }
0xcf: {  	s0 =	ssub.s32 s0, s3;
	s3 =	ssub.s32 s17, s4;
	[smem:$0x7C1] =	sst s15  }
0xd0: {  	s4 =	sshll.u32 s23, $0x13;
	s23 =	sld [smem:$0x7C9];
	s10 =	sshrl.u32 s8, $0xC  }
0xd1: {  	s0 =	sshrl.u32 s0, $0x3;
	s19 =	sshrl.u32 s3, $0x3;
	[smem:$0x7BE] =	sst s10  }
0xd2: {  	s0 =	sadd.s32 s12, s0;
	s20 =	sadd.s32 s12, s19;
	s19 =	sld [smem:$0x7C5]  }
0xd3: {  	s24 =	sshll.u32 s28, $0x7;
	s3 =	sshll.u32 s22, $0x13;
	[smem:$0x7B2] =	sst s0  }
0xd4: {  	s1 =	ssub.s32 s24, s4;
	s13 =	sshrl.u32 s11, $0xC;
	[smem:$0x7B4] =	sst s20  }
0xd5: {  	s4 =	sshll.u32 s25, $0x13;
	s1 =	sshrl.u32 s1, $0x3;
	[smem:$0x7BF] =	sst s13  }
0xd6: {  	s0 =	sshll.u32 s21, $0x7;
	s5 =	sadd.s32 s12, s1;
	s21 =	sld [smem:$0x7C6]  }
0xd7: {  	s1 =	sshll.u32 s11, $0x7;
	s24 =	sshrl.u32 s23, $0xC;
	[smem:$0x7BA] =	sst s5  }
0xd8: {  	s0 =	ssub.s32 s0, s3;
	s3 =	ssub.s32 s26, s4;
	[smem:$0x7CA] =	sst s24  }
0xd9: {  	s5 =	sld [smem:$0x7CF];
	s0 =	sshrl.u32 s0, $0x3;
	s20 =	sshrl.u32 s19, $0xC  }
0xda: {  	s6 =	sshrl.u32 s3, $0x3;
	s0 =	sadd.s32 s12, s0;
	[smem:$0x7C7] =	sst s20  }
0xdb: {  	s4 =	sshll.u32 s13, $0x13;
	s7 =	sadd.s32 s12, s6;
	[smem:$0x7B9] =	sst s0  }
0xdc: {  	s1 =	ssub.s32 s1, s4;
	s22 =	sshrl.u32 s21, $0xC;
	[smem:$0x7BB] =	sst s7  }
0xdd: {  	s1 =	sshrl.u32 s1, $0x3;
	[smem:$0x7C8] =	sst s22  }
0xde: {  	s3 =	sshll.u32 s10, $0x13;
	s16 =	sadd.s32 s12, s1;
	s7 =	sld [smem:$0x7D2]  }
0xdf: {  	s0 =	sshll.u32 s8, $0x7;
	s6 =	sshrl.u32 s5, $0xC;
	[smem:$0x7C3] =	sst s16  }
0xe0: {  	s4 =	sshll.u32 s15, $0x13;
	s0 =	ssub.s32 s0, s3;
	[smem:$0x7D1] =	sst s6  }
0xe1: {  	s3 =	sshll.u32 s14, $0x7;
	s14 =	sld [smem:$0x7D7];
	s0 =	sshrl.u32 s0, $0x3  }
0xe2: {  	s16 =	sld [smem:$0x7D8];
	s3 =	ssub.s32 s3, s4;
	s0 =	sadd.s32 s12, s0  }
0xe3: {  	s17 =	sshrl.u32 s3, $0x3;
	s8 =	sshrl.u32 s7, $0xC;
	[smem:$0x7C2] =	sst s0  }
0xe4: {  	s1 =	sshll.u32 s21, $0x7;
	s18 =	sadd.s32 s12, s17;
	[smem:$0x7D3] =	sst s8  }
0xe5: {  	s4 =	sshll.u32 s22, $0x13;
	s15 =	sshrl.u32 s14, $0xC;
	[smem:$0x7C4] =	sst s18  }
0xe6: {  	s3 =	sshll.u32 s20, $0x13;
	s17 =	sshrl.u32 s16, $0xC;
	[smem:$0x7D9] =	sst s15  }
0xe7: {  	s1 =	ssub.s32 s1, s4;
	s0 =	sshll.u32 s19, $0x7;
	[smem:$0x7DA] =	sst s17  }
0xe8: {  	s1 =	sshrl.u32 s1, $0x3;
	s0 =	ssub.s32 s0, s3;
	s18 =	sld [smem:$0x7DB]  }
0xe9: {  	s3 =	sshll.u32 s23, $0x7;
	s25 =	sadd.s32 s12, s1;
	s23 =	sld [smem:$0x7E0]  }
0xea: {  	s4 =	sshll.u32 s24, $0x13;
	[smem:$0x7CC] =	sst s25  }
0xeb: {  	s0 =	sshrl.u32 s0, $0x3;
	s3 =	ssub.s32 s3, s4;
	s25 =	sld [smem:$0x7E1]  }
0xec: {  	s0 =	sadd.s32 s12, s0;
	s26 =	sshrl.u32 s3, $0x3;
	s3 =	sld [smem:$0x7CE]  }
0xed: {  	[smem:$0x7CB] =	sst s0;
	s1 =	sadd.s32 s12, s26  }
0xee: {  	s19 =	sshrl.u32 s18, $0xC;
	[smem:$0x7CD] =	sst s1  }
0xef: {  	s29 =	simm.s32 $0x1;
	s24 =	sshrl.u32 s23, $0xC;
	[smem:$0x7DC] =	sst s19  }
0xf0: {  	s30 =	simm.s32 $0x14000;
	s31 =	simm.s32 $0x2;
	[smem:$0x7E2] =	sst s24  }
0xf1: {  	s1 =	sshll.u32 s5, $0x7;
	s26 =	sshrl.u32 s25, $0xC;
	s5 =	sld [smem:$0x7E4]  }
0xf2: {  	s4 =	sshrl.u32 s3, $0xC;
	s0 =	sshll.u32 s3, $0x7;
	[smem:$0x7E3] =	sst s26  }
0xf3: {  	[smem:$0x7D0] =	sst s4;
	s3 =	sshll.u32 s4, $0x13;
	s4 =	sshll.u32 s6, $0x13  }
0xf4: {  	s0 =	ssub.s32 s0, s3;
	s1 =	ssub.s32 s1, s4;
	s3 =	sshll.u32 s7, $0x7  }
0xf5: {  	s4 =	sshll.u32 s8, $0x13;
	s6 =	sshrl.u32 s5, $0xC;
	s0 =	sshrl.u32 s0, $0x3  }
0xf6: {  	s1 =	sshrl.u32 s1, $0x3;
	[smem:$0x7E5] =	sst s6;
	s0 =	sadd.s32 s12, s0  }
0xf7: {  	s10 =	sadd.s32 s12, s1;
	s1 =	sshll.u32 s16, $0x7;
	s16 =	sld [smem:$0x7ED]  }
0xf8: {  	s28 =	simm.s32 $0x10000;
	s3 =	ssub.s32 s3, s4;
	[smem:$0x7D4] =	sst s0  }
0xf9: {  	s4 =	sshll.u32 s17, $0x13;
	s11 =	sshrl.u32 s3, $0x3;
	[smem:$0x7D5] =	sst s10  }
0xfa: {  	s3 =	sshll.u32 s15, $0x13;
	s13 =	sadd.s32 s12, s11;
	s11 =	sld [smem:$0x7E9]  }
0xfb: {  	s0 =	sshll.u32 s14, $0x7;
	s1 =	ssub.s32 s1, s4;
	s14 =	sld [smem:$0x7EA]  }
0xfc: {  	s4 =	sshll.u32 s19, $0x13;
	[smem:$0x7D6] =	sst s13;
	s0 =	ssub.s32 s0, s3  }
0xfd: {  	s3 =	sshll.u32 s18, $0x7;
	s1 =	sshrl.u32 s1, $0x3;
	s0 =	sshrl.u32 s0, $0x3  }
0xfe: {  	s3 =	ssub.s32 s3, s4;
	s20 =	sadd.s32 s12, s1;
	s1 =	sshll.u32 s25, $0x7  }
0xff: {  	s4 =	sshll.u32 s26, $0x13;
	s0 =	sadd.s32 s12, s0;
	[smem:$0x7DE] =	sst s20  }
0x100: {  	s25 =	sshll.u32 s9, $0x7;
	s13 =	sshrl.u32 s11, $0xC;
	[smem:$0x7DD] =	sst s0  }
0x101: {  	s21 =	sshrl.u32 s3, $0x3;
	s15 =	sshrl.u32 s14, $0xC;
	[smem:$0x7EB] =	sst s13  }
0x102: {  	s3 =	sshll.u32 s24, $0x13;
	s1 =	ssub.s32 s1, s4;
	[smem:$0x7EC] =	sst s15  }
0x103: {  	s4 =	sshll.u32 s6, $0x13;
	s22 =	sadd.s32 s12, s21;
	s21 =	sld [smem:$0x7F1]  }
0x104: {  	s0 =	sshll.u32 s23, $0x7;
	s1 =	sshrl.u32 s1, $0x3;
	[smem:$0x7DF] =	sst s22  }
0x105: {  	s0 =	ssub.s32 s0, s3;
	s3 =	sshll.u32 s5, $0x7;
	s22 =	sld [smem:$0x7F2]  }
0x106: {  	s7 =	sadd.s32 s12, s1;
	s1 =	sshll.u32 s14, $0x7;
	s14 =	sld [smem:$0x7F8]  }
0x107: {  	s0 =	sshrl.u32 s0, $0x3;
	s3 =	ssub.s32 s3, s4;
	[smem:$0x7E7] =	sst s7  }
0x108: {  	s4 =	sshll.u32 s15, $0x13;
	s15 =	sshrl.u32 s16, $0xC;
	s0 =	sadd.s32 s12, s0  }
0x109: {  	s8 =	sshrl.u32 s3, $0x3;
	s3 =	sshll.u32 s13, $0x13;
	s1 =	ssub.s32 s1, s4  }
0x10a: {  	s17 =	sshll.u32 s15, $0x13;
	s4 =	simm.s32 $0x4;
	[smem:$0x7E6] =	sst s0  }
0x10b: {  	s10 =	sadd.s32 s12, s8;
	s0 =	sshll.u32 s11, $0x7;
	s8 =	sld [smem:$0x7F6]  }
0x10c: {  	s1 =	sshrl.u32 s1, $0x3;
	[smem:$0x7E8] =	sst s10;
	s0 =	ssub.s32 s0, s3  }
0x10d: {  	s3 =	sshll.u32 s16, $0x7;
	s18 =	sadd.s32 s12, s1;
	s16 =	sshrl.u32 s21, $0xC  }
0x10e: {  	s1 =	sshll.u32 s22, $0x7;
	s0 =	sshrl.u32 s0, $0x3;
	s3 =	ssub.s32 s3, s17  }
0x10f: {  	[smem:$0x7EF] =	sst s18;
	s17 =	sshrl.u32 s22, $0xC;
	s23 =	sshll.u32 s16, $0x13  }
0x110: {  	s18 =	sshrl.u32 s9, $0xC;
	s9 =	sld [smem:$0x7F7];
	s0 =	sadd.s32 s12, s0  }
0x111: {  	s19 =	sshrl.u32 s3, $0x3;
	s24 =	sshll.u32 s17, $0x13;
	s26 =	sshll.u32 s18, $0x13  }
0x112: {  	[smem:$0x7EE] =	sst s0;
	s20 =	sadd.s32 s12, s19;
	s0 =	sshll.u32 s21, $0x7  }
0x113: {  	s1 =	ssub.s32 s1, s24;
	s3 =	ssub.s32 s25, s26;
	s19 =	sshrl.u32 s8, $0xC  }
0x114: {  	s21 =	sshrl.u32 s14, $0xC;
	s24 =	sld [smem:$0x7FA];
	s26 =	simm.s32 $0x18000  }
0x115: {  	[smem:$0x7F0] =	sst s20;
	s0 =	ssub.s32 s0, s23;
	s1 =	sshrl.u32 s1, $0x3  }
0x116: {  	s6 =	sshrl.u32 s3, $0x3;
	s20 =	sshrl.u32 s9, $0xC;
	s10 =	sshll.u32 s19, $0x13  }
0x117: {  	s11 =	sshll.u32 s9, $0x7;
	s3 =	sshll.u32 s14, $0x7;
	s22 =	sshll.u32 s21, $0x13  }
0x118: {  	[smem:$0x7FD] =	sst s26;
	s26 =	simm.s32 $0xC000;
	s9 =	simm.s32 $0xB  }
0x119: {  	s0 =	sshrl.u32 s0, $0x3;
	s5 =	sadd.s32 s12, s1;
	s7 =	sadd.s32 s12, s6  }
0x11a: {  	s13 =	sshll.u32 s20, $0x13;
	s23 =	ssub.s32 s3, s22;
	[smem:$0x7F4] =	sst s5  }
0x11b: {  	s6 =	simm.s32 $0x5;
	s0 =	sadd.s32 s12, s0;
	[smem:$0x7F5] =	sst s7  }
0x11c: {  	s1 =	ssub.s32 s11, s13;
	s3 =	ssub.s32 $0x2, s24;
	s24 =	simm.s32 $0x4000  }
0x11d: {  	s5 =	simm.s32 $0x9;
	s7 =	simm.s32 $0xA;
	[smem:$0x7F3] =	sst s0  }
0x11e: {  	s0 =	sshll.u32 s8, $0x7;
	s1 =	sshrl.u32 s1, $0x3;
	s25 =	sshrl.u32 s3, $0x1  }
0x11f: {  	s8 =	simm.s32 $0x6;
	s0 =	ssub.s32 s0, s10;
	s1 =	sadd.s32 s12, s1  }
0x120: {  	s10 =	simm.s32 $0xC;
	s0 =	sshrl.u32 s0, $0x3;
	[smem:$0x7FB] =	sst s1  }
0x121: {  	s1 =	ssub.s32 s3, s25;
	s25 =	simm.s32 $0x8000;
	s0 =	sadd.s32 s12, s0  }
0x122: {  	s3 =	simm.s32 $0x8;
	[smem:$0x7F9] =	sst s0;
	s0 =	sshrl.u32 s23, $0x3  }
0x123: {  	s22 =	smax.u32 s1, $0x1;
	s1 =	simm.s32 $0x7;
	s0 =	sadd.s32 s12, s0  }
0x124: {  	s23 =	simm.s32 $0xD;
	[smem:$0x7FC] =	sst s0;
	s0 =	simm.s32 $0x3  }
.LBB2_1:
0x125: {  	s11 =	rddreg [dreg:$0x5]  }
0x126: {  	s12 =	sld [smem:$0x7FD];
	_ =	sdelay $0x2  }
0x127: {  	[tilespmem:s12], [sflag:$0xD] =	stream.linear.gather [hbm4b:s11+s2], $0x80, $0x38;
	[tilespmem:$0x18080] =	vst v63  }
0x128: {  	_ =	swait.ge [sflag:s23], $0x80  }
0x129: {  	[sflag:s23] =	ssyncset.done $0x0  }
0x12a: {  	[sflag:s23] =	ssyncadd.s32 $0xFFFFFF80  }
0x12b: {  	v0 =	vld [tilespmem:$0x18000];
	_ =	sdelay $0x4  }
0x12c: {  	(v2sf) =	vpush v0, $0x0;
	_ =	sdelay $0xc  }
0x12d: {  	s14 =	sld [smem:$0x780]  }
0x12e: {  	s13 =	sld [smem:$0x782]  }
0x12f: {  	s11 =	spop (v2sf)  }
0x130: {  	s12 =	rddreg [dreg:$0x6];
	p0 =	seq.s32 s14, s11  }
0x131: {  	s12 =	smov.u32 @p0 s13;
	s13 =	sld [smem:$0x783]  }
0x132: {  	s14 =	rddreg [dreg:$0x7]  }
0x133: {  	[tilespmem:s2], [sflag:$0x1] =	stream.linear.gather [hbm4b:s12+s2], $0x4000, $0x38;
	[tilespmem:$0x18080] =	vst v63  }
0x134: {  	s14 =	smov.u32 @p0 s13  }
0x135: {  	[tilespmem:s24], [sflag:$0x2] =	stream.linear.gather [hbm4b:s14+s2], $0x4000, $0x38;
	[tilespmem:$0x18080] =	vst v63  }
0x136: {  	s14 =	sld [smem:$0x781]  }
0x137: {  	s13 =	sld [smem:$0x784];
	_ =	sdelay $0x1  }
0x138: {  	s12 =	rddreg [dreg:$0x8];
	p0 =	seq.s32 s14, s11  }
0x139: {  	s12 =	smov.u32 @p0 s13  }
0x13a: {  	[tilespmem:s25], [sflag:$0x3] =	stream.linear.gather [hbm4b:s12+s2], $0x4000, $0x38;
	[tilespmem:$0x18080] =	vst v63  }
0x13b: {  	s12 =	sld [smem:$0x786]  }
0x13c: {  	s13 =	sld [smem:$0x789];
	_ =	sdelay $0x1  }
0x13d: {  	s14 =	rddreg [dreg:$0x9];
	p0 =	seq.s32 s12, s11  }
0x13e: {  	s14 =	smov.u32 @p0 s13  }
0x13f: {  	[tilespmem:s26], [sflag:$0x4] =	stream.linear.gather [hbm4b:s14+s2], $0x4000, $0x38;
	[tilespmem:$0x18080] =	vst v63  }
0x140: {  	s14 =	sld [smem:$0x787]  }
0x141: {  	s13 =	sld [smem:$0x78A];
	_ =	sdelay $0x1  }
0x142: {  	s12 =	rddreg [dreg:$0xa];
	p0 =	seq.s32 s14, s11  }
0x143: {  	s12 =	smov.u32 @p0 s13  }
0x144: {  	[tilespmem:s28], [sflag:$0x5] =	stream.linear.gather [hbm4b:s12+s2], $0x4000, $0x38;
	[tilespmem:$0x18080] =	vst v63  }
0x145: {  	_ =	swait.ge [sflag:s29], $0x4000  }
0x146: {  	[sflag:s29] =	ssyncset.done $0x0  }
0x147: {  	s12 =	rddreg [dreg:$0xb];
	[sflag:s29] =	ssyncadd.s32 $0xFFFFC000  }
0x148: {  	[hbm4b:s12+s2] =	stream.linear.scatter [tilespmem:s2], [sflag:$0x7], $0x4000, $0x38;
	[tilespmem:$0x18080] =	vst v63  }
0x149: {  	s12 =	sld [smem:$0x788]  }
0x14a: {  	s14 =	sld [smem:$0x78B];
	_ =	sdelay $0x1  }
0x14b: {  	s13 =	rddreg [dreg:$0xc];
	p0 =	seq.s32 s12, s11  }
0x14c: {  	s13 =	smov.u32 @p0 s14  }
0x14d: {  	[tilespmem:s30], [sflag:$0x6] =	stream.linear.gather [hbm4b:s13+s2], $0x4000, $0x38;
	[tilespmem:$0x18080] =	vst v63  }
0x14e: {  	_ =	swait.ge [sflag:s31], $0x4000  }
0x14f: {  	s13 =	sld [smem:$0x790]  }
0x150: {  	[sflag:s31] =	ssyncset.done $0x0  }
0x151: {  	[sflag:s31] =	ssyncadd.s32 $0xFFFFC000  }
0x152: {  	[hbm4b:s13+s2] =	stream.linear.scatter [tilespmem:s24], [sflag:$0x8], $0x4000, $0x38;
	[tilespmem:$0x18080] =	vst v63  }
0x153: {  	_ =	swait.ge [sflag:s1], $0x4000  }
0x154: {  	s14 =	sld [smem:$0x78D]  }
0x155: {  	s13 =	sld [smem:$0x791];
	_ =	sdelay $0x1  }
0x156: {  	s12 =	rddreg [dreg:$0xd];
	[sflag:s1] =	ssyncset.done $0x0;
	p0 =	seq.s32 s14, s11  }
0x157: {  	[sflag:s1] =	ssyncadd.s32 $0xFFFFC000;
	s12 =	smov.u32 @p0 s13  }
0x158: {  	[tilespmem:s2], [sflag:$0x1] =	stream.linear.gather [hbm4b:s12+s2], $0x4000, $0x38;
	[tilespmem:$0x18080] =	vst v63  }
0x159: {  	_ =	swait.ge [sflag:s0], $0x4000  }
0x15a: {  	[sflag:s0] =	ssyncset.done $0x0  }
0x15b: {  	s14 =	rddreg [dreg:$0xe];
	[sflag:s0] =	ssyncadd.s32 $0xFFFFC000  }
0x15c: {  	[hbm4b:s14+s2] =	stream.linear.scatter [tilespmem:s25], [sflag:$0x9], $0x4000, $0x38;
	[tilespmem:$0x18080] =	vst v63  }
0x15d: {  	_ =	swait.ge [sflag:s3], $0x4000  }
0x15e: {  	s14 =	sld [smem:$0x78E]  }
0x15f: {  	s13 =	sld [smem:$0x792];
	_ =	sdelay $0x1  }
0x160: {  	s12 =	rddreg [dreg:$0xf];
	[sflag:s3] =	ssyncset.done $0x0;
	p0 =	seq.s32 s14, s11  }
0x161: {  	[sflag:s3] =	ssyncadd.s32 $0xFFFFC000;
	s12 =	smov.u32 @p0 s13  }
0x162: {  	[tilespmem:s24], [sflag:$0x2] =	stream.linear.gather [hbm4b:s12+s2], $0x4000, $0x38;
	[tilespmem:$0x18080] =	vst v63  }
0x163: {  	_ =	swait.ge [sflag:s4], $0x4000  }
0x164: {  	[sflag:s4] =	ssyncset.done $0x0  }
0x165: {  	s13 =	rddreg [dreg:$0x10];
	[sflag:s4] =	ssyncadd.s32 $0xFFFFC000  }
0x166: {  	[hbm4b:s13+s2] =	stream.linear.scatter [tilespmem:s26], [sflag:$0xA], $0x4000, $0x38;
	[tilespmem:$0x18080] =	vst v63  }
0x167: {  	_ =	swait.ge [sflag:s5], $0x4000  }
0x168: {  	s14 =	sld [smem:$0x793]  }
0x169: {  	s13 =	sld [smem:$0x796];
	_ =	sdelay $0x1  }
0x16a: {  	s12 =	rddreg [dreg:$0x11];
	[sflag:s5] =	ssyncset.done $0x0;
	p0 =	seq.s32 s14, s11  }
0x16b: {  	[sflag:s5] =	ssyncadd.s32 $0xFFFFC000;
	s12 =	smov.u32 @p0 s13  }
0x16c: {  	[tilespmem:s25], [sflag:$0x3] =	stream.linear.gather [hbm4b:s12+s2], $0x4000, $0x38;
	[tilespmem:$0x18080] =	vst v63  }
0x16d: {  	_ =	swait.ge [sflag:s6], $0x4000  }
0x16e: {  	[sflag:s6] =	ssyncset.done $0x0  }
0x16f: {  	s14 =	rddreg [dreg:$0x12];
	[sflag:s6] =	ssyncadd.s32 $0xFFFFC000  }
0x170: {  	[hbm4b:s14+s2] =	stream.linear.scatter [tilespmem:s28], [sflag:$0xB], $0x4000, $0x38;
	[tilespmem:$0x18080] =	vst v63  }
0x171: {  	_ =	swait.ge [sflag:s7], $0x4000  }
0x172: {  	s14 =	sld [smem:$0x794]  }
0x173: {  	s13 =	sld [smem:$0x797];
	_ =	sdelay $0x1  }
0x174: {  	s12 =	rddreg [dreg:$0x13];
	[sflag:s7] =	ssyncset.done $0x0;
	p0 =	seq.s32 s14, s11  }
0x175: {  	[sflag:s7] =	ssyncadd.s32 $0xFFFFC000;
	s12 =	smov.u32 @p0 s13  }
0x176: {  	[tilespmem:s26], [sflag:$0x4] =	stream.linear.gather [hbm4b:s12+s2], $0x4000, $0x38;
	[tilespmem:$0x18080] =	vst v63  }
0x177: {  	_ =	swait.ge [sflag:s8], $0x4000  }
0x178: {  	[sflag:s8] =	ssyncset.done $0x0  }
0x179: {  	s13 =	rddreg [dreg:$0x14];
	[sflag:s8] =	ssyncadd.s32 $0xFFFFC000  }
0x17a: {  	[hbm4b:s13+s2] =	stream.linear.scatter [tilespmem:s30], [sflag:$0xC], $0x4000, $0x38;
	[tilespmem:$0x18080] =	vst v63  }
0x17b: {  	_ =	swait.ge [sflag:s9], $0x4000  }
0x17c: {  	s14 =	sld [smem:$0x795]  }
0x17d: {  	s13 =	sld [smem:$0x798];
	_ =	sdelay $0x1  }
0x17e: {  	s12 =	rddreg [dreg:$0x15];
	[sflag:s9] =	ssyncset.done $0x0;
	p0 =	seq.s32 s14, s11  }
0x17f: {  	[sflag:s9] =	ssyncadd.s32 $0xFFFFC000;
	s12 =	smov.u32 @p0 s13  }
0x180: {  	[tilespmem:s28], [sflag:$0x5] =	stream.linear.gather [hbm4b:s12+s2], $0x4000, $0x38;
	[tilespmem:$0x18080] =	vst v63  }
0x181: {  	_ =	swait.ge [sflag:s29], $0x4000  }
0x182: {  	[sflag:s29] =	ssyncset.done $0x0  }
0x183: {  	s14 =	rddreg [dreg:$0x16];
	[sflag:s29] =	ssyncadd.s32 $0xFFFFC000  }
0x184: {  	[hbm4b:s14+s2] =	stream.linear.scatter [tilespmem:s2], [sflag:$0x7], $0x4000, $0x38;
	[tilespmem:$0x18080] =	vst v63  }
0x185: {  	_ =	swait.ge [sflag:s10], $0x4000  }
0x186: {  	s14 =	sld [smem:$0x79A]  }
0x187: {  	s13 =	sld [smem:$0x79D];
	_ =	sdelay $0x1  }
0x188: {  	s12 =	rddreg [dreg:$0x17];
	[sflag:s10] =	ssyncset.done $0x0;
	p0 =	seq.s32 s14, s11  }
0x189: {  	[sflag:s10] =	ssyncadd.s32 $0xFFFFC000;
	s12 =	smov.u32 @p0 s13  }
0x18a: {  	[tilespmem:s30], [sflag:$0x6] =	stream.linear.gather [hbm4b:s12+s2], $0x4000, $0x38;
	[tilespmem:$0x18080] =	vst v63  }
0x18b: {  	_ =	swait.ge [sflag:s31], $0x4000  }
0x18c: {  	[sflag:s31] =	ssyncset.done $0x0  }
0x18d: {  	s13 =	rddreg [dreg:$0x18];
	[sflag:s31] =	ssyncadd.s32 $0xFFFFC000  }
0x18e: {  	[hbm4b:s13+s2] =	stream.linear.scatter [tilespmem:s24], [sflag:$0x8], $0x4000, $0x38;
	[tilespmem:$0x18080] =	vst v63  }
0x18f: {  	_ =	swait.ge [sflag:s1], $0x4000  }
0x190: {  	s14 =	sld [smem:$0x79B]  }
0x191: {  	s13 =	sld [smem:$0x79E];
	_ =	sdelay $0x1  }
0x192: {  	s12 =	rddreg [dreg:$0x19];
	[sflag:s1] =	ssyncset.done $0x0;
	p0 =	seq.s32 s14, s11  }
0x193: {  	[sflag:s1] =	ssyncadd.s32 $0xFFFFC000;
	s12 =	smov.u32 @p0 s13  }
0x194: {  	[tilespmem:s2], [sflag:$0x1] =	stream.linear.gather [hbm4b:s12+s2], $0x4000, $0x38;
	[tilespmem:$0x18080] =	vst v63  }
0x195: {  	_ =	swait.ge [sflag:s0], $0x4000  }
0x196: {  	[sflag:s0] =	ssyncset.done $0x0  }
0x197: {  	s14 =	rddreg [dreg:$0x1a];
	[sflag:s0] =	ssyncadd.s32 $0xFFFFC000  }
0x198: {  	[hbm4b:s14+s2] =	stream.linear.scatter [tilespmem:s25], [sflag:$0x9], $0x4000, $0x38;
	[tilespmem:$0x18080] =	vst v63  }
0x199: {  	_ =	swait.ge [sflag:s3], $0x4000  }
0x19a: {  	s14 =	sld [smem:$0x79C]  }
0x19b: {  	s13 =	sld [smem:$0x79F];
	_ =	sdelay $0x1  }
0x19c: {  	s12 =	rddreg [dreg:$0x1b];
	[sflag:s3] =	ssyncset.done $0x0;
	p0 =	seq.s32 s14, s11  }
0x19d: {  	[sflag:s3] =	ssyncadd.s32 $0xFFFFC000;
	s12 =	smov.u32 @p0 s13  }
0x19e: {  	[tilespmem:s24], [sflag:$0x2] =	stream.linear.gather [hbm4b:s12+s2], $0x4000, $0x38;
	[tilespmem:$0x18080] =	vst v63  }
0x19f: {  	_ =	swait.ge [sflag:s4], $0x4000  }
0x1a0: {  	[sflag:s4] =	ssyncset.done $0x0  }
0x1a1: {  	s13 =	rddreg [dreg:$0x1c];
	[sflag:s4] =	ssyncadd.s32 $0xFFFFC000  }
0x1a2: {  	[hbm4b:s13+s2] =	stream.linear.scatter [tilespmem:s26], [sflag:$0xA], $0x4000, $0x38;
	[tilespmem:$0x18080] =	vst v63  }
0x1a3: {  	_ =	swait.ge [sflag:s5], $0x4000  }
0x1a4: {  	s14 =	sld [smem:$0x7A1]  }
0x1a5: {  	s13 =	sld [smem:$0x7A4];
	_ =	sdelay $0x1  }
0x1a6: {  	s12 =	rddreg [dreg:$0x1d];
	[sflag:s5] =	ssyncset.done $0x0;
	p0 =	seq.s32 s14, s11  }
0x1a7: {  	[sflag:s5] =	ssyncadd.s32 $0xFFFFC000;
	s12 =	smov.u32 @p0 s13  }
0x1a8: {  	[tilespmem:s25], [sflag:$0x3] =	stream.linear.gather [hbm4b:s12+s2], $0x4000, $0x38;
	[tilespmem:$0x18080] =	vst v63  }
0x1a9: {  	_ =	swait.ge [sflag:s6], $0x4000  }
0x1aa: {  	[sflag:s6] =	ssyncset.done $0x0  }
0x1ab: {  	s14 =	rddreg [dreg:$0x1e];
	[sflag:s6] =	ssyncadd.s32 $0xFFFFC000  }
0x1ac: {  	[hbm4b:s14+s2] =	stream.linear.scatter [tilespmem:s28], [sflag:$0xB], $0x4000, $0x38;
	[tilespmem:$0x18080] =	vst v63  }
0x1ad: {  	_ =	swait.ge [sflag:s7], $0x4000  }
0x1ae: {  	s14 =	sld [smem:$0x7A2]  }
0x1af: {  	s13 =	sld [smem:$0x7A5];
	_ =	sdelay $0x1  }
0x1b0: {  	s12 =	rddreg [dreg:$0x1f];
	[sflag:s7] =	ssyncset.done $0x0;
	p0 =	seq.s32 s14, s11  }
0x1b1: {  	[sflag:s7] =	ssyncadd.s32 $0xFFFFC000;
	s12 =	smov.u32 @p0 s13  }
0x1b2: {  	[tilespmem:s26], [sflag:$0x4] =	stream.linear.gather [hbm4b:s12+s2], $0x4000, $0x38;
	[tilespmem:$0x18080] =	vst v63  }
0x1b3: {  	_ =	swait.ge [sflag:s8], $0x4000  }
0x1b4: {  	s13 =	sld [smem:$0x736]  }
0x1b5: {  	[sflag:s8] =	ssyncset.done $0x0  }
0x1b6: {  	[sflag:s8] =	ssyncadd.s32 $0xFFFFC000  }
0x1b7: {  	[hbm4b:s13+s2] =	stream.linear.scatter [tilespmem:s30], [sflag:$0xC], $0x4000, $0x38;
	[tilespmem:$0x18080] =	vst v63  }
0x1b8: {  	_ =	swait.ge [sflag:s9], $0x4000  }
0x1b9: {  	s12 =	sld [smem:$0x737]  }
0x1ba: {  	s14 =	sld [smem:$0x7A3]  }
0x1bb: {  	s13 =	sld [smem:$0x7A6];
	_ =	sdelay $0x1  }
0x1bc: {  	[sflag:s9] =	ssyncset.done $0x0;
	p0 =	seq.s32 s14, s11  }
0x1bd: {  	[sflag:s9] =	ssyncadd.s32 $0xFFFFC000;
	s12 =	smov.u32 @p0 s13  }
0x1be: {  	[tilespmem:s28], [sflag:$0x5] =	stream.linear.gather [hbm4b:s12+s2], $0x4000, $0x38;
	[tilespmem:$0x18080] =	vst v63  }
0x1bf: {  	_ =	swait.ge [sflag:s29], $0x4000  }
0x1c0: {  	s14 =	sld [smem:$0x738]  }
0x1c1: {  	[sflag:s29] =	ssyncset.done $0x0  }
0x1c2: {  	[sflag:s29] =	ssyncadd.s32 $0xFFFFC000  }
0x1c3: {  	[hbm4b:s14+s2] =	stream.linear.scatter [tilespmem:s2], [sflag:$0x7], $0x4000, $0x38;
	[tilespmem:$0x18080] =	vst v63  }
0x1c4: {  	_ =	swait.ge [sflag:s10], $0x4000  }
0x1c5: {  	s12 =	sld [smem:$0x739]  }
0x1c6: {  	s14 =	sld [smem:$0x7A8]  }
0x1c7: {  	s13 =	sld [smem:$0x7AB];
	_ =	sdelay $0x1  }
0x1c8: {  	[sflag:s10] =	ssyncset.done $0x0;
	p0 =	seq.s32 s14, s11  }
0x1c9: {  	[sflag:s10] =	ssyncadd.s32 $0xFFFFC000;
	s12 =	smov.u32 @p0 s13  }
0x1ca: {  	[tilespmem:s30], [sflag:$0x6] =	stream.linear.gather [hbm4b:s12+s2], $0x4000, $0x38;
	[tilespmem:$0x18080] =	vst v63  }
0x1cb: {  	_ =	swait.ge [sflag:s31], $0x4000  }
0x1cc: {  	s13 =	sld [smem:$0x73A]  }
0x1cd: {  	[sflag:s31] =	ssyncset.done $0x0  }
0x1ce: {  	[sflag:s31] =	ssyncadd.s32 $0xFFFFC000  }
0x1cf: {  	[hbm4b:s13+s2] =	stream.linear.scatter [tilespmem:s24], [sflag:$0x8], $0x4000, $0x38;
	[tilespmem:$0x18080] =	vst v63  }
0x1d0: {  	_ =	swait.ge [sflag:s1], $0x4000  }
0x1d1: {  	s12 =	sld [smem:$0x73B]  }
0x1d2: {  	s14 =	sld [smem:$0x7A9]  }
0x1d3: {  	s13 =	sld [smem:$0x7AC];
	_ =	sdelay $0x1  }
0x1d4: {  	[sflag:s1] =	ssyncset.done $0x0;
	p0 =	seq.s32 s14, s11  }
0x1d5: {  	[sflag:s1] =	ssyncadd.s32 $0xFFFFC000;
	s12 =	smov.u32 @p0 s13  }
0x1d6: {  	[tilespmem:s2], [sflag:$0x1] =	stream.linear.gather [hbm4b:s12+s2], $0x4000, $0x38;
	[tilespmem:$0x18080] =	vst v63  }
0x1d7: {  	_ =	swait.ge [sflag:s0], $0x4000  }
0x1d8: {  	s14 =	sld [smem:$0x73C]  }
0x1d9: {  	[sflag:s0] =	ssyncset.done $0x0  }
0x1da: {  	[sflag:s0] =	ssyncadd.s32 $0xFFFFC000  }
0x1db: {  	[hbm4b:s14+s2] =	stream.linear.scatter [tilespmem:s25], [sflag:$0x9], $0x4000, $0x38;
	[tilespmem:$0x18080] =	vst v63  }
0x1dc: {  	_ =	swait.ge [sflag:s3], $0x4000  }
0x1dd: {  	s12 =	sld [smem:$0x73D]  }
0x1de: {  	s14 =	sld [smem:$0x7AA]  }
0x1df: {  	s13 =	sld [smem:$0x7AD];
	_ =	sdelay $0x1  }
0x1e0: {  	[sflag:s3] =	ssyncset.done $0x0;
	p0 =	seq.s32 s14, s11  }
0x1e1: {  	[sflag:s3] =	ssyncadd.s32 $0xFFFFC000;
	s12 =	smov.u32 @p0 s13  }
0x1e2: {  	[tilespmem:s24], [sflag:$0x2] =	stream.linear.gather [hbm4b:s12+s2], $0x4000, $0x38;
	[tilespmem:$0x18080] =	vst v63  }
0x1e3: {  	_ =	swait.ge [sflag:s4], $0x4000  }
0x1e4: {  	s13 =	sld [smem:$0x73E]  }
0x1e5: {  	[sflag:s4] =	ssyncset.done $0x0  }
0x1e6: {  	[sflag:s4] =	ssyncadd.s32 $0xFFFFC000  }
0x1e7: {  	[hbm4b:s13+s2] =	stream.linear.scatter [tilespmem:s26], [sflag:$0xA], $0x4000, $0x38;
	[tilespmem:$0x18080] =	vst v63  }
0x1e8: {  	_ =	swait.ge [sflag:s5], $0x4000  }
0x1e9: {  	s12 =	sld [smem:$0x73F]  }
0x1ea: {  	s14 =	sld [smem:$0x7AF]  }
0x1eb: {  	s13 =	sld [smem:$0x7B2];
	_ =	sdelay $0x1  }
0x1ec: {  	[sflag:s5] =	ssyncset.done $0x0;
	p0 =	seq.s32 s14, s11  }
0x1ed: {  	[sflag:s5] =	ssyncadd.s32 $0xFFFFC000;
	s12 =	smov.u32 @p0 s13  }
0x1ee: {  	[tilespmem:s25], [sflag:$0x3] =	stream.linear.gather [hbm4b:s12+s2], $0x4000, $0x38;
	[tilespmem:$0x18080] =	vst v63  }
0x1ef: {  	_ =	swait.ge [sflag:s6], $0x4000  }
0x1f0: {  	s14 =	sld [smem:$0x740]  }
0x1f1: {  	[sflag:s6] =	ssyncset.done $0x0  }
0x1f2: {  	[sflag:s6] =	ssyncadd.s32 $0xFFFFC000  }
0x1f3: {  	[hbm4b:s14+s2] =	stream.linear.scatter [tilespmem:s28], [sflag:$0xB], $0x4000, $0x38;
	[tilespmem:$0x18080] =	vst v63  }
0x1f4: {  	_ =	swait.ge [sflag:s7], $0x4000  }
0x1f5: {  	s12 =	sld [smem:$0x741]  }
0x1f6: {  	s14 =	sld [smem:$0x7B0]  }
0x1f7: {  	s13 =	sld [smem:$0x7B3];
	_ =	sdelay $0x1  }
0x1f8: {  	[sflag:s7] =	ssyncset.done $0x0;
	p0 =	seq.s32 s14, s11  }
0x1f9: {  	[sflag:s7] =	ssyncadd.s32 $0xFFFFC000;
	s12 =	smov.u32 @p0 s13  }
0x1fa: {  	[tilespmem:s26], [sflag:$0x4] =	stream.linear.gather [hbm4b:s12+s2], $0x4000, $0x38;
	[tilespmem:$0x18080] =	vst v63  }
0x1fb: {  	_ =	swait.ge [sflag:s8], $0x4000  }
0x1fc: {  	s13 =	sld [smem:$0x742]  }
0x1fd: {  	[sflag:s8] =	ssyncset.done $0x0  }
0x1fe: {  	[sflag:s8] =	ssyncadd.s32 $0xFFFFC000  }
0x1ff: {  	[hbm4b:s13+s2] =	stream.linear.scatter [tilespmem:s30], [sflag:$0xC], $0x4000, $0x38;
	[tilespmem:$0x18080] =	vst v63  }
0x200: {  	_ =	swait.ge [sflag:s9], $0x4000  }
0x201: {  	s12 =	sld [smem:$0x743]  }
0x202: {  	s14 =	sld [smem:$0x7B1]  }
0x203: {  	s13 =	sld [smem:$0x7B4];
	_ =	sdelay $0x1  }
0x204: {  	[sflag:s9] =	ssyncset.done $0x0;
	p0 =	seq.s32 s14, s11  }
0x205: {  	[sflag:s9] =	ssyncadd.s32 $0xFFFFC000;
	s12 =	smov.u32 @p0 s13  }
0x206: {  	[tilespmem:s28], [sflag:$0x5] =	stream.linear.gather [hbm4b:s12+s2], $0x4000, $0x38;
	[tilespmem:$0x18080] =	vst v63  }
0x207: {  	_ =	swait.ge [sflag:s29], $0x4000  }
0x208: {  	s14 =	sld [smem:$0x744]  }
0x209: {  	[sflag:s29] =	ssyncset.done $0x0  }
0x20a: {  	[sflag:s29] =	ssyncadd.s32 $0xFFFFC000  }
0x20b: {  	[hbm4b:s14+s2] =	stream.linear.scatter [tilespmem:s2], [sflag:$0x7], $0x4000, $0x38;
	[tilespmem:$0x18080] =	vst v63  }
0x20c: {  	_ =	swait.ge [sflag:s10], $0x4000  }
0x20d: {  	s12 =	sld [smem:$0x745]  }
0x20e: {  	s14 =	sld [smem:$0x7B6]  }
0x20f: {  	s13 =	sld [smem:$0x7B9];
	_ =	sdelay $0x1  }
0x210: {  	[sflag:s10] =	ssyncset.done $0x0;
	p0 =	seq.s32 s14, s11  }
0x211: {  	[sflag:s10] =	ssyncadd.s32 $0xFFFFC000;
	s12 =	smov.u32 @p0 s13  }
0x212: {  	[tilespmem:s30], [sflag:$0x6] =	stream.linear.gather [hbm4b:s12+s2], $0x4000, $0x38;
	[tilespmem:$0x18080] =	vst v63  }
0x213: {  	_ =	swait.ge [sflag:s31], $0x4000  }
0x214: {  	s13 =	sld [smem:$0x746]  }
0x215: {  	[sflag:s31] =	ssyncset.done $0x0  }
0x216: {  	[sflag:s31] =	ssyncadd.s32 $0xFFFFC000  }
0x217: {  	[hbm4b:s13+s2] =	stream.linear.scatter [tilespmem:s24], [sflag:$0x8], $0x4000, $0x38;
	[tilespmem:$0x18080] =	vst v63  }
0x218: {  	_ =	swait.ge [sflag:s1], $0x4000  }
0x219: {  	s12 =	sld [smem:$0x747]  }
0x21a: {  	s14 =	sld [smem:$0x7B7]  }
0x21b: {  	s13 =	sld [smem:$0x7BA];
	_ =	sdelay $0x1  }
0x21c: {  	[sflag:s1] =	ssyncset.done $0x0;
	p0 =	seq.s32 s14, s11  }
0x21d: {  	[sflag:s1] =	ssyncadd.s32 $0xFFFFC000;
	s12 =	smov.u32 @p0 s13  }
0x21e: {  	[tilespmem:s2], [sflag:$0x1] =	stream.linear.gather [hbm4b:s12+s2], $0x4000, $0x38;
	[tilespmem:$0x18080] =	vst v63  }
0x21f: {  	_ =	swait.ge [sflag:s0], $0x4000  }
0x220: {  	s14 =	sld [smem:$0x748]  }
0x221: {  	[sflag:s0] =	ssyncset.done $0x0  }
0x222: {  	[sflag:s0] =	ssyncadd.s32 $0xFFFFC000  }
0x223: {  	[hbm4b:s14+s2] =	stream.linear.scatter [tilespmem:s25], [sflag:$0x9], $0x4000, $0x38;
	[tilespmem:$0x18080] =	vst v63  }
0x224: {  	_ =	swait.ge [sflag:s3], $0x4000  }
0x225: {  	s12 =	sld [smem:$0x749]  }
0x226: {  	s14 =	sld [smem:$0x7B8]  }
0x227: {  	s13 =	sld [smem:$0x7BB];
	_ =	sdelay $0x1  }
0x228: {  	[sflag:s3] =	ssyncset.done $0x0;
	p0 =	seq.s32 s14, s11  }
0x229: {  	[sflag:s3] =	ssyncadd.s32 $0xFFFFC000;
	s12 =	smov.u32 @p0 s13  }
0x22a: {  	[tilespmem:s24], [sflag:$0x2] =	stream.linear.gather [hbm4b:s12+s2], $0x4000, $0x38;
	[tilespmem:$0x18080] =	vst v63  }
0x22b: {  	_ =	swait.ge [sflag:s4], $0x4000  }
0x22c: {  	s13 =	sld [smem:$0x74A]  }
0x22d: {  	[sflag:s4] =	ssyncset.done $0x0  }
0x22e: {  	[sflag:s4] =	ssyncadd.s32 $0xFFFFC000  }
0x22f: {  	[hbm4b:s13+s2] =	stream.linear.scatter [tilespmem:s26], [sflag:$0xA], $0x4000, $0x38;
	[tilespmem:$0x18080] =	vst v63  }
0x230: {  	_ =	swait.ge [sflag:s5], $0x4000  }
0x231: {  	s12 =	sld [smem:$0x74B]  }
0x232: {  	s14 =	sld [smem:$0x7BE]  }
0x233: {  	s13 =	sld [smem:$0x7C2];
	_ =	sdelay $0x1  }
0x234: {  	[sflag:s5] =	ssyncset.done $0x0;
	p0 =	seq.s32 s14, s11  }
0x235: {  	[sflag:s5] =	ssyncadd.s32 $0xFFFFC000;
	s12 =	smov.u32 @p0 s13  }
0x236: {  	[tilespmem:s25], [sflag:$0x3] =	stream.linear.gather [hbm4b:s12+s2], $0x4000, $0x38;
	[tilespmem:$0x18080] =	vst v63  }
0x237: {  	_ =	swait.ge [sflag:s6], $0x4000  }
0x238: {  	s14 =	sld [smem:$0x74C]  }
0x239: {  	[sflag:s6] =	ssyncset.done $0x0  }
0x23a: {  	[sflag:s6] =	ssyncadd.s32 $0xFFFFC000  }
0x23b: {  	[hbm4b:s14+s2] =	stream.linear.scatter [tilespmem:s28], [sflag:$0xB], $0x4000, $0x38;
	[tilespmem:$0x18080] =	vst v63  }
0x23c: {  	_ =	swait.ge [sflag:s7], $0x4000  }
0x23d: {  	s12 =	sld [smem:$0x74D]  }
0x23e: {  	s14 =	sld [smem:$0x7BF]  }
0x23f: {  	s13 =	sld [smem:$0x7C3];
	_ =	sdelay $0x1  }
0x240: {  	[sflag:s7] =	ssyncset.done $0x0;
	p0 =	seq.s32 s14, s11  }
0x241: {  	[sflag:s7] =	ssyncadd.s32 $0xFFFFC000;
	s12 =	smov.u32 @p0 s13  }
0x242: {  	[tilespmem:s26], [sflag:$0x4] =	stream.linear.gather [hbm4b:s12+s2], $0x4000, $0x38;
	[tilespmem:$0x18080] =	vst v63  }
0x243: {  	_ =	swait.ge [sflag:s8], $0x4000  }
0x244: {  	s13 =	sld [smem:$0x74E]  }
0x245: {  	[sflag:s8] =	ssyncset.done $0x0  }
0x246: {  	[sflag:s8] =	ssyncadd.s32 $0xFFFFC000  }
0x247: {  	[hbm4b:s13+s2] =	stream.linear.scatter [tilespmem:s30], [sflag:$0xC], $0x4000, $0x38;
	[tilespmem:$0x18080] =	vst v63  }
0x248: {  	_ =	swait.ge [sflag:s9], $0x4000  }
0x249: {  	s12 =	sld [smem:$0x74F]  }
0x24a: {  	s14 =	sld [smem:$0x7C1]  }
0x24b: {  	s13 =	sld [smem:$0x7C4];
	_ =	sdelay $0x1  }
0x24c: {  	[sflag:s9] =	ssyncset.done $0x0;
	p0 =	seq.s32 s14, s11  }
0x24d: {  	[sflag:s9] =	ssyncadd.s32 $0xFFFFC000;
	s12 =	smov.u32 @p0 s13  }
0x24e: {  	[tilespmem:s28], [sflag:$0x5] =	stream.linear.gather [hbm4b:s12+s2], $0x4000, $0x38;
	[tilespmem:$0x18080] =	vst v63  }
0x24f: {  	_ =	swait.ge [sflag:s29], $0x4000  }
0x250: {  	s14 =	sld [smem:$0x750]  }
0x251: {  	[sflag:s29] =	ssyncset.done $0x0  }
0x252: {  	[sflag:s29] =	ssyncadd.s32 $0xFFFFC000  }
0x253: {  	[hbm4b:s14+s2] =	stream.linear.scatter [tilespmem:s2], [sflag:$0x7], $0x4000, $0x38;
	[tilespmem:$0x18080] =	vst v63  }
0x254: {  	_ =	swait.ge [sflag:s10], $0x4000  }
0x255: {  	s12 =	sld [smem:$0x751]  }
0x256: {  	s14 =	sld [smem:$0x7C7]  }
0x257: {  	s13 =	sld [smem:$0x7CB];
	_ =	sdelay $0x1  }
0x258: {  	[sflag:s10] =	ssyncset.done $0x0;
	p0 =	seq.s32 s14, s11  }
0x259: {  	[sflag:s10] =	ssyncadd.s32 $0xFFFFC000;
	s12 =	smov.u32 @p0 s13  }
0x25a: {  	[tilespmem:s30], [sflag:$0x6] =	stream.linear.gather [hbm4b:s12+s2], $0x4000, $0x38;
	[tilespmem:$0x18080] =	vst v63  }
0x25b: {  	_ =	swait.ge [sflag:s31], $0x4000  }
0x25c: {  	s13 =	sld [smem:$0x752]  }
0x25d: {  	[sflag:s31] =	ssyncset.done $0x0  }
0x25e: {  	[sflag:s31] =	ssyncadd.s32 $0xFFFFC000  }
0x25f: {  	[hbm4b:s13+s2] =	stream.linear.scatter [tilespmem:s24], [sflag:$0x8], $0x4000, $0x38;
	[tilespmem:$0x18080] =	vst v63  }
0x260: {  	_ =	swait.ge [sflag:s1], $0x4000  }
0x261: {  	s12 =	sld [smem:$0x753]  }
0x262: {  	s14 =	sld [smem:$0x7C8]  }
0x263: {  	s13 =	sld [smem:$0x7CC];
	_ =	sdelay $0x1  }
0x264: {  	[sflag:s1] =	ssyncset.done $0x0;
	p0 =	seq.s32 s14, s11  }
0x265: {  	[sflag:s1] =	ssyncadd.s32 $0xFFFFC000;
	s12 =	smov.u32 @p0 s13  }
0x266: {  	[tilespmem:s2], [sflag:$0x1] =	stream.linear.gather [hbm4b:s12+s2], $0x4000, $0x38;
	[tilespmem:$0x18080] =	vst v63  }
0x267: {  	_ =	swait.ge [sflag:s0], $0x4000  }
0x268: {  	s14 =	sld [smem:$0x754]  }
0x269: {  	[sflag:s0] =	ssyncset.done $0x0  }
0x26a: {  	[sflag:s0] =	ssyncadd.s32 $0xFFFFC000  }
0x26b: {  	[hbm4b:s14+s2] =	stream.linear.scatter [tilespmem:s25], [sflag:$0x9], $0x4000, $0x38;
	[tilespmem:$0x18080] =	vst v63  }
0x26c: {  	_ =	swait.ge [sflag:s3], $0x4000  }
0x26d: {  	s12 =	sld [smem:$0x755]  }
0x26e: {  	s14 =	sld [smem:$0x7CA]  }
0x26f: {  	s13 =	sld [smem:$0x7CD];
	_ =	sdelay $0x1  }
0x270: {  	[sflag:s3] =	ssyncset.done $0x0;
	p0 =	seq.s32 s14, s11  }
0x271: {  	[sflag:s3] =	ssyncadd.s32 $0xFFFFC000;
	s12 =	smov.u32 @p0 s13  }
0x272: {  	[tilespmem:s24], [sflag:$0x2] =	stream.linear.gather [hbm4b:s12+s2], $0x4000, $0x38;
	[tilespmem:$0x18080] =	vst v63  }
0x273: {  	_ =	swait.ge [sflag:s4], $0x4000  }
0x274: {  	s13 =	sld [smem:$0x756]  }
0x275: {  	[sflag:s4] =	ssyncset.done $0x0  }
0x276: {  	[sflag:s4] =	ssyncadd.s32 $0xFFFFC000  }
0x277: {  	[hbm4b:s13+s2] =	stream.linear.scatter [tilespmem:s26], [sflag:$0xA], $0x4000, $0x38;
	[tilespmem:$0x18080] =	vst v63  }
0x278: {  	_ =	swait.ge [sflag:s5], $0x4000  }
0x279: {  	s12 =	sld [smem:$0x757]  }
0x27a: {  	s14 =	sld [smem:$0x7D0]  }
0x27b: {  	s13 =	sld [smem:$0x7D4];
	_ =	sdelay $0x1  }
0x27c: {  	[sflag:s5] =	ssyncset.done $0x0;
	p0 =	seq.s32 s14, s11  }
0x27d: {  	[sflag:s5] =	ssyncadd.s32 $0xFFFFC000;
	s12 =	smov.u32 @p0 s13  }
0x27e: {  	[tilespmem:s25], [sflag:$0x3] =	stream.linear.gather [hbm4b:s12+s2], $0x4000, $0x38;
	[tilespmem:$0x18080] =	vst v63  }
0x27f: {  	_ =	swait.ge [sflag:s6], $0x4000  }
0x280: {  	s14 =	sld [smem:$0x758]  }
0x281: {  	[sflag:s6] =	ssyncset.done $0x0  }
0x282: {  	[sflag:s6] =	ssyncadd.s32 $0xFFFFC000  }
0x283: {  	[hbm4b:s14+s2] =	stream.linear.scatter [tilespmem:s28], [sflag:$0xB], $0x4000, $0x38;
	[tilespmem:$0x18080] =	vst v63  }
0x284: {  	_ =	swait.ge [sflag:s7], $0x4000  }
0x285: {  	s12 =	sld [smem:$0x759]  }
0x286: {  	s14 =	sld [smem:$0x7D1]  }
0x287: {  	s13 =	sld [smem:$0x7D5];
	_ =	sdelay $0x1  }
0x288: {  	[sflag:s7] =	ssyncset.done $0x0;
	p0 =	seq.s32 s14, s11  }
0x289: {  	[sflag:s7] =	ssyncadd.s32 $0xFFFFC000;
	s12 =	smov.u32 @p0 s13  }
0x28a: {  	[tilespmem:s26], [sflag:$0x4] =	stream.linear.gather [hbm4b:s12+s2], $0x4000, $0x38;
	[tilespmem:$0x18080] =	vst v63  }
0x28b: {  	_ =	swait.ge [sflag:s8], $0x4000  }
0x28c: {  	s13 =	sld [smem:$0x75A]  }
0x28d: {  	[sflag:s8] =	ssyncset.done $0x0  }
0x28e: {  	[sflag:s8] =	ssyncadd.s32 $0xFFFFC000  }
0x28f: {  	[hbm4b:s13+s2] =	stream.linear.scatter [tilespmem:s30], [sflag:$0xC], $0x4000, $0x38;
	[tilespmem:$0x18080] =	vst v63  }
0x290: {  	_ =	swait.ge [sflag:s9], $0x4000  }
0x291: {  	s12 =	sld [smem:$0x75B]  }
0x292: {  	s14 =	sld [smem:$0x7D3]  }
0x293: {  	s13 =	sld [smem:$0x7D6];
	_ =	sdelay $0x1  }
0x294: {  	[sflag:s9] =	ssyncset.done $0x0;
	p0 =	seq.s32 s14, s11  }
0x295: {  	[sflag:s9] =	ssyncadd.s32 $0xFFFFC000;
	s12 =	smov.u32 @p0 s13  }
0x296: {  	[tilespmem:s28], [sflag:$0x5] =	stream.linear.gather [hbm4b:s12+s2], $0x4000, $0x38;
	[tilespmem:$0x18080] =	vst v63  }
0x297: {  	_ =	swait.ge [sflag:s29], $0x4000  }
0x298: {  	s14 =	sld [smem:$0x75C]  }
0x299: {  	[sflag:s29] =	ssyncset.done $0x0  }
0x29a: {  	[sflag:s29] =	ssyncadd.s32 $0xFFFFC000  }
0x29b: {  	[hbm4b:s14+s2] =	stream.linear.scatter [tilespmem:s2], [sflag:$0x7], $0x4000, $0x38;
	[tilespmem:$0x18080] =	vst v63  }
0x29c: {  	_ =	swait.ge [sflag:s10], $0x4000  }
0x29d: {  	s12 =	sld [smem:$0x75D]  }
0x29e: {  	s14 =	sld [smem:$0x7D9]  }
0x29f: {  	s13 =	sld [smem:$0x7DD];
	_ =	sdelay $0x1  }
0x2a0: {  	[sflag:s10] =	ssyncset.done $0x0;
	p0 =	seq.s32 s14, s11  }
0x2a1: {  	[sflag:s10] =	ssyncadd.s32 $0xFFFFC000;
	s12 =	smov.u32 @p0 s13  }
0x2a2: {  	[tilespmem:s30], [sflag:$0x6] =	stream.linear.gather [hbm4b:s12+s2], $0x4000, $0x38;
	[tilespmem:$0x18080] =	vst v63  }
0x2a3: {  	_ =	swait.ge [sflag:s31], $0x4000  }
0x2a4: {  	s13 =	sld [smem:$0x75E]  }
0x2a5: {  	[sflag:s31] =	ssyncset.done $0x0  }
0x2a6: {  	[sflag:s31] =	ssyncadd.s32 $0xFFFFC000  }
0x2a7: {  	[hbm4b:s13+s2] =	stream.linear.scatter [tilespmem:s24], [sflag:$0x8], $0x4000, $0x38;
	[tilespmem:$0x18080] =	vst v63  }
0x2a8: {  	_ =	swait.ge [sflag:s1], $0x4000  }
0x2a9: {  	s12 =	sld [smem:$0x75F]  }
0x2aa: {  	s14 =	sld [smem:$0x7DA]  }
0x2ab: {  	s13 =	sld [smem:$0x7DE];
	_ =	sdelay $0x1  }
0x2ac: {  	[sflag:s1] =	ssyncset.done $0x0;
	p0 =	seq.s32 s14, s11  }
0x2ad: {  	[sflag:s1] =	ssyncadd.s32 $0xFFFFC000;
	s12 =	smov.u32 @p0 s13  }
0x2ae: {  	[tilespmem:s2], [sflag:$0x1] =	stream.linear.gather [hbm4b:s12+s2], $0x4000, $0x38;
	[tilespmem:$0x18080] =	vst v63  }
0x2af: {  	_ =	swait.ge [sflag:s0], $0x4000  }
0x2b0: {  	s14 =	sld [smem:$0x760]  }
0x2b1: {  	[sflag:s0] =	ssyncset.done $0x0  }
0x2b2: {  	[sflag:s0] =	ssyncadd.s32 $0xFFFFC000  }
0x2b3: {  	[hbm4b:s14+s2] =	stream.linear.scatter [tilespmem:s25], [sflag:$0x9], $0x4000, $0x38;
	[tilespmem:$0x18080] =	vst v63  }
0x2b4: {  	_ =	swait.ge [sflag:s3], $0x4000  }
0x2b5: {  	s12 =	sld [smem:$0x761]  }
0x2b6: {  	s14 =	sld [smem:$0x7DC]  }
0x2b7: {  	s13 =	sld [smem:$0x7DF];
	_ =	sdelay $0x1  }
0x2b8: {  	[sflag:s3] =	ssyncset.done $0x0;
	p0 =	seq.s32 s14, s11  }
0x2b9: {  	[sflag:s3] =	ssyncadd.s32 $0xFFFFC000;
	s12 =	smov.u32 @p0 s13  }
0x2ba: {  	[tilespmem:s24], [sflag:$0x2] =	stream.linear.gather [hbm4b:s12+s2], $0x4000, $0x38;
	[tilespmem:$0x18080] =	vst v63  }
0x2bb: {  	_ =	swait.ge [sflag:s4], $0x4000  }
0x2bc: {  	s13 =	sld [smem:$0x762]  }
0x2bd: {  	[sflag:s4] =	ssyncset.done $0x0  }
0x2be: {  	[sflag:s4] =	ssyncadd.s32 $0xFFFFC000  }
0x2bf: {  	[hbm4b:s13+s2] =	stream.linear.scatter [tilespmem:s26], [sflag:$0xA], $0x4000, $0x38;
	[tilespmem:$0x18080] =	vst v63  }
0x2c0: {  	_ =	swait.ge [sflag:s5], $0x4000  }
0x2c1: {  	s12 =	sld [smem:$0x763]  }
0x2c2: {  	s14 =	sld [smem:$0x7E2]  }
0x2c3: {  	s13 =	sld [smem:$0x7E6];
	_ =	sdelay $0x1  }
0x2c4: {  	[sflag:s5] =	ssyncset.done $0x0;
	p0 =	seq.s32 s14, s11  }
0x2c5: {  	[sflag:s5] =	ssyncadd.s32 $0xFFFFC000;
	s12 =	smov.u32 @p0 s13  }
0x2c6: {  	[tilespmem:s25], [sflag:$0x3] =	stream.linear.gather [hbm4b:s12+s2], $0x4000, $0x38;
	[tilespmem:$0x18080] =	vst v63  }
0x2c7: {  	_ =	swait.ge [sflag:s6], $0x4000  }
0x2c8: {  	s14 =	sld [smem:$0x764]  }
0x2c9: {  	[sflag:s6] =	ssyncset.done $0x0  }
0x2ca: {  	[sflag:s6] =	ssyncadd.s32 $0xFFFFC000  }
0x2cb: {  	[hbm4b:s14+s2] =	stream.linear.scatter [tilespmem:s28], [sflag:$0xB], $0x4000, $0x38;
	[tilespmem:$0x18080] =	vst v63  }
0x2cc: {  	_ =	swait.ge [sflag:s7], $0x4000  }
0x2cd: {  	s12 =	sld [smem:$0x765]  }
0x2ce: {  	s14 =	sld [smem:$0x7E3]  }
0x2cf: {  	s13 =	sld [smem:$0x7E7];
	_ =	sdelay $0x1  }
0x2d0: {  	[sflag:s7] =	ssyncset.done $0x0;
	p0 =	seq.s32 s14, s11  }
0x2d1: {  	[sflag:s7] =	ssyncadd.s32 $0xFFFFC000;
	s12 =	smov.u32 @p0 s13  }
0x2d2: {  	[tilespmem:s26], [sflag:$0x4] =	stream.linear.gather [hbm4b:s12+s2], $0x4000, $0x38;
	[tilespmem:$0x18080] =	vst v63  }
0x2d3: {  	_ =	swait.ge [sflag:s8], $0x4000  }
0x2d4: {  	s13 =	sld [smem:$0x766]  }
0x2d5: {  	[sflag:s8] =	ssyncset.done $0x0  }
0x2d6: {  	[sflag:s8] =	ssyncadd.s32 $0xFFFFC000  }
0x2d7: {  	[hbm4b:s13+s2] =	stream.linear.scatter [tilespmem:s30], [sflag:$0xC], $0x4000, $0x38;
	[tilespmem:$0x18080] =	vst v63  }
0x2d8: {  	_ =	swait.ge [sflag:s9], $0x4000  }
0x2d9: {  	s12 =	sld [smem:$0x767]  }
0x2da: {  	s14 =	sld [smem:$0x7E5]  }
0x2db: {  	s13 =	sld [smem:$0x7E8];
	_ =	sdelay $0x1  }
0x2dc: {  	[sflag:s9] =	ssyncset.done $0x0;
	p0 =	seq.s32 s14, s11  }
0x2dd: {  	[sflag:s9] =	ssyncadd.s32 $0xFFFFC000;
	s12 =	smov.u32 @p0 s13  }
0x2de: {  	[tilespmem:s28], [sflag:$0x5] =	stream.linear.gather [hbm4b:s12+s2], $0x4000, $0x38;
	[tilespmem:$0x18080] =	vst v63  }
0x2df: {  	_ =	swait.ge [sflag:s29], $0x4000  }
0x2e0: {  	s14 =	sld [smem:$0x768]  }
0x2e1: {  	[sflag:s29] =	ssyncset.done $0x0  }
0x2e2: {  	[sflag:s29] =	ssyncadd.s32 $0xFFFFC000  }
0x2e3: {  	[hbm4b:s14+s2] =	stream.linear.scatter [tilespmem:s2], [sflag:$0x7], $0x4000, $0x38;
	[tilespmem:$0x18080] =	vst v63  }
0x2e4: {  	_ =	swait.ge [sflag:s10], $0x4000  }
0x2e5: {  	s12 =	sld [smem:$0x769]  }
0x2e6: {  	s14 =	sld [smem:$0x7EB]  }
0x2e7: {  	s13 =	sld [smem:$0x7EE];
	_ =	sdelay $0x1  }
0x2e8: {  	[sflag:s10] =	ssyncset.done $0x0;
	p0 =	seq.s32 s14, s11  }
0x2e9: {  	[sflag:s10] =	ssyncadd.s32 $0xFFFFC000;
	s12 =	smov.u32 @p0 s13  }
0x2ea: {  	[tilespmem:s30], [sflag:$0x6] =	stream.linear.gather [hbm4b:s12+s2], $0x4000, $0x38;
	[tilespmem:$0x18080] =	vst v63  }
0x2eb: {  	_ =	swait.ge [sflag:s31], $0x4000  }
0x2ec: {  	s13 =	sld [smem:$0x76A]  }
0x2ed: {  	[sflag:s31] =	ssyncset.done $0x0  }
0x2ee: {  	[sflag:s31] =	ssyncadd.s32 $0xFFFFC000  }
0x2ef: {  	[hbm4b:s13+s2] =	stream.linear.scatter [tilespmem:s24], [sflag:$0x8], $0x4000, $0x38;
	[tilespmem:$0x18080] =	vst v63  }
0x2f0: {  	_ =	swait.ge [sflag:s1], $0x4000  }
0x2f1: {  	s12 =	sld [smem:$0x76B]  }
0x2f2: {  	s14 =	sld [smem:$0x7EC]  }
0x2f3: {  	s13 =	sld [smem:$0x7EF];
	_ =	sdelay $0x1  }
0x2f4: {  	[sflag:s1] =	ssyncset.done $0x0;
	p0 =	seq.s32 s14, s11  }
0x2f5: {  	[sflag:s1] =	ssyncadd.s32 $0xFFFFC000;
	s12 =	smov.u32 @p0 s13  }
0x2f6: {  	[tilespmem:s2], [sflag:$0x1] =	stream.linear.gather [hbm4b:s12+s2], $0x4000, $0x38;
	[tilespmem:$0x18080] =	vst v63  }
0x2f7: {  	_ =	swait.ge [sflag:s0], $0x4000  }
0x2f8: {  	s14 =	sld [smem:$0x76C]  }
0x2f9: {  	[sflag:s0] =	ssyncset.done $0x0  }
0x2fa: {  	[sflag:s0] =	ssyncadd.s32 $0xFFFFC000  }
0x2fb: {  	[hbm4b:s14+s2] =	stream.linear.scatter [tilespmem:s25], [sflag:$0x9], $0x4000, $0x38;
	[tilespmem:$0x18080] =	vst v63  }
0x2fc: {  	_ =	swait.ge [sflag:s3], $0x4000  }
0x2fd: {  	s12 =	sld [smem:$0x76D]  }
0x2fe: {  	s13 =	sld [smem:$0x7F0];
	_ =	sdelay $0x1  }
0x2ff: {  	p0 =	seq.s32 s15, s11;
	[sflag:s3] =	ssyncset.done $0x0  }
0x300: {  	[sflag:s3] =	ssyncadd.s32 $0xFFFFC000;
	s12 =	smov.u32 @p0 s13  }
0x301: {  	[tilespmem:s24], [sflag:$0x2] =	stream.linear.gather [hbm4b:s12+s2], $0x4000, $0x38;
	[tilespmem:$0x18080] =	vst v63  }
0x302: {  	_ =	swait.ge [sflag:s4], $0x4000  }
0x303: {  	s13 =	sld [smem:$0x76E]  }
0x304: {  	[sflag:s4] =	ssyncset.done $0x0  }
0x305: {  	[sflag:s4] =	ssyncadd.s32 $0xFFFFC000  }
0x306: {  	[hbm4b:s13+s2] =	stream.linear.scatter [tilespmem:s26], [sflag:$0xA], $0x4000, $0x38;
	[tilespmem:$0x18080] =	vst v63  }
0x307: {  	_ =	swait.ge [sflag:s5], $0x4000  }
0x308: {  	s12 =	sld [smem:$0x76F]  }
0x309: {  	s13 =	sld [smem:$0x7F3];
	_ =	sdelay $0x1  }
0x30a: {  	p0 =	seq.s32 s16, s11;
	[sflag:s5] =	ssyncset.done $0x0  }
0x30b: {  	[sflag:s5] =	ssyncadd.s32 $0xFFFFC000;
	s12 =	smov.u32 @p0 s13  }
0x30c: {  	[tilespmem:s25], [sflag:$0x3] =	stream.linear.gather [hbm4b:s12+s2], $0x4000, $0x38;
	[tilespmem:$0x18080] =	vst v63  }
0x30d: {  	_ =	swait.ge [sflag:s6], $0x4000  }
0x30e: {  	s14 =	sld [smem:$0x770]  }
0x30f: {  	[sflag:s6] =	ssyncset.done $0x0  }
0x310: {  	[sflag:s6] =	ssyncadd.s32 $0xFFFFC000  }
0x311: {  	[hbm4b:s14+s2] =	stream.linear.scatter [tilespmem:s28], [sflag:$0xB], $0x4000, $0x38;
	[tilespmem:$0x18080] =	vst v63  }
0x312: {  	_ =	swait.ge [sflag:s7], $0x4000  }
0x313: {  	s12 =	sld [smem:$0x771]  }
0x314: {  	s13 =	sld [smem:$0x7F4];
	_ =	sdelay $0x1  }
0x315: {  	p0 =	seq.s32 s17, s11;
	[sflag:s7] =	ssyncset.done $0x0  }
0x316: {  	[sflag:s7] =	ssyncadd.s32 $0xFFFFC000;
	s12 =	smov.u32 @p0 s13  }
0x317: {  	[tilespmem:s26], [sflag:$0x4] =	stream.linear.gather [hbm4b:s12+s2], $0x4000, $0x38;
	[tilespmem:$0x18080] =	vst v63  }
0x318: {  	_ =	swait.ge [sflag:s8], $0x4000  }
0x319: {  	s13 =	sld [smem:$0x772]  }
0x31a: {  	[sflag:s8] =	ssyncset.done $0x0  }
0x31b: {  	[sflag:s8] =	ssyncadd.s32 $0xFFFFC000  }
0x31c: {  	[hbm4b:s13+s2] =	stream.linear.scatter [tilespmem:s30], [sflag:$0xC], $0x4000, $0x38;
	[tilespmem:$0x18080] =	vst v63  }
0x31d: {  	_ =	swait.ge [sflag:s9], $0x4000  }
0x31e: {  	s12 =	sld [smem:$0x773]  }
0x31f: {  	s13 =	sld [smem:$0x7F5];
	_ =	sdelay $0x1  }
0x320: {  	p0 =	seq.s32 s18, s11;
	[sflag:s9] =	ssyncset.done $0x0  }
0x321: {  	[sflag:s9] =	ssyncadd.s32 $0xFFFFC000;
	s12 =	smov.u32 @p0 s13  }
0x322: {  	[tilespmem:s28], [sflag:$0x5] =	stream.linear.gather [hbm4b:s12+s2], $0x4000, $0x38;
	[tilespmem:$0x18080] =	vst v63  }
0x323: {  	_ =	swait.ge [sflag:s29], $0x4000  }
0x324: {  	s14 =	sld [smem:$0x774]  }
0x325: {  	[sflag:s29] =	ssyncset.done $0x0  }
0x326: {  	[sflag:s29] =	ssyncadd.s32 $0xFFFFC000  }
0x327: {  	[hbm4b:s14+s2] =	stream.linear.scatter [tilespmem:s2], [sflag:$0x7], $0x4000, $0x38;
	[tilespmem:$0x18080] =	vst v63  }
0x328: {  	_ =	swait.ge [sflag:s10], $0x4000  }
0x329: {  	s12 =	sld [smem:$0x775]  }
0x32a: {  	s13 =	sld [smem:$0x7F9];
	_ =	sdelay $0x1  }
0x32b: {  	p0 =	seq.s32 s19, s11;
	[sflag:s10] =	ssyncset.done $0x0  }
0x32c: {  	[sflag:s10] =	ssyncadd.s32 $0xFFFFC000;
	s12 =	smov.u32 @p0 s13  }
0x32d: {  	[tilespmem:s30], [sflag:$0x6] =	stream.linear.gather [hbm4b:s12+s2], $0x4000, $0x38;
	[tilespmem:$0x18080] =	vst v63  }
0x32e: {  	_ =	swait.ge [sflag:s31], $0x4000  }
0x32f: {  	s13 =	sld [smem:$0x776]  }
0x330: {  	[sflag:s31] =	ssyncset.done $0x0  }
0x331: {  	[sflag:s31] =	ssyncadd.s32 $0xFFFFC000  }
0x332: {  	[hbm4b:s13+s2] =	stream.linear.scatter [tilespmem:s24], [sflag:$0x8], $0x4000, $0x38;
	[tilespmem:$0x18080] =	vst v63  }
0x333: {  	_ =	swait.ge [sflag:s1], $0x4000  }
0x334: {  	s12 =	sld [smem:$0x777]  }
0x335: {  	s13 =	sld [smem:$0x7FB];
	_ =	sdelay $0x1  }
0x336: {  	p0 =	seq.s32 s20, s11;
	[sflag:s1] =	ssyncset.done $0x0  }
0x337: {  	[sflag:s1] =	ssyncadd.s32 $0xFFFFC000;
	s12 =	smov.u32 @p0 s13  }
0x338: {  	[tilespmem:s2], [sflag:$0x1] =	stream.linear.gather [hbm4b:s12+s2], $0x4000, $0x38;
	[tilespmem:$0x18080] =	vst v63  }
0x339: {  	_ =	swait.ge [sflag:s0], $0x4000  }
0x33a: {  	s14 =	sld [smem:$0x778]  }
0x33b: {  	[sflag:s0] =	ssyncset.done $0x0  }
0x33c: {  	[sflag:s0] =	ssyncadd.s32 $0xFFFFC000  }
0x33d: {  	[hbm4b:s14+s2] =	stream.linear.scatter [tilespmem:s25], [sflag:$0x9], $0x4000, $0x38;
	[tilespmem:$0x18080] =	vst v63  }
0x33e: {  	_ =	swait.ge [sflag:s3], $0x4000  }
0x33f: {  	s12 =	sld [smem:$0x779]  }
0x340: {  	s13 =	sld [smem:$0x7FC];
	_ =	sdelay $0x1  }
0x341: {  	p0 =	seq.s32 s21, s11;
	[sflag:s3] =	ssyncset.done $0x0  }
0x342: {  	[sflag:s3] =	ssyncadd.s32 $0xFFFFC000;
	s12 =	smov.u32 @p0 s13  }
0x343: {  	[tilespmem:s24], [sflag:$0x2] =	stream.linear.gather [hbm4b:s12+s2], $0x4000, $0x38;
	[tilespmem:$0x18080] =	vst v63  }
0x344: {  	_ =	swait.ge [sflag:s4], $0x4000  }
0x345: {  	s13 =	sld [smem:$0x77A]  }
0x346: {  	[sflag:s4] =	ssyncset.done $0x0  }
0x347: {  	[sflag:s4] =	ssyncadd.s32 $0xFFFFC000  }
0x348: {  	[hbm4b:s13+s2] =	stream.linear.scatter [tilespmem:s26], [sflag:$0xA], $0x4000, $0x38;
	[tilespmem:$0x18080] =	vst v63  }
0x349: {  	_ =	swait.ge [sflag:s6], $0x4000  }
0x34a: {  	s14 =	sld [smem:$0x77B]  }
0x34b: {  	[sflag:s6] =	ssyncset.done $0x0  }
0x34c: {  	[sflag:s6] =	ssyncadd.s32 $0xFFFFC000  }
0x34d: {  	[hbm4b:s14+s2] =	stream.linear.scatter [tilespmem:s28], [sflag:$0xB], $0x4000, $0x38;
	[tilespmem:$0x18080] =	vst v63  }
0x34e: {  	_ =	swait.ge [sflag:s8], $0x4000  }
0x34f: {  	s12 =	sld [smem:$0x77C]  }
0x350: {  	[sflag:s8] =	ssyncset.done $0x0  }
0x351: {  	[sflag:s8] =	ssyncadd.s32 $0xFFFFC000  }
0x352: {  	[hbm4b:s12+s2] =	stream.linear.scatter [tilespmem:s30], [sflag:$0xC], $0x4000, $0x38;
	[tilespmem:$0x18080] =	vst v63  }
0x353: {  	_ =	swait.ge [sflag:s29], $0x4000  }
0x354: {  	s13 =	sld [smem:$0x77D]  }
0x355: {  	[sflag:s29] =	ssyncset.done $0x0  }
0x356: {  	[sflag:s29] =	ssyncadd.s32 $0xFFFFC000  }
0x357: {  	[hbm4b:s13+s2] =	stream.linear.scatter [tilespmem:s2], [sflag:$0x7], $0x4000, $0x38;
	[tilespmem:$0x18080] =	vst v63  }
0x358: {  	_ =	swait.ge [sflag:s31], $0x4000  }
0x359: {  	s14 =	sld [smem:$0x77E]  }
0x35a: {  	[sflag:s31] =	ssyncset.done $0x0  }
0x35b: {  	[sflag:s31] =	ssyncadd.s32 $0xFFFFC000  }
0x35c: {  	[hbm4b:s14+s2] =	stream.linear.scatter [tilespmem:s24], [sflag:$0x8], $0x4000, $0x38;
	[tilespmem:$0x18080] =	vst v63  }
0x35d: {  	_ =	swait.ge [sflag:s5], $0x4000  }
0x35e: {  	[sflag:s5] =	ssyncset.done $0x0  }
0x35f: {  	[sflag:s5] =	ssyncadd.s32 $0xFFFFC000  }
0x360: {  	_ =	swait.ge [sflag:s7], $0x4000  }
0x361: {  	[sflag:s7] =	ssyncset.done $0x0  }
0x362: {  	[sflag:s7] =	ssyncadd.s32 $0xFFFFC000  }
0x363: {  	_ =	swait.ge [sflag:s9], $0x4000  }
0x364: {  	[sflag:s9] =	ssyncset.done $0x0  }
0x365: {  	[sflag:s9] =	ssyncadd.s32 $0xFFFFC000  }
0x366: {  	_ =	swait.ge [sflag:s10], $0x4000  }
0x367: {  	[sflag:s10] =	ssyncset.done $0x0  }
0x368: {  	[sflag:s10] =	ssyncadd.s32 $0xFFFFC000  }
0x369: {  	p0 =	sne.s32 s22, $0x1;
	_ =	swait.ge [sflag:s1], $0x4000  }
.Ltmp0:
0x36a: {  	[sflag:s1] =	ssyncset.done $0x0;
	(pc) =	sbr.rel @p0 .LBB2_1-.Ltmp0, $4  }
0x36b: {  	[sflag:s1] =	ssyncadd.s32 $0xFFFFC000  }
0x36c: {  	_ =	swait.ge [sflag:s3], $0x4000  }
0x36d: {  	[sflag:s3] =	ssyncset.done $0x0  }
0x36e: {  	s22 =	sadd.s32 $0xFFFFFFFF, s22;
	[sflag:s3] =	ssyncadd.s32 $0xFFFFC000  }
0x36f: {  	_ =	sfence.sel $0x180000  }
0x370: {  	[bflag:$0x0] =	sbarrier.arrive $0xFFFF  }
0x371: {  	_ =	strace $0x90000047  }
0x372: {  	s0 =	stileid.u32;
	[bflag:$0x2] =	sbarrier.arrive $0xFFFF  }
0x373: {  	p0 =	sne.s32 s0, $0x0;
	s0 =	rddreg [dreg:$0x4]  }
0x374: {  	s0 =	sadd.s32 @!p0 $0x100000, s0  }
0x375: {  	[sflag:s0] =	ssyncadd.tile.s32 @!p0 $0x1;
	_ =	shalt  }
.Lfunc_end2:
_tile_overlayer_lowered:
.L_overlay_start_2:
0x376: {  	(tag) =	ssettag $0x2  }
0x377: {  	s0 =	rddreg [dreg:$0x0];
	s2 =	stileid.u32  }
0x378: {  	s1 =	rddreg [dreg:$0x1];
	p0 =	sne.s32 s2, $0x0  }
0x379: {  	s3 =	rddreg [dreg:$0x2];
	[bflag:$0x3] =	sbarrier.arrive $0xFFFF;
	s2 =	simm.s32 @!p0 $0x1C0D  }
0x37a: {  	[timem:s3], [sflag:s2] =	dma.local @!p0 [hbm:s0], s1  }
0x37b: {  	s0 =	simm.s32 @!p0 $0xD  }
0x37c: {  	_ =	swait.ge @!p0 [sflag:s0], s1  }
0x37d: {  	s1 =	ssub.s32 @!p0 $0x0, s1;
	[sflag:s0] =	ssyncset.done @!p0 $0x0  }
0x37e: {  	[sflag:s0] =	ssyncadd.s32 @!p0 s1  }
0x37f: {  	[bflag:$0x3] =	sbarrier.arrive $0xFFFF  }
0x380: {  	_ =	shalt  }

</sc_bundles>
